<compile_context>
chip_gen: v7x
topology: tpu7x:2x2x1
jax: 0.10.2.dev20260603
libtpu: 0.0.44.dev20260713+nightly
codegen_flags: <defaults>
</compile_context>

<pallas_src>
import functools

import numpy as np
import jax
import jax.numpy as jnp
from jax import lax
from jax.experimental import pallas as pl
from jax.experimental.pallas import tpu as pltpu
from jax.experimental.pallas import tpu_sc as plsc

N_NODES = 10000
N_EDGES = 320000
D = 128
D_EDGE = 16
NB = 4
S = 2500

NC = 2
NS = 16
NW = NC * NS
CH = 80
S_PAD = 2560
N_PAD = 10240
N_HALF = N_PAD // NC
TILE_ROWS = N_HALF // NS
ACC_ROWS = N_HALF + 16
DUMMY_GATH = N_HALF
DUMMY_SCAT = N_HALF + 8
DUMMY_DST = N_PAD - 8


def _sc_mesh():
    return plsc.VectorSubcoreMesh(
        core_axis_name="c", subcore_axis_name="s", num_cores=NC, num_subcores=NS
    )


def _clamp_to_half(idx_v, row, c0, dummy):
    for t in range(CH // 16):
        v = idx_v[row, pl.ds(t * 16, 16)]
        lv = v - c0
        ok = (lv >= 0) & (lv < N_HALF)
        idx_v[row, pl.ds(t * 16, 16)] = jnp.where(ok, lv, dummy)


def _gather_rows(table, idx3):

    @functools.partial(
        pl.kernel,
        out_type=jax.ShapeDtypeStruct((S_PAD, D), jnp.float32),
        mesh=_sc_mesh(),
        scratch_types=[
            pltpu.VMEM((1, CH), jnp.int32),
            pltpu.VMEM((CH, D), jnp.float32),
            pltpu.SemaphoreType.DMA,
        ],
    )
    def gk(table_hbm, idx_hbm, out_hbm, idx_v, rows_v, sem):
        wid = lax.axis_index("s") * NC + lax.axis_index("c")
        pltpu.sync_copy(idx_hbm.at[wid], idx_v)
        pltpu.async_copy(table_hbm.at[idx_v.at[0]], rows_v, sem).wait()
        pltpu.sync_copy(rows_v, out_hbm.at[pl.ds(wid * CH, CH)])

    return gk(table, idx3)


def _scatter_block(u, msg, dst3, nsrc3):
    out_type = [jax.ShapeDtypeStruct((N_PAD, D), jnp.float32)]
    scratch = [
        pltpu.VMEM_SHARED((ACC_ROWS, D), jnp.float32),
        pltpu.VMEM((2, CH), jnp.int32),
        pltpu.VMEM((2, CH, D), jnp.float32),
        pltpu.SemaphoreType.DMA,
    ]
    with_gather = nsrc3 is not None
    if with_gather:
        out_type += [
            jax.ShapeDtypeStruct((S_PAD, D), jnp.float32),
            jax.ShapeDtypeStruct((S_PAD, D), jnp.float32),
        ]
        scratch += [
            pltpu.VMEM((2, CH), jnp.int32),
            pltpu.VMEM((2 * CH, D), jnp.float32),
            pltpu.VMEM((8, D), jnp.float32),
            pltpu.SemaphoreType.DMA,
        ]

    @functools.partial(
        pl.kernel, out_type=out_type, mesh=_sc_mesh(), scratch_types=scratch
    )
    def sk(*refs):
        if with_gather:
            (u_hbm, msg_hbm, dst_hbm, nsrc_hbm, p_hbm, g0_hbm, g1_hbm,
             acc_sh, idx_v, msg_v, sem, nidx_v, grows_v, zbuf, gsem) = refs
        else:
            (u_hbm, msg_hbm, dst_hbm, p_hbm,
             acc_sh, idx_v, msg_v, sem) = refs
        cid = lax.axis_index("c")
        sid = lax.axis_index("s")
        c0 = cid * N_HALF
        r0 = sid * TILE_ROWS

        pltpu.sync_copy(
            u_hbm.at[pl.ds(c0 + r0, TILE_ROWS)], acc_sh.at[pl.ds(r0, TILE_ROWS)]
        )
        pltpu.sync_copy(dst_hbm.at[sid], idx_v)
        for j in range(2):
            _clamp_to_half(idx_v, j, c0, DUMMY_SCAT)
            pltpu.sync_copy(
                msg_hbm.at[pl.ds(sid * 2 * CH + j * CH, CH)], msg_v.at[j]
            )
        if with_gather:
            @pl.when(sid == 0)
            def _zero_miss_rows():
                for r in range(8):
                    for t in range(D // 16):
                        zbuf[r, pl.ds(t * 16, 16)] = jnp.zeros((16,), jnp.float32)
                pltpu.sync_copy(zbuf, acc_sh.at[pl.ds(DUMMY_GATH, 8)])

        plsc.subcore_barrier()

        for j in range(2):
            pltpu.sync_copy(msg_v.at[j], acc_sh.at[idx_v.at[j]], add=True)

        plsc.subcore_barrier()

        wb = pltpu.async_copy(
            acc_sh.at[pl.ds(r0, TILE_ROWS)],
            p_hbm.at[pl.ds(c0 + r0, TILE_ROWS)],
            sem,
        )
        if with_gather:
            pltpu.sync_copy(nsrc_hbm.at[sid], nidx_v)
            for j in range(2):
                _clamp_to_half(nidx_v, j, c0, DUMMY_GATH)
                pltpu.async_copy(
                    acc_sh.at[nidx_v.at[j]],
                    grows_v.at[pl.ds(j * CH, CH)],
                    gsem,
                ).wait()

            @pl.when(cid == 0)
            def _out0():
                pltpu.sync_copy(grows_v, g0_hbm.at[pl.ds(sid * 2 * CH, 2 * CH)])

            @pl.when(cid == 1)
            def _out1():
                pltpu.sync_copy(grows_v, g1_hbm.at[pl.ds(sid * 2 * CH, 2 * CH)])

        wb.wait()

    return sk(u, msg, dst3, nsrc3) if with_gather else sk(u, msg, dst3)


M_PLANES = [2, 4, 6, 0]


def _mm_block(g_parts, subea_t, p, wmsg, wedge, wself, b2, use_relu):
    n_rows = p.shape[0]
    two_g = len(g_parts) == 2

    def body(*refs):
        if two_g:
            (g0_ref, g1_ref, se_ref, p_ref, wm_ref, we_ref, ws_ref, b_ref,
             msg_out, u_out) = refs
            gg = g0_ref[...] + g1_ref[...]
        else:
            (g_ref, se_ref, p_ref, wm_ref, we_ref, ws_ref, b_ref,
             msg_out, u_out) = refs
            gg = g_ref[...]
        pp = p_ref[...]
        if use_relu:
            gg = jnp.maximum(gg, 0.0)
            pp = jnp.maximum(pp, 0.0)
        e_k = lax.dot_general(
            se_ref[...], we_ref[...], (((0,), (0,)), ((), ())),
            preferred_element_type=jnp.float32,
        )
        msg_out[...] = (
            jnp.dot(gg, wm_ref[...], preferred_element_type=jnp.float32)
            + e_k
        )
        u_out[pl.ds(0, n_rows), :] = (
            jnp.dot(pp, ws_ref[...], preferred_element_type=jnp.float32)
            + b_ref[...]
        )
        if n_rows < N_PAD:
            u_out[pl.ds(n_rows, N_PAD - n_rows), :] = jnp.zeros(
                (N_PAD - n_rows, D), jnp.float32
            )

    return pl.pallas_call(
        body,
        out_shape=[
            jax.ShapeDtypeStruct((S_PAD, D), jnp.float32),
            jax.ShapeDtypeStruct((N_PAD, D), jnp.float32),
        ],
    )(*g_parts, subea_t, p, wmsg, wedge, wself, b2)


def _relu_kernel(p):
    def body(p_ref, o_ref):
        o_ref[...] = jnp.maximum(p_ref[pl.ds(0, N_NODES), :], 0.0)

    return pl.pallas_call(
        body, out_shape=jax.ShapeDtypeStruct((N_NODES, D), jnp.float32)
    )(p)


def kernel(x, ei, ea, batch, y, W_msg, W_edge, W_self, b):
    base = np.arange(0, N_NODES, NB)
    k2 = np.stack(
        [(2 * ((base + k) % N_NODES)) % N_EDGES for k in range(1, NB + 1)]
    ).astype(np.int32)
    for ki, m in enumerate(M_PLANES):
        if not np.array_equal(np.sort(k2[ki]), np.arange(S) * 8 + m):
            raise AssertionError("static edge-subset pattern mismatch")

    cols = lax.slice(ei, (0, 0), (2, 8 * S)).reshape(2, S, 8)
    srcs, dsts = [], []
    pad_i = jnp.zeros((S_PAD - S,), jnp.int32)
    pad_d = jnp.full((S_PAD - S,), DUMMY_DST, jnp.int32)
    for m in M_PLANES:
        srcs.append(jnp.concatenate([cols[0, :, m], pad_i]))
        dsts.append(jnp.concatenate([cols[1, :, m], pad_d]))
    src = jnp.stack(srcs)
    dst = jnp.stack(dsts)

    src_w = src.reshape(NB, NW, 1, CH)
    src_t = src.reshape(NB, NS, 2, CH)
    dst3 = dst.reshape(NB, NS, 2, CH)
    b2 = b.reshape(1, D)

    ea_t = ea.T
    subea_t = [
        lax.slice(ea_t, (0, m), (D_EDGE, 8 * S_PAD), (1, 8))
        for m in M_PLANES
    ]

    p_cur = x
    g_parts = (_gather_rows(x, src_w[0]),)
    for k in range(NB):
        msg, u = _mm_block(g_parts, subea_t[k], p_cur, W_msg, W_edge, W_self,
                           b2, use_relu=(k > 0))
        nsrc = src_t[k + 1] if k + 1 < NB else None
        res = _scatter_block(u, msg, dst3[k], nsrc)
        if k + 1 < NB:
            p_cur, g0, g1 = res
            g_parts = (g0, g1)
        else:
            (p_cur,) = res

    return _relu_kernel(p_cur)

# --- scband reference (transcript-rebuilt; emitter-appended) ---
"""Pipeline reference for scband-rec-edge-gnn-29996051595419 (READ-ONLY COPY).

The authoritative reference and input builder live on the scoring server;
editing this copy changes nothing except your own understanding.
"""

import jax, jax.numpy as jnp
import numpy as np

NUM_BLOCKS = 4
N_NODES = 10000
N_EDGES = 320000
D_FEAT = 128
D_EDGE = 16


def setup_inputs(seed: int = 0) -> dict:
    key = jax.random.key(seed)
    ks = jax.random.split(key, 9)
    x = jax.random.normal(ks[0], (N_NODES, D_FEAT), dtype=jnp.float32)
    ei = jax.random.randint(ks[1], (2, N_EDGES), 0, N_NODES, dtype=jnp.int32)
    ea = jax.random.normal(ks[2], (N_EDGES, D_EDGE), dtype=jnp.float32)
    batch = jnp.zeros((N_NODES,), dtype=jnp.int32)
    y = jax.random.normal(ks[3], (N_NODES, 1), dtype=jnp.float32)
    W_msg = jax.random.normal(ks[4], (D_FEAT, D_FEAT), dtype=jnp.float32) * 0.05
    W_edge = jax.random.normal(ks[5], (D_EDGE, D_FEAT), dtype=jnp.float32) * 0.05
    W_self = jax.random.normal(ks[6], (D_FEAT, D_FEAT), dtype=jnp.float32) * 0.05
    b = jnp.zeros((D_FEAT,), dtype=jnp.float32)
    return {"x": x, "ei": ei, "ea": ea, "batch": batch, "y": y,
            "W_msg": W_msg, "W_edge": W_edge, "W_self": W_self, "b": b}


def reference(x, ei, ea, batch, y, W_msg, W_edge, W_self, b):
    # Recurrent edge-GNN: num_blocks passes, each over a strided node/edge
    # subsample as in the original forward (k_alloc / k2_alloc indexing).
    bs = batch.shape[0]
    n_edges = ei.shape[1]
    h = x
    for k in range(1, NUM_BLOCKS + 1):
        base = np.arange(0, bs, NUM_BLOCKS)
        k_alloc = (base + k) % bs            # node/edge selector (wrapped in-range)
        k2_alloc = (2 * k_alloc) % n_edges   # edge selector, as in original
        sub_ea = ea[k2_alloc, :]             # [S, d_edge]
        sub_ei = ei[:, k2_alloc]             # [2, S]
        src = sub_ei[0]
        dst = sub_ei[1]
        # GNN block: gather src features, mix with edge attrs, scatter-add to dst
        msg = h[src] @ W_msg + sub_ea @ W_edge          # [S, d]
        agg = jax.ops.segment_sum(msg, dst, num_segments=bs)  # [N, d]
        h = jax.nn.relu(agg + h @ W_self + b)
    return h

if __name__ == "__main__":
    import jax
    _d = setup_inputs()
    print(jax.jit(kernel)(*tuple(_d.values())))

</pallas_src>

<mosaic_0001>
#map = affine_map<(d0, d1) -> (0, 0)>
#map1 = affine_map<(d0, d1) -> (0, 0, 0)>
module attributes {stable_mosaic.version = 14 : i64} {
  func.func @sk(%arg0: i32, %arg1: i32, %arg2: memref<10240x128xf32, #tpu.memory_space<hbm>>, %arg3: memref<2560x128xf32, #tpu.memory_space<hbm>>, %arg4: memref<16x2x80xi32, #tpu.memory_space<hbm>>, %arg5: memref<16x2x80xi32, #tpu.memory_space<hbm>>, %arg6: memref<10240x128xf32, #tpu.memory_space<hbm>>, %arg7: memref<2560x128xf32, #tpu.memory_space<hbm>>, %arg8: memref<2560x128xf32, #tpu.memory_space<hbm>>, %arg9: memref<5136x128xf32, #tpu.memory_space<vmem_shared>>, %arg10: memref<2x80xi32, #tpu.memory_space<vmem>>, %arg11: memref<2x80x128xf32, #tpu.memory_space<vmem>>, %arg12: memref<!tpu.dma_semaphore, #tpu.memory_space<semaphore_mem>>, %arg13: memref<2x80xi32, #tpu.memory_space<vmem>>, %arg14: memref<160x128xf32, #tpu.memory_space<vmem>>, %arg15: memref<8x128xf32, #tpu.memory_space<vmem>>, %arg16: memref<!tpu.dma_semaphore, #tpu.memory_space<semaphore_mem>>) attributes {dimension_semantics = [#tpu.dimension_semantics<core_parallel>, #tpu.dimension_semantics<subcore_parallel>], iteration_bounds = array<i64: 2, 16>, scalar_prefetch = 0 : i64, scratch_operands = 8 : i64, tpu.core_type = #tpu.core_type<sc_vector_subcore>, window_params = [{transform_indices = #map}, {transform_indices = #map}, {transform_indices = #map1}, {transform_indices = #map1}, {transform_indices = #map}, {transform_indices = #map}, {transform_indices = #map}]} {
    %mul3A = arith.constant 5120 : i32
    %mul3A_0 = arith.muli %arg0, %mul3A : i32
    %mul3A_1 = arith.constant 320 : i32
    %mul3A_2 = arith.muli %arg1, %mul3A_1 : i32
    %add3A = arith.addi %mul3A_0, %mul3A_2 : i32
    "tpu.region"() ({
      %run_scoped3A_531 = tpu.sem_alloc : memref<!tpu.dma_semaphore, #tpu.memory_space<semaphore_mem>>
      %dma_start3A_532 = arith.constant 0 : i32
      %dma_start3A_533 = tpu.memref_slice %arg9[%mul3A_2, %dma_start3A_532] : memref<5136x128xf32, #tpu.memory_space<vmem_shared>> -> memref<320x128xf32, #tpu.memory_space<vmem_shared>>
      %dma_start3A_534 = arith.constant 0 : i32
      %dma_start3A_535 = tpu.memref_slice %arg2[%add3A, %dma_start3A_534] : memref<10240x128xf32, #tpu.memory_space<hbm>> -> memref<320x128xf32, #tpu.memory_space<hbm>>
      tpu.enqueue_dma source(%dma_start3A_535 : memref<320x128xf32, #tpu.memory_space<hbm>>) target(%dma_start3A_533 : memref<320x128xf32, #tpu.memory_space<vmem_shared>>) target_semaphore(%run_scoped3A_531 : memref<!tpu.dma_semaphore, #tpu.memory_space<semaphore_mem>>)
      %dma_wait3A_536 = arith.constant 0 : i32
      %dma_wait3A_537 = tpu.memref_slice %arg9[%mul3A_2, %dma_wait3A_536] : memref<5136x128xf32, #tpu.memory_space<vmem_shared>> -> memref<320x128xf32, #tpu.memory_space<vmem_shared>>
      %dma_wait3A_538 = arith.constant 0 : i32
      %dma_wait3A_539 = tpu.memref_slice %arg2[%add3A, %dma_wait3A_538] : memref<10240x128xf32, #tpu.memory_space<hbm>> -> memref<320x128xf32, #tpu.memory_space<hbm>>
      tpu.wait_dma2 semaphore(%run_scoped3A_531 : memref<!tpu.dma_semaphore, #tpu.memory_space<semaphore_mem>>) src(%dma_wait3A_539 : memref<320x128xf32, #tpu.memory_space<hbm>>) dst(%dma_wait3A_537 : memref<320x128xf32, #tpu.memory_space<vmem_shared>>)
      tpu.yield
    }) : () -> ()
    "tpu.region"() ({
      %run_scoped3A_531 = tpu.sem_alloc : memref<!tpu.dma_semaphore, #tpu.memory_space<semaphore_mem>>
      %dma_start3A_532 = arith.constant 0 : i32
      %dma_start3A_533 = arith.constant 0 : i32
      %dma_start3A_534 = tpu.memref_slice %arg4[%arg1, %dma_start3A_532, %dma_start3A_533] : memref<16x2x80xi32, #tpu.memory_space<hbm>> -> memref<1x2x80xi32, #tpu.memory_space<hbm>>
      %dma_start3A_535 = tpu.memref_squeeze %dma_start3A_534 : memref<1x2x80xi32, #tpu.memory_space<hbm>> -> memref<2x80xi32, #tpu.memory_space<hbm>>
      %dma_start3A_536 = arith.constant 0 : i32
      %dma_start3A_537 = arith.constant 0 : i32
      %dma_start3A_538 = tpu.memref_slice %arg4[%arg1, %dma_start3A_536, %dma_start3A_537] : memref<16x2x80xi32, #tpu.memory_space<hbm>> -> memref<1x2x80xi32, #tpu.memory_space<hbm>>
      %dma_start3A_539 = tpu.memref_squeeze %dma_start3A_538 : memref<1x2x80xi32, #tpu.memory_space<hbm>> -> memref<2x80xi32, #tpu.memory_space<hbm>>
      tpu.enqueue_dma source(%dma_start3A_539 : memref<2x80xi32, #tpu.memory_space<hbm>>) target(%arg10 : memref<2x80xi32, #tpu.memory_space<vmem>>) target_semaphore(%run_scoped3A_531 : memref<!tpu.dma_semaphore, #tpu.memory_space<semaphore_mem>>)
      %dma_wait3A_540 = arith.constant 0 : i32
      %dma_wait3A_541 = arith.constant 0 : i32
      %dma_wait3A_542 = tpu.memref_slice %arg4[%arg1, %dma_wait3A_540, %dma_wait3A_541] : memref<16x2x80xi32, #tpu.memory_space<hbm>> -> memref<1x2x80xi32, #tpu.memory_space<hbm>>
      %dma_wait3A_543 = tpu.memref_squeeze %dma_wait3A_542 : memref<1x2x80xi32, #tpu.memory_space<hbm>> -> memref<2x80xi32, #tpu.memory_space<hbm>>
      %dma_wait3A_544 = arith.constant 0 : i32
      %dma_wait3A_545 = arith.constant 0 : i32
      %dma_wait3A_546 = tpu.memref_slice %arg4[%arg1, %dma_wait3A_544, %dma_wait3A_545] : memref<16x2x80xi32, #tpu.memory_space<hbm>> -> memref<1x2x80xi32, #tpu.memory_space<hbm>>
      %dma_wait3A_547 = tpu.memref_squeeze %dma_wait3A_546 : memref<1x2x80xi32, #tpu.memory_space<hbm>> -> memref<2x80xi32, #tpu.memory_space<hbm>>
      tpu.wait_dma2 semaphore(%run_scoped3A_531 : memref<!tpu.dma_semaphore, #tpu.memory_space<semaphore_mem>>) src(%dma_wait3A_547 : memref<2x80xi32, #tpu.memory_space<hbm>>) dst(%arg10 : memref<2x80xi32, #tpu.memory_space<vmem>>)
      tpu.yield
    }) : () -> ()
    %get3A = arith.constant 0 : i32
    %get3A_3 = arith.index_cast %get3A : i32 to index
    %get3A_4 = arith.constant 0 : index
    %get3A_5 = tpu.vector_load %arg10[%get3A_3, %get3A_4] {strides = array<i32>} : memref<2x80xi32, #tpu.memory_space<vmem>>, vector<1x16xi32>,
    %get3A_6 = vector.shape_cast %get3A_5 : vector<1x16xi32> to vector<16xi32>
    %sub3A = vector.broadcast %mul3A_0 : i32 to vector<16xi32>
    %sub3A_7 = arith.subi %get3A_6, %sub3A : vector<16xi32>
    %ge3A = arith.constant 0 : i32
    %ge3A_8 = vector.broadcast %ge3A : i32 to vector<16xi32>
    %ge3A_9 = arith.cmpi sge, %sub3A_7, %ge3A_8 : vector<16xi32>
    %lt3A = arith.constant 5120 : i32
    %lt3A_10 = vector.broadcast %lt3A : i32 to vector<16xi32>
    %lt3A_11 = arith.cmpi slt, %sub3A_7, %lt3A_10 : vector<16xi32>
    %and3A = arith.andi %ge3A_9, %lt3A_11 : vector<16xi1>
    %jit3A = arith.constant 5128 : i32
    %broadcast_in_dim3A = vector.broadcast %jit3A : i32 to vector<16xi32>
    %select_n3A = arith.select %and3A, %sub3A_7, %broadcast_in_dim3A : vector<16xi1>, vector<16xi32>
    %swap3A = arith.constant 0 : i32
    %swap3A_12 = arith.index_cast %swap3A : i32 to index
    %swap3A_13 = arith.constant 0 : index
    %swap3A_14 = tpu.vector_load %arg10[%swap3A_12, %swap3A_13] {strides = array<i32>} : memref<2x80xi32, #tpu.memory_space<vmem>>, vector<1x16xi32>,
    %swap3A_15 = vector.shape_cast %swap3A_14 : vector<1x16xi32> to vector<16xi32>
    %swap3A_16 = vector.shape_cast %select_n3A : vector<16xi32> to vector<1x16xi32>
    tpu.vector_store %arg10[%swap3A_12, %swap3A_13], %swap3A_16 {strides = array<i32>} : memref<2x80xi32, #tpu.memory_space<vmem>>, vector<1x16xi32>,
    %get3A_17 = arith.constant 0 : i32
    %get3A_18 = arith.index_cast %get3A_17 : i32 to index
    %get3A_19 = arith.constant 16 : index
    %get3A_20 = tpu.vector_load %arg10[%get3A_18, %get3A_19] {strides = array<i32>} : memref<2x80xi32, #tpu.memory_space<vmem>>, vector<1x16xi32>,
    %get3A_21 = vector.shape_cast %get3A_20 : vector<1x16xi32> to vector<16xi32>
    %sub3A_22 = vector.broadcast %mul3A_0 : i32 to vector<16xi32>
    %sub3A_23 = arith.subi %get3A_21, %sub3A_22 : vector<16xi32>
    %ge3A_24 = arith.constant 0 : i32
    %ge3A_25 = vector.broadcast %ge3A_24 : i32 to vector<16xi32>
    %ge3A_26 = arith.cmpi sge, %sub3A_23, %ge3A_25 : vector<16xi32>
    %lt3A_27 = arith.constant 5120 : i32
    %lt3A_28 = vector.broadcast %lt3A_27 : i32 to vector<16xi32>
    %lt3A_29 = arith.cmpi slt, %sub3A_23, %lt3A_28 : vector<16xi32>
    %and3A_30 = arith.andi %ge3A_26, %lt3A_29 : vector<16xi1>
    %jit3A_31 = arith.constant 5128 : i32
    %broadcast_in_dim3A_32 = vector.broadcast %jit3A_31 : i32 to vector<16xi32>
    %select_n3A_33 = arith.select %and3A_30, %sub3A_23, %broadcast_in_dim3A_32 : vector<16xi1>, vector<16xi32>
    %swap3A_34 = arith.constant 0 : i32
    %swap3A_35 = arith.index_cast %swap3A_34 : i32 to index
    %swap3A_36 = arith.constant 16 : index
    %swap3A_37 = tpu.vector_load %arg10[%swap3A_35, %swap3A_36] {strides = array<i32>} : memref<2x80xi32, #tpu.memory_space<vmem>>, vector<1x16xi32>,
    %swap3A_38 = vector.shape_cast %swap3A_37 : vector<1x16xi32> to vector<16xi32>
    %swap3A_39 = vector.shape_cast %select_n3A_33 : vector<16xi32> to vector<1x16xi32>
    tpu.vector_store %arg10[%swap3A_35, %swap3A_36], %swap3A_39 {strides = array<i32>} : memref<2x80xi32, #tpu.memory_space<vmem>>, vector<1x16xi32>,
    %get3A_40 = arith.constant 0 : i32
    %get3A_41 = arith.index_cast %get3A_40 : i32 to index
    %get3A_42 = arith.constant 32 : index
    %get3A_43 = tpu.vector_load %arg10[%get3A_41, %get3A_42] {strides = array<i32>} : memref<2x80xi32, #tpu.memory_space<vmem>>, vector<1x16xi32>,
    %get3A_44 = vector.shape_cast %get3A_43 : vector<1x16xi32> to vector<16xi32>
    %sub3A_45 = vector.broadcast %mul3A_0 : i32 to vector<16xi32>
    %sub3A_46 = arith.subi %get3A_44, %sub3A_45 : vector<16xi32>
    %ge3A_47 = arith.constant 0 : i32
    %ge3A_48 = vector.broadcast %ge3A_47 : i32 to vector<16xi32>
    %ge3A_49 = arith.cmpi sge, %sub3A_46, %ge3A_48 : vector<16xi32>
    %lt3A_50 = arith.constant 5120 : i32
    %lt3A_51 = vector.broadcast %lt3A_50 : i32 to vector<16xi32>
    %lt3A_52 = arith.cmpi slt, %sub3A_46, %lt3A_51 : vector<16xi32>
    %and3A_53 = arith.andi %ge3A_49, %lt3A_52 : vector<16xi1>
    %jit3A_54 = arith.constant 5128 : i32
    %broadcast_in_dim3A_55 = vector.broadcast %jit3A_54 : i32 to vector<16xi32>
    %select_n3A_56 = arith.select %and3A_53, %sub3A_46, %broadcast_in_dim3A_55 : vector<16xi1>, vector<16xi32>
    %swap3A_57 = arith.constant 0 : i32
    %swap3A_58 = arith.index_cast %swap3A_57 : i32 to index
    %swap3A_59 = arith.constant 32 : index
    %swap3A_60 = tpu.vector_load %arg10[%swap3A_58, %swap3A_59] {strides = array<i32>} : memref<2x80xi32, #tpu.memory_space<vmem>>, vector<1x16xi32>,
    %swap3A_61 = vector.shape_cast %swap3A_60 : vector<1x16xi32> to vector<16xi32>
    %swap3A_62 = vector.shape_cast %select_n3A_56 : vector<16xi32> to vector<1x16xi32>
    tpu.vector_store %arg10[%swap3A_58, %swap3A_59], %swap3A_62 {strides = array<i32>} : memref<2x80xi32, #tpu.memory_space<vmem>>, vector<1x16xi32>,
    %get3A_63 = arith.constant 0 : i32
    %get3A_64 = arith.index_cast %get3A_63 : i32 to index
    %get3A_65 = arith.constant 48 : index
    %get3A_66 = tpu.vector_load %arg10[%get3A_64, %get3A_65] {strides = array<i32>} : memref<2x80xi32, #tpu.memory_space<vmem>>, vector<1x16xi32>,
    %get3A_67 = vector.shape_cast %get3A_66 : vector<1x16xi32> to vector<16xi32>
    %sub3A_68 = vector.broadcast %mul3A_0 : i32 to vector<16xi32>
    %sub3A_69 = arith.subi %get3A_67, %sub3A_68 : vector<16xi32>
    %ge3A_70 = arith.constant 0 : i32
    %ge3A_71 = vector.broadcast %ge3A_70 : i32 to vector<16xi32>
    %ge3A_72 = arith.cmpi sge, %sub3A_69, %ge3A_71 : vector<16xi32>
    %lt3A_73 = arith.constant 5120 : i32
    %lt3A_74 = vector.broadcast %lt3A_73 : i32 to vector<16xi32>
    %lt3A_75 = arith.cmpi slt, %sub3A_69, %lt3A_74 : vector<16xi32>
    %and3A_76 = arith.andi %ge3A_72, %lt3A_75 : vector<16xi1>
    %jit3A_77 = arith.constant 5128 : i32
    %broadcast_in_dim3A_78 = vector.broadcast %jit3A_77 : i32 to vector<16xi32>
    %select_n3A_79 = arith.select %and3A_76, %sub3A_69, %broadcast_in_dim3A_78 : vector<16xi1>, vector<16xi32>
    %swap3A_80 = arith.constant 0 : i32
    %swap3A_81 = arith.index_cast %swap3A_80 : i32 to index
    %swap3A_82 = arith.constant 48 : index
    %swap3A_83 = tpu.vector_load %arg10[%swap3A_81, %swap3A_82] {strides = array<i32>} : memref<2x80xi32, #tpu.memory_space<vmem>>, vector<1x16xi32>,
    %swap3A_84 = vector.shape_cast %swap3A_83 : vector<1x16xi32> to vector<16xi32>
    %swap3A_85 = vector.shape_cast %select_n3A_79 : vector<16xi32> to vector<1x16xi32>
    tpu.vector_store %arg10[%swap3A_81, %swap3A_82], %swap3A_85 {strides = array<i32>} : memref<2x80xi32, #tpu.memory_space<vmem>>, vector<1x16xi32>,
    %get3A_86 = arith.constant 0 : i32
    %get3A_87 = arith.index_cast %get3A_86 : i32 to index
    %get3A_88 = arith.constant 64 : index
    %get3A_89 = tpu.vector_load %arg10[%get3A_87, %get3A_88] {strides = array<i32>} : memref<2x80xi32, #tpu.memory_space<vmem>>, vector<1x16xi32>,
    %get3A_90 = vector.shape_cast %get3A_89 : vector<1x16xi32> to vector<16xi32>
    %sub3A_91 = vector.broadcast %mul3A_0 : i32 to vector<16xi32>
    %sub3A_92 = arith.subi %get3A_90, %sub3A_91 : vector<16xi32>
    %ge3A_93 = arith.constant 0 : i32
    %ge3A_94 = vector.broadcast %ge3A_93 : i32 to vector<16xi32>
    %ge3A_95 = arith.cmpi sge, %sub3A_92, %ge3A_94 : vector<16xi32>
    %lt3A_96 = arith.constant 5120 : i32
    %lt3A_97 = vector.broadcast %lt3A_96 : i32 to vector<16xi32>
    %lt3A_98 = arith.cmpi slt, %sub3A_92, %lt3A_97 : vector<16xi32>
    %and3A_99 = arith.andi %ge3A_95, %lt3A_98 : vector<16xi1>
    %jit3A_100 = arith.constant 5128 : i32
    %broadcast_in_dim3A_101 = vector.broadcast %jit3A_100 : i32 to vector<16xi32>
    %select_n3A_102 = arith.select %and3A_99, %sub3A_92, %broadcast_in_dim3A_101 : vector<16xi1>, vector<16xi32>
    %swap3A_103 = arith.constant 0 : i32
    %swap3A_104 = arith.index_cast %swap3A_103 : i32 to index
    %swap3A_105 = arith.constant 64 : index
    %swap3A_106 = tpu.vector_load %arg10[%swap3A_104, %swap3A_105] {strides = array<i32>} : memref<2x80xi32, #tpu.memory_space<vmem>>, vector<1x16xi32>,
    %swap3A_107 = vector.shape_cast %swap3A_106 : vector<1x16xi32> to vector<16xi32>
    %swap3A_108 = vector.shape_cast %select_n3A_102 : vector<16xi32> to vector<1x16xi32>
    tpu.vector_store %arg10[%swap3A_104, %swap3A_105], %swap3A_108 {strides = array<i32>} : memref<2x80xi32, #tpu.memory_space<vmem>>, vector<1x16xi32>,
    %mul3A_109 = arith.constant 2 : i32
    %mul3A_110 = arith.muli %arg1, %mul3A_109 : i32
    %mul3A_111 = arith.constant 80 : i32
    %mul3A_112 = arith.muli %mul3A_110, %mul3A_111 : i32
    %add3A_113 = arith.constant 0 : i32
    %add3A_114 = arith.addi %mul3A_112, %add3A_113 : i32
    %run_scoped3A = arith.constant 0 : i32
    "tpu.region"() ({
      %run_scoped3A_531 = tpu.sem_alloc : memref<!tpu.dma_semaphore, #tpu.memory_space<semaphore_mem>>
      %dma_start3A_532 = arith.constant 0 : i32
      %dma_start3A_533 = arith.constant 0 : i32
      %dma_start3A_534 = tpu.memref_slice %arg11[%run_scoped3A, %dma_start3A_532, %dma_start3A_533] : memref<2x80x128xf32, #tpu.memory_space<vmem>> -> memref<1x80x128xf32, #tpu.memory_space<vmem>>
      %dma_start3A_535 = tpu.memref_squeeze %dma_start3A_534 : memref<1x80x128xf32, #tpu.memory_space<vmem>> -> memref<80x128xf32, #tpu.memory_space<vmem>>
      %dma_start3A_536 = arith.constant 0 : i32
      %dma_start3A_537 = tpu.memref_slice %arg3[%add3A_114, %dma_start3A_536] : memref<2560x128xf32, #tpu.memory_space<hbm>> -> memref<80x128xf32, #tpu.memory_space<hbm>>
      %dma_start3A_538 = arith.constant 0 : i32
      %dma_start3A_539 = arith.constant 0 : i32
      %dma_start3A_540 = tpu.memref_slice %arg11[%run_scoped3A, %dma_start3A_538, %dma_start3A_539] : memref<2x80x128xf32, #tpu.memory_space<vmem>> -> memref<1x80x128xf32, #tpu.memory_space<vmem>>
      %dma_start3A_541 = tpu.memref_squeeze %dma_start3A_540 : memref<1x80x128xf32, #tpu.memory_space<vmem>> -> memref<80x128xf32, #tpu.memory_space<vmem>>
      %dma_start3A_542 = arith.constant 0 : i32
      %dma_start3A_543 = tpu.memref_slice %arg3[%add3A_114, %dma_start3A_542] : memref<2560x128xf32, #tpu.memory_space<hbm>> -> memref<80x128xf32, #tpu.memory_space<hbm>>
      tpu.enqueue_dma source(%dma_start3A_543 : memref<80x128xf32, #tpu.memory_space<hbm>>) target(%dma_start3A_541 : memref<80x128xf32, #tpu.memory_space<vmem>>) target_semaphore(%run_scoped3A_531 : memref<!tpu.dma_semaphore, #tpu.memory_space<semaphore_mem>>)
      %dma_wait3A_544 = arith.constant 0 : i32
      %dma_wait3A_545 = arith.constant 0 : i32
      %dma_wait3A_546 = tpu.memref_slice %arg11[%run_scoped3A, %dma_wait3A_544, %dma_wait3A_545] : memref<2x80x128xf32, #tpu.memory_space<vmem>> -> memref<1x80x128xf32, #tpu.memory_space<vmem>>
      %dma_wait3A_547 = tpu.memref_squeeze %dma_wait3A_546 : memref<1x80x128xf32, #tpu.memory_space<vmem>> -> memref<80x128xf32, #tpu.memory_space<vmem>>
      %dma_wait3A_548 = arith.constant 0 : i32
      %dma_wait3A_549 = tpu.memref_slice %arg3[%add3A_114, %dma_wait3A_548] : memref<2560x128xf32, #tpu.memory_space<hbm>> -> memref<80x128xf32, #tpu.memory_space<hbm>>
      %dma_wait3A_550 = arith.constant 0 : i32
      %dma_wait3A_551 = arith.constant 0 : i32
      %dma_wait3A_552 = tpu.memref_slice %arg11[%run_scoped3A, %dma_wait3A_550, %dma_wait3A_551] : memref<2x80x128xf32, #tpu.memory_space<vmem>> -> memref<1x80x128xf32, #tpu.memory_space<vmem>>
      %dma_wait3A_553 = tpu.memref_squeeze %dma_wait3A_552 : memref<1x80x128xf32, #tpu.memory_space<vmem>> -> memref<80x128xf32, #tpu.memory_space<vmem>>
      %dma_wait3A_554 = arith.constant 0 : i32
      %dma_wait3A_555 = tpu.memref_slice %arg3[%add3A_114, %dma_wait3A_554] : memref<2560x128xf32, #tpu.memory_space<hbm>> -> memref<80x128xf32, #tpu.memory_space<hbm>>
      tpu.wait_dma2 semaphore(%run_scoped3A_531 : memref<!tpu.dma_semaphore, #tpu.memory_space<semaphore_mem>>) src(%dma_wait3A_555 : memref<80x128xf32, #tpu.memory_space<hbm>>) dst(%dma_wait3A_553 : memref<80x128xf32, #tpu.memory_space<vmem>>)
      tpu.yield
    }) : () -> ()
    %get3A_115 = arith.constant 1 : i32
    %get3A_116 = arith.index_cast %get3A_115 : i32 to index
    %get3A_117 = arith.constant 0 : index
    %get3A_118 = tpu.vector_load %arg10[%get3A_116, %get3A_117] {strides = array<i32>} : memref<2x80xi32, #tpu.memory_space<vmem>>, vector<1x16xi32>,
    %get3A_119 = vector.shape_cast %get3A_118 : vector<1x16xi32> to vector<16xi32>
    %sub3A_120 = vector.broadcast %mul3A_0 : i32 to vector<16xi32>
    %sub3A_121 = arith.subi %get3A_119, %sub3A_120 : vector<16xi32>
    %ge3A_122 = arith.constant 0 : i32
    %ge3A_123 = vector.broadcast %ge3A_122 : i32 to vector<16xi32>
    %ge3A_124 = arith.cmpi sge, %sub3A_121, %ge3A_123 : vector<16xi32>
    %lt3A_125 = arith.constant 5120 : i32
    %lt3A_126 = vector.broadcast %lt3A_125 : i32 to vector<16xi32>
    %lt3A_127 = arith.cmpi slt, %sub3A_121, %lt3A_126 : vector<16xi32>
    %and3A_128 = arith.andi %ge3A_124, %lt3A_127 : vector<16xi1>
    %jit3A_129 = arith.constant 5128 : i32
    %broadcast_in_dim3A_130 = vector.broadcast %jit3A_129 : i32 to vector<16xi32>
    %select_n3A_131 = arith.select %and3A_128, %sub3A_121, %broadcast_in_dim3A_130 : vector<16xi1>, vector<16xi32>
    %swap3A_132 = arith.constant 1 : i32
    %swap3A_133 = arith.index_cast %swap3A_132 : i32 to index
    %swap3A_134 = arith.constant 0 : index
    %swap3A_135 = tpu.vector_load %arg10[%swap3A_133, %swap3A_134] {strides = array<i32>} : memref<2x80xi32, #tpu.memory_space<vmem>>, vector<1x16xi32>,
    %swap3A_136 = vector.shape_cast %swap3A_135 : vector<1x16xi32> to vector<16xi32>
    %swap3A_137 = vector.shape_cast %select_n3A_131 : vector<16xi32> to vector<1x16xi32>
    tpu.vector_store %arg10[%swap3A_133, %swap3A_134], %swap3A_137 {strides = array<i32>} : memref<2x80xi32, #tpu.memory_space<vmem>>, vector<1x16xi32>,
    %get3A_138 = arith.constant 1 : i32
    %get3A_139 = arith.index_cast %get3A_138 : i32 to index
    %get3A_140 = arith.constant 16 : index
    %get3A_141 = tpu.vector_load %arg10[%get3A_139, %get3A_140] {strides = array<i32>} : memref<2x80xi32, #tpu.memory_space<vmem>>, vector<1x16xi32>,
    %get3A_142 = vector.shape_cast %get3A_141 : vector<1x16xi32> to vector<16xi32>
    %sub3A_143 = vector.broadcast %mul3A_0 : i32 to vector<16xi32>
    %sub3A_144 = arith.subi %get3A_142, %sub3A_143 : vector<16xi32>
    %ge3A_145 = arith.constant 0 : i32
    %ge3A_146 = vector.broadcast %ge3A_145 : i32 to vector<16xi32>
    %ge3A_147 = arith.cmpi sge, %sub3A_144, %ge3A_146 : vector<16xi32>
    %lt3A_148 = arith.constant 5120 : i32
    %lt3A_149 = vector.broadcast %lt3A_148 : i32 to vector<16xi32>
    %lt3A_150 = arith.cmpi slt, %sub3A_144, %lt3A_149 : vector<16xi32>
    %and3A_151 = arith.andi %ge3A_147, %lt3A_150 : vector<16xi1>
    %jit3A_152 = arith.constant 5128 : i32
    %broadcast_in_dim3A_153 = vector.broadcast %jit3A_152 : i32 to vector<16xi32>
    %select_n3A_154 = arith.select %and3A_151, %sub3A_144, %broadcast_in_dim3A_153 : vector<16xi1>, vector<16xi32>
    %swap3A_155 = arith.constant 1 : i32
    %swap3A_156 = arith.index_cast %swap3A_155 : i32 to index
    %swap3A_157 = arith.constant 16 : index
    %swap3A_158 = tpu.vector_load %arg10[%swap3A_156, %swap3A_157] {strides = array<i32>} : memref<2x80xi32, #tpu.memory_space<vmem>>, vector<1x16xi32>,
    %swap3A_159 = vector.shape_cast %swap3A_158 : vector<1x16xi32> to vector<16xi32>
    %swap3A_160 = vector.shape_cast %select_n3A_154 : vector<16xi32> to vector<1x16xi32>
    tpu.vector_store %arg10[%swap3A_156, %swap3A_157], %swap3A_160 {strides = array<i32>} : memref<2x80xi32, #tpu.memory_space<vmem>>, vector<1x16xi32>,
    %get3A_161 = arith.constant 1 : i32
    %get3A_162 = arith.index_cast %get3A_161 : i32 to index
    %get3A_163 = arith.constant 32 : index
    %get3A_164 = tpu.vector_load %arg10[%get3A_162, %get3A_163] {strides = array<i32>} : memref<2x80xi32, #tpu.memory_space<vmem>>, vector<1x16xi32>,
    %get3A_165 = vector.shape_cast %get3A_164 : vector<1x16xi32> to vector<16xi32>
    %sub3A_166 = vector.broadcast %mul3A_0 : i32 to vector<16xi32>
    %sub3A_167 = arith.subi %get3A_165, %sub3A_166 : vector<16xi32>
    %ge3A_168 = arith.constant 0 : i32
    %ge3A_169 = vector.broadcast %ge3A_168 : i32 to vector<16xi32>
    %ge3A_170 = arith.cmpi sge, %sub3A_167, %ge3A_169 : vector<16xi32>
    %lt3A_171 = arith.constant 5120 : i32
    %lt3A_172 = vector.broadcast %lt3A_171 : i32 to vector<16xi32>
    %lt3A_173 = arith.cmpi slt, %sub3A_167, %lt3A_172 : vector<16xi32>
    %and3A_174 = arith.andi %ge3A_170, %lt3A_173 : vector<16xi1>
    %jit3A_175 = arith.constant 5128 : i32
    %broadcast_in_dim3A_176 = vector.broadcast %jit3A_175 : i32 to vector<16xi32>
    %select_n3A_177 = arith.select %and3A_174, %sub3A_167, %broadcast_in_dim3A_176 : vector<16xi1>, vector<16xi32>
    %swap3A_178 = arith.constant 1 : i32
    %swap3A_179 = arith.index_cast %swap3A_178 : i32 to index
    %swap3A_180 = arith.constant 32 : index
    %swap3A_181 = tpu.vector_load %arg10[%swap3A_179, %swap3A_180] {strides = array<i32>} : memref<2x80xi32, #tpu.memory_space<vmem>>, vector<1x16xi32>,
    %swap3A_182 = vector.shape_cast %swap3A_181 : vector<1x16xi32> to vector<16xi32>
    %swap3A_183 = vector.shape_cast %select_n3A_177 : vector<16xi32> to vector<1x16xi32>
    tpu.vector_store %arg10[%swap3A_179, %swap3A_180], %swap3A_183 {strides = array<i32>} : memref<2x80xi32, #tpu.memory_space<vmem>>, vector<1x16xi32>,
    %get3A_184 = arith.constant 1 : i32
    %get3A_185 = arith.index_cast %get3A_184 : i32 to index
    %get3A_186 = arith.constant 48 : index
    %get3A_187 = tpu.vector_load %arg10[%get3A_185, %get3A_186] {strides = array<i32>} : memref<2x80xi32, #tpu.memory_space<vmem>>, vector<1x16xi32>,
    %get3A_188 = vector.shape_cast %get3A_187 : vector<1x16xi32> to vector<16xi32>
    %sub3A_189 = vector.broadcast %mul3A_0 : i32 to vector<16xi32>
    %sub3A_190 = arith.subi %get3A_188, %sub3A_189 : vector<16xi32>
    %ge3A_191 = arith.constant 0 : i32
    %ge3A_192 = vector.broadcast %ge3A_191 : i32 to vector<16xi32>
    %ge3A_193 = arith.cmpi sge, %sub3A_190, %ge3A_192 : vector<16xi32>
    %lt3A_194 = arith.constant 5120 : i32
    %lt3A_195 = vector.broadcast %lt3A_194 : i32 to vector<16xi32>
    %lt3A_196 = arith.cmpi slt, %sub3A_190, %lt3A_195 : vector<16xi32>
    %and3A_197 = arith.andi %ge3A_193, %lt3A_196 : vector<16xi1>
    %jit3A_198 = arith.constant 5128 : i32
    %broadcast_in_dim3A_199 = vector.broadcast %jit3A_198 : i32 to vector<16xi32>
    %select_n3A_200 = arith.select %and3A_197, %sub3A_190, %broadcast_in_dim3A_199 : vector<16xi1>, vector<16xi32>
    %swap3A_201 = arith.constant 1 : i32
    %swap3A_202 = arith.index_cast %swap3A_201 : i32 to index
    %swap3A_203 = arith.constant 48 : index
    %swap3A_204 = tpu.vector_load %arg10[%swap3A_202, %swap3A_203] {strides = array<i32>} : memref<2x80xi32, #tpu.memory_space<vmem>>, vector<1x16xi32>,
    %swap3A_205 = vector.shape_cast %swap3A_204 : vector<1x16xi32> to vector<16xi32>
    %swap3A_206 = vector.shape_cast %select_n3A_200 : vector<16xi32> to vector<1x16xi32>
    tpu.vector_store %arg10[%swap3A_202, %swap3A_203], %swap3A_206 {strides = array<i32>} : memref<2x80xi32, #tpu.memory_space<vmem>>, vector<1x16xi32>,
    %get3A_207 = arith.constant 1 : i32
    %get3A_208 = arith.index_cast %get3A_207 : i32 to index
    %get3A_209 = arith.constant 64 : index
    %get3A_210 = tpu.vector_load %arg10[%get3A_208, %get3A_209] {strides = array<i32>} : memref<2x80xi32, #tpu.memory_space<vmem>>, vector<1x16xi32>,
    %get3A_211 = vector.shape_cast %get3A_210 : vector<1x16xi32> to vector<16xi32>
    %sub3A_212 = vector.broadcast %mul3A_0 : i32 to vector<16xi32>
    %sub3A_213 = arith.subi %get3A_211, %sub3A_212 : vector<16xi32>
    %ge3A_214 = arith.constant 0 : i32
    %ge3A_215 = vector.broadcast %ge3A_214 : i32 to vector<16xi32>
    %ge3A_216 = arith.cmpi sge, %sub3A_213, %ge3A_215 : vector<16xi32>
    %lt3A_217 = arith.constant 5120 : i32
    %lt3A_218 = vector.broadcast %lt3A_217 : i32 to vector<16xi32>
    %lt3A_219 = arith.cmpi slt, %sub3A_213, %lt3A_218 : vector<16xi32>
    %and3A_220 = arith.andi %ge3A_216, %lt3A_219 : vector<16xi1>
    %jit3A_221 = arith.constant 5128 : i32
    %broadcast_in_dim3A_222 = vector.broadcast %jit3A_221 : i32 to vector<16xi32>
    %select_n3A_223 = arith.select %and3A_220, %sub3A_213, %broadcast_in_dim3A_222 : vector<16xi1>, vector<16xi32>
    %swap3A_224 = arith.constant 1 : i32
    %swap3A_225 = arith.index_cast %swap3A_224 : i32 to index
    %swap3A_226 = arith.constant 64 : index
    %swap3A_227 = tpu.vector_load %arg10[%swap3A_225, %swap3A_226] {strides = array<i32>} : memref<2x80xi32, #tpu.memory_space<vmem>>, vector<1x16xi32>,
    %swap3A_228 = vector.shape_cast %swap3A_227 : vector<1x16xi32> to vector<16xi32>
    %swap3A_229 = vector.shape_cast %select_n3A_223 : vector<16xi32> to vector<1x16xi32>
    tpu.vector_store %arg10[%swap3A_225, %swap3A_226], %swap3A_229 {strides = array<i32>} : memref<2x80xi32, #tpu.memory_space<vmem>>, vector<1x16xi32>,
    %mul3A_230 = arith.constant 2 : i32
    %mul3A_231 = arith.muli %arg1, %mul3A_230 : i32
    %mul3A_232 = arith.constant 80 : i32
    %mul3A_233 = arith.muli %mul3A_231, %mul3A_232 : i32
    %add3A_234 = arith.constant 80 : i32
    %add3A_235 = arith.addi %mul3A_233, %add3A_234 : i32
    %run_scoped3A_236 = arith.constant 1 : i32
    "tpu.region"() ({
      %run_scoped3A_531 = tpu.sem_alloc : memref<!tpu.dma_semaphore, #tpu.memory_space<semaphore_mem>>
      %dma_start3A_532 = arith.constant 0 : i32
      %dma_start3A_533 = arith.constant 0 : i32
      %dma_start3A_534 = tpu.memref_slice %arg11[%run_scoped3A_236, %dma_start3A_532, %dma_start3A_533] : memref<2x80x128xf32, #tpu.memory_space<vmem>> -> memref<1x80x128xf32, #tpu.memory_space<vmem>>
      %dma_start3A_535 = tpu.memref_squeeze %dma_start3A_534 : memref<1x80x128xf32, #tpu.memory_space<vmem>> -> memref<80x128xf32, #tpu.memory_space<vmem>>
      %dma_start3A_536 = arith.constant 0 : i32
      %dma_start3A_537 = tpu.memref_slice %arg3[%add3A_235, %dma_start3A_536] : memref<2560x128xf32, #tpu.memory_space<hbm>> -> memref<80x128xf32, #tpu.memory_space<hbm>>
      %dma_start3A_538 = arith.constant 0 : i32
      %dma_start3A_539 = arith.constant 0 : i32
      %dma_start3A_540 = tpu.memref_slice %arg11[%run_scoped3A_236, %dma_start3A_538, %dma_start3A_539] : memref<2x80x128xf32, #tpu.memory_space<vmem>> -> memref<1x80x128xf32, #tpu.memory_space<vmem>>
      %dma_start3A_541 = tpu.memref_squeeze %dma_start3A_540 : memref<1x80x128xf32, #tpu.memory_space<vmem>> -> memref<80x128xf32, #tpu.memory_space<vmem>>
      %dma_start3A_542 = arith.constant 0 : i32
      %dma_start3A_543 = tpu.memref_slice %arg3[%add3A_235, %dma_start3A_542] : memref<2560x128xf32, #tpu.memory_space<hbm>> -> memref<80x128xf32, #tpu.memory_space<hbm>>
      tpu.enqueue_dma source(%dma_start3A_543 : memref<80x128xf32, #tpu.memory_space<hbm>>) target(%dma_start3A_541 : memref<80x128xf32, #tpu.memory_space<vmem>>) target_semaphore(%run_scoped3A_531 : memref<!tpu.dma_semaphore, #tpu.memory_space<semaphore_mem>>)
      %dma_wait3A_544 = arith.constant 0 : i32
      %dma_wait3A_545 = arith.constant 0 : i32
      %dma_wait3A_546 = tpu.memref_slice %arg11[%run_scoped3A_236, %dma_wait3A_544, %dma_wait3A_545] : memref<2x80x128xf32, #tpu.memory_space<vmem>> -> memref<1x80x128xf32, #tpu.memory_space<vmem>>
      %dma_wait3A_547 = tpu.memref_squeeze %dma_wait3A_546 : memref<1x80x128xf32, #tpu.memory_space<vmem>> -> memref<80x128xf32, #tpu.memory_space<vmem>>
      %dma_wait3A_548 = arith.constant 0 : i32
      %dma_wait3A_549 = tpu.memref_slice %arg3[%add3A_235, %dma_wait3A_548] : memref<2560x128xf32, #tpu.memory_space<hbm>> -> memref<80x128xf32, #tpu.memory_space<hbm>>
      %dma_wait3A_550 = arith.constant 0 : i32
      %dma_wait3A_551 = arith.constant 0 : i32
      %dma_wait3A_552 = tpu.memref_slice %arg11[%run_scoped3A_236, %dma_wait3A_550, %dma_wait3A_551] : memref<2x80x128xf32, #tpu.memory_space<vmem>> -> memref<1x80x128xf32, #tpu.memory_space<vmem>>
      %dma_wait3A_553 = tpu.memref_squeeze %dma_wait3A_552 : memref<1x80x128xf32, #tpu.memory_space<vmem>> -> memref<80x128xf32, #tpu.memory_space<vmem>>
      %dma_wait3A_554 = arith.constant 0 : i32
      %dma_wait3A_555 = tpu.memref_slice %arg3[%add3A_235, %dma_wait3A_554] : memref<2560x128xf32, #tpu.memory_space<hbm>> -> memref<80x128xf32, #tpu.memory_space<hbm>>
      tpu.wait_dma2 semaphore(%run_scoped3A_531 : memref<!tpu.dma_semaphore, #tpu.memory_space<semaphore_mem>>) src(%dma_wait3A_555 : memref<80x128xf32, #tpu.memory_space<hbm>>) dst(%dma_wait3A_553 : memref<80x128xf32, #tpu.memory_space<vmem>>)
      tpu.yield
    }) : () -> ()
    %eq3A = arith.constant 0 : i32
    %eq3A_237 = arith.cmpi eq, %arg1, %eq3A : i32
    %convert_element_type3A = arith.extui %eq3A_237 : i1 to i32
    %cond3A = arith.constant 0 : i32
    %cond3A_238 = arith.cmpi ne, %convert_element_type3A, %cond3A : i32
    scf.if %cond3A_238 {
      %broadcast_in_dim3A_531 = arith.constant 0.000000e+00 : f32
      %broadcast_in_dim3A_532 = vector.broadcast %broadcast_in_dim3A_531 : f32 to vector<16xf32>
      %swap3A_533 = arith.constant 0 : i32
      %swap3A_534 = arith.index_cast %swap3A_533 : i32 to index
      %swap3A_535 = arith.constant 0 : index
      %swap3A_536 = tpu.vector_load %arg15[%swap3A_534, %swap3A_535] {strides = array<i32>} : memref<8x128xf32, #tpu.memory_space<vmem>>, vector<1x16xf32>,
      %swap3A_537 = vector.shape_cast %swap3A_536 : vector<1x16xf32> to vector<16xf32>
      %swap3A_538 = vector.shape_cast %broadcast_in_dim3A_532 : vector<16xf32> to vector<1x16xf32>
      tpu.vector_store %arg15[%swap3A_534, %swap3A_535], %swap3A_538 {strides = array<i32>} : memref<8x128xf32, #tpu.memory_space<vmem>>, vector<1x16xf32>,
      %broadcast_in_dim3A_539 = arith.constant 0.000000e+00 : f32
      %broadcast_in_dim3A_540 = vector.broadcast %broadcast_in_dim3A_539 : f32 to vector<16xf32>
      %swap3A_541 = arith.constant 0 : i32
      %swap3A_542 = arith.index_cast %swap3A_541 : i32 to index
      %swap3A_543 = arith.constant 16 : index
      %swap3A_544 = tpu.vector_load %arg15[%swap3A_542, %swap3A_543] {strides = array<i32>} : memref<8x128xf32, #tpu.memory_space<vmem>>, vector<1x16xf32>,
      %swap3A_545 = vector.shape_cast %swap3A_544 : vector<1x16xf32> to vector<16xf32>
      %swap3A_546 = vector.shape_cast %broadcast_in_dim3A_540 : vector<16xf32> to vector<1x16xf32>
      tpu.vector_store %arg15[%swap3A_542, %swap3A_543], %swap3A_546 {strides = array<i32>} : memref<8x128xf32, #tpu.memory_space<vmem>>, vector<1x16xf32>,
      %broadcast_in_dim3A_547 = arith.constant 0.000000e+00 : f32
      %broadcast_in_dim3A_548 = vector.broadcast %broadcast_in_dim3A_547 : f32 to vector<16xf32>
      %swap3A_549 = arith.constant 0 : i32
      %swap3A_550 = arith.index_cast %swap3A_549 : i32 to index
      %swap3A_551 = arith.constant 32 : index
      %swap3A_552 = tpu.vector_load %arg15[%swap3A_550, %swap3A_551] {strides = array<i32>} : memref<8x128xf32, #tpu.memory_space<vmem>>, vector<1x16xf32>,
      %swap3A_553 = vector.shape_cast %swap3A_552 : vector<1x16xf32> to vector<16xf32>
      %swap3A_554 = vector.shape_cast %broadcast_in_dim3A_548 : vector<16xf32> to vector<1x16xf32>
      tpu.vector_store %arg15[%swap3A_550, %swap3A_551], %swap3A_554 {strides = array<i32>} : memref<8x128xf32, #tpu.memory_space<vmem>>, vector<1x16xf32>,
      %broadcast_in_dim3A_555 = arith.constant 0.000000e+00 : f32
      %broadcast_in_dim3A_556 = vector.broadcast %broadcast_in_dim3A_555 : f32 to vector<16xf32>
      %swap3A_557 = arith.constant 0 : i32
      %swap3A_558 = arith.index_cast %swap3A_557 : i32 to index
      %swap3A_559 = arith.constant 48 : index
      %swap3A_560 = tpu.vector_load %arg15[%swap3A_558, %swap3A_559] {strides = array<i32>} : memref<8x128xf32, #tpu.memory_space<vmem>>, vector<1x16xf32>,
      %swap3A_561 = vector.shape_cast %swap3A_560 : vector<1x16xf32> to vector<16xf32>
      %swap3A_562 = vector.shape_cast %broadcast_in_dim3A_556 : vector<16xf32> to vector<1x16xf32>
      tpu.vector_store %arg15[%swap3A_558, %swap3A_559], %swap3A_562 {strides = array<i32>} : memref<8x128xf32, #tpu.memory_space<vmem>>, vector<1x16xf32>,
      %broadcast_in_dim3A_563 = arith.constant 0.000000e+00 : f32
      %broadcast_in_dim3A_564 = vector.broadcast %broadcast_in_dim3A_563 : f32 to vector<16xf32>
      %swap3A_565 = arith.constant 0 : i32
      %swap3A_566 = arith.index_cast %swap3A_565 : i32 to index
      %swap3A_567 = arith.constant 64 : index
      %swap3A_568 = tpu.vector_load %arg15[%swap3A_566, %swap3A_567] {strides = array<i32>} : memref<8x128xf32, #tpu.memory_space<vmem>>, vector<1x16xf32>,
      %swap3A_569 = vector.shape_cast %swap3A_568 : vector<1x16xf32> to vector<16xf32>
      %swap3A_570 = vector.shape_cast %broadcast_in_dim3A_564 : vector<16xf32> to vector<1x16xf32>
      tpu.vector_store %arg15[%swap3A_566, %swap3A_567], %swap3A_570 {strides = array<i32>} : memref<8x128xf32, #tpu.memory_space<vmem>>, vector<1x16xf32>,
      %broadcast_in_dim3A_571 = arith.constant 0.000000e+00 : f32
      %broadcast_in_dim3A_572 = vector.broadcast %broadcast_in_dim3A_571 : f32 to vector<16xf32>
      %swap3A_573 = arith.constant 0 : i32
      %swap3A_574 = arith.index_cast %swap3A_573 : i32 to index
      %swap3A_575 = arith.constant 80 : index
      %swap3A_576 = tpu.vector_load %arg15[%swap3A_574, %swap3A_575] {strides = array<i32>} : memref<8x128xf32, #tpu.memory_space<vmem>>, vector<1x16xf32>,
      %swap3A_577 = vector.shape_cast %swap3A_576 : vector<1x16xf32> to vector<16xf32>
      %swap3A_578 = vector.shape_cast %broadcast_in_dim3A_572 : vector<16xf32> to vector<1x16xf32>
      tpu.vector_store %arg15[%swap3A_574, %swap3A_575], %swap3A_578 {strides = array<i32>} : memref<8x128xf32, #tpu.memory_space<vmem>>, vector<1x16xf32>,
      %broadcast_in_dim3A_579 = arith.constant 0.000000e+00 : f32
      %broadcast_in_dim3A_580 = vector.broadcast %broadcast_in_dim3A_579 : f32 to vector<16xf32>
      %swap3A_581 = arith.constant 0 : i32
      %swap3A_582 = arith.index_cast %swap3A_581 : i32 to index
      %swap3A_583 = arith.constant 96 : index
      %swap3A_584 = tpu.vector_load %arg15[%swap3A_582, %swap3A_583] {strides = array<i32>} : memref<8x128xf32, #tpu.memory_space<vmem>>, vector<1x16xf32>,
      %swap3A_585 = vector.shape_cast %swap3A_584 : vector<1x16xf32> to vector<16xf32>
      %swap3A_586 = vector.shape_cast %broadcast_in_dim3A_580 : vector<16xf32> to vector<1x16xf32>
      tpu.vector_store %arg15[%swap3A_582, %swap3A_583], %swap3A_586 {strides = array<i32>} : memref<8x128xf32, #tpu.memory_space<vmem>>, vector<1x16xf32>,
      %broadcast_in_dim3A_587 = arith.constant 0.000000e+00 : f32
      %broadcast_in_dim3A_588 = vector.broadcast %broadcast_in_dim3A_587 : f32 to vector<16xf32>
      %swap3A_589 = arith.constant 0 : i32
      %swap3A_590 = arith.index_cast %swap3A_589 : i32 to index
      %swap3A_591 = arith.constant 112 : index
      %swap3A_592 = tpu.vector_load %arg15[%swap3A_590, %swap3A_591] {strides = array<i32>} : memref<8x128xf32, #tpu.memory_space<vmem>>, vector<1x16xf32>,
      %swap3A_593 = vector.shape_cast %swap3A_592 : vector<1x16xf32> to vector<16xf32>
      %swap3A_594 = vector.shape_cast %broadcast_in_dim3A_588 : vector<16xf32> to vector<1x16xf32>
      tpu.vector_store %arg15[%swap3A_590, %swap3A_591], %swap3A_594 {strides = array<i32>} : memref<8x128xf32, #tpu.memory_space<vmem>>, vector<1x16xf32>,
      %broadcast_in_dim3A_595 = arith.constant 0.000000e+00 : f32
      %broadcast_in_dim3A_596 = vector.broadcast %broadcast_in_dim3A_595 : f32 to vector<16xf32>
      %swap3A_597 = arith.constant 1 : i32
      %swap3A_598 = arith.index_cast %swap3A_597 : i32 to index
      %swap3A_599 = arith.constant 0 : index
      %swap3A_600 = tpu.vector_load %arg15[%swap3A_598, %swap3A_599] {strides = array<i32>} : memref<8x128xf32, #tpu.memory_space<vmem>>, vector<1x16xf32>,
      %swap3A_601 = vector.shape_cast %swap3A_600 : vector<1x16xf32> to vector<16xf32>
      %swap3A_602 = vector.shape_cast %broadcast_in_dim3A_596 : vector<16xf32> to vector<1x16xf32>
      tpu.vector_store %arg15[%swap3A_598, %swap3A_599], %swap3A_602 {strides = array<i32>} : memref<8x128xf32, #tpu.memory_space<vmem>>, vector<1x16xf32>,
      %broadcast_in_dim3A_603 = arith.constant 0.000000e+00 : f32
      %broadcast_in_dim3A_604 = vector.broadcast %broadcast_in_dim3A_603 : f32 to vector<16xf32>
      %swap3A_605 = arith.constant 1 : i32
      %swap3A_606 = arith.index_cast %swap3A_605 : i32 to index
      %swap3A_607 = arith.constant 16 : index
      %swap3A_608 = tpu.vector_load %arg15[%swap3A_606, %swap3A_607] {strides = array<i32>} : memref<8x128xf32, #tpu.memory_space<vmem>>, vector<1x16xf32>,
      %swap3A_609 = vector.shape_cast %swap3A_608 : vector<1x16xf32> to vector<16xf32>
      %swap3A_610 = vector.shape_cast %broadcast_in_dim3A_604 : vector<16xf32> to vector<1x16xf32>
      tpu.vector_store %arg15[%swap3A_606, %swap3A_607], %swap3A_610 {strides = array<i32>} : memref<8x128xf32, #tpu.memory_space<vmem>>, vector<1x16xf32>,
      %broadcast_in_dim3A_611 = arith.constant 0.000000e+00 : f32
      %broadcast_in_dim3A_612 = vector.broadcast %broadcast_in_dim3A_611 : f32 to vector<16xf32>
      %swap3A_613 = arith.constant 1 : i32
      %swap3A_614 = arith.index_cast %swap3A_613 : i32 to index
      %swap3A_615 = arith.constant 32 : index
      %swap3A_616 = tpu.vector_load %arg15[%swap3A_614, %swap3A_615] {strides = array<i32>} : memref<8x128xf32, #tpu.memory_space<vmem>>, vector<1x16xf32>,
      %swap3A_617 = vector.shape_cast %swap3A_616 : vector<1x16xf32> to vector<16xf32>
      %swap3A_618 = vector.shape_cast %broadcast_in_dim3A_612 : vector<16xf32> to vector<1x16xf32>
      tpu.vector_store %arg15[%swap3A_614, %swap3A_615], %swap3A_618 {strides = array<i32>} : memref<8x128xf32, #tpu.memory_space<vmem>>, vector<1x16xf32>,
      %broadcast_in_dim3A_619 = arith.constant 0.000000e+00 : f32
      %broadcast_in_dim3A_620 = vector.broadcast %broadcast_in_dim3A_619 : f32 to vector<16xf32>
      %swap3A_621 = arith.constant 1 : i32
      %swap3A_622 = arith.index_cast %swap3A_621 : i32 to index
      %swap3A_623 = arith.constant 48 : index
      %swap3A_624 = tpu.vector_load %arg15[%swap3A_622, %swap3A_623] {strides = array<i32>} : memref<8x128xf32, #tpu.memory_space<vmem>>, vector<1x16xf32>,
      %swap3A_625 = vector.shape_cast %swap3A_624 : vector<1x16xf32> to vector<16xf32>
      %swap3A_626 = vector.shape_cast %broadcast_in_dim3A_620 : vector<16xf32> to vector<1x16xf32>
      tpu.vector_store %arg15[%swap3A_622, %swap3A_623], %swap3A_626 {strides = array<i32>} : memref<8x128xf32, #tpu.memory_space<vmem>>, vector<1x16xf32>,
      %broadcast_in_dim3A_627 = arith.constant 0.000000e+00 : f32
      %broadcast_in_dim3A_628 = vector.broadcast %broadcast_in_dim3A_627 : f32 to vector<16xf32>
      %swap3A_629 = arith.constant 1 : i32
      %swap3A_630 = arith.index_cast %swap3A_629 : i32 to index
      %swap3A_631 = arith.constant 64 : index
      %swap3A_632 = tpu.vector_load %arg15[%swap3A_630, %swap3A_631] {strides = array<i32>} : memref<8x128xf32, #tpu.memory_space<vmem>>, vector<1x16xf32>,
      %swap3A_633 = vector.shape_cast %swap3A_632 : vector<1x16xf32> to vector<16xf32>
      %swap3A_634 = vector.shape_cast %broadcast_in_dim3A_628 : vector<16xf32> to vector<1x16xf32>
      tpu.vector_store %arg15[%swap3A_630, %swap3A_631], %swap3A_634 {strides = array<i32>} : memref<8x128xf32, #tpu.memory_space<vmem>>, vector<1x16xf32>,
      %broadcast_in_dim3A_635 = arith.constant 0.000000e+00 : f32
      %broadcast_in_dim3A_636 = vector.broadcast %broadcast_in_dim3A_635 : f32 to vector<16xf32>
      %swap3A_637 = arith.constant 1 : i32
      %swap3A_638 = arith.index_cast %swap3A_637 : i32 to index
      %swap3A_639 = arith.constant 80 : index
      %swap3A_640 = tpu.vector_load %arg15[%swap3A_638, %swap3A_639] {strides = array<i32>} : memref<8x128xf32, #tpu.memory_space<vmem>>, vector<1x16xf32>,
      %swap3A_641 = vector.shape_cast %swap3A_640 : vector<1x16xf32> to vector<16xf32>
      %swap3A_642 = vector.shape_cast %broadcast_in_dim3A_636 : vector<16xf32> to vector<1x16xf32>
      tpu.vector_store %arg15[%swap3A_638, %swap3A_639], %swap3A_642 {strides = array<i32>} : memref<8x128xf32, #tpu.memory_space<vmem>>, vector<1x16xf32>,
      %broadcast_in_dim3A_643 = arith.constant 0.000000e+00 : f32
      %broadcast_in_dim3A_644 = vector.broadcast %broadcast_in_dim3A_643 : f32 to vector<16xf32>
      %swap3A_645 = arith.constant 1 : i32
      %swap3A_646 = arith.index_cast %swap3A_645 : i32 to index
      %swap3A_647 = arith.constant 96 : index
      %swap3A_648 = tpu.vector_load %arg15[%swap3A_646, %swap3A_647] {strides = array<i32>} : memref<8x128xf32, #tpu.memory_space<vmem>>, vector<1x16xf32>,
      %swap3A_649 = vector.shape_cast %swap3A_648 : vector<1x16xf32> to vector<16xf32>
      %swap3A_650 = vector.shape_cast %broadcast_in_dim3A_644 : vector<16xf32> to vector<1x16xf32>
      tpu.vector_store %arg15[%swap3A_646, %swap3A_647], %swap3A_650 {strides = array<i32>} : memref<8x128xf32, #tpu.memory_space<vmem>>, vector<1x16xf32>,
      %broadcast_in_dim3A_651 = arith.constant 0.000000e+00 : f32
      %broadcast_in_dim3A_652 = vector.broadcast %broadcast_in_dim3A_651 : f32 to vector<16xf32>
      %swap3A_653 = arith.constant 1 : i32
      %swap3A_654 = arith.index_cast %swap3A_653 : i32 to index
      %swap3A_655 = arith.constant 112 : index
      %swap3A_656 = tpu.vector_load %arg15[%swap3A_654, %swap3A_655] {strides = array<i32>} : memref<8x128xf32, #tpu.memory_space<vmem>>, vector<1x16xf32>,
      %swap3A_657 = vector.shape_cast %swap3A_656 : vector<1x16xf32> to vector<16xf32>
      %swap3A_658 = vector.shape_cast %broadcast_in_dim3A_652 : vector<16xf32> to vector<1x16xf32>
      tpu.vector_store %arg15[%swap3A_654, %swap3A_655], %swap3A_658 {strides = array<i32>} : memref<8x128xf32, #tpu.memory_space<vmem>>, vector<1x16xf32>,
      %broadcast_in_dim3A_659 = arith.constant 0.000000e+00 : f32
      %broadcast_in_dim3A_660 = vector.broadcast %broadcast_in_dim3A_659 : f32 to vector<16xf32>
      %swap3A_661 = arith.constant 2 : i32
      %swap3A_662 = arith.index_cast %swap3A_661 : i32 to index
      %swap3A_663 = arith.constant 0 : index
      %swap3A_664 = tpu.vector_load %arg15[%swap3A_662, %swap3A_663] {strides = array<i32>} : memref<8x128xf32, #tpu.memory_space<vmem>>, vector<1x16xf32>,
      %swap3A_665 = vector.shape_cast %swap3A_664 : vector<1x16xf32> to vector<16xf32>
      %swap3A_666 = vector.shape_cast %broadcast_in_dim3A_660 : vector<16xf32> to vector<1x16xf32>
      tpu.vector_store %arg15[%swap3A_662, %swap3A_663], %swap3A_666 {strides = array<i32>} : memref<8x128xf32, #tpu.memory_space<vmem>>, vector<1x16xf32>,
      %broadcast_in_dim3A_667 = arith.constant 0.000000e+00 : f32
      %broadcast_in_dim3A_668 = vector.broadcast %broadcast_in_dim3A_667 : f32 to vector<16xf32>
      %swap3A_669 = arith.constant 2 : i32
      %swap3A_670 = arith.index_cast %swap3A_669 : i32 to index
      %swap3A_671 = arith.constant 16 : index
      %swap3A_672 = tpu.vector_load %arg15[%swap3A_670, %swap3A_671] {strides = array<i32>} : memref<8x128xf32, #tpu.memory_space<vmem>>, vector<1x16xf32>,
      %swap3A_673 = vector.shape_cast %swap3A_672 : vector<1x16xf32> to vector<16xf32>
      %swap3A_674 = vector.shape_cast %broadcast_in_dim3A_668 : vector<16xf32> to vector<1x16xf32>
      tpu.vector_store %arg15[%swap3A_670, %swap3A_671], %swap3A_674 {strides = array<i32>} : memref<8x128xf32, #tpu.memory_space<vmem>>, vector<1x16xf32>,
      %broadcast_in_dim3A_675 = arith.constant 0.000000e+00 : f32
      %broadcast_in_dim3A_676 = vector.broadcast %broadcast_in_dim3A_675 : f32 to vector<16xf32>
      %swap3A_677 = arith.constant 2 : i32
      %swap3A_678 = arith.index_cast %swap3A_677 : i32 to index
      %swap3A_679 = arith.constant 32 : index
      %swap3A_680 = tpu.vector_load %arg15[%swap3A_678, %swap3A_679] {strides = array<i32>} : memref<8x128xf32, #tpu.memory_space<vmem>>, vector<1x16xf32>,
      %swap3A_681 = vector.shape_cast %swap3A_680 : vector<1x16xf32> to vector<16xf32>
      %swap3A_682 = vector.shape_cast %broadcast_in_dim3A_676 : vector<16xf32> to vector<1x16xf32>
      tpu.vector_store %arg15[%swap3A_678, %swap3A_679], %swap3A_682 {strides = array<i32>} : memref<8x128xf32, #tpu.memory_space<vmem>>, vector<1x16xf32>,
      %broadcast_in_dim3A_683 = arith.constant 0.000000e+00 : f32
      %broadcast_in_dim3A_684 = vector.broadcast %broadcast_in_dim3A_683 : f32 to vector<16xf32>
      %swap3A_685 = arith.constant 2 : i32
      %swap3A_686 = arith.index_cast %swap3A_685 : i32 to index
      %swap3A_687 = arith.constant 48 : index
      %swap3A_688 = tpu.vector_load %arg15[%swap3A_686, %swap3A_687] {strides = array<i32>} : memref<8x128xf32, #tpu.memory_space<vmem>>, vector<1x16xf32>,
      %swap3A_689 = vector.shape_cast %swap3A_688 : vector<1x16xf32> to vector<16xf32>
      %swap3A_690 = vector.shape_cast %broadcast_in_dim3A_684 : vector<16xf32> to vector<1x16xf32>
      tpu.vector_store %arg15[%swap3A_686, %swap3A_687], %swap3A_690 {strides = array<i32>} : memref<8x128xf32, #tpu.memory_space<vmem>>, vector<1x16xf32>,
      %broadcast_in_dim3A_691 = arith.constant 0.000000e+00 : f32
      %broadcast_in_dim3A_692 = vector.broadcast %broadcast_in_dim3A_691 : f32 to vector<16xf32>
      %swap3A_693 = arith.constant 2 : i32
      %swap3A_694 = arith.index_cast %swap3A_693 : i32 to index
      %swap3A_695 = arith.constant 64 : index
      %swap3A_696 = tpu.vector_load %arg15[%swap3A_694, %swap3A_695] {strides = array<i32>} : memref<8x128xf32, #tpu.memory_space<vmem>>, vector<1x16xf32>,
      %swap3A_697 = vector.shape_cast %swap3A_696 : vector<1x16xf32> to vector<16xf32>
      %swap3A_698 = vector.shape_cast %broadcast_in_dim3A_692 : vector<16xf32> to vector<1x16xf32>
      tpu.vector_store %arg15[%swap3A_694, %swap3A_695], %swap3A_698 {strides = array<i32>} : memref<8x128xf32, #tpu.memory_space<vmem>>, vector<1x16xf32>,
      %broadcast_in_dim3A_699 = arith.constant 0.000000e+00 : f32
      %broadcast_in_dim3A_700 = vector.broadcast %broadcast_in_dim3A_699 : f32 to vector<16xf32>
      %swap3A_701 = arith.constant 2 : i32
      %swap3A_702 = arith.index_cast %swap3A_701 : i32 to index
      %swap3A_703 = arith.constant 80 : index
      %swap3A_704 = tpu.vector_load %arg15[%swap3A_702, %swap3A_703] {strides = array<i32>} : memref<8x128xf32, #tpu.memory_space<vmem>>, vector<1x16xf32>,
      %swap3A_705 = vector.shape_cast %swap3A_704 : vector<1x16xf32> to vector<16xf32>
      %swap3A_706 = vector.shape_cast %broadcast_in_dim3A_700 : vector<16xf32> to vector<1x16xf32>
      tpu.vector_store %arg15[%swap3A_702, %swap3A_703], %swap3A_706 {strides = array<i32>} : memref<8x128xf32, #tpu.memory_space<vmem>>, vector<1x16xf32>,
      %broadcast_in_dim3A_707 = arith.constant 0.000000e+00 : f32
      %broadcast_in_dim3A_708 = vector.broadcast %broadcast_in_dim3A_707 : f32 to vector<16xf32>
      %swap3A_709 = arith.constant 2 : i32
      %swap3A_710 = arith.index_cast %swap3A_709 : i32 to index
      %swap3A_711 = arith.constant 96 : index
      %swap3A_712 = tpu.vector_load %arg15[%swap3A_710, %swap3A_711] {strides = array<i32>} : memref<8x128xf32, #tpu.memory_space<vmem>>, vector<1x16xf32>,
      %swap3A_713 = vector.shape_cast %swap3A_712 : vector<1x16xf32> to vector<16xf32>
      %swap3A_714 = vector.shape_cast %broadcast_in_dim3A_708 : vector<16xf32> to vector<1x16xf32>
      tpu.vector_store %arg15[%swap3A_710, %swap3A_711], %swap3A_714 {strides = array<i32>} : memref<8x128xf32, #tpu.memory_space<vmem>>, vector<1x16xf32>,
      %broadcast_in_dim3A_715 = arith.constant 0.000000e+00 : f32
      %broadcast_in_dim3A_716 = vector.broadcast %broadcast_in_dim3A_715 : f32 to vector<16xf32>
      %swap3A_717 = arith.constant 2 : i32
      %swap3A_718 = arith.index_cast %swap3A_717 : i32 to index
      %swap3A_719 = arith.constant 112 : index
      %swap3A_720 = tpu.vector_load %arg15[%swap3A_718, %swap3A_719] {strides = array<i32>} : memref<8x128xf32, #tpu.memory_space<vmem>>, vector<1x16xf32>,
      %swap3A_721 = vector.shape_cast %swap3A_720 : vector<1x16xf32> to vector<16xf32>
      %swap3A_722 = vector.shape_cast %broadcast_in_dim3A_716 : vector<16xf32> to vector<1x16xf32>
      tpu.vector_store %arg15[%swap3A_718, %swap3A_719], %swap3A_722 {strides = array<i32>} : memref<8x128xf32, #tpu.memory_space<vmem>>, vector<1x16xf32>,
      %broadcast_in_dim3A_723 = arith.constant 0.000000e+00 : f32
      %broadcast_in_dim3A_724 = vector.broadcast %broadcast_in_dim3A_723 : f32 to vector<16xf32>
      %swap3A_725 = arith.constant 3 : i32
      %swap3A_726 = arith.index_cast %swap3A_725 : i32 to index
      %swap3A_727 = arith.constant 0 : index
      %swap3A_728 = tpu.vector_load %arg15[%swap3A_726, %swap3A_727] {strides = array<i32>} : memref<8x128xf32, #tpu.memory_space<vmem>>, vector<1x16xf32>,
      %swap3A_729 = vector.shape_cast %swap3A_728 : vector<1x16xf32> to vector<16xf32>
      %swap3A_730 = vector.shape_cast %broadcast_in_dim3A_724 : vector<16xf32> to vector<1x16xf32>
      tpu.vector_store %arg15[%swap3A_726, %swap3A_727], %swap3A_730 {strides = array<i32>} : memref<8x128xf32, #tpu.memory_space<vmem>>, vector<1x16xf32>,
      %broadcast_in_dim3A_731 = arith.constant 0.000000e+00 : f32
      %broadcast_in_dim3A_732 = vector.broadcast %broadcast_in_dim3A_731 : f32 to vector<16xf32>
      %swap3A_733 = arith.constant 3 : i32
      %swap3A_734 = arith.index_cast %swap3A_733 : i32 to index
      %swap3A_735 = arith.constant 16 : index
      %swap3A_736 = tpu.vector_load %arg15[%swap3A_734, %swap3A_735] {strides = array<i32>} : memref<8x128xf32, #tpu.memory_space<vmem>>, vector<1x16xf32>,
      %swap3A_737 = vector.shape_cast %swap3A_736 : vector<1x16xf32> to vector<16xf32>
      %swap3A_738 = vector.shape_cast %broadcast_in_dim3A_732 : vector<16xf32> to vector<1x16xf32>
      tpu.vector_store %arg15[%swap3A_734, %swap3A_735], %swap3A_738 {strides = array<i32>} : memref<8x128xf32, #tpu.memory_space<vmem>>, vector<1x16xf32>,
      %broadcast_in_dim3A_739 = arith.constant 0.000000e+00 : f32
      %broadcast_in_dim3A_740 = vector.broadcast %broadcast_in_dim3A_739 : f32 to vector<16xf32>
      %swap3A_741 = arith.constant 3 : i32
      %swap3A_742 = arith.index_cast %swap3A_741 : i32 to index
      %swap3A_743 = arith.constant 32 : index
      %swap3A_744 = tpu.vector_load %arg15[%swap3A_742, %swap3A_743] {strides = array<i32>} : memref<8x128xf32, #tpu.memory_space<vmem>>, vector<1x16xf32>,
      %swap3A_745 = vector.shape_cast %swap3A_744 : vector<1x16xf32> to vector<16xf32>
      %swap3A_746 = vector.shape_cast %broadcast_in_dim3A_740 : vector<16xf32> to vector<1x16xf32>
      tpu.vector_store %arg15[%swap3A_742, %swap3A_743], %swap3A_746 {strides = array<i32>} : memref<8x128xf32, #tpu.memory_space<vmem>>, vector<1x16xf32>,
      %broadcast_in_dim3A_747 = arith.constant 0.000000e+00 : f32
      %broadcast_in_dim3A_748 = vector.broadcast %broadcast_in_dim3A_747 : f32 to vector<16xf32>
      %swap3A_749 = arith.constant 3 : i32
      %swap3A_750 = arith.index_cast %swap3A_749 : i32 to index
      %swap3A_751 = arith.constant 48 : index
      %swap3A_752 = tpu.vector_load %arg15[%swap3A_750, %swap3A_751] {strides = array<i32>} : memref<8x128xf32, #tpu.memory_space<vmem>>, vector<1x16xf32>,
      %swap3A_753 = vector.shape_cast %swap3A_752 : vector<1x16xf32> to vector<16xf32>
      %swap3A_754 = vector.shape_cast %broadcast_in_dim3A_748 : vector<16xf32> to vector<1x16xf32>
      tpu.vector_store %arg15[%swap3A_750, %swap3A_751], %swap3A_754 {strides = array<i32>} : memref<8x128xf32, #tpu.memory_space<vmem>>, vector<1x16xf32>,
      %broadcast_in_dim3A_755 = arith.constant 0.000000e+00 : f32
      %broadcast_in_dim3A_756 = vector.broadcast %broadcast_in_dim3A_755 : f32 to vector<16xf32>
      %swap3A_757 = arith.constant 3 : i32
      %swap3A_758 = arith.index_cast %swap3A_757 : i32 to index
      %swap3A_759 = arith.constant 64 : index
      %swap3A_760 = tpu.vector_load %arg15[%swap3A_758, %swap3A_759] {strides = array<i32>} : memref<8x128xf32, #tpu.memory_space<vmem>>, vector<1x16xf32>,
      %swap3A_761 = vector.shape_cast %swap3A_760 : vector<1x16xf32> to vector<16xf32>
      %swap3A_762 = vector.shape_cast %broadcast_in_dim3A_756 : vector<16xf32> to vector<1x16xf32>
      tpu.vector_store %arg15[%swap3A_758, %swap3A_759], %swap3A_762 {strides = array<i32>} : memref<8x128xf32, #tpu.memory_space<vmem>>, vector<1x16xf32>,
      %broadcast_in_dim3A_763 = arith.constant 0.000000e+00 : f32
      %broadcast_in_dim3A_764 = vector.broadcast %broadcast_in_dim3A_763 : f32 to vector<16xf32>
      %swap3A_765 = arith.constant 3 : i32
      %swap3A_766 = arith.index_cast %swap3A_765 : i32 to index
      %swap3A_767 = arith.constant 80 : index
      %swap3A_768 = tpu.vector_load %arg15[%swap3A_766, %swap3A_767] {strides = array<i32>} : memref<8x128xf32, #tpu.memory_space<vmem>>, vector<1x16xf32>,
      %swap3A_769 = vector.shape_cast %swap3A_768 : vector<1x16xf32> to vector<16xf32>
      %swap3A_770 = vector.shape_cast %broadcast_in_dim3A_764 : vector<16xf32> to vector<1x16xf32>
      tpu.vector_store %arg15[%swap3A_766, %swap3A_767], %swap3A_770 {strides = array<i32>} : memref<8x128xf32, #tpu.memory_space<vmem>>, vector<1x16xf32>,
      %broadcast_in_dim3A_771 = arith.constant 0.000000e+00 : f32
      %broadcast_in_dim3A_772 = vector.broadcast %broadcast_in_dim3A_771 : f32 to vector<16xf32>
      %swap3A_773 = arith.constant 3 : i32
      %swap3A_774 = arith.index_cast %swap3A_773 : i32 to index
      %swap3A_775 = arith.constant 96 : index
      %swap3A_776 = tpu.vector_load %arg15[%swap3A_774, %swap3A_775] {strides = array<i32>} : memref<8x128xf32, #tpu.memory_space<vmem>>, vector<1x16xf32>,
      %swap3A_777 = vector.shape_cast %swap3A_776 : vector<1x16xf32> to vector<16xf32>
      %swap3A_778 = vector.shape_cast %broadcast_in_dim3A_772 : vector<16xf32> to vector<1x16xf32>
      tpu.vector_store %arg15[%swap3A_774, %swap3A_775], %swap3A_778 {strides = array<i32>} : memref<8x128xf32, #tpu.memory_space<vmem>>, vector<1x16xf32>,
      %broadcast_in_dim3A_779 = arith.constant 0.000000e+00 : f32
      %broadcast_in_dim3A_780 = vector.broadcast %broadcast_in_dim3A_779 : f32 to vector<16xf32>
      %swap3A_781 = arith.constant 3 : i32
      %swap3A_782 = arith.index_cast %swap3A_781 : i32 to index
      %swap3A_783 = arith.constant 112 : index
      %swap3A_784 = tpu.vector_load %arg15[%swap3A_782, %swap3A_783] {strides = array<i32>} : memref<8x128xf32, #tpu.memory_space<vmem>>, vector<1x16xf32>,
      %swap3A_785 = vector.shape_cast %swap3A_784 : vector<1x16xf32> to vector<16xf32>
      %swap3A_786 = vector.shape_cast %broadcast_in_dim3A_780 : vector<16xf32> to vector<1x16xf32>
      tpu.vector_store %arg15[%swap3A_782, %swap3A_783], %swap3A_786 {strides = array<i32>} : memref<8x128xf32, #tpu.memory_space<vmem>>, vector<1x16xf32>,
      %broadcast_in_dim3A_787 = arith.constant 0.000000e+00 : f32
      %broadcast_in_dim3A_788 = vector.broadcast %broadcast_in_dim3A_787 : f32 to vector<16xf32>
      %swap3A_789 = arith.constant 4 : i32
      %swap3A_790 = arith.index_cast %swap3A_789 : i32 to index
      %swap3A_791 = arith.constant 0 : index
      %swap3A_792 = tpu.vector_load %arg15[%swap3A_790, %swap3A_791] {strides = array<i32>} : memref<8x128xf32, #tpu.memory_space<vmem>>, vector<1x16xf32>,
      %swap3A_793 = vector.shape_cast %swap3A_792 : vector<1x16xf32> to vector<16xf32>
      %swap3A_794 = vector.shape_cast %broadcast_in_dim3A_788 : vector<16xf32> to vector<1x16xf32>
      tpu.vector_store %arg15[%swap3A_790, %swap3A_791], %swap3A_794 {strides = array<i32>} : memref<8x128xf32, #tpu.memory_space<vmem>>, vector<1x16xf32>,
      %broadcast_in_dim3A_795 = arith.constant 0.000000e+00 : f32
      %broadcast_in_dim3A_796 = vector.broadcast %broadcast_in_dim3A_795 : f32 to vector<16xf32>
      %swap3A_797 = arith.constant 4 : i32
      %swap3A_798 = arith.index_cast %swap3A_797 : i32 to index
      %swap3A_799 = arith.constant 16 : index
      %swap3A_800 = tpu.vector_load %arg15[%swap3A_798, %swap3A_799] {strides = array<i32>} : memref<8x128xf32, #tpu.memory_space<vmem>>, vector<1x16xf32>,
      %swap3A_801 = vector.shape_cast %swap3A_800 : vector<1x16xf32> to vector<16xf32>
      %swap3A_802 = vector.shape_cast %broadcast_in_dim3A_796 : vector<16xf32> to vector<1x16xf32>
      tpu.vector_store %arg15[%swap3A_798, %swap3A_799], %swap3A_802 {strides = array<i32>} : memref<8x128xf32, #tpu.memory_space<vmem>>, vector<1x16xf32>,
      %broadcast_in_dim3A_803 = arith.constant 0.000000e+00 : f32
      %broadcast_in_dim3A_804 = vector.broadcast %broadcast_in_dim3A_803 : f32 to vector<16xf32>
      %swap3A_805 = arith.constant 4 : i32
      %swap3A_806 = arith.index_cast %swap3A_805 : i32 to index
      %swap3A_807 = arith.constant 32 : index
      %swap3A_808 = tpu.vector_load %arg15[%swap3A_806, %swap3A_807] {strides = array<i32>} : memref<8x128xf32, #tpu.memory_space<vmem>>, vector<1x16xf32>,
      %swap3A_809 = vector.shape_cast %swap3A_808 : vector<1x16xf32> to vector<16xf32>
      %swap3A_810 = vector.shape_cast %broadcast_in_dim3A_804 : vector<16xf32> to vector<1x16xf32>
      tpu.vector_store %arg15[%swap3A_806, %swap3A_807], %swap3A_810 {strides = array<i32>} : memref<8x128xf32, #tpu.memory_space<vmem>>, vector<1x16xf32>,
      %broadcast_in_dim3A_811 = arith.constant 0.000000e+00 : f32
      %broadcast_in_dim3A_812 = vector.broadcast %broadcast_in_dim3A_811 : f32 to vector<16xf32>
      %swap3A_813 = arith.constant 4 : i32
      %swap3A_814 = arith.index_cast %swap3A_813 : i32 to index
      %swap3A_815 = arith.constant 48 : index
      %swap3A_816 = tpu.vector_load %arg15[%swap3A_814, %swap3A_815] {strides = array<i32>} : memref<8x128xf32, #tpu.memory_space<vmem>>, vector<1x16xf32>,
      %swap3A_817 = vector.shape_cast %swap3A_816 : vector<1x16xf32> to vector<16xf32>
      %swap3A_818 = vector.shape_cast %broadcast_in_dim3A_812 : vector<16xf32> to vector<1x16xf32>
      tpu.vector_store %arg15[%swap3A_814, %swap3A_815], %swap3A_818 {strides = array<i32>} : memref<8x128xf32, #tpu.memory_space<vmem>>, vector<1x16xf32>,
      %broadcast_in_dim3A_819 = arith.constant 0.000000e+00 : f32
      %broadcast_in_dim3A_820 = vector.broadcast %broadcast_in_dim3A_819 : f32 to vector<16xf32>
      %swap3A_821 = arith.constant 4 : i32
      %swap3A_822 = arith.index_cast %swap3A_821 : i32 to index
      %swap3A_823 = arith.constant 64 : index
      %swap3A_824 = tpu.vector_load %arg15[%swap3A_822, %swap3A_823] {strides = array<i32>} : memref<8x128xf32, #tpu.memory_space<vmem>>, vector<1x16xf32>,
      %swap3A_825 = vector.shape_cast %swap3A_824 : vector<1x16xf32> to vector<16xf32>
      %swap3A_826 = vector.shape_cast %broadcast_in_dim3A_820 : vector<16xf32> to vector<1x16xf32>
      tpu.vector_store %arg15[%swap3A_822, %swap3A_823], %swap3A_826 {strides = array<i32>} : memref<8x128xf32, #tpu.memory_space<vmem>>, vector<1x16xf32>,
      %broadcast_in_dim3A_827 = arith.constant 0.000000e+00 : f32
      %broadcast_in_dim3A_828 = vector.broadcast %broadcast_in_dim3A_827 : f32 to vector<16xf32>
      %swap3A_829 = arith.constant 4 : i32
      %swap3A_830 = arith.index_cast %swap3A_829 : i32 to index
      %swap3A_831 = arith.constant 80 : index
      %swap3A_832 = tpu.vector_load %arg15[%swap3A_830, %swap3A_831] {strides = array<i32>} : memref<8x128xf32, #tpu.memory_space<vmem>>, vector<1x16xf32>,
      %swap3A_833 = vector.shape_cast %swap3A_832 : vector<1x16xf32> to vector<16xf32>
      %swap3A_834 = vector.shape_cast %broadcast_in_dim3A_828 : vector<16xf32> to vector<1x16xf32>
      tpu.vector_store %arg15[%swap3A_830, %swap3A_831], %swap3A_834 {strides = array<i32>} : memref<8x128xf32, #tpu.memory_space<vmem>>, vector<1x16xf32>,
      %broadcast_in_dim3A_835 = arith.constant 0.000000e+00 : f32
      %broadcast_in_dim3A_836 = vector.broadcast %broadcast_in_dim3A_835 : f32 to vector<16xf32>
      %swap3A_837 = arith.constant 4 : i32
      %swap3A_838 = arith.index_cast %swap3A_837 : i32 to index
      %swap3A_839 = arith.constant 96 : index
      %swap3A_840 = tpu.vector_load %arg15[%swap3A_838, %swap3A_839] {strides = array<i32>} : memref<8x128xf32, #tpu.memory_space<vmem>>, vector<1x16xf32>,
      %swap3A_841 = vector.shape_cast %swap3A_840 : vector<1x16xf32> to vector<16xf32>
      %swap3A_842 = vector.shape_cast %broadcast_in_dim3A_836 : vector<16xf32> to vector<1x16xf32>
      tpu.vector_store %arg15[%swap3A_838, %swap3A_839], %swap3A_842 {strides = array<i32>} : memref<8x128xf32, #tpu.memory_space<vmem>>, vector<1x16xf32>,
      %broadcast_in_dim3A_843 = arith.constant 0.000000e+00 : f32
      %broadcast_in_dim3A_844 = vector.broadcast %broadcast_in_dim3A_843 : f32 to vector<16xf32>
      %swap3A_845 = arith.constant 4 : i32
      %swap3A_846 = arith.index_cast %swap3A_845 : i32 to index
      %swap3A_847 = arith.constant 112 : index
      %swap3A_848 = tpu.vector_load %arg15[%swap3A_846, %swap3A_847] {strides = array<i32>} : memref<8x128xf32, #tpu.memory_space<vmem>>, vector<1x16xf32>,
      %swap3A_849 = vector.shape_cast %swap3A_848 : vector<1x16xf32> to vector<16xf32>
      %swap3A_850 = vector.shape_cast %broadcast_in_dim3A_844 : vector<16xf32> to vector<1x16xf32>
      tpu.vector_store %arg15[%swap3A_846, %swap3A_847], %swap3A_850 {strides = array<i32>} : memref<8x128xf32, #tpu.memory_space<vmem>>, vector<1x16xf32>,
      %broadcast_in_dim3A_851 = arith.constant 0.000000e+00 : f32
      %broadcast_in_dim3A_852 = vector.broadcast %broadcast_in_dim3A_851 : f32 to vector<16xf32>
      %swap3A_853 = arith.constant 5 : i32
      %swap3A_854 = arith.index_cast %swap3A_853 : i32 to index
      %swap3A_855 = arith.constant 0 : index
      %swap3A_856 = tpu.vector_load %arg15[%swap3A_854, %swap3A_855] {strides = array<i32>} : memref<8x128xf32, #tpu.memory_space<vmem>>, vector<1x16xf32>,
      %swap3A_857 = vector.shape_cast %swap3A_856 : vector<1x16xf32> to vector<16xf32>
      %swap3A_858 = vector.shape_cast %broadcast_in_dim3A_852 : vector<16xf32> to vector<1x16xf32>
      tpu.vector_store %arg15[%swap3A_854, %swap3A_855], %swap3A_858 {strides = array<i32>} : memref<8x128xf32, #tpu.memory_space<vmem>>, vector<1x16xf32>,
      %broadcast_in_dim3A_859 = arith.constant 0.000000e+00 : f32
      %broadcast_in_dim3A_860 = vector.broadcast %broadcast_in_dim3A_859 : f32 to vector<16xf32>
      %swap3A_861 = arith.constant 5 : i32
      %swap3A_862 = arith.index_cast %swap3A_861 : i32 to index
      %swap3A_863 = arith.constant 16 : index
      %swap3A_864 = tpu.vector_load %arg15[%swap3A_862, %swap3A_863] {strides = array<i32>} : memref<8x128xf32, #tpu.memory_space<vmem>>, vector<1x16xf32>,
      %swap3A_865 = vector.shape_cast %swap3A_864 : vector<1x16xf32> to vector<16xf32>
      %swap3A_866 = vector.shape_cast %broadcast_in_dim3A_860 : vector<16xf32> to vector<1x16xf32>
      tpu.vector_store %arg15[%swap3A_862, %swap3A_863], %swap3A_866 {strides = array<i32>} : memref<8x128xf32, #tpu.memory_space<vmem>>, vector<1x16xf32>,
      %broadcast_in_dim3A_867 = arith.constant 0.000000e+00 : f32
      %broadcast_in_dim3A_868 = vector.broadcast %broadcast_in_dim3A_867 : f32 to vector<16xf32>
      %swap3A_869 = arith.constant 5 : i32
      %swap3A_870 = arith.index_cast %swap3A_869 : i32 to index
      %swap3A_871 = arith.constant 32 : index
      %swap3A_872 = tpu.vector_load %arg15[%swap3A_870, %swap3A_871] {strides = array<i32>} : memref<8x128xf32, #tpu.memory_space<vmem>>, vector<1x16xf32>,
      %swap3A_873 = vector.shape_cast %swap3A_872 : vector<1x16xf32> to vector<16xf32>
      %swap3A_874 = vector.shape_cast %broadcast_in_dim3A_868 : vector<16xf32> to vector<1x16xf32>
      tpu.vector_store %arg15[%swap3A_870, %swap3A_871], %swap3A_874 {strides = array<i32>} : memref<8x128xf32, #tpu.memory_space<vmem>>, vector<1x16xf32>,
      %broadcast_in_dim3A_875 = arith.constant 0.000000e+00 : f32
      %broadcast_in_dim3A_876 = vector.broadcast %broadcast_in_dim3A_875 : f32 to vector<16xf32>
      %swap3A_877 = arith.constant 5 : i32
      %swap3A_878 = arith.index_cast %swap3A_877 : i32 to index
      %swap3A_879 = arith.constant 48 : index
      %swap3A_880 = tpu.vector_load %arg15[%swap3A_878, %swap3A_879] {strides = array<i32>} : memref<8x128xf32, #tpu.memory_space<vmem>>, vector<1x16xf32>,
      %swap3A_881 = vector.shape_cast %swap3A_880 : vector<1x16xf32> to vector<16xf32>
      %swap3A_882 = vector.shape_cast %broadcast_in_dim3A_876 : vector<16xf32> to vector<1x16xf32>
      tpu.vector_store %arg15[%swap3A_878, %swap3A_879], %swap3A_882 {strides = array<i32>} : memref<8x128xf32, #tpu.memory_space<vmem>>, vector<1x16xf32>,
      %broadcast_in_dim3A_883 = arith.constant 0.000000e+00 : f32
      %broadcast_in_dim3A_884 = vector.broadcast %broadcast_in_dim3A_883 : f32 to vector<16xf32>
      %swap3A_885 = arith.constant 5 : i32
      %swap3A_886 = arith.index_cast %swap3A_885 : i32 to index
      %swap3A_887 = arith.constant 64 : index
      %swap3A_888 = tpu.vector_load %arg15[%swap3A_886, %swap3A_887] {strides = array<i32>} : memref<8x128xf32, #tpu.memory_space<vmem>>, vector<1x16xf32>,
      %swap3A_889 = vector.shape_cast %swap3A_888 : vector<1x16xf32> to vector<16xf32>
      %swap3A_890 = vector.shape_cast %broadcast_in_dim3A_884 : vector<16xf32> to vector<1x16xf32>
      tpu.vector_store %arg15[%swap3A_886, %swap3A_887], %swap3A_890 {strides = array<i32>} : memref<8x128xf32, #tpu.memory_space<vmem>>, vector<1x16xf32>,
      %broadcast_in_dim3A_891 = arith.constant 0.000000e+00 : f32
      %broadcast_in_dim3A_892 = vector.broadcast %broadcast_in_dim3A_891 : f32 to vector<16xf32>
      %swap3A_893 = arith.constant 5 : i32
      %swap3A_894 = arith.index_cast %swap3A_893 : i32 to index
      %swap3A_895 = arith.constant 80 : index
      %swap3A_896 = tpu.vector_load %arg15[%swap3A_894, %swap3A_895] {strides = array<i32>} : memref<8x128xf32, #tpu.memory_space<vmem>>, vector<1x16xf32>,
      %swap3A_897 = vector.shape_cast %swap3A_896 : vector<1x16xf32> to vector<16xf32>
      %swap3A_898 = vector.shape_cast %broadcast_in_dim3A_892 : vector<16xf32> to vector<1x16xf32>
      tpu.vector_store %arg15[%swap3A_894, %swap3A_895], %swap3A_898 {strides = array<i32>} : memref<8x128xf32, #tpu.memory_space<vmem>>, vector<1x16xf32>,
      %broadcast_in_dim3A_899 = arith.constant 0.000000e+00 : f32
      %broadcast_in_dim3A_900 = vector.broadcast %broadcast_in_dim3A_899 : f32 to vector<16xf32>
      %swap3A_901 = arith.constant 5 : i32
      %swap3A_902 = arith.index_cast %swap3A_901 : i32 to index
      %swap3A_903 = arith.constant 96 : index
      %swap3A_904 = tpu.vector_load %arg15[%swap3A_902, %swap3A_903] {strides = array<i32>} : memref<8x128xf32, #tpu.memory_space<vmem>>, vector<1x16xf32>,
      %swap3A_905 = vector.shape_cast %swap3A_904 : vector<1x16xf32> to vector<16xf32>
      %swap3A_906 = vector.shape_cast %broadcast_in_dim3A_900 : vector<16xf32> to vector<1x16xf32>
      tpu.vector_store %arg15[%swap3A_902, %swap3A_903], %swap3A_906 {strides = array<i32>} : memref<8x128xf32, #tpu.memory_space<vmem>>, vector<1x16xf32>,
      %broadcast_in_dim3A_907 = arith.constant 0.000000e+00 : f32
      %broadcast_in_dim3A_908 = vector.broadcast %broadcast_in_dim3A_907 : f32 to vector<16xf32>
      %swap3A_909 = arith.constant 5 : i32
      %swap3A_910 = arith.index_cast %swap3A_909 : i32 to index
      %swap3A_911 = arith.constant 112 : index
      %swap3A_912 = tpu.vector_load %arg15[%swap3A_910, %swap3A_911] {strides = array<i32>} : memref<8x128xf32, #tpu.memory_space<vmem>>, vector<1x16xf32>,
      %swap3A_913 = vector.shape_cast %swap3A_912 : vector<1x16xf32> to vector<16xf32>
      %swap3A_914 = vector.shape_cast %broadcast_in_dim3A_908 : vector<16xf32> to vector<1x16xf32>
      tpu.vector_store %arg15[%swap3A_910, %swap3A_911], %swap3A_914 {strides = array<i32>} : memref<8x128xf32, #tpu.memory_space<vmem>>, vector<1x16xf32>,
      %broadcast_in_dim3A_915 = arith.constant 0.000000e+00 : f32
      %broadcast_in_dim3A_916 = vector.broadcast %broadcast_in_dim3A_915 : f32 to vector<16xf32>
      %swap3A_917 = arith.constant 6 : i32
      %swap3A_918 = arith.index_cast %swap3A_917 : i32 to index
      %swap3A_919 = arith.constant 0 : index
      %swap3A_920 = tpu.vector_load %arg15[%swap3A_918, %swap3A_919] {strides = array<i32>} : memref<8x128xf32, #tpu.memory_space<vmem>>, vector<1x16xf32>,
      %swap3A_921 = vector.shape_cast %swap3A_920 : vector<1x16xf32> to vector<16xf32>
      %swap3A_922 = vector.shape_cast %broadcast_in_dim3A_916 : vector<16xf32> to vector<1x16xf32>
      tpu.vector_store %arg15[%swap3A_918, %swap3A_919], %swap3A_922 {strides = array<i32>} : memref<8x128xf32, #tpu.memory_space<vmem>>, vector<1x16xf32>,
      %broadcast_in_dim3A_923 = arith.constant 0.000000e+00 : f32
      %broadcast_in_dim3A_924 = vector.broadcast %broadcast_in_dim3A_923 : f32 to vector<16xf32>
      %swap3A_925 = arith.constant 6 : i32
      %swap3A_926 = arith.index_cast %swap3A_925 : i32 to index
      %swap3A_927 = arith.constant 16 : index
      %swap3A_928 = tpu.vector_load %arg15[%swap3A_926, %swap3A_927] {strides = array<i32>} : memref<8x128xf32, #tpu.memory_space<vmem>>, vector<1x16xf32>,
      %swap3A_929 = vector.shape_cast %swap3A_928 : vector<1x16xf32> to vector<16xf32>
      %swap3A_930 = vector.shape_cast %broadcast_in_dim3A_924 : vector<16xf32> to vector<1x16xf32>
      tpu.vector_store %arg15[%swap3A_926, %swap3A_927], %swap3A_930 {strides = array<i32>} : memref<8x128xf32, #tpu.memory_space<vmem>>, vector<1x16xf32>,
      %broadcast_in_dim3A_931 = arith.constant 0.000000e+00 : f32
      %broadcast_in_dim3A_932 = vector.broadcast %broadcast_in_dim3A_931 : f32 to vector<16xf32>
      %swap3A_933 = arith.constant 6 : i32
      %swap3A_934 = arith.index_cast %swap3A_933 : i32 to index
      %swap3A_935 = arith.constant 32 : index
      %swap3A_936 = tpu.vector_load %arg15[%swap3A_934, %swap3A_935] {strides = array<i32>} : memref<8x128xf32, #tpu.memory_space<vmem>>, vector<1x16xf32>,
      %swap3A_937 = vector.shape_cast %swap3A_936 : vector<1x16xf32> to vector<16xf32>
      %swap3A_938 = vector.shape_cast %broadcast_in_dim3A_932 : vector<16xf32> to vector<1x16xf32>
      tpu.vector_store %arg15[%swap3A_934, %swap3A_935], %swap3A_938 {strides = array<i32>} : memref<8x128xf32, #tpu.memory_space<vmem>>, vector<1x16xf32>,
      %broadcast_in_dim3A_939 = arith.constant 0.000000e+00 : f32
      %broadcast_in_dim3A_940 = vector.broadcast %broadcast_in_dim3A_939 : f32 to vector<16xf32>
      %swap3A_941 = arith.constant 6 : i32
      %swap3A_942 = arith.index_cast %swap3A_941 : i32 to index
      %swap3A_943 = arith.constant 48 : index
      %swap3A_944 = tpu.vector_load %arg15[%swap3A_942, %swap3A_943] {strides = array<i32>} : memref<8x128xf32, #tpu.memory_space<vmem>>, vector<1x16xf32>,
      %swap3A_945 = vector.shape_cast %swap3A_944 : vector<1x16xf32> to vector<16xf32>
      %swap3A_946 = vector.shape_cast %broadcast_in_dim3A_940 : vector<16xf32> to vector<1x16xf32>
      tpu.vector_store %arg15[%swap3A_942, %swap3A_943], %swap3A_946 {strides = array<i32>} : memref<8x128xf32, #tpu.memory_space<vmem>>, vector<1x16xf32>,
      %broadcast_in_dim3A_947 = arith.constant 0.000000e+00 : f32
      %broadcast_in_dim3A_948 = vector.broadcast %broadcast_in_dim3A_947 : f32 to vector<16xf32>
      %swap3A_949 = arith.constant 6 : i32
      %swap3A_950 = arith.index_cast %swap3A_949 : i32 to index
      %swap3A_951 = arith.constant 64 : index
      %swap3A_952 = tpu.vector_load %arg15[%swap3A_950, %swap3A_951] {strides = array<i32>} : memref<8x128xf32, #tpu.memory_space<vmem>>, vector<1x16xf32>,
      %swap3A_953 = vector.shape_cast %swap3A_952 : vector<1x16xf32> to vector<16xf32>
      %swap3A_954 = vector.shape_cast %broadcast_in_dim3A_948 : vector<16xf32> to vector<1x16xf32>
      tpu.vector_store %arg15[%swap3A_950, %swap3A_951], %swap3A_954 {strides = array<i32>} : memref<8x128xf32, #tpu.memory_space<vmem>>, vector<1x16xf32>,
      %broadcast_in_dim3A_955 = arith.constant 0.000000e+00 : f32
      %broadcast_in_dim3A_956 = vector.broadcast %broadcast_in_dim3A_955 : f32 to vector<16xf32>
      %swap3A_957 = arith.constant 6 : i32
      %swap3A_958 = arith.index_cast %swap3A_957 : i32 to index
      %swap3A_959 = arith.constant 80 : index
      %swap3A_960 = tpu.vector_load %arg15[%swap3A_958, %swap3A_959] {strides = array<i32>} : memref<8x128xf32, #tpu.memory_space<vmem>>, vector<1x16xf32>,
      %swap3A_961 = vector.shape_cast %swap3A_960 : vector<1x16xf32> to vector<16xf32>
      %swap3A_962 = vector.shape_cast %broadcast_in_dim3A_956 : vector<16xf32> to vector<1x16xf32>
      tpu.vector_store %arg15[%swap3A_958, %swap3A_959], %swap3A_962 {strides = array<i32>} : memref<8x128xf32, #tpu.memory_space<vmem>>, vector<1x16xf32>,
      %broadcast_in_dim3A_963 = arith.constant 0.000000e+00 : f32
      %broadcast_in_dim3A_964 = vector.broadcast %broadcast_in_dim3A_963 : f32 to vector<16xf32>
      %swap3A_965 = arith.constant 6 : i32
      %swap3A_966 = arith.index_cast %swap3A_965 : i32 to index
      %swap3A_967 = arith.constant 96 : index
      %swap3A_968 = tpu.vector_load %arg15[%swap3A_966, %swap3A_967] {strides = array<i32>} : memref<8x128xf32, #tpu.memory_space<vmem>>, vector<1x16xf32>,
      %swap3A_969 = vector.shape_cast %swap3A_968 : vector<1x16xf32> to vector<16xf32>
      %swap3A_970 = vector.shape_cast %broadcast_in_dim3A_964 : vector<16xf32> to vector<1x16xf32>
      tpu.vector_store %arg15[%swap3A_966, %swap3A_967], %swap3A_970 {strides = array<i32>} : memref<8x128xf32, #tpu.memory_space<vmem>>, vector<1x16xf32>,
      %broadcast_in_dim3A_971 = arith.constant 0.000000e+00 : f32
      %broadcast_in_dim3A_972 = vector.broadcast %broadcast_in_dim3A_971 : f32 to vector<16xf32>
      %swap3A_973 = arith.constant 6 : i32
      %swap3A_974 = arith.index_cast %swap3A_973 : i32 to index
      %swap3A_975 = arith.constant 112 : index
      %swap3A_976 = tpu.vector_load %arg15[%swap3A_974, %swap3A_975] {strides = array<i32>} : memref<8x128xf32, #tpu.memory_space<vmem>>, vector<1x16xf32>,
      %swap3A_977 = vector.shape_cast %swap3A_976 : vector<1x16xf32> to vector<16xf32>
      %swap3A_978 = vector.shape_cast %broadcast_in_dim3A_972 : vector<16xf32> to vector<1x16xf32>
      tpu.vector_store %arg15[%swap3A_974, %swap3A_975], %swap3A_978 {strides = array<i32>} : memref<8x128xf32, #tpu.memory_space<vmem>>, vector<1x16xf32>,
      %broadcast_in_dim3A_979 = arith.constant 0.000000e+00 : f32
      %broadcast_in_dim3A_980 = vector.broadcast %broadcast_in_dim3A_979 : f32 to vector<16xf32>
      %swap3A_981 = arith.constant 7 : i32
      %swap3A_982 = arith.index_cast %swap3A_981 : i32 to index
      %swap3A_983 = arith.constant 0 : index
      %swap3A_984 = tpu.vector_load %arg15[%swap3A_982, %swap3A_983] {strides = array<i32>} : memref<8x128xf32, #tpu.memory_space<vmem>>, vector<1x16xf32>,
      %swap3A_985 = vector.shape_cast %swap3A_984 : vector<1x16xf32> to vector<16xf32>
      %swap3A_986 = vector.shape_cast %broadcast_in_dim3A_980 : vector<16xf32> to vector<1x16xf32>
      tpu.vector_store %arg15[%swap3A_982, %swap3A_983], %swap3A_986 {strides = array<i32>} : memref<8x128xf32, #tpu.memory_space<vmem>>, vector<1x16xf32>,
      %broadcast_in_dim3A_987 = arith.constant 0.000000e+00 : f32
      %broadcast_in_dim3A_988 = vector.broadcast %broadcast_in_dim3A_987 : f32 to vector<16xf32>
      %swap3A_989 = arith.constant 7 : i32
      %swap3A_990 = arith.index_cast %swap3A_989 : i32 to index
      %swap3A_991 = arith.constant 16 : index
      %swap3A_992 = tpu.vector_load %arg15[%swap3A_990, %swap3A_991] {strides = array<i32>} : memref<8x128xf32, #tpu.memory_space<vmem>>, vector<1x16xf32>,
      %swap3A_993 = vector.shape_cast %swap3A_992 : vector<1x16xf32> to vector<16xf32>
      %swap3A_994 = vector.shape_cast %broadcast_in_dim3A_988 : vector<16xf32> to vector<1x16xf32>
      tpu.vector_store %arg15[%swap3A_990, %swap3A_991], %swap3A_994 {strides = array<i32>} : memref<8x128xf32, #tpu.memory_space<vmem>>, vector<1x16xf32>,
      %broadcast_in_dim3A_995 = arith.constant 0.000000e+00 : f32
      %broadcast_in_dim3A_996 = vector.broadcast %broadcast_in_dim3A_995 : f32 to vector<16xf32>
      %swap3A_997 = arith.constant 7 : i32
      %swap3A_998 = arith.index_cast %swap3A_997 : i32 to index
      %swap3A_999 = arith.constant 32 : index
      %swap3A_1000 = tpu.vector_load %arg15[%swap3A_998, %swap3A_999] {strides = array<i32>} : memref<8x128xf32, #tpu.memory_space<vmem>>, vector<1x16xf32>,
      %swap3A_1001 = vector.shape_cast %swap3A_1000 : vector<1x16xf32> to vector<16xf32>
      %swap3A_1002 = vector.shape_cast %broadcast_in_dim3A_996 : vector<16xf32> to vector<1x16xf32>
      tpu.vector_store %arg15[%swap3A_998, %swap3A_999], %swap3A_1002 {strides = array<i32>} : memref<8x128xf32, #tpu.memory_space<vmem>>, vector<1x16xf32>,
      %broadcast_in_dim3A_1003 = arith.constant 0.000000e+00 : f32
      %broadcast_in_dim3A_1004 = vector.broadcast %broadcast_in_dim3A_1003 : f32 to vector<16xf32>
      %swap3A_1005 = arith.constant 7 : i32
      %swap3A_1006 = arith.index_cast %swap3A_1005 : i32 to index
      %swap3A_1007 = arith.constant 48 : index
      %swap3A_1008 = tpu.vector_load %arg15[%swap3A_1006, %swap3A_1007] {strides = array<i32>} : memref<8x128xf32, #tpu.memory_space<vmem>>, vector<1x16xf32>,
      %swap3A_1009 = vector.shape_cast %swap3A_1008 : vector<1x16xf32> to vector<16xf32>
      %swap3A_1010 = vector.shape_cast %broadcast_in_dim3A_1004 : vector<16xf32> to vector<1x16xf32>
      tpu.vector_store %arg15[%swap3A_1006, %swap3A_1007], %swap3A_1010 {strides = array<i32>} : memref<8x128xf32, #tpu.memory_space<vmem>>, vector<1x16xf32>,
      %broadcast_in_dim3A_1011 = arith.constant 0.000000e+00 : f32
      %broadcast_in_dim3A_1012 = vector.broadcast %broadcast_in_dim3A_1011 : f32 to vector<16xf32>
      %swap3A_1013 = arith.constant 7 : i32
      %swap3A_1014 = arith.index_cast %swap3A_1013 : i32 to index
      %swap3A_1015 = arith.constant 64 : index
      %swap3A_1016 = tpu.vector_load %arg15[%swap3A_1014, %swap3A_1015] {strides = array<i32>} : memref<8x128xf32, #tpu.memory_space<vmem>>, vector<1x16xf32>,
      %swap3A_1017 = vector.shape_cast %swap3A_1016 : vector<1x16xf32> to vector<16xf32>
      %swap3A_1018 = vector.shape_cast %broadcast_in_dim3A_1012 : vector<16xf32> to vector<1x16xf32>
      tpu.vector_store %arg15[%swap3A_1014, %swap3A_1015], %swap3A_1018 {strides = array<i32>} : memref<8x128xf32, #tpu.memory_space<vmem>>, vector<1x16xf32>,
      %broadcast_in_dim3A_1019 = arith.constant 0.000000e+00 : f32
      %broadcast_in_dim3A_1020 = vector.broadcast %broadcast_in_dim3A_1019 : f32 to vector<16xf32>
      %swap3A_1021 = arith.constant 7 : i32
      %swap3A_1022 = arith.index_cast %swap3A_1021 : i32 to index
      %swap3A_1023 = arith.constant 80 : index
      %swap3A_1024 = tpu.vector_load %arg15[%swap3A_1022, %swap3A_1023] {strides = array<i32>} : memref<8x128xf32, #tpu.memory_space<vmem>>, vector<1x16xf32>,
      %swap3A_1025 = vector.shape_cast %swap3A_1024 : vector<1x16xf32> to vector<16xf32>
      %swap3A_1026 = vector.shape_cast %broadcast_in_dim3A_1020 : vector<16xf32> to vector<1x16xf32>
      tpu.vector_store %arg15[%swap3A_1022, %swap3A_1023], %swap3A_1026 {strides = array<i32>} : memref<8x128xf32, #tpu.memory_space<vmem>>, vector<1x16xf32>,
      %broadcast_in_dim3A_1027 = arith.constant 0.000000e+00 : f32
      %broadcast_in_dim3A_1028 = vector.broadcast %broadcast_in_dim3A_1027 : f32 to vector<16xf32>
      %swap3A_1029 = arith.constant 7 : i32
      %swap3A_1030 = arith.index_cast %swap3A_1029 : i32 to index
      %swap3A_1031 = arith.constant 96 : index
      %swap3A_1032 = tpu.vector_load %arg15[%swap3A_1030, %swap3A_1031] {strides = array<i32>} : memref<8x128xf32, #tpu.memory_space<vmem>>, vector<1x16xf32>,
      %swap3A_1033 = vector.shape_cast %swap3A_1032 : vector<1x16xf32> to vector<16xf32>
      %swap3A_1034 = vector.shape_cast %broadcast_in_dim3A_1028 : vector<16xf32> to vector<1x16xf32>
      tpu.vector_store %arg15[%swap3A_1030, %swap3A_1031], %swap3A_1034 {strides = array<i32>} : memref<8x128xf32, #tpu.memory_space<vmem>>, vector<1x16xf32>,
      %broadcast_in_dim3A_1035 = arith.constant 0.000000e+00 : f32
      %broadcast_in_dim3A_1036 = vector.broadcast %broadcast_in_dim3A_1035 : f32 to vector<16xf32>
      %swap3A_1037 = arith.constant 7 : i32
      %swap3A_1038 = arith.index_cast %swap3A_1037 : i32 to index
      %swap3A_1039 = arith.constant 112 : index
      %swap3A_1040 = tpu.vector_load %arg15[%swap3A_1038, %swap3A_1039] {strides = array<i32>} : memref<8x128xf32, #tpu.memory_space<vmem>>, vector<1x16xf32>,
      %swap3A_1041 = vector.shape_cast %swap3A_1040 : vector<1x16xf32> to vector<16xf32>
      %swap3A_1042 = vector.shape_cast %broadcast_in_dim3A_1036 : vector<16xf32> to vector<1x16xf32>
      tpu.vector_store %arg15[%swap3A_1038, %swap3A_1039], %swap3A_1042 {strides = array<i32>} : memref<8x128xf32, #tpu.memory_space<vmem>>, vector<1x16xf32>,
      "tpu.region"() ({
        %run_scoped3A_1043 = tpu.sem_alloc : memref<!tpu.dma_semaphore, #tpu.memory_space<semaphore_mem>>
        %dma_start3A_1044 = arith.constant 5120 : i32
        %dma_start3A_1045 = arith.constant 0 : i32
        %dma_start3A_1046 = tpu.memref_slice %arg9[%dma_start3A_1044, %dma_start3A_1045] : memref<5136x128xf32, #tpu.memory_space<vmem_shared>> -> memref<8x128xf32, #tpu.memory_space<vmem_shared>>
        %dma_start3A_1047 = arith.constant 5120 : i32
        %dma_start3A_1048 = arith.constant 0 : i32
        %dma_start3A_1049 = tpu.memref_slice %arg9[%dma_start3A_1047, %dma_start3A_1048] : memref<5136x128xf32, #tpu.memory_space<vmem_shared>> -> memref<8x128xf32, #tpu.memory_space<vmem_shared>>
        tpu.enqueue_dma source(%arg15 : memref<8x128xf32, #tpu.memory_space<vmem>>) target(%dma_start3A_1049 : memref<8x128xf32, #tpu.memory_space<vmem_shared>>) target_semaphore(%run_scoped3A_1043 : memref<!tpu.dma_semaphore, #tpu.memory_space<semaphore_mem>>)
        %dma_wait3A_1050 = arith.constant 5120 : i32
        %dma_wait3A_1051 = arith.constant 0 : i32
        %dma_wait3A_1052 = tpu.memref_slice %arg9[%dma_wait3A_1050, %dma_wait3A_1051] : memref<5136x128xf32, #tpu.memory_space<vmem_shared>> -> memref<8x128xf32, #tpu.memory_space<vmem_shared>>
        %dma_wait3A_1053 = arith.constant 5120 : i32
        %dma_wait3A_1054 = arith.constant 0 : i32
        %dma_wait3A_1055 = tpu.memref_slice %arg9[%dma_wait3A_1053, %dma_wait3A_1054] : memref<5136x128xf32, #tpu.memory_space<vmem_shared>> -> memref<8x128xf32, #tpu.memory_space<vmem_shared>>
        tpu.wait_dma2 semaphore(%run_scoped3A_1043 : memref<!tpu.dma_semaphore, #tpu.memory_space<semaphore_mem>>) src(%arg15 : memref<8x128xf32, #tpu.memory_space<vmem>>) dst(%dma_wait3A_1055 : memref<8x128xf32, #tpu.memory_space<vmem_shared>>)
        tpu.yield
      }) : () -> ()
    } else {
    }
    %barrier3A = arith.constant 0 : index
    tpu.barrier barrier_id(%barrier3A)
    %run_scoped3A_239 = arith.constant 0 : i32
    %run_scoped3A_240 = arith.constant 0 : i32
    "tpu.region"() ({
      %run_scoped3A_531 = tpu.sem_alloc : memref<!tpu.dma_semaphore, #tpu.memory_space<semaphore_mem>>
      %dma_start3A_532 = arith.constant 0 : i32
      %dma_start3A_533 = arith.constant 0 : i32
      %dma_start3A_534 = tpu.memref_slice %arg11[%run_scoped3A_239, %dma_start3A_532, %dma_start3A_533] : memref<2x80x128xf32, #tpu.memory_space<vmem>> -> memref<1x80x128xf32, #tpu.memory_space<vmem>>
      %dma_start3A_535 = tpu.memref_squeeze %dma_start3A_534 : memref<1x80x128xf32, #tpu.memory_space<vmem>> -> memref<80x128xf32, #tpu.memory_space<vmem>>
      %dma_start3A_536 = arith.constant 0 : i32
      %dma_start3A_537 = tpu.memref_slice %arg10[%run_scoped3A_240, %dma_start3A_536] : memref<2x80xi32, #tpu.memory_space<vmem>> -> memref<1x80xi32, #tpu.memory_space<vmem>>
      %dma_start3A_538 = tpu.memref_squeeze %dma_start3A_537 : memref<1x80xi32, #tpu.memory_space<vmem>> -> memref<80xi32, #tpu.memory_space<vmem>>
      %dma_start3A_539 = arith.constant 0 : i32
      %dma_start3A_540 = arith.constant 0 : i32
      %dma_start3A_541 = tpu.memref_slice %arg9[%dma_start3A_539, %dma_start3A_540] : memref<5136x128xf32, #tpu.memory_space<vmem_shared>> -> memref<5136x128xf32, #tpu.memory_space<vmem_shared>>
      tpu.enqueue_indirect_dma source(%dma_start3A_535 : memref<80x128xf32, #tpu.memory_space<vmem>>) target(%dma_start3A_541 : memref<5136x128xf32, #tpu.memory_space<vmem_shared>>) offsets(%dma_start3A_538 : memref<80xi32, #tpu.memory_space<vmem>>) semaphore(%run_scoped3A_531 : memref<!tpu.dma_semaphore, #tpu.memory_space<semaphore_mem>>) {add = true}
      %dma_wait3A_542 = arith.constant 0 : i32
      %dma_wait3A_543 = arith.constant 0 : i32
      %dma_wait3A_544 = tpu.memref_slice %arg11[%run_scoped3A_239, %dma_wait3A_542, %dma_wait3A_543] : memref<2x80x128xf32, #tpu.memory_space<vmem>> -> memref<1x80x128xf32, #tpu.memory_space<vmem>>
      %dma_wait3A_545 = tpu.memref_squeeze %dma_wait3A_544 : memref<1x80x128xf32, #tpu.memory_space<vmem>> -> memref<80x128xf32, #tpu.memory_space<vmem>>
      %dma_wait3A_546 = arith.constant 0 : i32
      %dma_wait3A_547 = tpu.memref_slice %arg10[%run_scoped3A_240, %dma_wait3A_546] : memref<2x80xi32, #tpu.memory_space<vmem>> -> memref<1x80xi32, #tpu.memory_space<vmem>>
      %dma_wait3A_548 = tpu.memref_squeeze %dma_wait3A_547 : memref<1x80xi32, #tpu.memory_space<vmem>> -> memref<80xi32, #tpu.memory_space<vmem>>
      %dma_wait3A_549 = arith.constant 0 : i32
      %dma_wait3A_550 = arith.constant 0 : i32
      %dma_wait3A_551 = tpu.memref_slice %arg9[%dma_wait3A_549, %dma_wait3A_550] : memref<5136x128xf32, #tpu.memory_space<vmem_shared>> -> memref<5136x128xf32, #tpu.memory_space<vmem_shared>>
      tpu.wait_indirect_dma semaphore(%run_scoped3A_531 : memref<!tpu.dma_semaphore, #tpu.memory_space<semaphore_mem>>) src(%dma_wait3A_545 : memref<80x128xf32, #tpu.memory_space<vmem>>) dst(%dma_wait3A_551 : memref<5136x128xf32, #tpu.memory_space<vmem_shared>>)
      tpu.yield
    }) : () -> ()
    %run_scoped3A_241 = arith.constant 1 : i32
    %run_scoped3A_242 = arith.constant 1 : i32
    "tpu.region"() ({
      %run_scoped3A_531 = tpu.sem_alloc : memref<!tpu.dma_semaphore, #tpu.memory_space<semaphore_mem>>
      %dma_start3A_532 = arith.constant 0 : i32
      %dma_start3A_533 = arith.constant 0 : i32
      %dma_start3A_534 = tpu.memref_slice %arg11[%run_scoped3A_241, %dma_start3A_532, %dma_start3A_533] : memref<2x80x128xf32, #tpu.memory_space<vmem>> -> memref<1x80x128xf32, #tpu.memory_space<vmem>>
      %dma_start3A_535 = tpu.memref_squeeze %dma_start3A_534 : memref<1x80x128xf32, #tpu.memory_space<vmem>> -> memref<80x128xf32, #tpu.memory_space<vmem>>
      %dma_start3A_536 = arith.constant 0 : i32
      %dma_start3A_537 = tpu.memref_slice %arg10[%run_scoped3A_242, %dma_start3A_536] : memref<2x80xi32, #tpu.memory_space<vmem>> -> memref<1x80xi32, #tpu.memory_space<vmem>>
      %dma_start3A_538 = tpu.memref_squeeze %dma_start3A_537 : memref<1x80xi32, #tpu.memory_space<vmem>> -> memref<80xi32, #tpu.memory_space<vmem>>
      %dma_start3A_539 = arith.constant 0 : i32
      %dma_start3A_540 = arith.constant 0 : i32
      %dma_start3A_541 = tpu.memref_slice %arg9[%dma_start3A_539, %dma_start3A_540] : memref<5136x128xf32, #tpu.memory_space<vmem_shared>> -> memref<5136x128xf32, #tpu.memory_space<vmem_shared>>
      tpu.enqueue_indirect_dma source(%dma_start3A_535 : memref<80x128xf32, #tpu.memory_space<vmem>>) target(%dma_start3A_541 : memref<5136x128xf32, #tpu.memory_space<vmem_shared>>) offsets(%dma_start3A_538 : memref<80xi32, #tpu.memory_space<vmem>>) semaphore(%run_scoped3A_531 : memref<!tpu.dma_semaphore, #tpu.memory_space<semaphore_mem>>) {add = true}
      %dma_wait3A_542 = arith.constant 0 : i32
      %dma_wait3A_543 = arith.constant 0 : i32
      %dma_wait3A_544 = tpu.memref_slice %arg11[%run_scoped3A_241, %dma_wait3A_542, %dma_wait3A_543] : memref<2x80x128xf32, #tpu.memory_space<vmem>> -> memref<1x80x128xf32, #tpu.memory_space<vmem>>
      %dma_wait3A_545 = tpu.memref_squeeze %dma_wait3A_544 : memref<1x80x128xf32, #tpu.memory_space<vmem>> -> memref<80x128xf32, #tpu.memory_space<vmem>>
      %dma_wait3A_546 = arith.constant 0 : i32
      %dma_wait3A_547 = tpu.memref_slice %arg10[%run_scoped3A_242, %dma_wait3A_546] : memref<2x80xi32, #tpu.memory_space<vmem>> -> memref<1x80xi32, #tpu.memory_space<vmem>>
      %dma_wait3A_548 = tpu.memref_squeeze %dma_wait3A_547 : memref<1x80xi32, #tpu.memory_space<vmem>> -> memref<80xi32, #tpu.memory_space<vmem>>
      %dma_wait3A_549 = arith.constant 0 : i32
      %dma_wait3A_550 = arith.constant 0 : i32
      %dma_wait3A_551 = tpu.memref_slice %arg9[%dma_wait3A_549, %dma_wait3A_550] : memref<5136x128xf32, #tpu.memory_space<vmem_shared>> -> memref<5136x128xf32, #tpu.memory_space<vmem_shared>>
      tpu.wait_indirect_dma semaphore(%run_scoped3A_531 : memref<!tpu.dma_semaphore, #tpu.memory_space<semaphore_mem>>) src(%dma_wait3A_545 : memref<80x128xf32, #tpu.memory_space<vmem>>) dst(%dma_wait3A_551 : memref<5136x128xf32, #tpu.memory_space<vmem_shared>>)
      tpu.yield
    }) : () -> ()
    %barrier3A_243 = arith.constant 0 : index
    tpu.barrier barrier_id(%barrier3A_243)
    %add3A_244 = arith.addi %mul3A_0, %mul3A_2 : i32
    %dma_start3A = arith.constant 0 : i32
    %dma_start3A_245 = tpu.memref_slice %arg6[%add3A_244, %dma_start3A] : memref<10240x128xf32, #tpu.memory_space<hbm>> -> memref<320x128xf32, #tpu.memory_space<hbm>>
    %dma_start3A_246 = arith.constant 0 : i32
    %dma_start3A_247 = tpu.memref_slice %arg9[%mul3A_2, %dma_start3A_246] : memref<5136x128xf32, #tpu.memory_space<vmem_shared>> -> memref<320x128xf32, #tpu.memory_space<vmem_shared>>
    tpu.enqueue_dma source(%dma_start3A_247 : memref<320x128xf32, #tpu.memory_space<vmem_shared>>) target(%dma_start3A_245 : memref<320x128xf32, #tpu.memory_space<hbm>>) target_semaphore(%arg12 : memref<!tpu.dma_semaphore, #tpu.memory_space<semaphore_mem>>)
    "tpu.region"() ({
      %run_scoped3A_531 = tpu.sem_alloc : memref<!tpu.dma_semaphore, #tpu.memory_space<semaphore_mem>>
      %dma_start3A_532 = arith.constant 0 : i32
      %dma_start3A_533 = arith.constant 0 : i32
      %dma_start3A_534 = tpu.memref_slice %arg5[%arg1, %dma_start3A_532, %dma_start3A_533] : memref<16x2x80xi32, #tpu.memory_space<hbm>> -> memref<1x2x80xi32, #tpu.memory_space<hbm>>
      %dma_start3A_535 = tpu.memref_squeeze %dma_start3A_534 : memref<1x2x80xi32, #tpu.memory_space<hbm>> -> memref<2x80xi32, #tpu.memory_space<hbm>>
      %dma_start3A_536 = arith.constant 0 : i32
      %dma_start3A_537 = arith.constant 0 : i32
      %dma_start3A_538 = tpu.memref_slice %arg5[%arg1, %dma_start3A_536, %dma_start3A_537] : memref<16x2x80xi32, #tpu.memory_space<hbm>> -> memref<1x2x80xi32, #tpu.memory_space<hbm>>
      %dma_start3A_539 = tpu.memref_squeeze %dma_start3A_538 : memref<1x2x80xi32, #tpu.memory_space<hbm>> -> memref<2x80xi32, #tpu.memory_space<hbm>>
      tpu.enqueue_dma source(%dma_start3A_539 : memref<2x80xi32, #tpu.memory_space<hbm>>) target(%arg13 : memref<2x80xi32, #tpu.memory_space<vmem>>) target_semaphore(%run_scoped3A_531 : memref<!tpu.dma_semaphore, #tpu.memory_space<semaphore_mem>>)
      %dma_wait3A_540 = arith.constant 0 : i32
      %dma_wait3A_541 = arith.constant 0 : i32
      %dma_wait3A_542 = tpu.memref_slice %arg5[%arg1, %dma_wait3A_540, %dma_wait3A_541] : memref<16x2x80xi32, #tpu.memory_space<hbm>> -> memref<1x2x80xi32, #tpu.memory_space<hbm>>
      %dma_wait3A_543 = tpu.memref_squeeze %dma_wait3A_542 : memref<1x2x80xi32, #tpu.memory_space<hbm>> -> memref<2x80xi32, #tpu.memory_space<hbm>>
      %dma_wait3A_544 = arith.constant 0 : i32
      %dma_wait3A_545 = arith.constant 0 : i32
      %dma_wait3A_546 = tpu.memref_slice %arg5[%arg1, %dma_wait3A_544, %dma_wait3A_545] : memref<16x2x80xi32, #tpu.memory_space<hbm>> -> memref<1x2x80xi32, #tpu.memory_space<hbm>>
      %dma_wait3A_547 = tpu.memref_squeeze %dma_wait3A_546 : memref<1x2x80xi32, #tpu.memory_space<hbm>> -> memref<2x80xi32, #tpu.memory_space<hbm>>
      tpu.wait_dma2 semaphore(%run_scoped3A_531 : memref<!tpu.dma_semaphore, #tpu.memory_space<semaphore_mem>>) src(%dma_wait3A_547 : memref<2x80xi32, #tpu.memory_space<hbm>>) dst(%arg13 : memref<2x80xi32, #tpu.memory_space<vmem>>)
      tpu.yield
    }) : () -> ()
    %get3A_248 = arith.constant 0 : i32
    %get3A_249 = arith.index_cast %get3A_248 : i32 to index
    %get3A_250 = arith.constant 0 : index
    %get3A_251 = tpu.vector_load %arg13[%get3A_249, %get3A_250] {strides = array<i32>} : memref<2x80xi32, #tpu.memory_space<vmem>>, vector<1x16xi32>,
    %get3A_252 = vector.shape_cast %get3A_251 : vector<1x16xi32> to vector<16xi32>
    %sub3A_253 = vector.broadcast %mul3A_0 : i32 to vector<16xi32>
    %sub3A_254 = arith.subi %get3A_252, %sub3A_253 : vector<16xi32>
    %ge3A_255 = arith.constant 0 : i32
    %ge3A_256 = vector.broadcast %ge3A_255 : i32 to vector<16xi32>
    %ge3A_257 = arith.cmpi sge, %sub3A_254, %ge3A_256 : vector<16xi32>
    %lt3A_258 = arith.constant 5120 : i32
    %lt3A_259 = vector.broadcast %lt3A_258 : i32 to vector<16xi32>
    %lt3A_260 = arith.cmpi slt, %sub3A_254, %lt3A_259 : vector<16xi32>
    %and3A_261 = arith.andi %ge3A_257, %lt3A_260 : vector<16xi1>
    %jit3A_262 = arith.constant 5120 : i32
    %broadcast_in_dim3A_263 = vector.broadcast %jit3A_262 : i32 to vector<16xi32>
    %select_n3A_264 = arith.select %and3A_261, %sub3A_254, %broadcast_in_dim3A_263 : vector<16xi1>, vector<16xi32>
    %swap3A_265 = arith.constant 0 : i32
    %swap3A_266 = arith.index_cast %swap3A_265 : i32 to index
    %swap3A_267 = arith.constant 0 : index
    %swap3A_268 = tpu.vector_load %arg13[%swap3A_266, %swap3A_267] {strides = array<i32>} : memref<2x80xi32, #tpu.memory_space<vmem>>, vector<1x16xi32>,
    %swap3A_269 = vector.shape_cast %swap3A_268 : vector<1x16xi32> to vector<16xi32>
    %swap3A_270 = vector.shape_cast %select_n3A_264 : vector<16xi32> to vector<1x16xi32>
    tpu.vector_store %arg13[%swap3A_266, %swap3A_267], %swap3A_270 {strides = array<i32>} : memref<2x80xi32, #tpu.memory_space<vmem>>, vector<1x16xi32>,
    %get3A_271 = arith.constant 0 : i32
    %get3A_272 = arith.index_cast %get3A_271 : i32 to index
    %get3A_273 = arith.constant 16 : index
    %get3A_274 = tpu.vector_load %arg13[%get3A_272, %get3A_273] {strides = array<i32>} : memref<2x80xi32, #tpu.memory_space<vmem>>, vector<1x16xi32>,
    %get3A_275 = vector.shape_cast %get3A_274 : vector<1x16xi32> to vector<16xi32>
    %sub3A_276 = vector.broadcast %mul3A_0 : i32 to vector<16xi32>
    %sub3A_277 = arith.subi %get3A_275, %sub3A_276 : vector<16xi32>
    %ge3A_278 = arith.constant 0 : i32
    %ge3A_279 = vector.broadcast %ge3A_278 : i32 to vector<16xi32>
    %ge3A_280 = arith.cmpi sge, %sub3A_277, %ge3A_279 : vector<16xi32>
    %lt3A_281 = arith.constant 5120 : i32
    %lt3A_282 = vector.broadcast %lt3A_281 : i32 to vector<16xi32>
    %lt3A_283 = arith.cmpi slt, %sub3A_277, %lt3A_282 : vector<16xi32>
    %and3A_284 = arith.andi %ge3A_280, %lt3A_283 : vector<16xi1>
    %jit3A_285 = arith.constant 5120 : i32
    %broadcast_in_dim3A_286 = vector.broadcast %jit3A_285 : i32 to vector<16xi32>
    %select_n3A_287 = arith.select %and3A_284, %sub3A_277, %broadcast_in_dim3A_286 : vector<16xi1>, vector<16xi32>
    %swap3A_288 = arith.constant 0 : i32
    %swap3A_289 = arith.index_cast %swap3A_288 : i32 to index
    %swap3A_290 = arith.constant 16 : index
    %swap3A_291 = tpu.vector_load %arg13[%swap3A_289, %swap3A_290] {strides = array<i32>} : memref<2x80xi32, #tpu.memory_space<vmem>>, vector<1x16xi32>,
    %swap3A_292 = vector.shape_cast %swap3A_291 : vector<1x16xi32> to vector<16xi32>
    %swap3A_293 = vector.shape_cast %select_n3A_287 : vector<16xi32> to vector<1x16xi32>
    tpu.vector_store %arg13[%swap3A_289, %swap3A_290], %swap3A_293 {strides = array<i32>} : memref<2x80xi32, #tpu.memory_space<vmem>>, vector<1x16xi32>,
    %get3A_294 = arith.constant 0 : i32
    %get3A_295 = arith.index_cast %get3A_294 : i32 to index
    %get3A_296 = arith.constant 32 : index
    %get3A_297 = tpu.vector_load %arg13[%get3A_295, %get3A_296] {strides = array<i32>} : memref<2x80xi32, #tpu.memory_space<vmem>>, vector<1x16xi32>,
    %get3A_298 = vector.shape_cast %get3A_297 : vector<1x16xi32> to vector<16xi32>
    %sub3A_299 = vector.broadcast %mul3A_0 : i32 to vector<16xi32>
    %sub3A_300 = arith.subi %get3A_298, %sub3A_299 : vector<16xi32>
    %ge3A_301 = arith.constant 0 : i32
    %ge3A_302 = vector.broadcast %ge3A_301 : i32 to vector<16xi32>
    %ge3A_303 = arith.cmpi sge, %sub3A_300, %ge3A_302 : vector<16xi32>
    %lt3A_304 = arith.constant 5120 : i32
    %lt3A_305 = vector.broadcast %lt3A_304 : i32 to vector<16xi32>
    %lt3A_306 = arith.cmpi slt, %sub3A_300, %lt3A_305 : vector<16xi32>
    %and3A_307 = arith.andi %ge3A_303, %lt3A_306 : vector<16xi1>
    %jit3A_308 = arith.constant 5120 : i32
    %broadcast_in_dim3A_309 = vector.broadcast %jit3A_308 : i32 to vector<16xi32>
    %select_n3A_310 = arith.select %and3A_307, %sub3A_300, %broadcast_in_dim3A_309 : vector<16xi1>, vector<16xi32>
    %swap3A_311 = arith.constant 0 : i32
    %swap3A_312 = arith.index_cast %swap3A_311 : i32 to index
    %swap3A_313 = arith.constant 32 : index
    %swap3A_314 = tpu.vector_load %arg13[%swap3A_312, %swap3A_313] {strides = array<i32>} : memref<2x80xi32, #tpu.memory_space<vmem>>, vector<1x16xi32>,
    %swap3A_315 = vector.shape_cast %swap3A_314 : vector<1x16xi32> to vector<16xi32>
    %swap3A_316 = vector.shape_cast %select_n3A_310 : vector<16xi32> to vector<1x16xi32>
    tpu.vector_store %arg13[%swap3A_312, %swap3A_313], %swap3A_316 {strides = array<i32>} : memref<2x80xi32, #tpu.memory_space<vmem>>, vector<1x16xi32>,
    %get3A_317 = arith.constant 0 : i32
    %get3A_318 = arith.index_cast %get3A_317 : i32 to index
    %get3A_319 = arith.constant 48 : index
    %get3A_320 = tpu.vector_load %arg13[%get3A_318, %get3A_319] {strides = array<i32>} : memref<2x80xi32, #tpu.memory_space<vmem>>, vector<1x16xi32>,
    %get3A_321 = vector.shape_cast %get3A_320 : vector<1x16xi32> to vector<16xi32>
    %sub3A_322 = vector.broadcast %mul3A_0 : i32 to vector<16xi32>
    %sub3A_323 = arith.subi %get3A_321, %sub3A_322 : vector<16xi32>
    %ge3A_324 = arith.constant 0 : i32
    %ge3A_325 = vector.broadcast %ge3A_324 : i32 to vector<16xi32>
    %ge3A_326 = arith.cmpi sge, %sub3A_323, %ge3A_325 : vector<16xi32>
    %lt3A_327 = arith.constant 5120 : i32
    %lt3A_328 = vector.broadcast %lt3A_327 : i32 to vector<16xi32>
    %lt3A_329 = arith.cmpi slt, %sub3A_323, %lt3A_328 : vector<16xi32>
    %and3A_330 = arith.andi %ge3A_326, %lt3A_329 : vector<16xi1>
    %jit3A_331 = arith.constant 5120 : i32
    %broadcast_in_dim3A_332 = vector.broadcast %jit3A_331 : i32 to vector<16xi32>
    %select_n3A_333 = arith.select %and3A_330, %sub3A_323, %broadcast_in_dim3A_332 : vector<16xi1>, vector<16xi32>
    %swap3A_334 = arith.constant 0 : i32
    %swap3A_335 = arith.index_cast %swap3A_334 : i32 to index
    %swap3A_336 = arith.constant 48 : index
    %swap3A_337 = tpu.vector_load %arg13[%swap3A_335, %swap3A_336] {strides = array<i32>} : memref<2x80xi32, #tpu.memory_space<vmem>>, vector<1x16xi32>,
    %swap3A_338 = vector.shape_cast %swap3A_337 : vector<1x16xi32> to vector<16xi32>
    %swap3A_339 = vector.shape_cast %select_n3A_333 : vector<16xi32> to vector<1x16xi32>
    tpu.vector_store %arg13[%swap3A_335, %swap3A_336], %swap3A_339 {strides = array<i32>} : memref<2x80xi32, #tpu.memory_space<vmem>>, vector<1x16xi32>,
    %get3A_340 = arith.constant 0 : i32
    %get3A_341 = arith.index_cast %get3A_340 : i32 to index
    %get3A_342 = arith.constant 64 : index
    %get3A_343 = tpu.vector_load %arg13[%get3A_341, %get3A_342] {strides = array<i32>} : memref<2x80xi32, #tpu.memory_space<vmem>>, vector<1x16xi32>,
    %get3A_344 = vector.shape_cast %get3A_343 : vector<1x16xi32> to vector<16xi32>
    %sub3A_345 = vector.broadcast %mul3A_0 : i32 to vector<16xi32>
    %sub3A_346 = arith.subi %get3A_344, %sub3A_345 : vector<16xi32>
    %ge3A_347 = arith.constant 0 : i32
    %ge3A_348 = vector.broadcast %ge3A_347 : i32 to vector<16xi32>
    %ge3A_349 = arith.cmpi sge, %sub3A_346, %ge3A_348 : vector<16xi32>
    %lt3A_350 = arith.constant 5120 : i32
    %lt3A_351 = vector.broadcast %lt3A_350 : i32 to vector<16xi32>
    %lt3A_352 = arith.cmpi slt, %sub3A_346, %lt3A_351 : vector<16xi32>
    %and3A_353 = arith.andi %ge3A_349, %lt3A_352 : vector<16xi1>
    %jit3A_354 = arith.constant 5120 : i32
    %broadcast_in_dim3A_355 = vector.broadcast %jit3A_354 : i32 to vector<16xi32>
    %select_n3A_356 = arith.select %and3A_353, %sub3A_346, %broadcast_in_dim3A_355 : vector<16xi1>, vector<16xi32>
    %swap3A_357 = arith.constant 0 : i32
    %swap3A_358 = arith.index_cast %swap3A_357 : i32 to index
    %swap3A_359 = arith.constant 64 : index
    %swap3A_360 = tpu.vector_load %arg13[%swap3A_358, %swap3A_359] {strides = array<i32>} : memref<2x80xi32, #tpu.memory_space<vmem>>, vector<1x16xi32>,
    %swap3A_361 = vector.shape_cast %swap3A_360 : vector<1x16xi32> to vector<16xi32>
    %swap3A_362 = vector.shape_cast %select_n3A_356 : vector<16xi32> to vector<1x16xi32>
    tpu.vector_store %arg13[%swap3A_358, %swap3A_359], %swap3A_362 {strides = array<i32>} : memref<2x80xi32, #tpu.memory_space<vmem>>, vector<1x16xi32>,
    %dma_start3A_363 = arith.constant 0 : i32
    %dma_start3A_364 = arith.constant 0 : i32
    %dma_start3A_365 = arith.constant 0 : i32
    %dma_start3A_366 = tpu.memref_slice %arg14[%dma_start3A_364, %dma_start3A_365] : memref<160x128xf32, #tpu.memory_space<vmem>> -> memref<80x128xf32, #tpu.memory_space<vmem>>
    %dma_start3A_367 = arith.constant 0 : i32
    %dma_start3A_368 = tpu.memref_slice %arg13[%dma_start3A_363, %dma_start3A_367] : memref<2x80xi32, #tpu.memory_space<vmem>> -> memref<1x80xi32, #tpu.memory_space<vmem>>
    %dma_start3A_369 = tpu.memref_squeeze %dma_start3A_368 : memref<1x80xi32, #tpu.memory_space<vmem>> -> memref<80xi32, #tpu.memory_space<vmem>>
    %dma_start3A_370 = arith.constant 0 : i32
    %dma_start3A_371 = arith.constant 0 : i32
    %dma_start3A_372 = tpu.memref_slice %arg9[%dma_start3A_370, %dma_start3A_371] : memref<5136x128xf32, #tpu.memory_space<vmem_shared>> -> memref<5136x128xf32, #tpu.memory_space<vmem_shared>>
    tpu.enqueue_indirect_dma source(%dma_start3A_372 : memref<5136x128xf32, #tpu.memory_space<vmem_shared>>) target(%dma_start3A_366 : memref<80x128xf32, #tpu.memory_space<vmem>>) offsets(%dma_start3A_369 : memref<80xi32, #tpu.memory_space<vmem>>) semaphore(%arg16 : memref<!tpu.dma_semaphore, #tpu.memory_space<semaphore_mem>>)
    %dma_wait3A = arith.constant 0 : i32
    %dma_wait3A_373 = arith.constant 0 : i32
    %dma_wait3A_374 = arith.constant 0 : i32
    %dma_wait3A_375 = tpu.memref_slice %arg14[%dma_wait3A_373, %dma_wait3A_374] : memref<160x128xf32, #tpu.memory_space<vmem>> -> memref<80x128xf32, #tpu.memory_space<vmem>>
    %dma_wait3A_376 = arith.constant 0 : i32
    %dma_wait3A_377 = tpu.memref_slice %arg13[%dma_wait3A, %dma_wait3A_376] : memref<2x80xi32, #tpu.memory_space<vmem>> -> memref<1x80xi32, #tpu.memory_space<vmem>>
    %dma_wait3A_378 = tpu.memref_squeeze %dma_wait3A_377 : memref<1x80xi32, #tpu.memory_space<vmem>> -> memref<80xi32, #tpu.memory_space<vmem>>
    %dma_wait3A_379 = arith.constant 0 : i32
    %dma_wait3A_380 = arith.constant 0 : i32
    %dma_wait3A_381 = tpu.memref_slice %arg9[%dma_wait3A_379, %dma_wait3A_380] : memref<5136x128xf32, #tpu.memory_space<vmem_shared>> -> memref<5136x128xf32, #tpu.memory_space<vmem_shared>>
    tpu.wait_indirect_dma semaphore(%arg16 : memref<!tpu.dma_semaphore, #tpu.memory_space<semaphore_mem>>) src(%dma_wait3A_381 : memref<5136x128xf32, #tpu.memory_space<vmem_shared>>) dst(%dma_wait3A_375 : memref<80x128xf32, #tpu.memory_space<vmem>>)
    %get3A_382 = arith.constant 1 : i32
    %get3A_383 = arith.index_cast %get3A_382 : i32 to index
    %get3A_384 = arith.constant 0 : index
    %get3A_385 = tpu.vector_load %arg13[%get3A_383, %get3A_384] {strides = array<i32>} : memref<2x80xi32, #tpu.memory_space<vmem>>, vector<1x16xi32>,
    %get3A_386 = vector.shape_cast %get3A_385 : vector<1x16xi32> to vector<16xi32>
    %sub3A_387 = vector.broadcast %mul3A_0 : i32 to vector<16xi32>
    %sub3A_388 = arith.subi %get3A_386, %sub3A_387 : vector<16xi32>
    %ge3A_389 = arith.constant 0 : i32
    %ge3A_390 = vector.broadcast %ge3A_389 : i32 to vector<16xi32>
    %ge3A_391 = arith.cmpi sge, %sub3A_388, %ge3A_390 : vector<16xi32>
    %lt3A_392 = arith.constant 5120 : i32
    %lt3A_393 = vector.broadcast %lt3A_392 : i32 to vector<16xi32>
    %lt3A_394 = arith.cmpi slt, %sub3A_388, %lt3A_393 : vector<16xi32>
    %and3A_395 = arith.andi %ge3A_391, %lt3A_394 : vector<16xi1>
    %jit3A_396 = arith.constant 5120 : i32
    %broadcast_in_dim3A_397 = vector.broadcast %jit3A_396 : i32 to vector<16xi32>
    %select_n3A_398 = arith.select %and3A_395, %sub3A_388, %broadcast_in_dim3A_397 : vector<16xi1>, vector<16xi32>
    %swap3A_399 = arith.constant 1 : i32
    %swap3A_400 = arith.index_cast %swap3A_399 : i32 to index
    %swap3A_401 = arith.constant 0 : index
    %swap3A_402 = tpu.vector_load %arg13[%swap3A_400, %swap3A_401] {strides = array<i32>} : memref<2x80xi32, #tpu.memory_space<vmem>>, vector<1x16xi32>,
    %swap3A_403 = vector.shape_cast %swap3A_402 : vector<1x16xi32> to vector<16xi32>
    %swap3A_404 = vector.shape_cast %select_n3A_398 : vector<16xi32> to vector<1x16xi32>
    tpu.vector_store %arg13[%swap3A_400, %swap3A_401], %swap3A_404 {strides = array<i32>} : memref<2x80xi32, #tpu.memory_space<vmem>>, vector<1x16xi32>,
    %get3A_405 = arith.constant 1 : i32
    %get3A_406 = arith.index_cast %get3A_405 : i32 to index
    %get3A_407 = arith.constant 16 : index
    %get3A_408 = tpu.vector_load %arg13[%get3A_406, %get3A_407] {strides = array<i32>} : memref<2x80xi32, #tpu.memory_space<vmem>>, vector<1x16xi32>,
    %get3A_409 = vector.shape_cast %get3A_408 : vector<1x16xi32> to vector<16xi32>
    %sub3A_410 = vector.broadcast %mul3A_0 : i32 to vector<16xi32>
    %sub3A_411 = arith.subi %get3A_409, %sub3A_410 : vector<16xi32>
    %ge3A_412 = arith.constant 0 : i32
    %ge3A_413 = vector.broadcast %ge3A_412 : i32 to vector<16xi32>
    %ge3A_414 = arith.cmpi sge, %sub3A_411, %ge3A_413 : vector<16xi32>
    %lt3A_415 = arith.constant 5120 : i32
    %lt3A_416 = vector.broadcast %lt3A_415 : i32 to vector<16xi32>
    %lt3A_417 = arith.cmpi slt, %sub3A_411, %lt3A_416 : vector<16xi32>
    %and3A_418 = arith.andi %ge3A_414, %lt3A_417 : vector<16xi1>
    %jit3A_419 = arith.constant 5120 : i32
    %broadcast_in_dim3A_420 = vector.broadcast %jit3A_419 : i32 to vector<16xi32>
    %select_n3A_421 = arith.select %and3A_418, %sub3A_411, %broadcast_in_dim3A_420 : vector<16xi1>, vector<16xi32>
    %swap3A_422 = arith.constant 1 : i32
    %swap3A_423 = arith.index_cast %swap3A_422 : i32 to index
    %swap3A_424 = arith.constant 16 : index
    %swap3A_425 = tpu.vector_load %arg13[%swap3A_423, %swap3A_424] {strides = array<i32>} : memref<2x80xi32, #tpu.memory_space<vmem>>, vector<1x16xi32>,
    %swap3A_426 = vector.shape_cast %swap3A_425 : vector<1x16xi32> to vector<16xi32>
    %swap3A_427 = vector.shape_cast %select_n3A_421 : vector<16xi32> to vector<1x16xi32>
    tpu.vector_store %arg13[%swap3A_423, %swap3A_424], %swap3A_427 {strides = array<i32>} : memref<2x80xi32, #tpu.memory_space<vmem>>, vector<1x16xi32>,
    %get3A_428 = arith.constant 1 : i32
    %get3A_429 = arith.index_cast %get3A_428 : i32 to index
    %get3A_430 = arith.constant 32 : index
    %get3A_431 = tpu.vector_load %arg13[%get3A_429, %get3A_430] {strides = array<i32>} : memref<2x80xi32, #tpu.memory_space<vmem>>, vector<1x16xi32>,
    %get3A_432 = vector.shape_cast %get3A_431 : vector<1x16xi32> to vector<16xi32>
    %sub3A_433 = vector.broadcast %mul3A_0 : i32 to vector<16xi32>
    %sub3A_434 = arith.subi %get3A_432, %sub3A_433 : vector<16xi32>
    %ge3A_435 = arith.constant 0 : i32
    %ge3A_436 = vector.broadcast %ge3A_435 : i32 to vector<16xi32>
    %ge3A_437 = arith.cmpi sge, %sub3A_434, %ge3A_436 : vector<16xi32>
    %lt3A_438 = arith.constant 5120 : i32
    %lt3A_439 = vector.broadcast %lt3A_438 : i32 to vector<16xi32>
    %lt3A_440 = arith.cmpi slt, %sub3A_434, %lt3A_439 : vector<16xi32>
    %and3A_441 = arith.andi %ge3A_437, %lt3A_440 : vector<16xi1>
    %jit3A_442 = arith.constant 5120 : i32
    %broadcast_in_dim3A_443 = vector.broadcast %jit3A_442 : i32 to vector<16xi32>
    %select_n3A_444 = arith.select %and3A_441, %sub3A_434, %broadcast_in_dim3A_443 : vector<16xi1>, vector<16xi32>
    %swap3A_445 = arith.constant 1 : i32
    %swap3A_446 = arith.index_cast %swap3A_445 : i32 to index
    %swap3A_447 = arith.constant 32 : index
    %swap3A_448 = tpu.vector_load %arg13[%swap3A_446, %swap3A_447] {strides = array<i32>} : memref<2x80xi32, #tpu.memory_space<vmem>>, vector<1x16xi32>,
    %swap3A_449 = vector.shape_cast %swap3A_448 : vector<1x16xi32> to vector<16xi32>
    %swap3A_450 = vector.shape_cast %select_n3A_444 : vector<16xi32> to vector<1x16xi32>
    tpu.vector_store %arg13[%swap3A_446, %swap3A_447], %swap3A_450 {strides = array<i32>} : memref<2x80xi32, #tpu.memory_space<vmem>>, vector<1x16xi32>,
    %get3A_451 = arith.constant 1 : i32
    %get3A_452 = arith.index_cast %get3A_451 : i32 to index
    %get3A_453 = arith.constant 48 : index
    %get3A_454 = tpu.vector_load %arg13[%get3A_452, %get3A_453] {strides = array<i32>} : memref<2x80xi32, #tpu.memory_space<vmem>>, vector<1x16xi32>,
    %get3A_455 = vector.shape_cast %get3A_454 : vector<1x16xi32> to vector<16xi32>
    %sub3A_456 = vector.broadcast %mul3A_0 : i32 to vector<16xi32>
    %sub3A_457 = arith.subi %get3A_455, %sub3A_456 : vector<16xi32>
    %ge3A_458 = arith.constant 0 : i32
    %ge3A_459 = vector.broadcast %ge3A_458 : i32 to vector<16xi32>
    %ge3A_460 = arith.cmpi sge, %sub3A_457, %ge3A_459 : vector<16xi32>
    %lt3A_461 = arith.constant 5120 : i32
    %lt3A_462 = vector.broadcast %lt3A_461 : i32 to vector<16xi32>
    %lt3A_463 = arith.cmpi slt, %sub3A_457, %lt3A_462 : vector<16xi32>
    %and3A_464 = arith.andi %ge3A_460, %lt3A_463 : vector<16xi1>
    %jit3A_465 = arith.constant 5120 : i32
    %broadcast_in_dim3A_466 = vector.broadcast %jit3A_465 : i32 to vector<16xi32>
    %select_n3A_467 = arith.select %and3A_464, %sub3A_457, %broadcast_in_dim3A_466 : vector<16xi1>, vector<16xi32>
    %swap3A_468 = arith.constant 1 : i32
    %swap3A_469 = arith.index_cast %swap3A_468 : i32 to index
    %swap3A_470 = arith.constant 48 : index
    %swap3A_471 = tpu.vector_load %arg13[%swap3A_469, %swap3A_470] {strides = array<i32>} : memref<2x80xi32, #tpu.memory_space<vmem>>, vector<1x16xi32>,
    %swap3A_472 = vector.shape_cast %swap3A_471 : vector<1x16xi32> to vector<16xi32>
    %swap3A_473 = vector.shape_cast %select_n3A_467 : vector<16xi32> to vector<1x16xi32>
    tpu.vector_store %arg13[%swap3A_469, %swap3A_470], %swap3A_473 {strides = array<i32>} : memref<2x80xi32, #tpu.memory_space<vmem>>, vector<1x16xi32>,
    %get3A_474 = arith.constant 1 : i32
    %get3A_475 = arith.index_cast %get3A_474 : i32 to index
    %get3A_476 = arith.constant 64 : index
    %get3A_477 = tpu.vector_load %arg13[%get3A_475, %get3A_476] {strides = array<i32>} : memref<2x80xi32, #tpu.memory_space<vmem>>, vector<1x16xi32>,
    %get3A_478 = vector.shape_cast %get3A_477 : vector<1x16xi32> to vector<16xi32>
    %sub3A_479 = vector.broadcast %mul3A_0 : i32 to vector<16xi32>
    %sub3A_480 = arith.subi %get3A_478, %sub3A_479 : vector<16xi32>
    %ge3A_481 = arith.constant 0 : i32
    %ge3A_482 = vector.broadcast %ge3A_481 : i32 to vector<16xi32>
    %ge3A_483 = arith.cmpi sge, %sub3A_480, %ge3A_482 : vector<16xi32>
    %lt3A_484 = arith.constant 5120 : i32
    %lt3A_485 = vector.broadcast %lt3A_484 : i32 to vector<16xi32>
    %lt3A_486 = arith.cmpi slt, %sub3A_480, %lt3A_485 : vector<16xi32>
    %and3A_487 = arith.andi %ge3A_483, %lt3A_486 : vector<16xi1>
    %jit3A_488 = arith.constant 5120 : i32
    %broadcast_in_dim3A_489 = vector.broadcast %jit3A_488 : i32 to vector<16xi32>
    %select_n3A_490 = arith.select %and3A_487, %sub3A_480, %broadcast_in_dim3A_489 : vector<16xi1>, vector<16xi32>
    %swap3A_491 = arith.constant 1 : i32
    %swap3A_492 = arith.index_cast %swap3A_491 : i32 to index
    %swap3A_493 = arith.constant 64 : index
    %swap3A_494 = tpu.vector_load %arg13[%swap3A_492, %swap3A_493] {strides = array<i32>} : memref<2x80xi32, #tpu.memory_space<vmem>>, vector<1x16xi32>,
    %swap3A_495 = vector.shape_cast %swap3A_494 : vector<1x16xi32> to vector<16xi32>
    %swap3A_496 = vector.shape_cast %select_n3A_490 : vector<16xi32> to vector<1x16xi32>
    tpu.vector_store %arg13[%swap3A_492, %swap3A_493], %swap3A_496 {strides = array<i32>} : memref<2x80xi32, #tpu.memory_space<vmem>>, vector<1x16xi32>,
    %dma_start3A_497 = arith.constant 1 : i32
    %dma_start3A_498 = arith.constant 80 : i32
    %dma_start3A_499 = arith.constant 0 : i32
    %dma_start3A_500 = tpu.memref_slice %arg14[%dma_start3A_498, %dma_start3A_499] : memref<160x128xf32, #tpu.memory_space<vmem>> -> memref<80x128xf32, #tpu.memory_space<vmem>>
    %dma_start3A_501 = arith.constant 0 : i32
    %dma_start3A_502 = tpu.memref_slice %arg13[%dma_start3A_497, %dma_start3A_501] : memref<2x80xi32, #tpu.memory_space<vmem>> -> memref<1x80xi32, #tpu.memory_space<vmem>>
    %dma_start3A_503 = tpu.memref_squeeze %dma_start3A_502 : memref<1x80xi32, #tpu.memory_space<vmem>> -> memref<80xi32, #tpu.memory_space<vmem>>
    %dma_start3A_504 = arith.constant 0 : i32
    %dma_start3A_505 = arith.constant 0 : i32
    %dma_start3A_506 = tpu.memref_slice %arg9[%dma_start3A_504, %dma_start3A_505] : memref<5136x128xf32, #tpu.memory_space<vmem_shared>> -> memref<5136x128xf32, #tpu.memory_space<vmem_shared>>
    tpu.enqueue_indirect_dma source(%dma_start3A_506 : memref<5136x128xf32, #tpu.memory_space<vmem_shared>>) target(%dma_start3A_500 : memref<80x128xf32, #tpu.memory_space<vmem>>) offsets(%dma_start3A_503 : memref<80xi32, #tpu.memory_space<vmem>>) semaphore(%arg16 : memref<!tpu.dma_semaphore, #tpu.memory_space<semaphore_mem>>)
    %dma_wait3A_507 = arith.constant 1 : i32
    %dma_wait3A_508 = arith.constant 80 : i32
    %dma_wait3A_509 = arith.constant 0 : i32
    %dma_wait3A_510 = tpu.memref_slice %arg14[%dma_wait3A_508, %dma_wait3A_509] : memref<160x128xf32, #tpu.memory_space<vmem>> -> memref<80x128xf32, #tpu.memory_space<vmem>>
    %dma_wait3A_511 = arith.constant 0 : i32
    %dma_wait3A_512 = tpu.memref_slice %arg13[%dma_wait3A_507, %dma_wait3A_511] : memref<2x80xi32, #tpu.memory_space<vmem>> -> memref<1x80xi32, #tpu.memory_space<vmem>>
    %dma_wait3A_513 = tpu.memref_squeeze %dma_wait3A_512 : memref<1x80xi32, #tpu.memory_space<vmem>> -> memref<80xi32, #tpu.memory_space<vmem>>
    %dma_wait3A_514 = arith.constant 0 : i32
    %dma_wait3A_515 = arith.constant 0 : i32
    %dma_wait3A_516 = tpu.memref_slice %arg9[%dma_wait3A_514, %dma_wait3A_515] : memref<5136x128xf32, #tpu.memory_space<vmem_shared>> -> memref<5136x128xf32, #tpu.memory_space<vmem_shared>>
    tpu.wait_indirect_dma semaphore(%arg16 : memref<!tpu.dma_semaphore, #tpu.memory_space<semaphore_mem>>) src(%dma_wait3A_516 : memref<5136x128xf32, #tpu.memory_space<vmem_shared>>) dst(%dma_wait3A_510 : memref<80x128xf32, #tpu.memory_space<vmem>>)
    %eq3A_517 = arith.constant 0 : i32
    %eq3A_518 = arith.cmpi eq, %arg0, %eq3A_517 : i32
    %convert_element_type3A_519 = arith.extui %eq3A_518 : i1 to i32
    %cond3A_520 = arith.constant 0 : i32
    %cond3A_521 = arith.cmpi ne, %convert_element_type3A_519, %cond3A_520 : i32
    scf.if %cond3A_521 {
      %mul3A_531 = arith.constant 2 : i32
      %mul3A_532 = arith.muli %arg1, %mul3A_531 : i32
      %mul3A_533 = arith.constant 80 : i32
      %mul3A_534 = arith.muli %mul3A_532, %mul3A_533 : i32
      "tpu.region"() ({
        %run_scoped3A_535 = tpu.sem_alloc : memref<!tpu.dma_semaphore, #tpu.memory_space<semaphore_mem>>
        %dma_start3A_536 = arith.constant 0 : i32
        %dma_start3A_537 = tpu.memref_slice %arg7[%mul3A_534, %dma_start3A_536] : memref<2560x128xf32, #tpu.memory_space<hbm>> -> memref<160x128xf32, #tpu.memory_space<hbm>>
        %dma_start3A_538 = arith.constant 0 : i32
        %dma_start3A_539 = tpu.memref_slice %arg7[%mul3A_534, %dma_start3A_538] : memref<2560x128xf32, #tpu.memory_space<hbm>> -> memref<160x128xf32, #tpu.memory_space<hbm>>
        tpu.enqueue_dma source(%arg14 : memref<160x128xf32, #tpu.memory_space<vmem>>) target(%dma_start3A_539 : memref<160x128xf32, #tpu.memory_space<hbm>>) target_semaphore(%run_scoped3A_535 : memref<!tpu.dma_semaphore, #tpu.memory_space<semaphore_mem>>)
        %dma_wait3A_540 = arith.constant 0 : i32
        %dma_wait3A_541 = tpu.memref_slice %arg7[%mul3A_534, %dma_wait3A_540] : memref<2560x128xf32, #tpu.memory_space<hbm>> -> memref<160x128xf32, #tpu.memory_space<hbm>>
        %dma_wait3A_542 = arith.constant 0 : i32
        %dma_wait3A_543 = tpu.memref_slice %arg7[%mul3A_534, %dma_wait3A_542] : memref<2560x128xf32, #tpu.memory_space<hbm>> -> memref<160x128xf32, #tpu.memory_space<hbm>>
        tpu.wait_dma2 semaphore(%run_scoped3A_535 : memref<!tpu.dma_semaphore, #tpu.memory_space<semaphore_mem>>) src(%arg14 : memref<160x128xf32, #tpu.memory_space<vmem>>) dst(%dma_wait3A_543 : memref<160x128xf32, #tpu.memory_space<hbm>>)
        tpu.yield
      }) : () -> ()
    } else {
    }
    %eq3A_522 = arith.constant 1 : i32
    %eq3A_523 = arith.cmpi eq, %arg0, %eq3A_522 : i32
    %convert_element_type3A_524 = arith.extui %eq3A_523 : i1 to i32
    %cond3A_525 = arith.constant 0 : i32
    %cond3A_526 = arith.cmpi ne, %convert_element_type3A_524, %cond3A_525 : i32
    scf.if %cond3A_526 {
      %mul3A_531 = arith.constant 2 : i32
      %mul3A_532 = arith.muli %arg1, %mul3A_531 : i32
      %mul3A_533 = arith.constant 80 : i32
      %mul3A_534 = arith.muli %mul3A_532, %mul3A_533 : i32
      "tpu.region"() ({
        %run_scoped3A_535 = tpu.sem_alloc : memref<!tpu.dma_semaphore, #tpu.memory_space<semaphore_mem>>
        %dma_start3A_536 = arith.constant 0 : i32
        %dma_start3A_537 = tpu.memref_slice %arg8[%mul3A_534, %dma_start3A_536] : memref<2560x128xf32, #tpu.memory_space<hbm>> -> memref<160x128xf32, #tpu.memory_space<hbm>>
        %dma_start3A_538 = arith.constant 0 : i32
        %dma_start3A_539 = tpu.memref_slice %arg8[%mul3A_534, %dma_start3A_538] : memref<2560x128xf32, #tpu.memory_space<hbm>> -> memref<160x128xf32, #tpu.memory_space<hbm>>
        tpu.enqueue_dma source(%arg14 : memref<160x128xf32, #tpu.memory_space<vmem>>) target(%dma_start3A_539 : memref<160x128xf32, #tpu.memory_space<hbm>>) target_semaphore(%run_scoped3A_535 : memref<!tpu.dma_semaphore, #tpu.memory_space<semaphore_mem>>)
        %dma_wait3A_540 = arith.constant 0 : i32
        %dma_wait3A_541 = tpu.memref_slice %arg8[%mul3A_534, %dma_wait3A_540] : memref<2560x128xf32, #tpu.memory_space<hbm>> -> memref<160x128xf32, #tpu.memory_space<hbm>>
        %dma_wait3A_542 = arith.constant 0 : i32
        %dma_wait3A_543 = tpu.memref_slice %arg8[%mul3A_534, %dma_wait3A_542] : memref<2560x128xf32, #tpu.memory_space<hbm>> -> memref<160x128xf32, #tpu.memory_space<hbm>>
        tpu.wait_dma2 semaphore(%run_scoped3A_535 : memref<!tpu.dma_semaphore, #tpu.memory_space<semaphore_mem>>) src(%arg14 : memref<160x128xf32, #tpu.memory_space<vmem>>) dst(%dma_wait3A_543 : memref<160x128xf32, #tpu.memory_space<hbm>>)
        tpu.yield
      }) : () -> ()
    } else {
    }
    %dma_wait3A_527 = arith.constant 0 : i32
    %dma_wait3A_528 = tpu.memref_slice %arg6[%add3A_244, %dma_wait3A_527] : memref<10240x128xf32, #tpu.memory_space<hbm>> -> memref<320x128xf32, #tpu.memory_space<hbm>>
    %dma_wait3A_529 = arith.constant 0 : i32
    %dma_wait3A_530 = tpu.memref_slice %arg9[%mul3A_2, %dma_wait3A_529] : memref<5136x128xf32, #tpu.memory_space<vmem_shared>> -> memref<320x128xf32, #tpu.memory_space<vmem_shared>>
    tpu.wait_dma2 semaphore(%arg12 : memref<!tpu.dma_semaphore, #tpu.memory_space<semaphore_mem>>) src(%dma_wait3A_530 : memref<320x128xf32, #tpu.memory_space<vmem_shared>>) dst(%dma_wait3A_528 : memref<320x128xf32, #tpu.memory_space<hbm>>)
    return
  }
}

#map = affine_map<(d0, d1) -> (0, 0)>
#map1 = affine_map<(d0, d1) -> (0, 0, 0)>
module attributes {stable_mosaic.version = 14 : i64} {
  func.func @sk(%arg0: i32, %arg1: i32, %arg2: memref<10240x128xf32, #tpu.memory_space<hbm>>, %arg3: memref<2560x128xf32, #tpu.memory_space<hbm>>, %arg4: memref<16x2x80xi32, #tpu.memory_space<hbm>>, %arg5: memref<16x2x80xi32, #tpu.memory_space<hbm>>, %arg6: memref<10240x128xf32, #tpu.memory_space<hbm>>, %arg7: memref<2560x128xf32, #tpu.memory_space<hbm>>, %arg8: memref<2560x128xf32, #tpu.memory_space<hbm>>, %arg9: memref<5136x128xf32, #tpu.memory_space<vmem_shared>>, %arg10: memref<2x80xi32, #tpu.memory_space<vmem>>, %arg11: memref<2x80x128xf32, #tpu.memory_space<vmem>>, %arg12: memref<!tpu.dma_semaphore, #tpu.memory_space<semaphore_mem>>, %arg13: memref<2x80xi32, #tpu.memory_space<vmem>>, %arg14: memref<160x128xf32, #tpu.memory_space<vmem>>, %arg15: memref<8x128xf32, #tpu.memory_space<vmem>>, %arg16: memref<!tpu.dma_semaphore, #tpu.memory_space<semaphore_mem>>) attributes {dimension_semantics = [#tpu.dimension_semantics<core_parallel>, #tpu.dimension_semantics<subcore_parallel>], iteration_bounds = array<i64: 2, 16>, scalar_prefetch = 0 : i64, scratch_operands = 8 : i64, tpu.core_type = #tpu.core_type<sc_vector_subcore>, window_params = [{transform_indices = #map}, {transform_indices = #map}, {transform_indices = #map1}, {transform_indices = #map1}, {transform_indices = #map}, {transform_indices = #map}, {transform_indices = #map}]} {
    %mul3A = arith.constant 5120 : i32
    %mul3A_0 = arith.muli %arg0, %mul3A : i32
    %mul3A_1 = arith.constant 320 : i32
    %mul3A_2 = arith.muli %arg1, %mul3A_1 : i32
    %add3A = arith.addi %mul3A_0, %mul3A_2 : i32
    "tpu.region"() ({
      %run_scoped3A_531 = tpu.sem_alloc : memref<!tpu.dma_semaphore, #tpu.memory_space<semaphore_mem>>
      %dma_start3A_532 = arith.constant 0 : i32
      %dma_start3A_533 = tpu.memref_slice %arg9[%mul3A_2, %dma_start3A_532] : memref<5136x128xf32, #tpu.memory_space<vmem_shared>> -> memref<320x128xf32, #tpu.memory_space<vmem_shared>>
      %dma_start3A_534 = arith.constant 0 : i32
      %dma_start3A_535 = tpu.memref_slice %arg2[%add3A, %dma_start3A_534] : memref<10240x128xf32, #tpu.memory_space<hbm>> -> memref<320x128xf32, #tpu.memory_space<hbm>>
      tpu.enqueue_dma source(%dma_start3A_535 : memref<320x128xf32, #tpu.memory_space<hbm>>) target(%dma_start3A_533 : memref<320x128xf32, #tpu.memory_space<vmem_shared>>) target_semaphore(%run_scoped3A_531 : memref<!tpu.dma_semaphore, #tpu.memory_space<semaphore_mem>>)
      %dma_wait3A_536 = arith.constant 0 : i32
      %dma_wait3A_537 = tpu.memref_slice %arg9[%mul3A_2, %dma_wait3A_536] : memref<5136x128xf32, #tpu.memory_space<vmem_shared>> -> memref<320x128xf32, #tpu.memory_space<vmem_shared>>
      %dma_wait3A_538 = arith.constant 0 : i32
      %dma_wait3A_539 = tpu.memref_slice %arg2[%add3A, %dma_wait3A_538] : memref<10240x128xf32, #tpu.memory_space<hbm>> -> memref<320x128xf32, #tpu.memory_space<hbm>>
      tpu.wait_dma2 semaphore(%run_scoped3A_531 : memref<!tpu.dma_semaphore, #tpu.memory_space<semaphore_mem>>) src(%dma_wait3A_539 : memref<320x128xf32, #tpu.memory_space<hbm>>) dst(%dma_wait3A_537 : memref<320x128xf32, #tpu.memory_space<vmem_shared>>)
      tpu.yield
    }) : () -> ()
    "tpu.region"() ({
      %run_scoped3A_531 = tpu.sem_alloc : memref<!tpu.dma_semaphore, #tpu.memory_space<semaphore_mem>>
      %dma_start3A_532 = arith.constant 0 : i32
      %dma_start3A_533 = arith.constant 0 : i32
      %dma_start3A_534 = tpu.memref_slice %arg4[%arg1, %dma_start3A_532, %dma_start3A_533] : memref<16x2x80xi32, #tpu.memory_space<hbm>> -> memref<1x2x80xi32, #tpu.memory_space<hbm>>
      %dma_start3A_535 = tpu.memref_squeeze %dma_start3A_534 : memref<1x2x80xi32, #tpu.memory_space<hbm>> -> memref<2x80xi32, #tpu.memory_space<hbm>>
      %dma_start3A_536 = arith.constant 0 : i32
      %dma_start3A_537 = arith.constant 0 : i32
      %dma_start3A_538 = tpu.memref_slice %arg4[%arg1, %dma_start3A_536, %dma_start3A_537] : memref<16x2x80xi32, #tpu.memory_space<hbm>> -> memref<1x2x80xi32, #tpu.memory_space<hbm>>
      %dma_start3A_539 = tpu.memref_squeeze %dma_start3A_538 : memref<1x2x80xi32, #tpu.memory_space<hbm>> -> memref<2x80xi32, #tpu.memory_space<hbm>>
      tpu.enqueue_dma source(%dma_start3A_539 : memref<2x80xi32, #tpu.memory_space<hbm>>) target(%arg10 : memref<2x80xi32, #tpu.memory_space<vmem>>) target_semaphore(%run_scoped3A_531 : memref<!tpu.dma_semaphore, #tpu.memory_space<semaphore_mem>>)
      %dma_wait3A_540 = arith.constant 0 : i32
      %dma_wait3A_541 = arith.constant 0 : i32
      %dma_wait3A_542 = tpu.memref_slice %arg4[%arg1, %dma_wait3A_540, %dma_wait3A_541] : memref<16x2x80xi32, #tpu.memory_space<hbm>> -> memref<1x2x80xi32, #tpu.memory_space<hbm>>
      %dma_wait3A_543 = tpu.memref_squeeze %dma_wait3A_542 : memref<1x2x80xi32, #tpu.memory_space<hbm>> -> memref<2x80xi32, #tpu.memory_space<hbm>>
      %dma_wait3A_544 = arith.constant 0 : i32
      %dma_wait3A_545 = arith.constant 0 : i32
      %dma_wait3A_546 = tpu.memref_slice %arg4[%arg1, %dma_wait3A_544, %dma_wait3A_545] : memref<16x2x80xi32, #tpu.memory_space<hbm>> -> memref<1x2x80xi32, #tpu.memory_space<hbm>>
      %dma_wait3A_547 = tpu.memref_squeeze %dma_wait3A_546 : memref<1x2x80xi32, #tpu.memory_space<hbm>> -> memref<2x80xi32, #tpu.memory_space<hbm>>
      tpu.wait_dma2 semaphore(%run_scoped3A_531 : memref<!tpu.dma_semaphore, #tpu.memory_space<semaphore_mem>>) src(%dma_wait3A_547 : memref<2x80xi32, #tpu.memory_space<hbm>>) dst(%arg10 : memref<2x80xi32, #tpu.memory_space<vmem>>)
      tpu.yield
    }) : () -> ()
    %get3A = arith.constant 0 : i32
    %get3A_3 = arith.index_cast %get3A : i32 to index
    %get3A_4 = arith.constant 0 : index
    %get3A_5 = tpu.vector_load %arg10[%get3A_3, %get3A_4] {strides = array<i32>} : memref<2x80xi32, #tpu.memory_space<vmem>>, vector<1x16xi32>,
    %get3A_6 = vector.shape_cast %get3A_5 : vector<1x16xi32> to vector<16xi32>
    %sub3A = vector.broadcast %mul3A_0 : i32 to vector<16xi32>
    %sub3A_7 = arith.subi %get3A_6, %sub3A : vector<16xi32>
    %ge3A = arith.constant 0 : i32
    %ge3A_8 = vector.broadcast %ge3A : i32 to vector<16xi32>
    %ge3A_9 = arith.cmpi sge, %sub3A_7, %ge3A_8 : vector<16xi32>
    %lt3A = arith.constant 5120 : i32
    %lt3A_10 = vector.broadcast %lt3A : i32 to vector<16xi32>
    %lt3A_11 = arith.cmpi slt, %sub3A_7, %lt3A_10 : vector<16xi32>
    %and3A = arith.andi %ge3A_9, %lt3A_11 : vector<16xi1>
    %jit3A = arith.constant 5128 : i32
    %broadcast_in_dim3A = vector.broadcast %jit3A : i32 to vector<16xi32>
    %select_n3A = arith.select %and3A, %sub3A_7, %broadcast_in_dim3A : vector<16xi1>, vector<16xi32>
    %swap3A = arith.constant 0 : i32
    %swap3A_12 = arith.index_cast %swap3A : i32 to index
    %swap3A_13 = arith.constant 0 : index
    %swap3A_14 = tpu.vector_load %arg10[%swap3A_12, %swap3A_13] {strides = array<i32>} : memref<2x80xi32, #tpu.memory_space<vmem>>, vector<1x16xi32>,
    %swap3A_15 = vector.shape_cast %swap3A_14 : vector<1x16xi32> to vector<16xi32>
    %swap3A_16 = vector.shape_cast %select_n3A : vector<16xi32> to vector<1x16xi32>
    tpu.vector_store %arg10[%swap3A_12, %swap3A_13], %swap3A_16 {strides = array<i32>} : memref<2x80xi32, #tpu.memory_space<vmem>>, vector<1x16xi32>,
    %get3A_17 = arith.constant 0 : i32
    %get3A_18 = arith.index_cast %get3A_17 : i32 to index
    %get3A_19 = arith.constant 16 : index
    %get3A_20 = tpu.vector_load %arg10[%get3A_18, %get3A_19] {strides = array<i32>} : memref<2x80xi32, #tpu.memory_space<vmem>>, vector<1x16xi32>,
    %get3A_21 = vector.shape_cast %get3A_20 : vector<1x16xi32> to vector<16xi32>
    %sub3A_22 = vector.broadcast %mul3A_0 : i32 to vector<16xi32>
    %sub3A_23 = arith.subi %get3A_21, %sub3A_22 : vector<16xi32>
    %ge3A_24 = arith.constant 0 : i32
    %ge3A_25 = vector.broadcast %ge3A_24 : i32 to vector<16xi32>
    %ge3A_26 = arith.cmpi sge, %sub3A_23, %ge3A_25 : vector<16xi32>
    %lt3A_27 = arith.constant 5120 : i32
    %lt3A_28 = vector.broadcast %lt3A_27 : i32 to vector<16xi32>
    %lt3A_29 = arith.cmpi slt, %sub3A_23, %lt3A_28 : vector<16xi32>
    %and3A_30 = arith.andi %ge3A_26, %lt3A_29 : vector<16xi1>
    %jit3A_31 = arith.constant 5128 : i32
    %broadcast_in_dim3A_32 = vector.broadcast %jit3A_31 : i32 to vector<16xi32>
    %select_n3A_33 = arith.select %and3A_30, %sub3A_23, %broadcast_in_dim3A_32 : vector<16xi1>, vector<16xi32>
    %swap3A_34 = arith.constant 0 : i32
    %swap3A_35 = arith.index_cast %swap3A_34 : i32 to index
    %swap3A_36 = arith.constant 16 : index
    %swap3A_37 = tpu.vector_load %arg10[%swap3A_35, %swap3A_36] {strides = array<i32>} : memref<2x80xi32, #tpu.memory_space<vmem>>, vector<1x16xi32>,
    %swap3A_38 = vector.shape_cast %swap3A_37 : vector<1x16xi32> to vector<16xi32>
    %swap3A_39 = vector.shape_cast %select_n3A_33 : vector<16xi32> to vector<1x16xi32>
    tpu.vector_store %arg10[%swap3A_35, %swap3A_36], %swap3A_39 {strides = array<i32>} : memref<2x80xi32, #tpu.memory_space<vmem>>, vector<1x16xi32>,
    %get3A_40 = arith.constant 0 : i32
    %get3A_41 = arith.index_cast %get3A_40 : i32 to index
    %get3A_42 = arith.constant 32 : index
    %get3A_43 = tpu.vector_load %arg10[%get3A_41, %get3A_42] {strides = array<i32>} : memref<2x80xi32, #tpu.memory_space<vmem>>, vector<1x16xi32>,
    %get3A_44 = vector.shape_cast %get3A_43 : vector<1x16xi32> to vector<16xi32>
    %sub3A_45 = vector.broadcast %mul3A_0 : i32 to vector<16xi32>
    %sub3A_46 = arith.subi %get3A_44, %sub3A_45 : vector<16xi32>
    %ge3A_47 = arith.constant 0 : i32
    %ge3A_48 = vector.broadcast %ge3A_47 : i32 to vector<16xi32>
    %ge3A_49 = arith.cmpi sge, %sub3A_46, %ge3A_48 : vector<16xi32>
    %lt3A_50 = arith.constant 5120 : i32
    %lt3A_51 = vector.broadcast %lt3A_50 : i32 to vector<16xi32>
    %lt3A_52 = arith.cmpi slt, %sub3A_46, %lt3A_51 : vector<16xi32>
    %and3A_53 = arith.andi %ge3A_49, %lt3A_52 : vector<16xi1>
    %jit3A_54 = arith.constant 5128 : i32
    %broadcast_in_dim3A_55 = vector.broadcast %jit3A_54 : i32 to vector<16xi32>
    %select_n3A_56 = arith.select %and3A_53, %sub3A_46, %broadcast_in_dim3A_55 : vector<16xi1>, vector<16xi32>
    %swap3A_57 = arith.constant 0 : i32
    %swap3A_58 = arith.index_cast %swap3A_57 : i32 to index
    %swap3A_59 = arith.constant 32 : index
    %swap3A_60 = tpu.vector_load %arg10[%swap3A_58, %swap3A_59] {strides = array<i32>} : memref<2x80xi32, #tpu.memory_space<vmem>>, vector<1x16xi32>,
    %swap3A_61 = vector.shape_cast %swap3A_60 : vector<1x16xi32> to vector<16xi32>
    %swap3A_62 = vector.shape_cast %select_n3A_56 : vector<16xi32> to vector<1x16xi32>
    tpu.vector_store %arg10[%swap3A_58, %swap3A_59], %swap3A_62 {strides = array<i32>} : memref<2x80xi32, #tpu.memory_space<vmem>>, vector<1x16xi32>,
    %get3A_63 = arith.constant 0 : i32
    %get3A_64 = arith.index_cast %get3A_63 : i32 to index
    %get3A_65 = arith.constant 48 : index
    %get3A_66 = tpu.vector_load %arg10[%get3A_64, %get3A_65] {strides = array<i32>} : memref<2x80xi32, #tpu.memory_space<vmem>>, vector<1x16xi32>,
    %get3A_67 = vector.shape_cast %get3A_66 : vector<1x16xi32> to vector<16xi32>
    %sub3A_68 = vector.broadcast %mul3A_0 : i32 to vector<16xi32>
    %sub3A_69 = arith.subi %get3A_67, %sub3A_68 : vector<16xi32>
    %ge3A_70 = arith.constant 0 : i32
    %ge3A_71 = vector.broadcast %ge3A_70 : i32 to vector<16xi32>
    %ge3A_72 = arith.cmpi sge, %sub3A_69, %ge3A_71 : vector<16xi32>
    %lt3A_73 = arith.constant 5120 : i32
    %lt3A_74 = vector.broadcast %lt3A_73 : i32 to vector<16xi32>
    %lt3A_75 = arith.cmpi slt, %sub3A_69, %lt3A_74 : vector<16xi32>
    %and3A_76 = arith.andi %ge3A_72, %lt3A_75 : vector<16xi1>
    %jit3A_77 = arith.constant 5128 : i32
    %broadcast_in_dim3A_78 = vector.broadcast %jit3A_77 : i32 to vector<16xi32>
    %select_n3A_79 = arith.select %and3A_76, %sub3A_69, %broadcast_in_dim3A_78 : vector<16xi1>, vector<16xi32>
    %swap3A_80 = arith.constant 0 : i32
    %swap3A_81 = arith.index_cast %swap3A_80 : i32 to index
    %swap3A_82 = arith.constant 48 : index
    %swap3A_83 = tpu.vector_load %arg10[%swap3A_81, %swap3A_82] {strides = array<i32>} : memref<2x80xi32, #tpu.memory_space<vmem>>, vector<1x16xi32>,
    %swap3A_84 = vector.shape_cast %swap3A_83 : vector<1x16xi32> to vector<16xi32>
    %swap3A_85 = vector.shape_cast %select_n3A_79 : vector<16xi32> to vector<1x16xi32>
    tpu.vector_store %arg10[%swap3A_81, %swap3A_82], %swap3A_85 {strides = array<i32>} : memref<2x80xi32, #tpu.memory_space<vmem>>, vector<1x16xi32>,
    %get3A_86 = arith.constant 0 : i32
    %get3A_87 = arith.index_cast %get3A_86 : i32 to index
    %get3A_88 = arith.constant 64 : index
    %get3A_89 = tpu.vector_load %arg10[%get3A_87, %get3A_88] {strides = array<i32>} : memref<2x80xi32, #tpu.memory_space<vmem>>, vector<1x16xi32>,
    %get3A_90 = vector.shape_cast %get3A_89 : vector<1x16xi32> to vector<16xi32>
    %sub3A_91 = vector.broadcast %mul3A_0 : i32 to vector<16xi32>
    %sub3A_92 = arith.subi %get3A_90, %sub3A_91 : vector<16xi32>
    %ge3A_93 = arith.constant 0 : i32
    %ge3A_94 = vector.broadcast %ge3A_93 : i32 to vector<16xi32>
    %ge3A_95 = arith.cmpi sge, %sub3A_92, %ge3A_94 : vector<16xi32>
    %lt3A_96 = arith.constant 5120 : i32
    %lt3A_97 = vector.broadcast %lt3A_96 : i32 to vector<16xi32>
    %lt3A_98 = arith.cmpi slt, %sub3A_92, %lt3A_97 : vector<16xi32>
    %and3A_99 = arith.andi %ge3A_95, %lt3A_98 : vector<16xi1>
    %jit3A_100 = arith.constant 5128 : i32
    %broadcast_in_dim3A_101 = vector.broadcast %jit3A_100 : i32 to vector<16xi32>
    %select_n3A_102 = arith.select %and3A_99, %sub3A_92, %broadcast_in_dim3A_101 : vector<16xi1>, vector<16xi32>
    %swap3A_103 = arith.constant 0 : i32
    %swap3A_104 = arith.index_cast %swap3A_103 : i32 to index
    %swap3A_105 = arith.constant 64 : index
    %swap3A_106 = tpu.vector_load %arg10[%swap3A_104, %swap3A_105] {strides = array<i32>} : memref<2x80xi32, #tpu.memory_space<vmem>>, vector<1x16xi32>,
    %swap3A_107 = vector.shape_cast %swap3A_106 : vector<1x16xi32> to vector<16xi32>
    %swap3A_108 = vector.shape_cast %select_n3A_102 : vector<16xi32> to vector<1x16xi32>
    tpu.vector_store %arg10[%swap3A_104, %swap3A_105], %swap3A_108 {strides = array<i32>} : memref<2x80xi32, #tpu.memory_space<vmem>>, vector<1x16xi32>,
    %mul3A_109 = arith.constant 2 : i32
    %mul3A_110 = arith.muli %arg1, %mul3A_109 : i32
    %mul3A_111 = arith.constant 80 : i32
    %mul3A_112 = arith.muli %mul3A_110, %mul3A_111 : i32
    %add3A_113 = arith.constant 0 : i32
    %add3A_114 = arith.addi %mul3A_112, %add3A_113 : i32
    %run_scoped3A = arith.constant 0 : i32
    "tpu.region"() ({
      %run_scoped3A_531 = tpu.sem_alloc : memref<!tpu.dma_semaphore, #tpu.memory_space<semaphore_mem>>
      %dma_start3A_532 = arith.constant 0 : i32
      %dma_start3A_533 = arith.constant 0 : i32
      %dma_start3A_534 = tpu.memref_slice %arg11[%run_scoped3A, %dma_start3A_532, %dma_start3A_533] : memref<2x80x128xf32, #tpu.memory_space<vmem>> -> memref<1x80x128xf32, #tpu.memory_space<vmem>>
      %dma_start3A_535 = tpu.memref_squeeze %dma_start3A_534 : memref<1x80x128xf32, #tpu.memory_space<vmem>> -> memref<80x128xf32, #tpu.memory_space<vmem>>
      %dma_start3A_536 = arith.constant 0 : i32
      %dma_start3A_537 = tpu.memref_slice %arg3[%add3A_114, %dma_start3A_536] : memref<2560x128xf32, #tpu.memory_space<hbm>> -> memref<80x128xf32, #tpu.memory_space<hbm>>
      %dma_start3A_538 = arith.constant 0 : i32
      %dma_start3A_539 = arith.constant 0 : i32
      %dma_start3A_540 = tpu.memref_slice %arg11[%run_scoped3A, %dma_start3A_538, %dma_start3A_539] : memref<2x80x128xf32, #tpu.memory_space<vmem>> -> memref<1x80x128xf32, #tpu.memory_space<vmem>>
      %dma_start3A_541 = tpu.memref_squeeze %dma_start3A_540 : memref<1x80x128xf32, #tpu.memory_space<vmem>> -> memref<80x128xf32, #tpu.memory_space<vmem>>
      %dma_start3A_542 = arith.constant 0 : i32
      %dma_start3A_543 = tpu.memref_slice %arg3[%add3A_114, %dma_start3A_542] : memref<2560x128xf32, #tpu.memory_space<hbm>> -> memref<80x128xf32, #tpu.memory_space<hbm>>
      tpu.enqueue_dma source(%dma_start3A_543 : memref<80x128xf32, #tpu.memory_space<hbm>>) target(%dma_start3A_541 : memref<80x128xf32, #tpu.memory_space<vmem>>) target_semaphore(%run_scoped3A_531 : memref<!tpu.dma_semaphore, #tpu.memory_space<semaphore_mem>>)
      %dma_wait3A_544 = arith.constant 0 : i32
      %dma_wait3A_545 = arith.constant 0 : i32
      %dma_wait3A_546 = tpu.memref_slice %arg11[%run_scoped3A, %dma_wait3A_544, %dma_wait3A_545] : memref<2x80x128xf32, #tpu.memory_space<vmem>> -> memref<1x80x128xf32, #tpu.memory_space<vmem>>
      %dma_wait3A_547 = tpu.memref_squeeze %dma_wait3A_546 : memref<1x80x128xf32, #tpu.memory_space<vmem>> -> memref<80x128xf32, #tpu.memory_space<vmem>>
      %dma_wait3A_548 = arith.constant 0 : i32
      %dma_wait3A_549 = tpu.memref_slice %arg3[%add3A_114, %dma_wait3A_548] : memref<2560x128xf32, #tpu.memory_space<hbm>> -> memref<80x128xf32, #tpu.memory_space<hbm>>
      %dma_wait3A_550 = arith.constant 0 : i32
      %dma_wait3A_551 = arith.constant 0 : i32
      %dma_wait3A_552 = tpu.memref_slice %arg11[%run_scoped3A, %dma_wait3A_550, %dma_wait3A_551] : memref<2x80x128xf32, #tpu.memory_space<vmem>> -> memref<1x80x128xf32, #tpu.memory_space<vmem>>
      %dma_wait3A_553 = tpu.memref_squeeze %dma_wait3A_552 : memref<1x80x128xf32, #tpu.memory_space<vmem>> -> memref<80x128xf32, #tpu.memory_space<vmem>>
      %dma_wait3A_554 = arith.constant 0 : i32
      %dma_wait3A_555 = tpu.memref_slice %arg3[%add3A_114, %dma_wait3A_554] : memref<2560x128xf32, #tpu.memory_space<hbm>> -> memref<80x128xf32, #tpu.memory_space<hbm>>
      tpu.wait_dma2 semaphore(%run_scoped3A_531 : memref<!tpu.dma_semaphore, #tpu.memory_space<semaphore_mem>>) src(%dma_wait3A_555 : memref<80x128xf32, #tpu.memory_space<hbm>>) dst(%dma_wait3A_553 : memref<80x128xf32, #tpu.memory_space<vmem>>)
      tpu.yield
    }) : () -> ()
    %get3A_115 = arith.constant 1 : i32
    %get3A_116 = arith.index_cast %get3A_115 : i32 to index
    %get3A_117 = arith.constant 0 : index
    %get3A_118 = tpu.vector_load %arg10[%get3A_116, %get3A_117] {strides = array<i32>} : memref<2x80xi32, #tpu.memory_space<vmem>>, vector<1x16xi32>,
    %get3A_119 = vector.shape_cast %get3A_118 : vector<1x16xi32> to vector<16xi32>
    %sub3A_120 = vector.broadcast %mul3A_0 : i32 to vector<16xi32>
    %sub3A_121 = arith.subi %get3A_119, %sub3A_120 : vector<16xi32>
    %ge3A_122 = arith.constant 0 : i32
    %ge3A_123 = vector.broadcast %ge3A_122 : i32 to vector<16xi32>
    %ge3A_124 = arith.cmpi sge, %sub3A_121, %ge3A_123 : vector<16xi32>
    %lt3A_125 = arith.constant 5120 : i32
    %lt3A_126 = vector.broadcast %lt3A_125 : i32 to vector<16xi32>
    %lt3A_127 = arith.cmpi slt, %sub3A_121, %lt3A_126 : vector<16xi32>
    %and3A_128 = arith.andi %ge3A_124, %lt3A_127 : vector<16xi1>
    %jit3A_129 = arith.constant 5128 : i32
    %broadcast_in_dim3A_130 = vector.broadcast %jit3A_129 : i32 to vector<16xi32>
    %select_n3A_131 = arith.select %and3A_128, %sub3A_121, %broadcast_in_dim3A_130 : vector<16xi1>, vector<16xi32>
    %swap3A_132 = arith.constant 1 : i32
    %swap3A_133 = arith.index_cast %swap3A_132 : i32 to index
    %swap3A_134 = arith.constant 0 : index
    %swap3A_135 = tpu.vector_load %arg10[%swap3A_133, %swap3A_134] {strides = array<i32>} : memref<2x80xi32, #tpu.memory_space<vmem>>, vector<1x16xi32>,
    %swap3A_136 = vector.shape_cast %swap3A_135 : vector<1x16xi32> to vector<16xi32>
    %swap3A_137 = vector.shape_cast %select_n3A_131 : vector<16xi32> to vector<1x16xi32>
    tpu.vector_store %arg10[%swap3A_133, %swap3A_134], %swap3A_137 {strides = array<i32>} : memref<2x80xi32, #tpu.memory_space<vmem>>, vector<1x16xi32>,
    %get3A_138 = arith.constant 1 : i32
    %get3A_139 = arith.index_cast %get3A_138 : i32 to index
    %get3A_140 = arith.constant 16 : index
    %get3A_141 = tpu.vector_load %arg10[%get3A_139, %get3A_140] {strides = array<i32>} : memref<2x80xi32, #tpu.memory_space<vmem>>, vector<1x16xi32>,
    %get3A_142 = vector.shape_cast %get3A_141 : vector<1x16xi32> to vector<16xi32>
    %sub3A_143 = vector.broadcast %mul3A_0 : i32 to vector<16xi32>
    %sub3A_144 = arith.subi %get3A_142, %sub3A_143 : vector<16xi32>
    %ge3A_145 = arith.constant 0 : i32
    %ge3A_146 = vector.broadcast %ge3A_145 : i32 to vector<16xi32>
    %ge3A_147 = arith.cmpi sge, %sub3A_144, %ge3A_146 : vector<16xi32>
    %lt3A_148 = arith.constant 5120 : i32
    %lt3A_149 = vector.broadcast %lt3A_148 : i32 to vector<16xi32>
    %lt3A_150 = arith.cmpi slt, %sub3A_144, %lt3A_149 : vector<16xi32>
    %and3A_151 = arith.andi %ge3A_147, %lt3A_150 : vector<16xi1>
    %jit3A_152 = arith.constant 5128 : i32
    %broadcast_in_dim3A_153 = vector.broadcast %jit3A_152 : i32 to vector<16xi32>
    %select_n3A_154 = arith.select %and3A_151, %sub3A_144, %broadcast_in_dim3A_153 : vector<16xi1>, vector<16xi32>
    %swap3A_155 = arith.constant 1 : i32
    %swap3A_156 = arith.index_cast %swap3A_155 : i32 to index
    %swap3A_157 = arith.constant 16 : index
    %swap3A_158 = tpu.vector_load %arg10[%swap3A_156, %swap3A_157] {strides = array<i32>} : memref<2x80xi32, #tpu.memory_space<vmem>>, vector<1x16xi32>,
    %swap3A_159 = vector.shape_cast %swap3A_158 : vector<1x16xi32> to vector<16xi32>
    %swap3A_160 = vector.shape_cast %select_n3A_154 : vector<16xi32> to vector<1x16xi32>
    tpu.vector_store %arg10[%swap3A_156, %swap3A_157], %swap3A_160 {strides = array<i32>} : memref<2x80xi32, #tpu.memory_space<vmem>>, vector<1x16xi32>,
    %get3A_161 = arith.constant 1 : i32
    %get3A_162 = arith.index_cast %get3A_161 : i32 to index
    %get3A_163 = arith.constant 32 : index
    %get3A_164 = tpu.vector_load %arg10[%get3A_162, %get3A_163] {strides = array<i32>} : memref<2x80xi32, #tpu.memory_space<vmem>>, vector<1x16xi32>,
    %get3A_165 = vector.shape_cast %get3A_164 : vector<1x16xi32> to vector<16xi32>
    %sub3A_166 = vector.broadcast %mul3A_0 : i32 to vector<16xi32>
    %sub3A_167 = arith.subi %get3A_165, %sub3A_166 : vector<16xi32>
    %ge3A_168 = arith.constant 0 : i32
    %ge3A_169 = vector.broadcast %ge3A_168 : i32 to vector<16xi32>
    %ge3A_170 = arith.cmpi sge, %sub3A_167, %ge3A_169 : vector<16xi32>
    %lt3A_171 = arith.constant 5120 : i32
    %lt3A_172 = vector.broadcast %lt3A_171 : i32 to vector<16xi32>
    %lt3A_173 = arith.cmpi slt, %sub3A_167, %lt3A_172 : vector<16xi32>
    %and3A_174 = arith.andi %ge3A_170, %lt3A_173 : vector<16xi1>
    %jit3A_175 = arith.constant 5128 : i32
    %broadcast_in_dim3A_176 = vector.broadcast %jit3A_175 : i32 to vector<16xi32>
    %select_n3A_177 = arith.select %and3A_174, %sub3A_167, %broadcast_in_dim3A_176 : vector<16xi1>, vector<16xi32>
    %swap3A_178 = arith.constant 1 : i32
    %swap3A_179 = arith.index_cast %swap3A_178 : i32 to index
    %swap3A_180 = arith.constant 32 : index
    %swap3A_181 = tpu.vector_load %arg10[%swap3A_179, %swap3A_180] {strides = array<i32>} : memref<2x80xi32, #tpu.memory_space<vmem>>, vector<1x16xi32>,
    %swap3A_182 = vector.shape_cast %swap3A_181 : vector<1x16xi32> to vector<16xi32>
    %swap3A_183 = vector.shape_cast %select_n3A_177 : vector<16xi32> to vector<1x16xi32>
    tpu.vector_store %arg10[%swap3A_179, %swap3A_180], %swap3A_183 {strides = array<i32>} : memref<2x80xi32, #tpu.memory_space<vmem>>, vector<1x16xi32>,
    %get3A_184 = arith.constant 1 : i32
    %get3A_185 = arith.index_cast %get3A_184 : i32 to index
    %get3A_186 = arith.constant 48 : index
    %get3A_187 = tpu.vector_load %arg10[%get3A_185, %get3A_186] {strides = array<i32>} : memref<2x80xi32, #tpu.memory_space<vmem>>, vector<1x16xi32>,
    %get3A_188 = vector.shape_cast %get3A_187 : vector<1x16xi32> to vector<16xi32>
    %sub3A_189 = vector.broadcast %mul3A_0 : i32 to vector<16xi32>
    %sub3A_190 = arith.subi %get3A_188, %sub3A_189 : vector<16xi32>
    %ge3A_191 = arith.constant 0 : i32
    %ge3A_192 = vector.broadcast %ge3A_191 : i32 to vector<16xi32>
    %ge3A_193 = arith.cmpi sge, %sub3A_190, %ge3A_192 : vector<16xi32>
    %lt3A_194 = arith.constant 5120 : i32
    %lt3A_195 = vector.broadcast %lt3A_194 : i32 to vector<16xi32>
    %lt3A_196 = arith.cmpi slt, %sub3A_190, %lt3A_195 : vector<16xi32>
    %and3A_197 = arith.andi %ge3A_193, %lt3A_196 : vector<16xi1>
    %jit3A_198 = arith.constant 5128 : i32
    %broadcast_in_dim3A_199 = vector.broadcast %jit3A_198 : i32 to vector<16xi32>
    %select_n3A_200 = arith.select %and3A_197, %sub3A_190, %broadcast_in_dim3A_199 : vector<16xi1>, vector<16xi32>
    %swap3A_201 = arith.constant 1 : i32
    %swap3A_202 = arith.index_cast %swap3A_201 : i32 to index
    %swap3A_203 = arith.constant 48 : index
    %swap3A_204 = tpu.vector_load %arg10[%swap3A_202, %swap3A_203] {strides = array<i32>} : memref<2x80xi32, #tpu.memory_space<vmem>>, vector<1x16xi32>,
    %swap3A_205 = vector.shape_cast %swap3A_204 : vector<1x16xi32> to vector<16xi32>
    %swap3A_206 = vector.shape_cast %select_n3A_200 : vector<16xi32> to vector<1x16xi32>
    tpu.vector_store %arg10[%swap3A_202, %swap3A_203], %swap3A_206 {strides = array<i32>} : memref<2x80xi32, #tpu.memory_space<vmem>>, vector<1x16xi32>,
    %get3A_207 = arith.constant 1 : i32
    %get3A_208 = arith.index_cast %get3A_207 : i32 to index
    %get3A_209 = arith.constant 64 : index
    %get3A_210 = tpu.vector_load %arg10[%get3A_208, %get3A_209] {strides = array<i32>} : memref<2x80xi32, #tpu.memory_space<vmem>>, vector<1x16xi32>,
    %get3A_211 = vector.shape_cast %get3A_210 : vector<1x16xi32> to vector<16xi32>
    %sub3A_212 = vector.broadcast %mul3A_0 : i32 to vector<16xi32>
    %sub3A_213 = arith.subi %get3A_211, %sub3A_212 : vector<16xi32>
    %ge3A_214 = arith.constant 0 : i32
    %ge3A_215 = vector.broadcast %ge3A_214 : i32 to vector<16xi32>
    %ge3A_216 = arith.cmpi sge, %sub3A_213, %ge3A_215 : vector<16xi32>
    %lt3A_217 = arith.constant 5120 : i32
    %lt3A_218 = vector.broadcast %lt3A_217 : i32 to vector<16xi32>
    %lt3A_219 = arith.cmpi slt, %sub3A_213, %lt3A_218 : vector<16xi32>
    %and3A_220 = arith.andi %ge3A_216, %lt3A_219 : vector<16xi1>
    %jit3A_221 = arith.constant 5128 : i32
    %broadcast_in_dim3A_222 = vector.broadcast %jit3A_221 : i32 to vector<16xi32>
    %select_n3A_223 = arith.select %and3A_220, %sub3A_213, %broadcast_in_dim3A_222 : vector<16xi1>, vector<16xi32>
    %swap3A_224 = arith.constant 1 : i32
    %swap3A_225 = arith.index_cast %swap3A_224 : i32 to index
    %swap3A_226 = arith.constant 64 : index
    %swap3A_227 = tpu.vector_load %arg10[%swap3A_225, %swap3A_226] {strides = array<i32>} : memref<2x80xi32, #tpu.memory_space<vmem>>, vector<1x16xi32>,
    %swap3A_228 = vector.shape_cast %swap3A_227 : vector<1x16xi32> to vector<16xi32>
    %swap3A_229 = vector.shape_cast %select_n3A_223 : vector<16xi32> to vector<1x16xi32>
    tpu.vector_store %arg10[%swap3A_225, %swap3A_226], %swap3A_229 {strides = array<i32>} : memref<2x80xi32, #tpu.memory_space<vmem>>, vector<1x16xi32>,
    %mul3A_230 = arith.constant 2 : i32
    %mul3A_231 = arith.muli %arg1, %mul3A_230 : i32
    %mul3A_232 = arith.constant 80 : i32
    %mul3A_233 = arith.muli %mul3A_231, %mul3A_232 : i32
    %add3A_234 = arith.constant 80 : i32
    %add3A_235 = arith.addi %mul3A_233, %add3A_234 : i32
    %run_scoped3A_236 = arith.constant 1 : i32
    "tpu.region"() ({
      %run_scoped3A_531 = tpu.sem_alloc : memref<!tpu.dma_semaphore, #tpu.memory_space<semaphore_mem>>
      %dma_start3A_532 = arith.constant 0 : i32
      %dma_start3A_533 = arith.constant 0 : i32
      %dma_start3A_534 = tpu.memref_slice %arg11[%run_scoped3A_236, %dma_start3A_532, %dma_start3A_533] : memref<2x80x128xf32, #tpu.memory_space<vmem>> -> memref<1x80x128xf32, #tpu.memory_space<vmem>>
      %dma_start3A_535 = tpu.memref_squeeze %dma_start3A_534 : memref<1x80x128xf32, #tpu.memory_space<vmem>> -> memref<80x128xf32, #tpu.memory_space<vmem>>
      %dma_start3A_536 = arith.constant 0 : i32
      %dma_start3A_537 = tpu.memref_slice %arg3[%add3A_235, %dma_start3A_536] : memref<2560x128xf32, #tpu.memory_space<hbm>> -> memref<80x128xf32, #tpu.memory_space<hbm>>
      %dma_start3A_538 = arith.constant 0 : i32
      %dma_start3A_539 = arith.constant 0 : i32
      %dma_start3A_540 = tpu.memref_slice %arg11[%run_scoped3A_236, %dma_start3A_538, %dma_start3A_539] : memref<2x80x128xf32, #tpu.memory_space<vmem>> -> memref<1x80x128xf32, #tpu.memory_space<vmem>>
      %dma_start3A_541 = tpu.memref_squeeze %dma_start3A_540 : memref<1x80x128xf32, #tpu.memory_space<vmem>> -> memref<80x128xf32, #tpu.memory_space<vmem>>
      %dma_start3A_542 = arith.constant 0 : i32
      %dma_start3A_543 = tpu.memref_slice %arg3[%add3A_235, %dma_start3A_542] : memref<2560x128xf32, #tpu.memory_space<hbm>> -> memref<80x128xf32, #tpu.memory_space<hbm>>
      tpu.enqueue_dma source(%dma_start3A_543 : memref<80x128xf32, #tpu.memory_space<hbm>>) target(%dma_start3A_541 : memref<80x128xf32, #tpu.memory_space<vmem>>) target_semaphore(%run_scoped3A_531 : memref<!tpu.dma_semaphore, #tpu.memory_space<semaphore_mem>>)
      %dma_wait3A_544 = arith.constant 0 : i32
      %dma_wait3A_545 = arith.constant 0 : i32
      %dma_wait3A_546 = tpu.memref_slice %arg11[%run_scoped3A_236, %dma_wait3A_544, %dma_wait3A_545] : memref<2x80x128xf32, #tpu.memory_space<vmem>> -> memref<1x80x128xf32, #tpu.memory_space<vmem>>
      %dma_wait3A_547 = tpu.memref_squeeze %dma_wait3A_546 : memref<1x80x128xf32, #tpu.memory_space<vmem>> -> memref<80x128xf32, #tpu.memory_space<vmem>>
      %dma_wait3A_548 = arith.constant 0 : i32
      %dma_wait3A_549 = tpu.memref_slice %arg3[%add3A_235, %dma_wait3A_548] : memref<2560x128xf32, #tpu.memory_space<hbm>> -> memref<80x128xf32, #tpu.memory_space<hbm>>
      %dma_wait3A_550 = arith.constant 0 : i32
      %dma_wait3A_551 = arith.constant 0 : i32
      %dma_wait3A_552 = tpu.memref_slice %arg11[%run_scoped3A_236, %dma_wait3A_550, %dma_wait3A_551] : memref<2x80x128xf32, #tpu.memory_space<vmem>> -> memref<1x80x128xf32, #tpu.memory_space<vmem>>
      %dma_wait3A_553 = tpu.memref_squeeze %dma_wait3A_552 : memref<1x80x128xf32, #tpu.memory_space<vmem>> -> memref<80x128xf32, #tpu.memory_space<vmem>>
      %dma_wait3A_554 = arith.constant 0 : i32
      %dma_wait3A_555 = tpu.memref_slice %arg3[%add3A_235, %dma_wait3A_554] : memref<2560x128xf32, #tpu.memory_space<hbm>> -> memref<80x128xf32, #tpu.memory_space<hbm>>
      tpu.wait_dma2 semaphore(%run_scoped3A_531 : memref<!tpu.dma_semaphore, #tpu.memory_space<semaphore_mem>>) src(%dma_wait3A_555 : memref<80x128xf32, #tpu.memory_space<hbm>>) dst(%dma_wait3A_553 : memref<80x128xf32, #tpu.memory_space<vmem>>)
      tpu.yield
    }) : () -> ()
    %eq3A = arith.constant 0 : i32
    %eq3A_237 = arith.cmpi eq, %arg1, %eq3A : i32
    %convert_element_type3A = arith.extui %eq3A_237 : i1 to i32
    %cond3A = arith.constant 0 : i32
    %cond3A_238 = arith.cmpi ne, %convert_element_type3A, %cond3A : i32
    scf.if %cond3A_238 {
      %broadcast_in_dim3A_531 = arith.constant 0.000000e+00 : f32
      %broadcast_in_dim3A_532 = vector.broadcast %broadcast_in_dim3A_531 : f32 to vector<16xf32>
      %swap3A_533 = arith.constant 0 : i32
      %swap3A_534 = arith.index_cast %swap3A_533 : i32 to index
      %swap3A_535 = arith.constant 0 : index
      %swap3A_536 = tpu.vector_load %arg15[%swap3A_534, %swap3A_535] {strides = array<i32>} : memref<8x128xf32, #tpu.memory_space<vmem>>, vector<1x16xf32>,
      %swap3A_537 = vector.shape_cast %swap3A_536 : vector<1x16xf32> to vector<16xf32>
      %swap3A_538 = vector.shape_cast %broadcast_in_dim3A_532 : vector<16xf32> to vector<1x16xf32>
      tpu.vector_store %arg15[%swap3A_534, %swap3A_535], %swap3A_538 {strides = array<i32>} : memref<8x128xf32, #tpu.memory_space<vmem>>, vector<1x16xf32>,
      %broadcast_in_dim3A_539 = arith.constant 0.000000e+00 : f32
      %broadcast_in_dim3A_540 = vector.broadcast %broadcast_in_dim3A_539 : f32 to vector<16xf32>
      %swap3A_541 = arith.constant 0 : i32
      %swap3A_542 = arith.index_cast %swap3A_541 : i32 to index
      %swap3A_543 = arith.constant 16 : index
      %swap3A_544 = tpu.vector_load %arg15[%swap3A_542, %swap3A_543] {strides = array<i32>} : memref<8x128xf32, #tpu.memory_space<vmem>>, vector<1x16xf32>,
      %swap3A_545 = vector.shape_cast %swap3A_544 : vector<1x16xf32> to vector<16xf32>
      %swap3A_546 = vector.shape_cast %broadcast_in_dim3A_540 : vector<16xf32> to vector<1x16xf32>
      tpu.vector_store %arg15[%swap3A_542, %swap3A_543], %swap3A_546 {strides = array<i32>} : memref<8x128xf32, #tpu.memory_space<vmem>>, vector<1x16xf32>,
      %broadcast_in_dim3A_547 = arith.constant 0.000000e+00 : f32
      %broadcast_in_dim3A_548 = vector.broadcast %broadcast_in_dim3A_547 : f32 to vector<16xf32>
      %swap3A_549 = arith.constant 0 : i32
      %swap3A_550 = arith.index_cast %swap3A_549 : i32 to index
      %swap3A_551 = arith.constant 32 : index
      %swap3A_552 = tpu.vector_load %arg15[%swap3A_550, %swap3A_551] {strides = array<i32>} : memref<8x128xf32, #tpu.memory_space<vmem>>, vector<1x16xf32>,
      %swap3A_553 = vector.shape_cast %swap3A_552 : vector<1x16xf32> to vector<16xf32>
      %swap3A_554 = vector.shape_cast %broadcast_in_dim3A_548 : vector<16xf32> to vector<1x16xf32>
      tpu.vector_store %arg15[%swap3A_550, %swap3A_551], %swap3A_554 {strides = array<i32>} : memref<8x128xf32, #tpu.memory_space<vmem>>, vector<1x16xf32>,
      %broadcast_in_dim3A_555 = arith.constant 0.000000e+00 : f32
      %broadcast_in_dim3A_556 = vector.broadcast %broadcast_in_dim3A_555 : f32 to vector<16xf32>
      %swap3A_557 = arith.constant 0 : i32
      %swap3A_558 = arith.index_cast %swap3A_557 : i32 to index
      %swap3A_559 = arith.constant 48 : index
      %swap3A_560 = tpu.vector_load %arg15[%swap3A_558, %swap3A_559] {strides = array<i32>} : memref<8x128xf32, #tpu.memory_space<vmem>>, vector<1x16xf32>,
      %swap3A_561 = vector.shape_cast %swap3A_560 : vector<1x16xf32> to vector<16xf32>
      %swap3A_562 = vector.shape_cast %broadcast_in_dim3A_556 : vector<16xf32> to vector<1x16xf32>
      tpu.vector_store %arg15[%swap3A_558, %swap3A_559], %swap3A_562 {strides = array<i32>} : memref<8x128xf32, #tpu.memory_space<vmem>>, vector<1x16xf32>,
      %broadcast_in_dim3A_563 = arith.constant 0.000000e+00 : f32
      %broadcast_in_dim3A_564 = vector.broadcast %broadcast_in_dim3A_563 : f32 to vector<16xf32>
      %swap3A_565 = arith.constant 0 : i32
      %swap3A_566 = arith.index_cast %swap3A_565 : i32 to index
      %swap3A_567 = arith.constant 64 : index
      %swap3A_568 = tpu.vector_load %arg15[%swap3A_566, %swap3A_567] {strides = array<i32>} : memref<8x128xf32, #tpu.memory_space<vmem>>, vector<1x16xf32>,
      %swap3A_569 = vector.shape_cast %swap3A_568 : vector<1x16xf32> to vector<16xf32>
      %swap3A_570 = vector.shape_cast %broadcast_in_dim3A_564 : vector<16xf32> to vector<1x16xf32>
      tpu.vector_store %arg15[%swap3A_566, %swap3A_567], %swap3A_570 {strides = array<i32>} : memref<8x128xf32, #tpu.memory_space<vmem>>, vector<1x16xf32>,
      %broadcast_in_dim3A_571 = arith.constant 0.000000e+00 : f32
      %broadcast_in_dim3A_572 = vector.broadcast %broadcast_in_dim3A_571 : f32 to vector<16xf32>
      %swap3A_573 = arith.constant 0 : i32
      %swap3A_574 = arith.index_cast %swap3A_573 : i32 to index
      %swap3A_575 = arith.constant 80 : index
      %swap3A_576 = tpu.vector_load %arg15[%swap3A_574, %swap3A_575] {strides = array<i32>} : memref<8x128xf32, #tpu.memory_space<vmem>>, vector<1x16xf32>,
      %swap3A_577 = vector.shape_cast %swap3A_576 : vector<1x16xf32> to vector<16xf32>
      %swap3A_578 = vector.shape_cast %broadcast_in_dim3A_572 : vector<16xf32> to vector<1x16xf32>
      tpu.vector_store %arg15[%swap3A_574, %swap3A_575], %swap3A_578 {strides = array<i32>} : memref<8x128xf32, #tpu.memory_space<vmem>>, vector<1x16xf32>,
      %broadcast_in_dim3A_579 = arith.constant 0.000000e+00 : f32
      %broadcast_in_dim3A_580 = vector.broadcast %broadcast_in_dim3A_579 : f32 to vector<16xf32>
      %swap3A_581 = arith.constant 0 : i32
      %swap3A_582 = arith.index_cast %swap3A_581 : i32 to index
      %swap3A_583 = arith.constant 96 : index
      %swap3A_584 = tpu.vector_load %arg15[%swap3A_582, %swap3A_583] {strides = array<i32>} : memref<8x128xf32, #tpu.memory_space<vmem>>, vector<1x16xf32>,
      %swap3A_585 = vector.shape_cast %swap3A_584 : vector<1x16xf32> to vector<16xf32>
      %swap3A_586 = vector.shape_cast %broadcast_in_dim3A_580 : vector<16xf32> to vector<1x16xf32>
      tpu.vector_store %arg15[%swap3A_582, %swap3A_583], %swap3A_586 {strides = array<i32>} : memref<8x128xf32, #tpu.memory_space<vmem>>, vector<1x16xf32>,
      %broadcast_in_dim3A_587 = arith.constant 0.000000e+00 : f32
      %broadcast_in_dim3A_588 = vector.broadcast %broadcast_in_dim3A_587 : f32 to vector<16xf32>
      %swap3A_589 = arith.constant 0 : i32
      %swap3A_590 = arith.index_cast %swap3A_589 : i32 to index
      %swap3A_591 = arith.constant 112 : index
      %swap3A_592 = tpu.vector_load %arg15[%swap3A_590, %swap3A_591] {strides = array<i32>} : memref<8x128xf32, #tpu.memory_space<vmem>>, vector<1x16xf32>,
      %swap3A_593 = vector.shape_cast %swap3A_592 : vector<1x16xf32> to vector<16xf32>
      %swap3A_594 = vector.shape_cast %broadcast_in_dim3A_588 : vector<16xf32> to vector<1x16xf32>
      tpu.vector_store %arg15[%swap3A_590, %swap3A_591], %swap3A_594 {strides = array<i32>} : memref<8x128xf32, #tpu.memory_space<vmem>>, vector<1x16xf32>,
      %broadcast_in_dim3A_595 = arith.constant 0.000000e+00 : f32
      %broadcast_in_dim3A_596 = vector.broadcast %broadcast_in_dim3A_595 : f32 to vector<16xf32>
      %swap3A_597 = arith.constant 1 : i32
      %swap3A_598 = arith.index_cast %swap3A_597 : i32 to index
      %swap3A_599 = arith.constant 0 : index
      %swap3A_600 = tpu.vector_load %arg15[%swap3A_598, %swap3A_599] {strides = array<i32>} : memref<8x128xf32, #tpu.memory_space<vmem>>, vector<1x16xf32>,
      %swap3A_601 = vector.shape_cast %swap3A_600 : vector<1x16xf32> to vector<16xf32>
      %swap3A_602 = vector.shape_cast %broadcast_in_dim3A_596 : vector<16xf32> to vector<1x16xf32>
      tpu.vector_store %arg15[%swap3A_598, %swap3A_599], %swap3A_602 {strides = array<i32>} : memref<8x128xf32, #tpu.memory_space<vmem>>, vector<1x16xf32>,
      %broadcast_in_dim3A_603 = arith.constant 0.000000e+00 : f32
      %broadcast_in_dim3A_604 = vector.broadcast %broadcast_in_dim3A_603 : f32 to vector<16xf32>
      %swap3A_605 = arith.constant 1 : i32
      %swap3A_606 = arith.index_cast %swap3A_605 : i32 to index
      %swap3A_607 = arith.constant 16 : index
      %swap3A_608 = tpu.vector_load %arg15[%swap3A_606, %swap3A_607] {strides = array<i32>} : memref<8x128xf32, #tpu.memory_space<vmem>>, vector<1x16xf32>,
      %swap3A_609 = vector.shape_cast %swap3A_608 : vector<1x16xf32> to vector<16xf32>
      %swap3A_610 = vector.shape_cast %broadcast_in_dim3A_604 : vector<16xf32> to vector<1x16xf32>
      tpu.vector_store %arg15[%swap3A_606, %swap3A_607], %swap3A_610 {strides = array<i32>} : memref<8x128xf32, #tpu.memory_space<vmem>>, vector<1x16xf32>,
      %broadcast_in_dim3A_611 = arith.constant 0.000000e+00 : f32
      %broadcast_in_dim3A_612 = vector.broadcast %broadcast_in_dim3A_611 : f32 to vector<16xf32>
      %swap3A_613 = arith.constant 1 : i32
      %swap3A_614 = arith.index_cast %swap3A_613 : i32 to index
      %swap3A_615 = arith.constant 32 : index
      %swap3A_616 = tpu.vector_load %arg15[%swap3A_614, %swap3A_615] {strides = array<i32>} : memref<8x128xf32, #tpu.memory_space<vmem>>, vector<1x16xf32>,
      %swap3A_617 = vector.shape_cast %swap3A_616 : vector<1x16xf32> to vector<16xf32>
      %swap3A_618 = vector.shape_cast %broadcast_in_dim3A_612 : vector<16xf32> to vector<1x16xf32>
      tpu.vector_store %arg15[%swap3A_614, %swap3A_615], %swap3A_618 {strides = array<i32>} : memref<8x128xf32, #tpu.memory_space<vmem>>, vector<1x16xf32>,
      %broadcast_in_dim3A_619 = arith.constant 0.000000e+00 : f32
      %broadcast_in_dim3A_620 = vector.broadcast %broadcast_in_dim3A_619 : f32 to vector<16xf32>
      %swap3A_621 = arith.constant 1 : i32
      %swap3A_622 = arith.index_cast %swap3A_621 : i32 to index
      %swap3A_623 = arith.constant 48 : index
      %swap3A_624 = tpu.vector_load %arg15[%swap3A_622, %swap3A_623] {strides = array<i32>} : memref<8x128xf32, #tpu.memory_space<vmem>>, vector<1x16xf32>,
      %swap3A_625 = vector.shape_cast %swap3A_624 : vector<1x16xf32> to vector<16xf32>
      %swap3A_626 = vector.shape_cast %broadcast_in_dim3A_620 : vector<16xf32> to vector<1x16xf32>
      tpu.vector_store %arg15[%swap3A_622, %swap3A_623], %swap3A_626 {strides = array<i32>} : memref<8x128xf32, #tpu.memory_space<vmem>>, vector<1x16xf32>,
      %broadcast_in_dim3A_627 = arith.constant 0.000000e+00 : f32
      %broadcast_in_dim3A_628 = vector.broadcast %broadcast_in_dim3A_627 : f32 to vector<16xf32>
      %swap3A_629 = arith.constant 1 : i32
      %swap3A_630 = arith.index_cast %swap3A_629 : i32 to index
      %swap3A_631 = arith.constant 64 : index
      %swap3A_632 = tpu.vector_load %arg15[%swap3A_630, %swap3A_631] {strides = array<i32>} : memref<8x128xf32, #tpu.memory_space<vmem>>, vector<1x16xf32>,
      %swap3A_633 = vector.shape_cast %swap3A_632 : vector<1x16xf32> to vector<16xf32>
      %swap3A_634 = vector.shape_cast %broadcast_in_dim3A_628 : vector<16xf32> to vector<1x16xf32>
      tpu.vector_store %arg15[%swap3A_630, %swap3A_631], %swap3A_634 {strides = array<i32>} : memref<8x128xf32, #tpu.memory_space<vmem>>, vector<1x16xf32>,
      %broadcast_in_dim3A_635 = arith.constant 0.000000e+00 : f32
      %broadcast_in_dim3A_636 = vector.broadcast %broadcast_in_dim3A_635 : f32 to vector<16xf32>
      %swap3A_637 = arith.constant 1 : i32
      %swap3A_638 = arith.index_cast %swap3A_637 : i32 to index
      %swap3A_639 = arith.constant 80 : index
      %swap3A_640 = tpu.vector_load %arg15[%swap3A_638, %swap3A_639] {strides = array<i32>} : memref<8x128xf32, #tpu.memory_space<vmem>>, vector<1x16xf32>,
      %swap3A_641 = vector.shape_cast %swap3A_640 : vector<1x16xf32> to vector<16xf32>
      %swap3A_642 = vector.shape_cast %broadcast_in_dim3A_636 : vector<16xf32> to vector<1x16xf32>
      tpu.vector_store %arg15[%swap3A_638, %swap3A_639], %swap3A_642 {strides = array<i32>} : memref<8x128xf32, #tpu.memory_space<vmem>>, vector<1x16xf32>,
      %broadcast_in_dim3A_643 = arith.constant 0.000000e+00 : f32
      %broadcast_in_dim3A_644 = vector.broadcast %broadcast_in_dim3A_643 : f32 to vector<16xf32>
      %swap3A_645 = arith.constant 1 : i32
      %swap3A_646 = arith.index_cast %swap3A_645 : i32 to index
      %swap3A_647 = arith.constant 96 : index
      %swap3A_648 = tpu.vector_load %arg15[%swap3A_646, %swap3A_647] {strides = array<i32>} : memref<8x128xf32, #tpu.memory_space<vmem>>, vector<1x16xf32>,
      %swap3A_649 = vector.shape_cast %swap3A_648 : vector<1x16xf32> to vector<16xf32>
      %swap3A_650 = vector.shape_cast %broadcast_in_dim3A_644 : vector<16xf32> to vector<1x16xf32>
      tpu.vector_store %arg15[%swap3A_646, %swap3A_647], %swap3A_650 {strides = array<i32>} : memref<8x128xf32, #tpu.memory_space<vmem>>, vector<1x16xf32>,
      %broadcast_in_dim3A_651 = arith.constant 0.000000e+00 : f32
      %broadcast_in_dim3A_652 = vector.broadcast %broadcast_in_dim3A_651 : f32 to vector<16xf32>
      %swap3A_653 = arith.constant 1 : i32
      %swap3A_654 = arith.index_cast %swap3A_653 : i32 to index
      %swap3A_655 = arith.constant 112 : index
      %swap3A_656 = tpu.vector_load %arg15[%swap3A_654, %swap3A_655] {strides = array<i32>} : memref<8x128xf32, #tpu.memory_space<vmem>>, vector<1x16xf32>,
      %swap3A_657 = vector.shape_cast %swap3A_656 : vector<1x16xf32> to vector<16xf32>
      %swap3A_658 = vector.shape_cast %broadcast_in_dim3A_652 : vector<16xf32> to vector<1x16xf32>
      tpu.vector_store %arg15[%swap3A_654, %swap3A_655], %swap3A_658 {strides = array<i32>} : memref<8x128xf32, #tpu.memory_space<vmem>>, vector<1x16xf32>,
      %broadcast_in_dim3A_659 = arith.constant 0.000000e+00 : f32
      %broadcast_in_dim3A_660 = vector.broadcast %broadcast_in_dim3A_659 : f32 to vector<16xf32>
      %swap3A_661 = arith.constant 2 : i32
      %swap3A_662 = arith.index_cast %swap3A_661 : i32 to index
      %swap3A_663 = arith.constant 0 : index
      %swap3A_664 = tpu.vector_load %arg15[%swap3A_662, %swap3A_663] {strides = array<i32>} : memref<8x128xf32, #tpu.memory_space<vmem>>, vector<1x16xf32>,
      %swap3A_665 = vector.shape_cast %swap3A_664 : vector<1x16xf32> to vector<16xf32>
      %swap3A_666 = vector.shape_cast %broadcast_in_dim3A_660 : vector<16xf32> to vector<1x16xf32>
      tpu.vector_store %arg15[%swap3A_662, %swap3A_663], %swap3A_666 {strides = array<i32>} : memref<8x128xf32, #tpu.memory_space<vmem>>, vector<1x16xf32>,
      %broadcast_in_dim3A_667 = arith.constant 0.000000e+00 : f32
      %broadcast_in_dim3A_668 = vector.broadcast %broadcast_in_dim3A_667 : f32 to vector<16xf32>
      %swap3A_669 = arith.constant 2 : i32
      %swap3A_670 = arith.index_cast %swap3A_669 : i32 to index
      %swap3A_671 = arith.constant 16 : index
      %swap3A_672 = tpu.vector_load %arg15[%swap3A_670, %swap3A_671] {strides = array<i32>} : memref<8x128xf32, #tpu.memory_space<vmem>>, vector<1x16xf32>,
      %swap3A_673 = vector.shape_cast %swap3A_672 : vector<1x16xf32> to vector<16xf32>
      %swap3A_674 = vector.shape_cast %broadcast_in_dim3A_668 : vector<16xf32> to vector<1x16xf32>
      tpu.vector_store %arg15[%swap3A_670, %swap3A_671], %swap3A_674 {strides = array<i32>} : memref<8x128xf32, #tpu.memory_space<vmem>>, vector<1x16xf32>,
      %broadcast_in_dim3A_675 = arith.constant 0.000000e+00 : f32
      %broadcast_in_dim3A_676 = vector.broadcast %broadcast_in_dim3A_675 : f32 to vector<16xf32>
      %swap3A_677 = arith.constant 2 : i32
      %swap3A_678 = arith.index_cast %swap3A_677 : i32 to index
      %swap3A_679 = arith.constant 32 : index
      %swap3A_680 = tpu.vector_load %arg15[%swap3A_678, %swap3A_679] {strides = array<i32>} : memref<8x128xf32, #tpu.memory_space<vmem>>, vector<1x16xf32>,
      %swap3A_681 = vector.shape_cast %swap3A_680 : vector<1x16xf32> to vector<16xf32>
      %swap3A_682 = vector.shape_cast %broadcast_in_dim3A_676 : vector<16xf32> to vector<1x16xf32>
      tpu.vector_store %arg15[%swap3A_678, %swap3A_679], %swap3A_682 {strides = array<i32>} : memref<8x128xf32, #tpu.memory_space<vmem>>, vector<1x16xf32>,
      %broadcast_in_dim3A_683 = arith.constant 0.000000e+00 : f32
      %broadcast_in_dim3A_684 = vector.broadcast %broadcast_in_dim3A_683 : f32 to vector<16xf32>
      %swap3A_685 = arith.constant 2 : i32
      %swap3A_686 = arith.index_cast %swap3A_685 : i32 to index
      %swap3A_687 = arith.constant 48 : index
      %swap3A_688 = tpu.vector_load %arg15[%swap3A_686, %swap3A_687] {strides = array<i32>} : memref<8x128xf32, #tpu.memory_space<vmem>>, vector<1x16xf32>,
      %swap3A_689 = vector.shape_cast %swap3A_688 : vector<1x16xf32> to vector<16xf32>
      %swap3A_690 = vector.shape_cast %broadcast_in_dim3A_684 : vector<16xf32> to vector<1x16xf32>
      tpu.vector_store %arg15[%swap3A_686, %swap3A_687], %swap3A_690 {strides = array<i32>} : memref<8x128xf32, #tpu.memory_space<vmem>>, vector<1x16xf32>,
      %broadcast_in_dim3A_691 = arith.constant 0.000000e+00 : f32
      %broadcast_in_dim3A_692 = vector.broadcast %broadcast_in_dim3A_691 : f32 to vector<16xf32>
      %swap3A_693 = arith.constant 2 : i32
      %swap3A_694 = arith.index_cast %swap3A_693 : i32 to index
      %swap3A_695 = arith.constant 64 : index
      %swap3A_696 = tpu.vector_load %arg15[%swap3A_694, %swap3A_695] {strides = array<i32>} : memref<8x128xf32, #tpu.memory_space<vmem>>, vector<1x16xf32>,
      %swap3A_697 = vector.shape_cast %swap3A_696 : vector<1x16xf32> to vector<16xf32>
      %swap3A_698 = vector.shape_cast %broadcast_in_dim3A_692 : vector<16xf32> to vector<1x16xf32>
      tpu.vector_store %arg15[%swap3A_694, %swap3A_695], %swap3A_698 {strides = array<i32>} : memref<8x128xf32, #tpu.memory_space<vmem>>, vector<1x16xf32>,
      %broadcast_in_dim3A_699 = arith.constant 0.000000e+00 : f32
      %broadcast_in_dim3A_700 = vector.broadcast %broadcast_in_dim3A_699 : f32 to vector<16xf32>
      %swap3A_701 = arith.constant 2 : i32
      %swap3A_702 = arith.index_cast %swap3A_701 : i32 to index
      %swap3A_703 = arith.constant 80 : index
      %swap3A_704 = tpu.vector_load %arg15[%swap3A_702, %swap3A_703] {strides = array<i32>} : memref<8x128xf32, #tpu.memory_space<vmem>>, vector<1x16xf32>,
      %swap3A_705 = vector.shape_cast %swap3A_704 : vector<1x16xf32> to vector<16xf32>
      %swap3A_706 = vector.shape_cast %broadcast_in_dim3A_700 : vector<16xf32> to vector<1x16xf32>
      tpu.vector_store %arg15[%swap3A_702, %swap3A_703], %swap3A_706 {strides = array<i32>} : memref<8x128xf32, #tpu.memory_space<vmem>>, vector<1x16xf32>,
      %broadcast_in_dim3A_707 = arith.constant 0.000000e+00 : f32
      %broadcast_in_dim3A_708 = vector.broadcast %broadcast_in_dim3A_707 : f32 to vector<16xf32>
      %swap3A_709 = arith.constant 2 : i32
      %swap3A_710 = arith.index_cast %swap3A_709 : i32 to index
      %swap3A_711 = arith.constant 96 : index
      %swap3A_712 = tpu.vector_load %arg15[%swap3A_710, %swap3A_711] {strides = array<i32>} : memref<8x128xf32, #tpu.memory_space<vmem>>, vector<1x16xf32>,
      %swap3A_713 = vector.shape_cast %swap3A_712 : vector<1x16xf32> to vector<16xf32>
      %swap3A_714 = vector.shape_cast %broadcast_in_dim3A_708 : vector<16xf32> to vector<1x16xf32>
      tpu.vector_store %arg15[%swap3A_710, %swap3A_711], %swap3A_714 {strides = array<i32>} : memref<8x128xf32, #tpu.memory_space<vmem>>, vector<1x16xf32>,
      %broadcast_in_dim3A_715 = arith.constant 0.000000e+00 : f32
      %broadcast_in_dim3A_716 = vector.broadcast %broadcast_in_dim3A_715 : f32 to vector<16xf32>
      %swap3A_717 = arith.constant 2 : i32
      %swap3A_718 = arith.index_cast %swap3A_717 : i32 to index
      %swap3A_719 = arith.constant 112 : index
      %swap3A_720 = tpu.vector_load %arg15[%swap3A_718, %swap3A_719] {strides = array<i32>} : memref<8x128xf32, #tpu.memory_space<vmem>>, vector<1x16xf32>,
      %swap3A_721 = vector.shape_cast %swap3A_720 : vector<1x16xf32> to vector<16xf32>
      %swap3A_722 = vector.shape_cast %broadcast_in_dim3A_716 : vector<16xf32> to vector<1x16xf32>
      tpu.vector_store %arg15[%swap3A_718, %swap3A_719], %swap3A_722 {strides = array<i32>} : memref<8x128xf32, #tpu.memory_space<vmem>>, vector<1x16xf32>,
      %broadcast_in_dim3A_723 = arith.constant 0.000000e+00 : f32
      %broadcast_in_dim3A_724 = vector.broadcast %broadcast_in_dim3A_723 : f32 to vector<16xf32>
      %swap3A_725 = arith.constant 3 : i32
      %swap3A_726 = arith.index_cast %swap3A_725 : i32 to index
      %swap3A_727 = arith.constant 0 : index
      %swap3A_728 = tpu.vector_load %arg15[%swap3A_726, %swap3A_727] {strides = array<i32>} : memref<8x128xf32, #tpu.memory_space<vmem>>, vector<1x16xf32>,
      %swap3A_729 = vector.shape_cast %swap3A_728 : vector<1x16xf32> to vector<16xf32>
      %swap3A_730 = vector.shape_cast %broadcast_in_dim3A_724 : vector<16xf32> to vector<1x16xf32>
      tpu.vector_store %arg15[%swap3A_726, %swap3A_727], %swap3A_730 {strides = array<i32>} : memref<8x128xf32, #tpu.memory_space<vmem>>, vector<1x16xf32>,
      %broadcast_in_dim3A_731 = arith.constant 0.000000e+00 : f32
      %broadcast_in_dim3A_732 = vector.broadcast %broadcast_in_dim3A_731 : f32 to vector<16xf32>
      %swap3A_733 = arith.constant 3 : i32
      %swap3A_734 = arith.index_cast %swap3A_733 : i32 to index
      %swap3A_735 = arith.constant 16 : index
      %swap3A_736 = tpu.vector_load %arg15[%swap3A_734, %swap3A_735] {strides = array<i32>} : memref<8x128xf32, #tpu.memory_space<vmem>>, vector<1x16xf32>,
      %swap3A_737 = vector.shape_cast %swap3A_736 : vector<1x16xf32> to vector<16xf32>
      %swap3A_738 = vector.shape_cast %broadcast_in_dim3A_732 : vector<16xf32> to vector<1x16xf32>
      tpu.vector_store %arg15[%swap3A_734, %swap3A_735], %swap3A_738 {strides = array<i32>} : memref<8x128xf32, #tpu.memory_space<vmem>>, vector<1x16xf32>,
      %broadcast_in_dim3A_739 = arith.constant 0.000000e+00 : f32
      %broadcast_in_dim3A_740 = vector.broadcast %broadcast_in_dim3A_739 : f32 to vector<16xf32>
      %swap3A_741 = arith.constant 3 : i32
      %swap3A_742 = arith.index_cast %swap3A_741 : i32 to index
      %swap3A_743 = arith.constant 32 : index
      %swap3A_744 = tpu.vector_load %arg15[%swap3A_742, %swap3A_743] {strides = array<i32>} : memref<8x128xf32, #tpu.memory_space<vmem>>, vector<1x16xf32>,
      %swap3A_745 = vector.shape_cast %swap3A_744 : vector<1x16xf32> to vector<16xf32>
      %swap3A_746 = vector.shape_cast %broadcast_in_dim3A_740 : vector<16xf32> to vector<1x16xf32>
      tpu.vector_store %arg15[%swap3A_742, %swap3A_743], %swap3A_746 {strides = array<i32>} : memref<8x128xf32, #tpu.memory_space<vmem>>, vector<1x16xf32>,
      %broadcast_in_dim3A_747 = arith.constant 0.000000e+00 : f32
      %broadcast_in_dim3A_748 = vector.broadcast %broadcast_in_dim3A_747 : f32 to vector<16xf32>
      %swap3A_749 = arith.constant 3 : i32
      %swap3A_750 = arith.index_cast %swap3A_749 : i32 to index
      %swap3A_751 = arith.constant 48 : index
      %swap3A_752 = tpu.vector_load %arg15[%swap3A_750, %swap3A_751] {strides = array<i32>} : memref<8x128xf32, #tpu.memory_space<vmem>>, vector<1x16xf32>,
      %swap3A_753 = vector.shape_cast %swap3A_752 : vector<1x16xf32> to vector<16xf32>
      %swap3A_754 = vector.shape_cast %broadcast_in_dim3A_748 : vector<16xf32> to vector<1x16xf32>
      tpu.vector_store %arg15[%swap3A_750, %swap3A_751], %swap3A_754 {strides = array<i32>} : memref<8x128xf32, #tpu.memory_space<vmem>>, vector<1x16xf32>,
      %broadcast_in_dim3A_755 = arith.constant 0.000000e+00 : f32
      %broadcast_in_dim3A_756 = vector.broadcast %broadcast_in_dim3A_755 : f32 to vector<16xf32>
      %swap3A_757 = arith.constant 3 : i32
      %swap3A_758 = arith.index_cast %swap3A_757 : i32 to index
      %swap3A_759 = arith.constant 64 : index
      %swap3A_760 = tpu.vector_load %arg15[%swap3A_758, %swap3A_759] {strides = array<i32>} : memref<8x128xf32, #tpu.memory_space<vmem>>, vector<1x16xf32>,
      %swap3A_761 = vector.shape_cast %swap3A_760 : vector<1x16xf32> to vector<16xf32>
      %swap3A_762 = vector.shape_cast %broadcast_in_dim3A_756 : vector<16xf32> to vector<1x16xf32>
      tpu.vector_store %arg15[%swap3A_758, %swap3A_759], %swap3A_762 {strides = array<i32>} : memref<8x128xf32, #tpu.memory_space<vmem>>, vector<1x16xf32>,
      %broadcast_in_dim3A_763 = arith.constant 0.000000e+00 : f32
      %broadcast_in_dim3A_764 = vector.broadcast %broadcast_in_dim3A_763 : f32 to vector<16xf32>
      %swap3A_765 = arith.constant 3 : i32
      %swap3A_766 = arith.index_cast %swap3A_765 : i32 to index
      %swap3A_767 = arith.constant 80 : index
      %swap3A_768 = tpu.vector_load %arg15[%swap3A_766, %swap3A_767] {strides = array<i32>} : memref<8x128xf32, #tpu.memory_space<vmem>>, vector<1x16xf32>,
      %swap3A_769 = vector.shape_cast %swap3A_768 : vector<1x16xf32> to vector<16xf32>
      %swap3A_770 = vector.shape_cast %broadcast_in_dim3A_764 : vector<16xf32> to vector<1x16xf32>
      tpu.vector_store %arg15[%swap3A_766, %swap3A_767], %swap3A_770 {strides = array<i32>} : memref<8x128xf32, #tpu.memory_space<vmem>>, vector<1x16xf32>,
      %broadcast_in_dim3A_771 = arith.constant 0.000000e+00 : f32
      %broadcast_in_dim3A_772 = vector.broadcast %broadcast_in_dim3A_771 : f32 to vector<16xf32>
      %swap3A_773 = arith.constant 3 : i32
      %swap3A_774 = arith.index_cast %swap3A_773 : i32 to index
      %swap3A_775 = arith.constant 96 : index
      %swap3A_776 = tpu.vector_load %arg15[%swap3A_774, %swap3A_775] {strides = array<i32>} : memref<8x128xf32, #tpu.memory_space<vmem>>, vector<1x16xf32>,
      %swap3A_777 = vector.shape_cast %swap3A_776 : vector<1x16xf32> to vector<16xf32>
      %swap3A_778 = vector.shape_cast %broadcast_in_dim3A_772 : vector<16xf32> to vector<1x16xf32>
      tpu.vector_store %arg15[%swap3A_774, %swap3A_775], %swap3A_778 {strides = array<i32>} : memref<8x128xf32, #tpu.memory_space<vmem>>, vector<1x16xf32>,
      %broadcast_in_dim3A_779 = arith.constant 0.000000e+00 : f32
      %broadcast_in_dim3A_780 = vector.broadcast %broadcast_in_dim3A_779 : f32 to vector<16xf32>
      %swap3A_781 = arith.constant 3 : i32
      %swap3A_782 = arith.index_cast %swap3A_781 : i32 to index
      %swap3A_783 = arith.constant 112 : index
      %swap3A_784 = tpu.vector_load %arg15[%swap3A_782, %swap3A_783] {strides = array<i32>} : memref<8x128xf32, #tpu.memory_space<vmem>>, vector<1x16xf32>,
      %swap3A_785 = vector.shape_cast %swap3A_784 : vector<1x16xf32> to vector<16xf32>
      %swap3A_786 = vector.shape_cast %broadcast_in_dim3A_780 : vector<16xf32> to vector<1x16xf32>
      tpu.vector_store %arg15[%swap3A_782, %swap3A_783], %swap3A_786 {strides = array<i32>} : memref<8x128xf32, #tpu.memory_space<vmem>>, vector<1x16xf32>,
      %broadcast_in_dim3A_787 = arith.constant 0.000000e+00 : f32
      %broadcast_in_dim3A_788 = vector.broadcast %broadcast_in_dim3A_787 : f32 to vector<16xf32>
      %swap3A_789 = arith.constant 4 : i32
      %swap3A_790 = arith.index_cast %swap3A_789 : i32 to index
      %swap3A_791 = arith.constant 0 : index
      %swap3A_792 = tpu.vector_load %arg15[%swap3A_790, %swap3A_791] {strides = array<i32>} : memref<8x128xf32, #tpu.memory_space<vmem>>, vector<1x16xf32>,
      %swap3A_793 = vector.shape_cast %swap3A_792 : vector<1x16xf32> to vector<16xf32>
      %swap3A_794 = vector.shape_cast %broadcast_in_dim3A_788 : vector<16xf32> to vector<1x16xf32>
      tpu.vector_store %arg15[%swap3A_790, %swap3A_791], %swap3A_794 {strides = array<i32>} : memref<8x128xf32, #tpu.memory_space<vmem>>, vector<1x16xf32>,
      %broadcast_in_dim3A_795 = arith.constant 0.000000e+00 : f32
      %broadcast_in_dim3A_796 = vector.broadcast %broadcast_in_dim3A_795 : f32 to vector<16xf32>
      %swap3A_797 = arith.constant 4 : i32
      %swap3A_798 = arith.index_cast %swap3A_797 : i32 to index
      %swap3A_799 = arith.constant 16 : index
      %swap3A_800 = tpu.vector_load %arg15[%swap3A_798, %swap3A_799] {strides = array<i32>} : memref<8x128xf32, #tpu.memory_space<vmem>>, vector<1x16xf32>,
      %swap3A_801 = vector.shape_cast %swap3A_800 : vector<1x16xf32> to vector<16xf32>
      %swap3A_802 = vector.shape_cast %broadcast_in_dim3A_796 : vector<16xf32> to vector<1x16xf32>
      tpu.vector_store %arg15[%swap3A_798, %swap3A_799], %swap3A_802 {strides = array<i32>} : memref<8x128xf32, #tpu.memory_space<vmem>>, vector<1x16xf32>,
      %broadcast_in_dim3A_803 = arith.constant 0.000000e+00 : f32
      %broadcast_in_dim3A_804 = vector.broadcast %broadcast_in_dim3A_803 : f32 to vector<16xf32>
      %swap3A_805 = arith.constant 4 : i32
      %swap3A_806 = arith.index_cast %swap3A_805 : i32 to index
      %swap3A_807 = arith.constant 32 : index
      %swap3A_808 = tpu.vector_load %arg15[%swap3A_806, %swap3A_807] {strides = array<i32>} : memref<8x128xf32, #tpu.memory_space<vmem>>, vector<1x16xf32>,
      %swap3A_809 = vector.shape_cast %swap3A_808 : vector<1x16xf32> to vector<16xf32>
      %swap3A_810 = vector.shape_cast %broadcast_in_dim3A_804 : vector<16xf32> to vector<1x16xf32>
      tpu.vector_store %arg15[%swap3A_806, %swap3A_807], %swap3A_810 {strides = array<i32>} : memref<8x128xf32, #tpu.memory_space<vmem>>, vector<1x16xf32>,
      %broadcast_in_dim3A_811 = arith.constant 0.000000e+00 : f32
      %broadcast_in_dim3A_812 = vector.broadcast %broadcast_in_dim3A_811 : f32 to vector<16xf32>
      %swap3A_813 = arith.constant 4 : i32
      %swap3A_814 = arith.index_cast %swap3A_813 : i32 to index
      %swap3A_815 = arith.constant 48 : index
      %swap3A_816 = tpu.vector_load %arg15[%swap3A_814, %swap3A_815] {strides = array<i32>} : memref<8x128xf32, #tpu.memory_space<vmem>>, vector<1x16xf32>,
      %swap3A_817 = vector.shape_cast %swap3A_816 : vector<1x16xf32> to vector<16xf32>
      %swap3A_818 = vector.shape_cast %broadcast_in_dim3A_812 : vector<16xf32> to vector<1x16xf32>
      tpu.vector_store %arg15[%swap3A_814, %swap3A_815], %swap3A_818 {strides = array<i32>} : memref<8x128xf32, #tpu.memory_space<vmem>>, vector<1x16xf32>,
      %broadcast_in_dim3A_819 = arith.constant 0.000000e+00 : f32
      %broadcast_in_dim3A_820 = vector.broadcast %broadcast_in_dim3A_819 : f32 to vector<16xf32>
      %swap3A_821 = arith.constant 4 : i32
      %swap3A_822 = arith.index_cast %swap3A_821 : i32 to index
      %swap3A_823 = arith.constant 64 : index
      %swap3A_824 = tpu.vector_load %arg15[%swap3A_822, %swap3A_823] {strides = array<i32>} : memref<8x128xf32, #tpu.memory_space<vmem>>, vector<1x16xf32>,
      %swap3A_825 = vector.shape_cast %swap3A_824 : vector<1x16xf32> to vector<16xf32>
      %swap3A_826 = vector.shape_cast %broadcast_in_dim3A_820 : vector<16xf32> to vector<1x16xf32>
      tpu.vector_store %arg15[%swap3A_822, %swap3A_823], %swap3A_826 {strides = array<i32>} : memref<8x128xf32, #tpu.memory_space<vmem>>, vector<1x16xf32>,
      %broadcast_in_dim3A_827 = arith.constant 0.000000e+00 : f32
      %broadcast_in_dim3A_828 = vector.broadcast %broadcast_in_dim3A_827 : f32 to vector<16xf32>
      %swap3A_829 = arith.constant 4 : i32
      %swap3A_830 = arith.index_cast %swap3A_829 : i32 to index
      %swap3A_831 = arith.constant 80 : index
      %swap3A_832 = tpu.vector_load %arg15[%swap3A_830, %swap3A_831] {strides = array<i32>} : memref<8x128xf32, #tpu.memory_space<vmem>>, vector<1x16xf32>,
      %swap3A_833 = vector.shape_cast %swap3A_832 : vector<1x16xf32> to vector<16xf32>
      %swap3A_834 = vector.shape_cast %broadcast_in_dim3A_828 : vector<16xf32> to vector<1x16xf32>
      tpu.vector_store %arg15[%swap3A_830, %swap3A_831], %swap3A_834 {strides = array<i32>} : memref<8x128xf32, #tpu.memory_space<vmem>>, vector<1x16xf32>,
      %broadcast_in_dim3A_835 = arith.constant 0.000000e+00 : f32
      %broadcast_in_dim3A_836 = vector.broadcast %broadcast_in_dim3A_835 : f32 to vector<16xf32>
      %swap3A_837 = arith.constant 4 : i32
      %swap3A_838 = arith.index_cast %swap3A_837 : i32 to index
      %swap3A_839 = arith.constant 96 : index
      %swap3A_840 = tpu.vector_load %arg15[%swap3A_838, %swap3A_839] {strides = array<i32>} : memref<8x128xf32, #tpu.memory_space<vmem>>, vector<1x16xf32>,
      %swap3A_841 = vector.shape_cast %swap3A_840 : vector<1x16xf32> to vector<16xf32>
      %swap3A_842 = vector.shape_cast %broadcast_in_dim3A_836 : vector<16xf32> to vector<1x16xf32>
      tpu.vector_store %arg15[%swap3A_838, %swap3A_839], %swap3A_842 {strides = array<i32>} : memref<8x128xf32, #tpu.memory_space<vmem>>, vector<1x16xf32>,
      %broadcast_in_dim3A_843 = arith.constant 0.000000e+00 : f32
      %broadcast_in_dim3A_844 = vector.broadcast %broadcast_in_dim3A_843 : f32 to vector<16xf32>
      %swap3A_845 = arith.constant 4 : i32
      %swap3A_846 = arith.index_cast %swap3A_845 : i32 to index
      %swap3A_847 = arith.constant 112 : index
      %swap3A_848 = tpu.vector_load %arg15[%swap3A_846, %swap3A_847] {strides = array<i32>} : memref<8x128xf32, #tpu.memory_space<vmem>>, vector<1x16xf32>,
      %swap3A_849 = vector.shape_cast %swap3A_848 : vector<1x16xf32> to vector<16xf32>
      %swap3A_850 = vector.shape_cast %broadcast_in_dim3A_844 : vector<16xf32> to vector<1x16xf32>
      tpu.vector_store %arg15[%swap3A_846, %swap3A_847], %swap3A_850 {strides = array<i32>} : memref<8x128xf32, #tpu.memory_space<vmem>>, vector<1x16xf32>,
      %broadcast_in_dim3A_851 = arith.constant 0.000000e+00 : f32
      %broadcast_in_dim3A_852 = vector.broadcast %broadcast_in_dim3A_851 : f32 to vector<16xf32>
      %swap3A_853 = arith.constant 5 : i32
      %swap3A_854 = arith.index_cast %swap3A_853 : i32 to index
      %swap3A_855 = arith.constant 0 : index
      %swap3A_856 = tpu.vector_load %arg15[%swap3A_854, %swap3A_855] {strides = array<i32>} : memref<8x128xf32, #tpu.memory_space<vmem>>, vector<1x16xf32>,
      %swap3A_857 = vector.shape_cast %swap3A_856 : vector<1x16xf32> to vector<16xf32>
      %swap3A_858 = vector.shape_cast %broadcast_in_dim3A_852 : vector<16xf32> to vector<1x16xf32>
      tpu.vector_store %arg15[%swap3A_854, %swap3A_855], %swap3A_858 {strides = array<i32>} : memref<8x128xf32, #tpu.memory_space<vmem>>, vector<1x16xf32>,
      %broadcast_in_dim3A_859 = arith.constant 0.000000e+00 : f32
      %broadcast_in_dim3A_860 = vector.broadcast %broadcast_in_dim3A_859 : f32 to vector<16xf32>
      %swap3A_861 = arith.constant 5 : i32
      %swap3A_862 = arith.index_cast %swap3A_861 : i32 to index
      %swap3A_863 = arith.constant 16 : index
      %swap3A_864 = tpu.vector_load %arg15[%swap3A_862, %swap3A_863] {strides = array<i32>} : memref<8x128xf32, #tpu.memory_space<vmem>>, vector<1x16xf32>,
      %swap3A_865 = vector.shape_cast %swap3A_864 : vector<1x16xf32> to vector<16xf32>
      %swap3A_866 = vector.shape_cast %broadcast_in_dim3A_860 : vector<16xf32> to vector<1x16xf32>
      tpu.vector_store %arg15[%swap3A_862, %swap3A_863], %swap3A_866 {strides = array<i32>} : memref<8x128xf32, #tpu.memory_space<vmem>>, vector<1x16xf32>,
      %broadcast_in_dim3A_867 = arith.constant 0.000000e+00 : f32
      %broadcast_in_dim3A_868 = vector.broadcast %broadcast_in_dim3A_867 : f32 to vector<16xf32>
      %swap3A_869 = arith.constant 5 : i32
      %swap3A_870 = arith.index_cast %swap3A_869 : i32 to index
      %swap3A_871 = arith.constant 32 : index
      %swap3A_872 = tpu.vector_load %arg15[%swap3A_870, %swap3A_871] {strides = array<i32>} : memref<8x128xf32, #tpu.memory_space<vmem>>, vector<1x16xf32>,
      %swap3A_873 = vector.shape_cast %swap3A_872 : vector<1x16xf32> to vector<16xf32>
      %swap3A_874 = vector.shape_cast %broadcast_in_dim3A_868 : vector<16xf32> to vector<1x16xf32>
      tpu.vector_store %arg15[%swap3A_870, %swap3A_871], %swap3A_874 {strides = array<i32>} : memref<8x128xf32, #tpu.memory_space<vmem>>, vector<1x16xf32>,
      %broadcast_in_dim3A_875 = arith.constant 0.000000e+00 : f32
      %broadcast_in_dim3A_876 = vector.broadcast %broadcast_in_dim3A_875 : f32 to vector<16xf32>
      %swap3A_877 = arith.constant 5 : i32
      %swap3A_878 = arith.index_cast %swap3A_877 : i32 to index
      %swap3A_879 = arith.constant 48 : index
      %swap3A_880 = tpu.vector_load %arg15[%swap3A_878, %swap3A_879] {strides = array<i32>} : memref<8x128xf32, #tpu.memory_space<vmem>>, vector<1x16xf32>,
      %swap3A_881 = vector.shape_cast %swap3A_880 : vector<1x16xf32> to vector<16xf32>
      %swap3A_882 = vector.shape_cast %broadcast_in_dim3A_876 : vector<16xf32> to vector<1x16xf32>
      tpu.vector_store %arg15[%swap3A_878, %swap3A_879], %swap3A_882 {strides = array<i32>} : memref<8x128xf32, #tpu.memory_space<vmem>>, vector<1x16xf32>,
      %broadcast_in_dim3A_883 = arith.constant 0.000000e+00 : f32
      %broadcast_in_dim3A_884 = vector.broadcast %broadcast_in_dim3A_883 : f32 to vector<16xf32>
      %swap3A_885 = arith.constant 5 : i32
      %swap3A_886 = arith.index_cast %swap3A_885 : i32 to index
      %swap3A_887 = arith.constant 64 : index
      %swap3A_888 = tpu.vector_load %arg15[%swap3A_886, %swap3A_887] {strides = array<i32>} : memref<8x128xf32, #tpu.memory_space<vmem>>, vector<1x16xf32>,
      %swap3A_889 = vector.shape_cast %swap3A_888 : vector<1x16xf32> to vector<16xf32>
      %swap3A_890 = vector.shape_cast %broadcast_in_dim3A_884 : vector<16xf32> to vector<1x16xf32>
      tpu.vector_store %arg15[%swap3A_886, %swap3A_887], %swap3A_890 {strides = array<i32>} : memref<8x128xf32, #tpu.memory_space<vmem>>, vector<1x16xf32>,
      %broadcast_in_dim3A_891 = arith.constant 0.000000e+00 : f32
      %broadcast_in_dim3A_892 = vector.broadcast %broadcast_in_dim3A_891 : f32 to vector<16xf32>
      %swap3A_893 = arith.constant 5 : i32
      %swap3A_894 = arith.index_cast %swap3A_893 : i32 to index
      %swap3A_895 = arith.constant 80 : index
      %swap3A_896 = tpu.vector_load %arg15[%swap3A_894, %swap3A_895] {strides = array<i32>} : memref<8x128xf32, #tpu.memory_space<vmem>>, vector<1x16xf32>,
      %swap3A_897 = vector.shape_cast %swap3A_896 : vector<1x16xf32> to vector<16xf32>
      %swap3A_898 = vector.shape_cast %broadcast_in_dim3A_892 : vector<16xf32> to vector<1x16xf32>
      tpu.vector_store %arg15[%swap3A_894, %swap3A_895], %swap3A_898 {strides = array<i32>} : memref<8x128xf32, #tpu.memory_space<vmem>>, vector<1x16xf32>,
      %broadcast_in_dim3A_899 = arith.constant 0.000000e+00 : f32
      %broadcast_in_dim3A_900 = vector.broadcast %broadcast_in_dim3A_899 : f32 to vector<16xf32>
      %swap3A_901 = arith.constant 5 : i32
      %swap3A_902 = arith.index_cast %swap3A_901 : i32 to index
      %swap3A_903 = arith.constant 96 : index
      %swap3A_904 = tpu.vector_load %arg15[%swap3A_902, %swap3A_903] {strides = array<i32>} : memref<8x128xf32, #tpu.memory_space<vmem>>, vector<1x16xf32>,
      %swap3A_905 = vector.shape_cast %swap3A_904 : vector<1x16xf32> to vector<16xf32>
      %swap3A_906 = vector.shape_cast %broadcast_in_dim3A_900 : vector<16xf32> to vector<1x16xf32>
      tpu.vector_store %arg15[%swap3A_902, %swap3A_903], %swap3A_906 {strides = array<i32>} : memref<8x128xf32, #tpu.memory_space<vmem>>, vector<1x16xf32>,
      %broadcast_in_dim3A_907 = arith.constant 0.000000e+00 : f32
      %broadcast_in_dim3A_908 = vector.broadcast %broadcast_in_dim3A_907 : f32 to vector<16xf32>
      %swap3A_909 = arith.constant 5 : i32
      %swap3A_910 = arith.index_cast %swap3A_909 : i32 to index
      %swap3A_911 = arith.constant 112 : index
      %swap3A_912 = tpu.vector_load %arg15[%swap3A_910, %swap3A_911] {strides = array<i32>} : memref<8x128xf32, #tpu.memory_space<vmem>>, vector<1x16xf32>,
      %swap3A_913 = vector.shape_cast %swap3A_912 : vector<1x16xf32> to vector<16xf32>
      %swap3A_914 = vector.shape_cast %broadcast_in_dim3A_908 : vector<16xf32> to vector<1x16xf32>
      tpu.vector_store %arg15[%swap3A_910, %swap3A_911], %swap3A_914 {strides = array<i32>} : memref<8x128xf32, #tpu.memory_space<vmem>>, vector<1x16xf32>,
      %broadcast_in_dim3A_915 = arith.constant 0.000000e+00 : f32
      %broadcast_in_dim3A_916 = vector.broadcast %broadcast_in_dim3A_915 : f32 to vector<16xf32>
      %swap3A_917 = arith.constant 6 : i32
      %swap3A_918 = arith.index_cast %swap3A_917 : i32 to index
      %swap3A_919 = arith.constant 0 : index
      %swap3A_920 = tpu.vector_load %arg15[%swap3A_918, %swap3A_919] {strides = array<i32>} : memref<8x128xf32, #tpu.memory_space<vmem>>, vector<1x16xf32>,
      %swap3A_921 = vector.shape_cast %swap3A_920 : vector<1x16xf32> to vector<16xf32>
      %swap3A_922 = vector.shape_cast %broadcast_in_dim3A_916 : vector<16xf32> to vector<1x16xf32>
      tpu.vector_store %arg15[%swap3A_918, %swap3A_919], %swap3A_922 {strides = array<i32>} : memref<8x128xf32, #tpu.memory_space<vmem>>, vector<1x16xf32>,
      %broadcast_in_dim3A_923 = arith.constant 0.000000e+00 : f32
      %broadcast_in_dim3A_924 = vector.broadcast %broadcast_in_dim3A_923 : f32 to vector<16xf32>
      %swap3A_925 = arith.constant 6 : i32
      %swap3A_926 = arith.index_cast %swap3A_925 : i32 to index
      %swap3A_927 = arith.constant 16 : index
      %swap3A_928 = tpu.vector_load %arg15[%swap3A_926, %swap3A_927] {strides = array<i32>} : memref<8x128xf32, #tpu.memory_space<vmem>>, vector<1x16xf32>,
      %swap3A_929 = vector.shape_cast %swap3A_928 : vector<1x16xf32> to vector<16xf32>
      %swap3A_930 = vector.shape_cast %broadcast_in_dim3A_924 : vector<16xf32> to vector<1x16xf32>
      tpu.vector_store %arg15[%swap3A_926, %swap3A_927], %swap3A_930 {strides = array<i32>} : memref<8x128xf32, #tpu.memory_space<vmem>>, vector<1x16xf32>,
      %broadcast_in_dim3A_931 = arith.constant 0.000000e+00 : f32
      %broadcast_in_dim3A_932 = vector.broadcast %broadcast_in_dim3A_931 : f32 to vector<16xf32>
      %swap3A_933 = arith.constant 6 : i32
      %swap3A_934 = arith.index_cast %swap3A_933 : i32 to index
      %swap3A_935 = arith.constant 32 : index
      %swap3A_936 = tpu.vector_load %arg15[%swap3A_934, %swap3A_935] {strides = array<i32>} : memref<8x128xf32, #tpu.memory_space<vmem>>, vector<1x16xf32>,
      %swap3A_937 = vector.shape_cast %swap3A_936 : vector<1x16xf32> to vector<16xf32>
      %swap3A_938 = vector.shape_cast %broadcast_in_dim3A_932 : vector<16xf32> to vector<1x16xf32>
      tpu.vector_store %arg15[%swap3A_934, %swap3A_935], %swap3A_938 {strides = array<i32>} : memref<8x128xf32, #tpu.memory_space<vmem>>, vector<1x16xf32>,
      %broadcast_in_dim3A_939 = arith.constant 0.000000e+00 : f32
      %broadcast_in_dim3A_940 = vector.broadcast %broadcast_in_dim3A_939 : f32 to vector<16xf32>
      %swap3A_941 = arith.constant 6 : i32
      %swap3A_942 = arith.index_cast %swap3A_941 : i32 to index
      %swap3A_943 = arith.constant 48 : index
      %swap3A_944 = tpu.vector_load %arg15[%swap3A_942, %swap3A_943] {strides = array<i32>} : memref<8x128xf32, #tpu.memory_space<vmem>>, vector<1x16xf32>,
      %swap3A_945 = vector.shape_cast %swap3A_944 : vector<1x16xf32> to vector<16xf32>
      %swap3A_946 = vector.shape_cast %broadcast_in_dim3A_940 : vector<16xf32> to vector<1x16xf32>
      tpu.vector_store %arg15[%swap3A_942, %swap3A_943], %swap3A_946 {strides = array<i32>} : memref<8x128xf32, #tpu.memory_space<vmem>>, vector<1x16xf32>,
      %broadcast_in_dim3A_947 = arith.constant 0.000000e+00 : f32
      %broadcast_in_dim3A_948 = vector.broadcast %broadcast_in_dim3A_947 : f32 to vector<16xf32>
      %swap3A_949 = arith.constant 6 : i32
      %swap3A_950 = arith.index_cast %swap3A_949 : i32 to index
      %swap3A_951 = arith.constant 64 : index
      %swap3A_952 = tpu.vector_load %arg15[%swap3A_950, %swap3A_951] {strides = array<i32>} : memref<8x128xf32, #tpu.memory_space<vmem>>, vector<1x16xf32>,
      %swap3A_953 = vector.shape_cast %swap3A_952 : vector<1x16xf32> to vector<16xf32>
      %swap3A_954 = vector.shape_cast %broadcast_in_dim3A_948 : vector<16xf32> to vector<1x16xf32>
      tpu.vector_store %arg15[%swap3A_950, %swap3A_951], %swap3A_954 {strides = array<i32>} : memref<8x128xf32, #tpu.memory_space<vmem>>, vector<1x16xf32>,
      %broadcast_in_dim3A_955 = arith.constant 0.000000e+00 : f32
      %broadcast_in_dim3A_956 = vector.broadcast %broadcast_in_dim3A_955 : f32 to vector<16xf32>
      %swap3A_957 = arith.constant 6 : i32
      %swap3A_958 = arith.index_cast %swap3A_957 : i32 to index
      %swap3A_959 = arith.constant 80 : index
      %swap3A_960 = tpu.vector_load %arg15[%swap3A_958, %swap3A_959] {strides = array<i32>} : memref<8x128xf32, #tpu.memory_space<vmem>>, vector<1x16xf32>,
      %swap3A_961 = vector.shape_cast %swap3A_960 : vector<1x16xf32> to vector<16xf32>
      %swap3A_962 = vector.shape_cast %broadcast_in_dim3A_956 : vector<16xf32> to vector<1x16xf32>
      tpu.vector_store %arg15[%swap3A_958, %swap3A_959], %swap3A_962 {strides = array<i32>} : memref<8x128xf32, #tpu.memory_space<vmem>>, vector<1x16xf32>,
      %broadcast_in_dim3A_963 = arith.constant 0.000000e+00 : f32
      %broadcast_in_dim3A_964 = vector.broadcast %broadcast_in_dim3A_963 : f32 to vector<16xf32>
      %swap3A_965 = arith.constant 6 : i32
      %swap3A_966 = arith.index_cast %swap3A_965 : i32 to index
      %swap3A_967 = arith.constant 96 : index
      %swap3A_968 = tpu.vector_load %arg15[%swap3A_966, %swap3A_967] {strides = array<i32>} : memref<8x128xf32, #tpu.memory_space<vmem>>, vector<1x16xf32>,
      %swap3A_969 = vector.shape_cast %swap3A_968 : vector<1x16xf32> to vector<16xf32>
      %swap3A_970 = vector.shape_cast %broadcast_in_dim3A_964 : vector<16xf32> to vector<1x16xf32>
      tpu.vector_store %arg15[%swap3A_966, %swap3A_967], %swap3A_970 {strides = array<i32>} : memref<8x128xf32, #tpu.memory_space<vmem>>, vector<1x16xf32>,
      %broadcast_in_dim3A_971 = arith.constant 0.000000e+00 : f32
      %broadcast_in_dim3A_972 = vector.broadcast %broadcast_in_dim3A_971 : f32 to vector<16xf32>
      %swap3A_973 = arith.constant 6 : i32
      %swap3A_974 = arith.index_cast %swap3A_973 : i32 to index
      %swap3A_975 = arith.constant 112 : index
      %swap3A_976 = tpu.vector_load %arg15[%swap3A_974, %swap3A_975] {strides = array<i32>} : memref<8x128xf32, #tpu.memory_space<vmem>>, vector<1x16xf32>,
      %swap3A_977 = vector.shape_cast %swap3A_976 : vector<1x16xf32> to vector<16xf32>
      %swap3A_978 = vector.shape_cast %broadcast_in_dim3A_972 : vector<16xf32> to vector<1x16xf32>
      tpu.vector_store %arg15[%swap3A_974, %swap3A_975], %swap3A_978 {strides = array<i32>} : memref<8x128xf32, #tpu.memory_space<vmem>>, vector<1x16xf32>,
      %broadcast_in_dim3A_979 = arith.constant 0.000000e+00 : f32
      %broadcast_in_dim3A_980 = vector.broadcast %broadcast_in_dim3A_979 : f32 to vector<16xf32>
      %swap3A_981 = arith.constant 7 : i32
      %swap3A_982 = arith.index_cast %swap3A_981 : i32 to index
      %swap3A_983 = arith.constant 0 : index
      %swap3A_984 = tpu.vector_load %arg15[%swap3A_982, %swap3A_983] {strides = array<i32>} : memref<8x128xf32, #tpu.memory_space<vmem>>, vector<1x16xf32>,
      %swap3A_985 = vector.shape_cast %swap3A_984 : vector<1x16xf32> to vector<16xf32>
      %swap3A_986 = vector.shape_cast %broadcast_in_dim3A_980 : vector<16xf32> to vector<1x16xf32>
      tpu.vector_store %arg15[%swap3A_982, %swap3A_983], %swap3A_986 {strides = array<i32>} : memref<8x128xf32, #tpu.memory_space<vmem>>, vector<1x16xf32>,
      %broadcast_in_dim3A_987 = arith.constant 0.000000e+00 : f32
      %broadcast_in_dim3A_988 = vector.broadcast %broadcast_in_dim3A_987 : f32 to vector<16xf32>
      %swap3A_989 = arith.constant 7 : i32
      %swap3A_990 = arith.index_cast %swap3A_989 : i32 to index
      %swap3A_991 = arith.constant 16 : index
      %swap3A_992 = tpu.vector_load %arg15[%swap3A_990, %swap3A_991] {strides = array<i32>} : memref<8x128xf32, #tpu.memory_space<vmem>>, vector<1x16xf32>,
      %swap3A_993 = vector.shape_cast %swap3A_992 : vector<1x16xf32> to vector<16xf32>
      %swap3A_994 = vector.shape_cast %broadcast_in_dim3A_988 : vector<16xf32> to vector<1x16xf32>
      tpu.vector_store %arg15[%swap3A_990, %swap3A_991], %swap3A_994 {strides = array<i32>} : memref<8x128xf32, #tpu.memory_space<vmem>>, vector<1x16xf32>,
      %broadcast_in_dim3A_995 = arith.constant 0.000000e+00 : f32
      %broadcast_in_dim3A_996 = vector.broadcast %broadcast_in_dim3A_995 : f32 to vector<16xf32>
      %swap3A_997 = arith.constant 7 : i32
      %swap3A_998 = arith.index_cast %swap3A_997 : i32 to index
      %swap3A_999 = arith.constant 32 : index
      %swap3A_1000 = tpu.vector_load %arg15[%swap3A_998, %swap3A_999] {strides = array<i32>} : memref<8x128xf32, #tpu.memory_space<vmem>>, vector<1x16xf32>,
      %swap3A_1001 = vector.shape_cast %swap3A_1000 : vector<1x16xf32> to vector<16xf32>
      %swap3A_1002 = vector.shape_cast %broadcast_in_dim3A_996 : vector<16xf32> to vector<1x16xf32>
      tpu.vector_store %arg15[%swap3A_998, %swap3A_999], %swap3A_1002 {strides = array<i32>} : memref<8x128xf32, #tpu.memory_space<vmem>>, vector<1x16xf32>,
      %broadcast_in_dim3A_1003 = arith.constant 0.000000e+00 : f32
      %broadcast_in_dim3A_1004 = vector.broadcast %broadcast_in_dim3A_1003 : f32 to vector<16xf32>
      %swap3A_1005 = arith.constant 7 : i32
      %swap3A_1006 = arith.index_cast %swap3A_1005 : i32 to index
      %swap3A_1007 = arith.constant 48 : index
      %swap3A_1008 = tpu.vector_load %arg15[%swap3A_1006, %swap3A_1007] {strides = array<i32>} : memref<8x128xf32, #tpu.memory_space<vmem>>, vector<1x16xf32>,
      %swap3A_1009 = vector.shape_cast %swap3A_1008 : vector<1x16xf32> to vector<16xf32>
      %swap3A_1010 = vector.shape_cast %broadcast_in_dim3A_1004 : vector<16xf32> to vector<1x16xf32>
      tpu.vector_store %arg15[%swap3A_1006, %swap3A_1007], %swap3A_1010 {strides = array<i32>} : memref<8x128xf32, #tpu.memory_space<vmem>>, vector<1x16xf32>,
      %broadcast_in_dim3A_1011 = arith.constant 0.000000e+00 : f32
      %broadcast_in_dim3A_1012 = vector.broadcast %broadcast_in_dim3A_1011 : f32 to vector<16xf32>
      %swap3A_1013 = arith.constant 7 : i32
      %swap3A_1014 = arith.index_cast %swap3A_1013 : i32 to index
      %swap3A_1015 = arith.constant 64 : index
      %swap3A_1016 = tpu.vector_load %arg15[%swap3A_1014, %swap3A_1015] {strides = array<i32>} : memref<8x128xf32, #tpu.memory_space<vmem>>, vector<1x16xf32>,
      %swap3A_1017 = vector.shape_cast %swap3A_1016 : vector<1x16xf32> to vector<16xf32>
      %swap3A_1018 = vector.shape_cast %broadcast_in_dim3A_1012 : vector<16xf32> to vector<1x16xf32>
      tpu.vector_store %arg15[%swap3A_1014, %swap3A_1015], %swap3A_1018 {strides = array<i32>} : memref<8x128xf32, #tpu.memory_space<vmem>>, vector<1x16xf32>,
      %broadcast_in_dim3A_1019 = arith.constant 0.000000e+00 : f32
      %broadcast_in_dim3A_1020 = vector.broadcast %broadcast_in_dim3A_1019 : f32 to vector<16xf32>
      %swap3A_1021 = arith.constant 7 : i32
      %swap3A_1022 = arith.index_cast %swap3A_1021 : i32 to index
      %swap3A_1023 = arith.constant 80 : index
      %swap3A_1024 = tpu.vector_load %arg15[%swap3A_1022, %swap3A_1023] {strides = array<i32>} : memref<8x128xf32, #tpu.memory_space<vmem>>, vector<1x16xf32>,
      %swap3A_1025 = vector.shape_cast %swap3A_1024 : vector<1x16xf32> to vector<16xf32>
      %swap3A_1026 = vector.shape_cast %broadcast_in_dim3A_1020 : vector<16xf32> to vector<1x16xf32>
      tpu.vector_store %arg15[%swap3A_1022, %swap3A_1023], %swap3A_1026 {strides = array<i32>} : memref<8x128xf32, #tpu.memory_space<vmem>>, vector<1x16xf32>,
      %broadcast_in_dim3A_1027 = arith.constant 0.000000e+00 : f32
      %broadcast_in_dim3A_1028 = vector.broadcast %broadcast_in_dim3A_1027 : f32 to vector<16xf32>
      %swap3A_1029 = arith.constant 7 : i32
      %swap3A_1030 = arith.index_cast %swap3A_1029 : i32 to index
      %swap3A_1031 = arith.constant 96 : index
      %swap3A_1032 = tpu.vector_load %arg15[%swap3A_1030, %swap3A_1031] {strides = array<i32>} : memref<8x128xf32, #tpu.memory_space<vmem>>, vector<1x16xf32>,
      %swap3A_1033 = vector.shape_cast %swap3A_1032 : vector<1x16xf32> to vector<16xf32>
      %swap3A_1034 = vector.shape_cast %broadcast_in_dim3A_1028 : vector<16xf32> to vector<1x16xf32>
      tpu.vector_store %arg15[%swap3A_1030, %swap3A_1031], %swap3A_1034 {strides = array<i32>} : memref<8x128xf32, #tpu.memory_space<vmem>>, vector<1x16xf32>,
      %broadcast_in_dim3A_1035 = arith.constant 0.000000e+00 : f32
      %broadcast_in_dim3A_1036 = vector.broadcast %broadcast_in_dim3A_1035 : f32 to vector<16xf32>
      %swap3A_1037 = arith.constant 7 : i32
      %swap3A_1038 = arith.index_cast %swap3A_1037 : i32 to index
      %swap3A_1039 = arith.constant 112 : index
      %swap3A_1040 = tpu.vector_load %arg15[%swap3A_1038, %swap3A_1039] {strides = array<i32>} : memref<8x128xf32, #tpu.memory_space<vmem>>, vector<1x16xf32>,
      %swap3A_1041 = vector.shape_cast %swap3A_1040 : vector<1x16xf32> to vector<16xf32>
      %swap3A_1042 = vector.shape_cast %broadcast_in_dim3A_1036 : vector<16xf32> to vector<1x16xf32>
      tpu.vector_store %arg15[%swap3A_1038, %swap3A_1039], %swap3A_1042 {strides = array<i32>} : memref<8x128xf32, #tpu.memory_space<vmem>>, vector<1x16xf32>,
      "tpu.region"() ({
        %run_scoped3A_1043 = tpu.sem_alloc : memref<!tpu.dma_semaphore, #tpu.memory_space<semaphore_mem>>
        %dma_start3A_1044 = arith.constant 5120 : i32
        %dma_start3A_1045 = arith.constant 0 : i32
        %dma_start3A_1046 = tpu.memref_slice %arg9[%dma_start3A_1044, %dma_start3A_1045] : memref<5136x128xf32, #tpu.memory_space<vmem_shared>> -> memref<8x128xf32, #tpu.memory_space<vmem_shared>>
        %dma_start3A_1047 = arith.constant 5120 : i32
        %dma_start3A_1048 = arith.constant 0 : i32
        %dma_start3A_1049 = tpu.memref_slice %arg9[%dma_start3A_1047, %dma_start3A_1048] : memref<5136x128xf32, #tpu.memory_space<vmem_shared>> -> memref<8x128xf32, #tpu.memory_space<vmem_shared>>
        tpu.enqueue_dma source(%arg15 : memref<8x128xf32, #tpu.memory_space<vmem>>) target(%dma_start3A_1049 : memref<8x128xf32, #tpu.memory_space<vmem_shared>>) target_semaphore(%run_scoped3A_1043 : memref<!tpu.dma_semaphore, #tpu.memory_space<semaphore_mem>>)
        %dma_wait3A_1050 = arith.constant 5120 : i32
        %dma_wait3A_1051 = arith.constant 0 : i32
        %dma_wait3A_1052 = tpu.memref_slice %arg9[%dma_wait3A_1050, %dma_wait3A_1051] : memref<5136x128xf32, #tpu.memory_space<vmem_shared>> -> memref<8x128xf32, #tpu.memory_space<vmem_shared>>
        %dma_wait3A_1053 = arith.constant 5120 : i32
        %dma_wait3A_1054 = arith.constant 0 : i32
        %dma_wait3A_1055 = tpu.memref_slice %arg9[%dma_wait3A_1053, %dma_wait3A_1054] : memref<5136x128xf32, #tpu.memory_space<vmem_shared>> -> memref<8x128xf32, #tpu.memory_space<vmem_shared>>
        tpu.wait_dma2 semaphore(%run_scoped3A_1043 : memref<!tpu.dma_semaphore, #tpu.memory_space<semaphore_mem>>) src(%arg15 : memref<8x128xf32, #tpu.memory_space<vmem>>) dst(%dma_wait3A_1055 : memref<8x128xf32, #tpu.memory_space<vmem_shared>>)
        tpu.yield
      }) : () -> ()
    } else {
    }
    %barrier3A = arith.constant 0 : index
    tpu.barrier barrier_id(%barrier3A)
    %run_scoped3A_239 = arith.constant 0 : i32
    %run_scoped3A_240 = arith.constant 0 : i32
    "tpu.region"() ({
      %run_scoped3A_531 = tpu.sem_alloc : memref<!tpu.dma_semaphore, #tpu.memory_space<semaphore_mem>>
      %dma_start3A_532 = arith.constant 0 : i32
      %dma_start3A_533 = arith.constant 0 : i32
      %dma_start3A_534 = tpu.memref_slice %arg11[%run_scoped3A_239, %dma_start3A_532, %dma_start3A_533] : memref<2x80x128xf32, #tpu.memory_space<vmem>> -> memref<1x80x128xf32, #tpu.memory_space<vmem>>
      %dma_start3A_535 = tpu.memref_squeeze %dma_start3A_534 : memref<1x80x128xf32, #tpu.memory_space<vmem>> -> memref<80x128xf32, #tpu.memory_space<vmem>>
      %dma_start3A_536 = arith.constant 0 : i32
      %dma_start3A_537 = tpu.memref_slice %arg10[%run_scoped3A_240, %dma_start3A_536] : memref<2x80xi32, #tpu.memory_space<vmem>> -> memref<1x80xi32, #tpu.memory_space<vmem>>
      %dma_start3A_538 = tpu.memref_squeeze %dma_start3A_537 : memref<1x80xi32, #tpu.memory_space<vmem>> -> memref<80xi32, #tpu.memory_space<vmem>>
      %dma_start3A_539 = arith.constant 0 : i32
      %dma_start3A_540 = arith.constant 0 : i32
      %dma_start3A_541 = tpu.memref_slice %arg9[%dma_start3A_539, %dma_start3A_540] : memref<5136x128xf32, #tpu.memory_space<vmem_shared>> -> memref<5136x128xf32, #tpu.memory_space<vmem_shared>>
      tpu.enqueue_indirect_dma source(%dma_start3A_535 : memref<80x128xf32, #tpu.memory_space<vmem>>) target(%dma_start3A_541 : memref<5136x128xf32, #tpu.memory_space<vmem_shared>>) offsets(%dma_start3A_538 : memref<80xi32, #tpu.memory_space<vmem>>) semaphore(%run_scoped3A_531 : memref<!tpu.dma_semaphore, #tpu.memory_space<semaphore_mem>>) {add = true}
      %dma_wait3A_542 = arith.constant 0 : i32
      %dma_wait3A_543 = arith.constant 0 : i32
      %dma_wait3A_544 = tpu.memref_slice %arg11[%run_scoped3A_239, %dma_wait3A_542, %dma_wait3A_543] : memref<2x80x128xf32, #tpu.memory_space<vmem>> -> memref<1x80x128xf32, #tpu.memory_space<vmem>>
      %dma_wait3A_545 = tpu.memref_squeeze %dma_wait3A_544 : memref<1x80x128xf32, #tpu.memory_space<vmem>> -> memref<80x128xf32, #tpu.memory_space<vmem>>
      %dma_wait3A_546 = arith.constant 0 : i32
      %dma_wait3A_547 = tpu.memref_slice %arg10[%run_scoped3A_240, %dma_wait3A_546] : memref<2x80xi32, #tpu.memory_space<vmem>> -> memref<1x80xi32, #tpu.memory_space<vmem>>
      %dma_wait3A_548 = tpu.memref_squeeze %dma_wait3A_547 : memref<1x80xi32, #tpu.memory_space<vmem>> -> memref<80xi32, #tpu.memory_space<vmem>>
      %dma_wait3A_549 = arith.constant 0 : i32
      %dma_wait3A_550 = arith.constant 0 : i32
      %dma_wait3A_551 = tpu.memref_slice %arg9[%dma_wait3A_549, %dma_wait3A_550] : memref<5136x128xf32, #tpu.memory_space<vmem_shared>> -> memref<5136x128xf32, #tpu.memory_space<vmem_shared>>
      tpu.wait_indirect_dma semaphore(%run_scoped3A_531 : memref<!tpu.dma_semaphore, #tpu.memory_space<semaphore_mem>>) src(%dma_wait3A_545 : memref<80x128xf32, #tpu.memory_space<vmem>>) dst(%dma_wait3A_551 : memref<5136x128xf32, #tpu.memory_space<vmem_shared>>)
      tpu.yield
    }) : () -> ()
    %run_scoped3A_241 = arith.constant 1 : i32
    %run_scoped3A_242 = arith.constant 1 : i32
    "tpu.region"() ({
      %run_scoped3A_531 = tpu.sem_alloc : memref<!tpu.dma_semaphore, #tpu.memory_space<semaphore_mem>>
      %dma_start3A_532 = arith.constant 0 : i32
      %dma_start3A_533 = arith.constant 0 : i32
      %dma_start3A_534 = tpu.memref_slice %arg11[%run_scoped3A_241, %dma_start3A_532, %dma_start3A_533] : memref<2x80x128xf32, #tpu.memory_space<vmem>> -> memref<1x80x128xf32, #tpu.memory_space<vmem>>
      %dma_start3A_535 = tpu.memref_squeeze %dma_start3A_534 : memref<1x80x128xf32, #tpu.memory_space<vmem>> -> memref<80x128xf32, #tpu.memory_space<vmem>>
      %dma_start3A_536 = arith.constant 0 : i32
      %dma_start3A_537 = tpu.memref_slice %arg10[%run_scoped3A_242, %dma_start3A_536] : memref<2x80xi32, #tpu.memory_space<vmem>> -> memref<1x80xi32, #tpu.memory_space<vmem>>
      %dma_start3A_538 = tpu.memref_squeeze %dma_start3A_537 : memref<1x80xi32, #tpu.memory_space<vmem>> -> memref<80xi32, #tpu.memory_space<vmem>>
      %dma_start3A_539 = arith.constant 0 : i32
      %dma_start3A_540 = arith.constant 0 : i32
      %dma_start3A_541 = tpu.memref_slice %arg9[%dma_start3A_539, %dma_start3A_540] : memref<5136x128xf32, #tpu.memory_space<vmem_shared>> -> memref<5136x128xf32, #tpu.memory_space<vmem_shared>>
      tpu.enqueue_indirect_dma source(%dma_start3A_535 : memref<80x128xf32, #tpu.memory_space<vmem>>) target(%dma_start3A_541 : memref<5136x128xf32, #tpu.memory_space<vmem_shared>>) offsets(%dma_start3A_538 : memref<80xi32, #tpu.memory_space<vmem>>) semaphore(%run_scoped3A_531 : memref<!tpu.dma_semaphore, #tpu.memory_space<semaphore_mem>>) {add = true}
      %dma_wait3A_542 = arith.constant 0 : i32
      %dma_wait3A_543 = arith.constant 0 : i32
      %dma_wait3A_544 = tpu.memref_slice %arg11[%run_scoped3A_241, %dma_wait3A_542, %dma_wait3A_543] : memref<2x80x128xf32, #tpu.memory_space<vmem>> -> memref<1x80x128xf32, #tpu.memory_space<vmem>>
      %dma_wait3A_545 = tpu.memref_squeeze %dma_wait3A_544 : memref<1x80x128xf32, #tpu.memory_space<vmem>> -> memref<80x128xf32, #tpu.memory_space<vmem>>
      %dma_wait3A_546 = arith.constant 0 : i32
      %dma_wait3A_547 = tpu.memref_slice %arg10[%run_scoped3A_242, %dma_wait3A_546] : memref<2x80xi32, #tpu.memory_space<vmem>> -> memref<1x80xi32, #tpu.memory_space<vmem>>
      %dma_wait3A_548 = tpu.memref_squeeze %dma_wait3A_547 : memref<1x80xi32, #tpu.memory_space<vmem>> -> memref<80xi32, #tpu.memory_space<vmem>>
      %dma_wait3A_549 = arith.constant 0 : i32
      %dma_wait3A_550 = arith.constant 0 : i32
      %dma_wait3A_551 = tpu.memref_slice %arg9[%dma_wait3A_549, %dma_wait3A_550] : memref<5136x128xf32, #tpu.memory_space<vmem_shared>> -> memref<5136x128xf32, #tpu.memory_space<vmem_shared>>
      tpu.wait_indirect_dma semaphore(%run_scoped3A_531 : memref<!tpu.dma_semaphore, #tpu.memory_space<semaphore_mem>>) src(%dma_wait3A_545 : memref<80x128xf32, #tpu.memory_space<vmem>>) dst(%dma_wait3A_551 : memref<5136x128xf32, #tpu.memory_space<vmem_shared>>)
      tpu.yield
    }) : () -> ()
    %barrier3A_243 = arith.constant 0 : index
    tpu.barrier barrier_id(%barrier3A_243)
    %add3A_244 = arith.addi %mul3A_0, %mul3A_2 : i32
    %dma_start3A = arith.constant 0 : i32
    %dma_start3A_245 = tpu.memref_slice %arg6[%add3A_244, %dma_start3A] : memref<10240x128xf32, #tpu.memory_space<hbm>> -> memref<320x128xf32, #tpu.memory_space<hbm>>
    %dma_start3A_246 = arith.constant 0 : i32
    %dma_start3A_247 = tpu.memref_slice %arg9[%mul3A_2, %dma_start3A_246] : memref<5136x128xf32, #tpu.memory_space<vmem_shared>> -> memref<320x128xf32, #tpu.memory_space<vmem_shared>>
    tpu.enqueue_dma source(%dma_start3A_247 : memref<320x128xf32, #tpu.memory_space<vmem_shared>>) target(%dma_start3A_245 : memref<320x128xf32, #tpu.memory_space<hbm>>) target_semaphore(%arg12 : memref<!tpu.dma_semaphore, #tpu.memory_space<semaphore_mem>>)
    "tpu.region"() ({
      %run_scoped3A_531 = tpu.sem_alloc : memref<!tpu.dma_semaphore, #tpu.memory_space<semaphore_mem>>
      %dma_start3A_532 = arith.constant 0 : i32
      %dma_start3A_533 = arith.constant 0 : i32
      %dma_start3A_534 = tpu.memref_slice %arg5[%arg1, %dma_start3A_532, %dma_start3A_533] : memref<16x2x80xi32, #tpu.memory_space<hbm>> -> memref<1x2x80xi32, #tpu.memory_space<hbm>>
      %dma_start3A_535 = tpu.memref_squeeze %dma_start3A_534 : memref<1x2x80xi32, #tpu.memory_space<hbm>> -> memref<2x80xi32, #tpu.memory_space<hbm>>
      %dma_start3A_536 = arith.constant 0 : i32
      %dma_start3A_537 = arith.constant 0 : i32
      %dma_start3A_538 = tpu.memref_slice %arg5[%arg1, %dma_start3A_536, %dma_start3A_537] : memref<16x2x80xi32, #tpu.memory_space<hbm>> -> memref<1x2x80xi32, #tpu.memory_space<hbm>>
      %dma_start3A_539 = tpu.memref_squeeze %dma_start3A_538 : memref<1x2x80xi32, #tpu.memory_space<hbm>> -> memref<2x80xi32, #tpu.memory_space<hbm>>
      tpu.enqueue_dma source(%dma_start3A_539 : memref<2x80xi32, #tpu.memory_space<hbm>>) target(%arg13 : memref<2x80xi32, #tpu.memory_space<vmem>>) target_semaphore(%run_scoped3A_531 : memref<!tpu.dma_semaphore, #tpu.memory_space<semaphore_mem>>)
      %dma_wait3A_540 = arith.constant 0 : i32
      %dma_wait3A_541 = arith.constant 0 : i32
      %dma_wait3A_542 = tpu.memref_slice %arg5[%arg1, %dma_wait3A_540, %dma_wait3A_541] : memref<16x2x80xi32, #tpu.memory_space<hbm>> -> memref<1x2x80xi32, #tpu.memory_space<hbm>>
      %dma_wait3A_543 = tpu.memref_squeeze %dma_wait3A_542 : memref<1x2x80xi32, #tpu.memory_space<hbm>> -> memref<2x80xi32, #tpu.memory_space<hbm>>
      %dma_wait3A_544 = arith.constant 0 : i32
      %dma_wait3A_545 = arith.constant 0 : i32
      %dma_wait3A_546 = tpu.memref_slice %arg5[%arg1, %dma_wait3A_544, %dma_wait3A_545] : memref<16x2x80xi32, #tpu.memory_space<hbm>> -> memref<1x2x80xi32, #tpu.memory_space<hbm>>
      %dma_wait3A_547 = tpu.memref_squeeze %dma_wait3A_546 : memref<1x2x80xi32, #tpu.memory_space<hbm>> -> memref<2x80xi32, #tpu.memory_space<hbm>>
      tpu.wait_dma2 semaphore(%run_scoped3A_531 : memref<!tpu.dma_semaphore, #tpu.memory_space<semaphore_mem>>) src(%dma_wait3A_547 : memref<2x80xi32, #tpu.memory_space<hbm>>) dst(%arg13 : memref<2x80xi32, #tpu.memory_space<vmem>>)
      tpu.yield
    }) : () -> ()
    %get3A_248 = arith.constant 0 : i32
    %get3A_249 = arith.index_cast %get3A_248 : i32 to index
    %get3A_250 = arith.constant 0 : index
    %get3A_251 = tpu.vector_load %arg13[%get3A_249, %get3A_250] {strides = array<i32>} : memref<2x80xi32, #tpu.memory_space<vmem>>, vector<1x16xi32>,
    %get3A_252 = vector.shape_cast %get3A_251 : vector<1x16xi32> to vector<16xi32>
    %sub3A_253 = vector.broadcast %mul3A_0 : i32 to vector<16xi32>
    %sub3A_254 = arith.subi %get3A_252, %sub3A_253 : vector<16xi32>
    %ge3A_255 = arith.constant 0 : i32
    %ge3A_256 = vector.broadcast %ge3A_255 : i32 to vector<16xi32>
    %ge3A_257 = arith.cmpi sge, %sub3A_254, %ge3A_256 : vector<16xi32>
    %lt3A_258 = arith.constant 5120 : i32
    %lt3A_259 = vector.broadcast %lt3A_258 : i32 to vector<16xi32>
    %lt3A_260 = arith.cmpi slt, %sub3A_254, %lt3A_259 : vector<16xi32>
    %and3A_261 = arith.andi %ge3A_257, %lt3A_260 : vector<16xi1>
    %jit3A_262 = arith.constant 5120 : i32
    %broadcast_in_dim3A_263 = vector.broadcast %jit3A_262 : i32 to vector<16xi32>
    %select_n3A_264 = arith.select %and3A_261, %sub3A_254, %broadcast_in_dim3A_263 : vector<16xi1>, vector<16xi32>
    %swap3A_265 = arith.constant 0 : i32
    %swap3A_266 = arith.index_cast %swap3A_265 : i32 to index
    %swap3A_267 = arith.constant 0 : index
    %swap3A_268 = tpu.vector_load %arg13[%swap3A_266, %swap3A_267] {strides = array<i32>} : memref<2x80xi32, #tpu.memory_space<vmem>>, vector<1x16xi32>,
    %swap3A_269 = vector.shape_cast %swap3A_268 : vector<1x16xi32> to vector<16xi32>
    %swap3A_270 = vector.shape_cast %select_n3A_264 : vector<16xi32> to vector<1x16xi32>
    tpu.vector_store %arg13[%swap3A_266, %swap3A_267], %swap3A_270 {strides = array<i32>} : memref<2x80xi32, #tpu.memory_space<vmem>>, vector<1x16xi32>,
    %get3A_271 = arith.constant 0 : i32
    %get3A_272 = arith.index_cast %get3A_271 : i32 to index
    %get3A_273 = arith.constant 16 : index
    %get3A_274 = tpu.vector_load %arg13[%get3A_272, %get3A_273] {strides = array<i32>} : memref<2x80xi32, #tpu.memory_space<vmem>>, vector<1x16xi32>,
    %get3A_275 = vector.shape_cast %get3A_274 : vector<1x16xi32> to vector<16xi32>
    %sub3A_276 = vector.broadcast %mul3A_0 : i32 to vector<16xi32>
    %sub3A_277 = arith.subi %get3A_275, %sub3A_276 : vector<16xi32>
    %ge3A_278 = arith.constant 0 : i32
    %ge3A_279 = vector.broadcast %ge3A_278 : i32 to vector<16xi32>
    %ge3A_280 = arith.cmpi sge, %sub3A_277, %ge3A_279 : vector<16xi32>
    %lt3A_281 = arith.constant 5120 : i32
    %lt3A_282 = vector.broadcast %lt3A_281 : i32 to vector<16xi32>
    %lt3A_283 = arith.cmpi slt, %sub3A_277, %lt3A_282 : vector<16xi32>
    %and3A_284 = arith.andi %ge3A_280, %lt3A_283 : vector<16xi1>
    %jit3A_285 = arith.constant 5120 : i32
    %broadcast_in_dim3A_286 = vector.broadcast %jit3A_285 : i32 to vector<16xi32>
    %select_n3A_287 = arith.select %and3A_284, %sub3A_277, %broadcast_in_dim3A_286 : vector<16xi1>, vector<16xi32>
    %swap3A_288 = arith.constant 0 : i32
    %swap3A_289 = arith.index_cast %swap3A_288 : i32 to index
    %swap3A_290 = arith.constant 16 : index
    %swap3A_291 = tpu.vector_load %arg13[%swap3A_289, %swap3A_290] {strides = array<i32>} : memref<2x80xi32, #tpu.memory_space<vmem>>, vector<1x16xi32>,
    %swap3A_292 = vector.shape_cast %swap3A_291 : vector<1x16xi32> to vector<16xi32>
    %swap3A_293 = vector.shape_cast %select_n3A_287 : vector<16xi32> to vector<1x16xi32>
    tpu.vector_store %arg13[%swap3A_289, %swap3A_290], %swap3A_293 {strides = array<i32>} : memref<2x80xi32, #tpu.memory_space<vmem>>, vector<1x16xi32>,
    %get3A_294 = arith.constant 0 : i32
    %get3A_295 = arith.index_cast %get3A_294 : i32 to index
    %get3A_296 = arith.constant 32 : index
    %get3A_297 = tpu.vector_load %arg13[%get3A_295, %get3A_296] {strides = array<i32>} : memref<2x80xi32, #tpu.memory_space<vmem>>, vector<1x16xi32>,
    %get3A_298 = vector.shape_cast %get3A_297 : vector<1x16xi32> to vector<16xi32>
    %sub3A_299 = vector.broadcast %mul3A_0 : i32 to vector<16xi32>
    %sub3A_300 = arith.subi %get3A_298, %sub3A_299 : vector<16xi32>
    %ge3A_301 = arith.constant 0 : i32
    %ge3A_302 = vector.broadcast %ge3A_301 : i32 to vector<16xi32>
    %ge3A_303 = arith.cmpi sge, %sub3A_300, %ge3A_302 : vector<16xi32>
    %lt3A_304 = arith.constant 5120 : i32
    %lt3A_305 = vector.broadcast %lt3A_304 : i32 to vector<16xi32>
    %lt3A_306 = arith.cmpi slt, %sub3A_300, %lt3A_305 : vector<16xi32>
    %and3A_307 = arith.andi %ge3A_303, %lt3A_306 : vector<16xi1>
    %jit3A_308 = arith.constant 5120 : i32
    %broadcast_in_dim3A_309 = vector.broadcast %jit3A_308 : i32 to vector<16xi32>
    %select_n3A_310 = arith.select %and3A_307, %sub3A_300, %broadcast_in_dim3A_309 : vector<16xi1>, vector<16xi32>
    %swap3A_311 = arith.constant 0 : i32
    %swap3A_312 = arith.index_cast %swap3A_311 : i32 to index
    %swap3A_313 = arith.constant 32 : index
    %swap3A_314 = tpu.vector_load %arg13[%swap3A_312, %swap3A_313] {strides = array<i32>} : memref<2x80xi32, #tpu.memory_space<vmem>>, vector<1x16xi32>,
    %swap3A_315 = vector.shape_cast %swap3A_314 : vector<1x16xi32> to vector<16xi32>
    %swap3A_316 = vector.shape_cast %select_n3A_310 : vector<16xi32> to vector<1x16xi32>
    tpu.vector_store %arg13[%swap3A_312, %swap3A_313], %swap3A_316 {strides = array<i32>} : memref<2x80xi32, #tpu.memory_space<vmem>>, vector<1x16xi32>,
    %get3A_317 = arith.constant 0 : i32
    %get3A_318 = arith.index_cast %get3A_317 : i32 to index
    %get3A_319 = arith.constant 48 : index
    %get3A_320 = tpu.vector_load %arg13[%get3A_318, %get3A_319] {strides = array<i32>} : memref<2x80xi32, #tpu.memory_space<vmem>>, vector<1x16xi32>,
    %get3A_321 = vector.shape_cast %get3A_320 : vector<1x16xi32> to vector<16xi32>
    %sub3A_322 = vector.broadcast %mul3A_0 : i32 to vector<16xi32>
    %sub3A_323 = arith.subi %get3A_321, %sub3A_322 : vector<16xi32>
    %ge3A_324 = arith.constant 0 : i32
    %ge3A_325 = vector.broadcast %ge3A_324 : i32 to vector<16xi32>
    %ge3A_326 = arith.cmpi sge, %sub3A_323, %ge3A_325 : vector<16xi32>
    %lt3A_327 = arith.constant 5120 : i32
    %lt3A_328 = vector.broadcast %lt3A_327 : i32 to vector<16xi32>
    %lt3A_329 = arith.cmpi slt, %sub3A_323, %lt3A_328 : vector<16xi32>
    %and3A_330 = arith.andi %ge3A_326, %lt3A_329 : vector<16xi1>
    %jit3A_331 = arith.constant 5120 : i32
    %broadcast_in_dim3A_332 = vector.broadcast %jit3A_331 : i32 to vector<16xi32>
    %select_n3A_333 = arith.select %and3A_330, %sub3A_323, %broadcast_in_dim3A_332 : vector<16xi1>, vector<16xi32>
    %swap3A_334 = arith.constant 0 : i32
    %swap3A_335 = arith.index_cast %swap3A_334 : i32 to index
    %swap3A_336 = arith.constant 48 : index
    %swap3A_337 = tpu.vector_load %arg13[%swap3A_335, %swap3A_336] {strides = array<i32>} : memref<2x80xi32, #tpu.memory_space<vmem>>, vector<1x16xi32>,
    %swap3A_338 = vector.shape_cast %swap3A_337 : vector<1x16xi32> to vector<16xi32>
    %swap3A_339 = vector.shape_cast %select_n3A_333 : vector<16xi32> to vector<1x16xi32>
    tpu.vector_store %arg13[%swap3A_335, %swap3A_336], %swap3A_339 {strides = array<i32>} : memref<2x80xi32, #tpu.memory_space<vmem>>, vector<1x16xi32>,
    %get3A_340 = arith.constant 0 : i32
    %get3A_341 = arith.index_cast %get3A_340 : i32 to index
    %get3A_342 = arith.constant 64 : index
    %get3A_343 = tpu.vector_load %arg13[%get3A_341, %get3A_342] {strides = array<i32>} : memref<2x80xi32, #tpu.memory_space<vmem>>, vector<1x16xi32>,
    %get3A_344 = vector.shape_cast %get3A_343 : vector<1x16xi32> to vector<16xi32>
    %sub3A_345 = vector.broadcast %mul3A_0 : i32 to vector<16xi32>
    %sub3A_346 = arith.subi %get3A_344, %sub3A_345 : vector<16xi32>
    %ge3A_347 = arith.constant 0 : i32
    %ge3A_348 = vector.broadcast %ge3A_347 : i32 to vector<16xi32>
    %ge3A_349 = arith.cmpi sge, %sub3A_346, %ge3A_348 : vector<16xi32>
    %lt3A_350 = arith.constant 5120 : i32
    %lt3A_351 = vector.broadcast %lt3A_350 : i32 to vector<16xi32>
    %lt3A_352 = arith.cmpi slt, %sub3A_346, %lt3A_351 : vector<16xi32>
    %and3A_353 = arith.andi %ge3A_349, %lt3A_352 : vector<16xi1>
    %jit3A_354 = arith.constant 5120 : i32
    %broadcast_in_dim3A_355 = vector.broadcast %jit3A_354 : i32 to vector<16xi32>
    %select_n3A_356 = arith.select %and3A_353, %sub3A_346, %broadcast_in_dim3A_355 : vector<16xi1>, vector<16xi32>
    %swap3A_357 = arith.constant 0 : i32
    %swap3A_358 = arith.index_cast %swap3A_357 : i32 to index
    %swap3A_359 = arith.constant 64 : index
    %swap3A_360 = tpu.vector_load %arg13[%swap3A_358, %swap3A_359] {strides = array<i32>} : memref<2x80xi32, #tpu.memory_space<vmem>>, vector<1x16xi32>,
    %swap3A_361 = vector.shape_cast %swap3A_360 : vector<1x16xi32> to vector<16xi32>
    %swap3A_362 = vector.shape_cast %select_n3A_356 : vector<16xi32> to vector<1x16xi32>
    tpu.vector_store %arg13[%swap3A_358, %swap3A_359], %swap3A_362 {strides = array<i32>} : memref<2x80xi32, #tpu.memory_space<vmem>>, vector<1x16xi32>,
    %dma_start3A_363 = arith.constant 0 : i32
    %dma_start3A_364 = arith.constant 0 : i32
    %dma_start3A_365 = arith.constant 0 : i32
    %dma_start3A_366 = tpu.memref_slice %arg14[%dma_start3A_364, %dma_start3A_365] : memref<160x128xf32, #tpu.memory_space<vmem>> -> memref<80x128xf32, #tpu.memory_space<vmem>>
    %dma_start3A_367 = arith.constant 0 : i32
    %dma_start3A_368 = tpu.memref_slice %arg13[%dma_start3A_363, %dma_start3A_367] : memref<2x80xi32, #tpu.memory_space<vmem>> -> memref<1x80xi32, #tpu.memory_space<vmem>>
    %dma_start3A_369 = tpu.memref_squeeze %dma_start3A_368 : memref<1x80xi32, #tpu.memory_space<vmem>> -> memref<80xi32, #tpu.memory_space<vmem>>
    %dma_start3A_370 = arith.constant 0 : i32
    %dma_start3A_371 = arith.constant 0 : i32
    %dma_start3A_372 = tpu.memref_slice %arg9[%dma_start3A_370, %dma_start3A_371] : memref<5136x128xf32, #tpu.memory_space<vmem_shared>> -> memref<5136x128xf32, #tpu.memory_space<vmem_shared>>
    tpu.enqueue_indirect_dma source(%dma_start3A_372 : memref<5136x128xf32, #tpu.memory_space<vmem_shared>>) target(%dma_start3A_366 : memref<80x128xf32, #tpu.memory_space<vmem>>) offsets(%dma_start3A_369 : memref<80xi32, #tpu.memory_space<vmem>>) semaphore(%arg16 : memref<!tpu.dma_semaphore, #tpu.memory_space<semaphore_mem>>)
    %dma_wait3A = arith.constant 0 : i32
    %dma_wait3A_373 = arith.constant 0 : i32
    %dma_wait3A_374 = arith.constant 0 : i32
    %dma_wait3A_375 = tpu.memref_slice %arg14[%dma_wait3A_373, %dma_wait3A_374] : memref<160x128xf32, #tpu.memory_space<vmem>> -> memref<80x128xf32, #tpu.memory_space<vmem>>
    %dma_wait3A_376 = arith.constant 0 : i32
    %dma_wait3A_377 = tpu.memref_slice %arg13[%dma_wait3A, %dma_wait3A_376] : memref<2x80xi32, #tpu.memory_space<vmem>> -> memref<1x80xi32, #tpu.memory_space<vmem>>
    %dma_wait3A_378 = tpu.memref_squeeze %dma_wait3A_377 : memref<1x80xi32, #tpu.memory_space<vmem>> -> memref<80xi32, #tpu.memory_space<vmem>>
    %dma_wait3A_379 = arith.constant 0 : i32
    %dma_wait3A_380 = arith.constant 0 : i32
    %dma_wait3A_381 = tpu.memref_slice %arg9[%dma_wait3A_379, %dma_wait3A_380] : memref<5136x128xf32, #tpu.memory_space<vmem_shared>> -> memref<5136x128xf32, #tpu.memory_space<vmem_shared>>
    tpu.wait_indirect_dma semaphore(%arg16 : memref<!tpu.dma_semaphore, #tpu.memory_space<semaphore_mem>>) src(%dma_wait3A_381 : memref<5136x128xf32, #tpu.memory_space<vmem_shared>>) dst(%dma_wait3A_375 : memref<80x128xf32, #tpu.memory_space<vmem>>)
    %get3A_382 = arith.constant 1 : i32
    %get3A_383 = arith.index_cast %get3A_382 : i32 to index
    %get3A_384 = arith.constant 0 : index
    %get3A_385 = tpu.vector_load %arg13[%get3A_383, %get3A_384] {strides = array<i32>} : memref<2x80xi32, #tpu.memory_space<vmem>>, vector<1x16xi32>,
    %get3A_386 = vector.shape_cast %get3A_385 : vector<1x16xi32> to vector<16xi32>
    %sub3A_387 = vector.broadcast %mul3A_0 : i32 to vector<16xi32>
    %sub3A_388 = arith.subi %get3A_386, %sub3A_387 : vector<16xi32>
    %ge3A_389 = arith.constant 0 : i32
    %ge3A_390 = vector.broadcast %ge3A_389 : i32 to vector<16xi32>
    %ge3A_391 = arith.cmpi sge, %sub3A_388, %ge3A_390 : vector<16xi32>
    %lt3A_392 = arith.constant 5120 : i32
    %lt3A_393 = vector.broadcast %lt3A_392 : i32 to vector<16xi32>
    %lt3A_394 = arith.cmpi slt, %sub3A_388, %lt3A_393 : vector<16xi32>
    %and3A_395 = arith.andi %ge3A_391, %lt3A_394 : vector<16xi1>
    %jit3A_396 = arith.constant 5120 : i32
    %broadcast_in_dim3A_397 = vector.broadcast %jit3A_396 : i32 to vector<16xi32>
    %select_n3A_398 = arith.select %and3A_395, %sub3A_388, %broadcast_in_dim3A_397 : vector<16xi1>, vector<16xi32>
    %swap3A_399 = arith.constant 1 : i32
    %swap3A_400 = arith.index_cast %swap3A_399 : i32 to index
    %swap3A_401 = arith.constant 0 : index
    %swap3A_402 = tpu.vector_load %arg13[%swap3A_400, %swap3A_401] {strides = array<i32>} : memref<2x80xi32, #tpu.memory_space<vmem>>, vector<1x16xi32>,
    %swap3A_403 = vector.shape_cast %swap3A_402 : vector<1x16xi32> to vector<16xi32>
    %swap3A_404 = vector.shape_cast %select_n3A_398 : vector<16xi32> to vector<1x16xi32>
    tpu.vector_store %arg13[%swap3A_400, %swap3A_401], %swap3A_404 {strides = array<i32>} : memref<2x80xi32, #tpu.memory_space<vmem>>, vector<1x16xi32>,
    %get3A_405 = arith.constant 1 : i32
    %get3A_406 = arith.index_cast %get3A_405 : i32 to index
    %get3A_407 = arith.constant 16 : index
    %get3A_408 = tpu.vector_load %arg13[%get3A_406, %get3A_407] {strides = array<i32>} : memref<2x80xi32, #tpu.memory_space<vmem>>, vector<1x16xi32>,
    %get3A_409 = vector.shape_cast %get3A_408 : vector<1x16xi32> to vector<16xi32>
    %sub3A_410 = vector.broadcast %mul3A_0 : i32 to vector<16xi32>
    %sub3A_411 = arith.subi %get3A_409, %sub3A_410 : vector<16xi32>
    %ge3A_412 = arith.constant 0 : i32
    %ge3A_413 = vector.broadcast %ge3A_412 : i32 to vector<16xi32>
    %ge3A_414 = arith.cmpi sge, %sub3A_411, %ge3A_413 : vector<16xi32>
    %lt3A_415 = arith.constant 5120 : i32
    %lt3A_416 = vector.broadcast %lt3A_415 : i32 to vector<16xi32>
    %lt3A_417 = arith.cmpi slt, %sub3A_411, %lt3A_416 : vector<16xi32>
    %and3A_418 = arith.andi %ge3A_414, %lt3A_417 : vector<16xi1>
    %jit3A_419 = arith.constant 5120 : i32
    %broadcast_in_dim3A_420 = vector.broadcast %jit3A_419 : i32 to vector<16xi32>
    %select_n3A_421 = arith.select %and3A_418, %sub3A_411, %broadcast_in_dim3A_420 : vector<16xi1>, vector<16xi32>
    %swap3A_422 = arith.constant 1 : i32
    %swap3A_423 = arith.index_cast %swap3A_422 : i32 to index
    %swap3A_424 = arith.constant 16 : index
    %swap3A_425 = tpu.vector_load %arg13[%swap3A_423, %swap3A_424] {strides = array<i32>} : memref<2x80xi32, #tpu.memory_space<vmem>>, vector<1x16xi32>,
    %swap3A_426 = vector.shape_cast %swap3A_425 : vector<1x16xi32> to vector<16xi32>
    %swap3A_427 = vector.shape_cast %select_n3A_421 : vector<16xi32> to vector<1x16xi32>
    tpu.vector_store %arg13[%swap3A_423, %swap3A_424], %swap3A_427 {strides = array<i32>} : memref<2x80xi32, #tpu.memory_space<vmem>>, vector<1x16xi32>,
    %get3A_428 = arith.constant 1 : i32
    %get3A_429 = arith.index_cast %get3A_428 : i32 to index
    %get3A_430 = arith.constant 32 : index
    %get3A_431 = tpu.vector_load %arg13[%get3A_429, %get3A_430] {strides = array<i32>} : memref<2x80xi32, #tpu.memory_space<vmem>>, vector<1x16xi32>,
    %get3A_432 = vector.shape_cast %get3A_431 : vector<1x16xi32> to vector<16xi32>
    %sub3A_433 = vector.broadcast %mul3A_0 : i32 to vector<16xi32>
    %sub3A_434 = arith.subi %get3A_432, %sub3A_433 : vector<16xi32>
    %ge3A_435 = arith.constant 0 : i32
    %ge3A_436 = vector.broadcast %ge3A_435 : i32 to vector<16xi32>
    %ge3A_437 = arith.cmpi sge, %sub3A_434, %ge3A_436 : vector<16xi32>
    %lt3A_438 = arith.constant 5120 : i32
    %lt3A_439 = vector.broadcast %lt3A_438 : i32 to vector<16xi32>
    %lt3A_440 = arith.cmpi slt, %sub3A_434, %lt3A_439 : vector<16xi32>
    %and3A_441 = arith.andi %ge3A_437, %lt3A_440 : vector<16xi1>
    %jit3A_442 = arith.constant 5120 : i32
    %broadcast_in_dim3A_443 = vector.broadcast %jit3A_442 : i32 to vector<16xi32>
    %select_n3A_444 = arith.select %and3A_441, %sub3A_434, %broadcast_in_dim3A_443 : vector<16xi1>, vector<16xi32>
    %swap3A_445 = arith.constant 1 : i32
    %swap3A_446 = arith.index_cast %swap3A_445 : i32 to index
    %swap3A_447 = arith.constant 32 : index
    %swap3A_448 = tpu.vector_load %arg13[%swap3A_446, %swap3A_447] {strides = array<i32>} : memref<2x80xi32, #tpu.memory_space<vmem>>, vector<1x16xi32>,
    %swap3A_449 = vector.shape_cast %swap3A_448 : vector<1x16xi32> to vector<16xi32>
    %swap3A_450 = vector.shape_cast %select_n3A_444 : vector<16xi32> to vector<1x16xi32>
    tpu.vector_store %arg13[%swap3A_446, %swap3A_447], %swap3A_450 {strides = array<i32>} : memref<2x80xi32, #tpu.memory_space<vmem>>, vector<1x16xi32>,
    %get3A_451 = arith.constant 1 : i32
    %get3A_452 = arith.index_cast %get3A_451 : i32 to index
    %get3A_453 = arith.constant 48 : index
    %get3A_454 = tpu.vector_load %arg13[%get3A_452, %get3A_453] {strides = array<i32>} : memref<2x80xi32, #tpu.memory_space<vmem>>, vector<1x16xi32>,
    %get3A_455 = vector.shape_cast %get3A_454 : vector<1x16xi32> to vector<16xi32>
    %sub3A_456 = vector.broadcast %mul3A_0 : i32 to vector<16xi32>
    %sub3A_457 = arith.subi %get3A_455, %sub3A_456 : vector<16xi32>
    %ge3A_458 = arith.constant 0 : i32
    %ge3A_459 = vector.broadcast %ge3A_458 : i32 to vector<16xi32>
    %ge3A_460 = arith.cmpi sge, %sub3A_457, %ge3A_459 : vector<16xi32>
    %lt3A_461 = arith.constant 5120 : i32
    %lt3A_462 = vector.broadcast %lt3A_461 : i32 to vector<16xi32>
    %lt3A_463 = arith.cmpi slt, %sub3A_457, %lt3A_462 : vector<16xi32>
    %and3A_464 = arith.andi %ge3A_460, %lt3A_463 : vector<16xi1>
    %jit3A_465 = arith.constant 5120 : i32
    %broadcast_in_dim3A_466 = vector.broadcast %jit3A_465 : i32 to vector<16xi32>
    %select_n3A_467 = arith.select %and3A_464, %sub3A_457, %broadcast_in_dim3A_466 : vector<16xi1>, vector<16xi32>
    %swap3A_468 = arith.constant 1 : i32
    %swap3A_469 = arith.index_cast %swap3A_468 : i32 to index
    %swap3A_470 = arith.constant 48 : index
    %swap3A_471 = tpu.vector_load %arg13[%swap3A_469, %swap3A_470] {strides = array<i32>} : memref<2x80xi32, #tpu.memory_space<vmem>>, vector<1x16xi32>,
    %swap3A_472 = vector.shape_cast %swap3A_471 : vector<1x16xi32> to vector<16xi32>
    %swap3A_473 = vector.shape_cast %select_n3A_467 : vector<16xi32> to vector<1x16xi32>
    tpu.vector_store %arg13[%swap3A_469, %swap3A_470], %swap3A_473 {strides = array<i32>} : memref<2x80xi32, #tpu.memory_space<vmem>>, vector<1x16xi32>,
    %get3A_474 = arith.constant 1 : i32
    %get3A_475 = arith.index_cast %get3A_474 : i32 to index
    %get3A_476 = arith.constant 64 : index
    %get3A_477 = tpu.vector_load %arg13[%get3A_475, %get3A_476] {strides = array<i32>} : memref<2x80xi32, #tpu.memory_space<vmem>>, vector<1x16xi32>,
    %get3A_478 = vector.shape_cast %get3A_477 : vector<1x16xi32> to vector<16xi32>
    %sub3A_479 = vector.broadcast %mul3A_0 : i32 to vector<16xi32>
    %sub3A_480 = arith.subi %get3A_478, %sub3A_479 : vector<16xi32>
    %ge3A_481 = arith.constant 0 : i32
    %ge3A_482 = vector.broadcast %ge3A_481 : i32 to vector<16xi32>
    %ge3A_483 = arith.cmpi sge, %sub3A_480, %ge3A_482 : vector<16xi32>
    %lt3A_484 = arith.constant 5120 : i32
    %lt3A_485 = vector.broadcast %lt3A_484 : i32 to vector<16xi32>
    %lt3A_486 = arith.cmpi slt, %sub3A_480, %lt3A_485 : vector<16xi32>
    %and3A_487 = arith.andi %ge3A_483, %lt3A_486 : vector<16xi1>
    %jit3A_488 = arith.constant 5120 : i32
    %broadcast_in_dim3A_489 = vector.broadcast %jit3A_488 : i32 to vector<16xi32>
    %select_n3A_490 = arith.select %and3A_487, %sub3A_480, %broadcast_in_dim3A_489 : vector<16xi1>, vector<16xi32>
    %swap3A_491 = arith.constant 1 : i32
    %swap3A_492 = arith.index_cast %swap3A_491 : i32 to index
    %swap3A_493 = arith.constant 64 : index
    %swap3A_494 = tpu.vector_load %arg13[%swap3A_492, %swap3A_493] {strides = array<i32>} : memref<2x80xi32, #tpu.memory_space<vmem>>, vector<1x16xi32>,
    %swap3A_495 = vector.shape_cast %swap3A_494 : vector<1x16xi32> to vector<16xi32>
    %swap3A_496 = vector.shape_cast %select_n3A_490 : vector<16xi32> to vector<1x16xi32>
    tpu.vector_store %arg13[%swap3A_492, %swap3A_493], %swap3A_496 {strides = array<i32>} : memref<2x80xi32, #tpu.memory_space<vmem>>, vector<1x16xi32>,
    %dma_start3A_497 = arith.constant 1 : i32
    %dma_start3A_498 = arith.constant 80 : i32
    %dma_start3A_499 = arith.constant 0 : i32
    %dma_start3A_500 = tpu.memref_slice %arg14[%dma_start3A_498, %dma_start3A_499] : memref<160x128xf32, #tpu.memory_space<vmem>> -> memref<80x128xf32, #tpu.memory_space<vmem>>
    %dma_start3A_501 = arith.constant 0 : i32
    %dma_start3A_502 = tpu.memref_slice %arg13[%dma_start3A_497, %dma_start3A_501] : memref<2x80xi32, #tpu.memory_space<vmem>> -> memref<1x80xi32, #tpu.memory_space<vmem>>
    %dma_start3A_503 = tpu.memref_squeeze %dma_start3A_502 : memref<1x80xi32, #tpu.memory_space<vmem>> -> memref<80xi32, #tpu.memory_space<vmem>>
    %dma_start3A_504 = arith.constant 0 : i32
    %dma_start3A_505 = arith.constant 0 : i32
    %dma_start3A_506 = tpu.memref_slice %arg9[%dma_start3A_504, %dma_start3A_505] : memref<5136x128xf32, #tpu.memory_space<vmem_shared>> -> memref<5136x128xf32, #tpu.memory_space<vmem_shared>>
    tpu.enqueue_indirect_dma source(%dma_start3A_506 : memref<5136x128xf32, #tpu.memory_space<vmem_shared>>) target(%dma_start3A_500 : memref<80x128xf32, #tpu.memory_space<vmem>>) offsets(%dma_start3A_503 : memref<80xi32, #tpu.memory_space<vmem>>) semaphore(%arg16 : memref<!tpu.dma_semaphore, #tpu.memory_space<semaphore_mem>>)
    %dma_wait3A_507 = arith.constant 1 : i32
    %dma_wait3A_508 = arith.constant 80 : i32
    %dma_wait3A_509 = arith.constant 0 : i32
    %dma_wait3A_510 = tpu.memref_slice %arg14[%dma_wait3A_508, %dma_wait3A_509] : memref<160x128xf32, #tpu.memory_space<vmem>> -> memref<80x128xf32, #tpu.memory_space<vmem>>
    %dma_wait3A_511 = arith.constant 0 : i32
    %dma_wait3A_512 = tpu.memref_slice %arg13[%dma_wait3A_507, %dma_wait3A_511] : memref<2x80xi32, #tpu.memory_space<vmem>> -> memref<1x80xi32, #tpu.memory_space<vmem>>
    %dma_wait3A_513 = tpu.memref_squeeze %dma_wait3A_512 : memref<1x80xi32, #tpu.memory_space<vmem>> -> memref<80xi32, #tpu.memory_space<vmem>>
    %dma_wait3A_514 = arith.constant 0 : i32
    %dma_wait3A_515 = arith.constant 0 : i32
    %dma_wait3A_516 = tpu.memref_slice %arg9[%dma_wait3A_514, %dma_wait3A_515] : memref<5136x128xf32, #tpu.memory_space<vmem_shared>> -> memref<5136x128xf32, #tpu.memory_space<vmem_shared>>
    tpu.wait_indirect_dma semaphore(%arg16 : memref<!tpu.dma_semaphore, #tpu.memory_space<semaphore_mem>>) src(%dma_wait3A_516 : memref<5136x128xf32, #tpu.memory_space<vmem_shared>>) dst(%dma_wait3A_510 : memref<80x128xf32, #tpu.memory_space<vmem>>)
    %eq3A_517 = arith.constant 0 : i32
    %eq3A_518 = arith.cmpi eq, %arg0, %eq3A_517 : i32
    %convert_element_type3A_519 = arith.extui %eq3A_518 : i1 to i32
    %cond3A_520 = arith.constant 0 : i32
    %cond3A_521 = arith.cmpi ne, %convert_element_type3A_519, %cond3A_520 : i32
    scf.if %cond3A_521 {
      %mul3A_531 = arith.constant 2 : i32
      %mul3A_532 = arith.muli %arg1, %mul3A_531 : i32
      %mul3A_533 = arith.constant 80 : i32
      %mul3A_534 = arith.muli %mul3A_532, %mul3A_533 : i32
      "tpu.region"() ({
        %run_scoped3A_535 = tpu.sem_alloc : memref<!tpu.dma_semaphore, #tpu.memory_space<semaphore_mem>>
        %dma_start3A_536 = arith.constant 0 : i32
        %dma_start3A_537 = tpu.memref_slice %arg7[%mul3A_534, %dma_start3A_536] : memref<2560x128xf32, #tpu.memory_space<hbm>> -> memref<160x128xf32, #tpu.memory_space<hbm>>
        %dma_start3A_538 = arith.constant 0 : i32
        %dma_start3A_539 = tpu.memref_slice %arg7[%mul3A_534, %dma_start3A_538] : memref<2560x128xf32, #tpu.memory_space<hbm>> -> memref<160x128xf32, #tpu.memory_space<hbm>>
        tpu.enqueue_dma source(%arg14 : memref<160x128xf32, #tpu.memory_space<vmem>>) target(%dma_start3A_539 : memref<160x128xf32, #tpu.memory_space<hbm>>) target_semaphore(%run_scoped3A_535 : memref<!tpu.dma_semaphore, #tpu.memory_space<semaphore_mem>>)
        %dma_wait3A_540 = arith.constant 0 : i32
        %dma_wait3A_541 = tpu.memref_slice %arg7[%mul3A_534, %dma_wait3A_540] : memref<2560x128xf32, #tpu.memory_space<hbm>> -> memref<160x128xf32, #tpu.memory_space<hbm>>
        %dma_wait3A_542 = arith.constant 0 : i32
        %dma_wait3A_543 = tpu.memref_slice %arg7[%mul3A_534, %dma_wait3A_542] : memref<2560x128xf32, #tpu.memory_space<hbm>> -> memref<160x128xf32, #tpu.memory_space<hbm>>
        tpu.wait_dma2 semaphore(%run_scoped3A_535 : memref<!tpu.dma_semaphore, #tpu.memory_space<semaphore_mem>>) src(%arg14 : memref<160x128xf32, #tpu.memory_space<vmem>>) dst(%dma_wait3A_543 : memref<160x128xf32, #tpu.memory_space<hbm>>)
        tpu.yield
      }) : () -> ()
    } else {
    }
    %eq3A_522 = arith.constant 1 : i32
    %eq3A_523 = arith.cmpi eq, %arg0, %eq3A_522 : i32
    %convert_element_type3A_524 = arith.extui %eq3A_523 : i1 to i32
    %cond3A_525 = arith.constant 0 : i32
    %cond3A_526 = arith.cmpi ne, %convert_element_type3A_524, %cond3A_525 : i32
    scf.if %cond3A_526 {
      %mul3A_531 = arith.constant 2 : i32
      %mul3A_532 = arith.muli %arg1, %mul3A_531 : i32
      %mul3A_533 = arith.constant 80 : i32
      %mul3A_534 = arith.muli %mul3A_532, %mul3A_533 : i32
      "tpu.region"() ({
        %run_scoped3A_535 = tpu.sem_alloc : memref<!tpu.dma_semaphore, #tpu.memory_space<semaphore_mem>>
        %dma_start3A_536 = arith.constant 0 : i32
        %dma_start3A_537 = tpu.memref_slice %arg8[%mul3A_534, %dma_start3A_536] : memref<2560x128xf32, #tpu.memory_space<hbm>> -> memref<160x128xf32, #tpu.memory_space<hbm>>
        %dma_start3A_538 = arith.constant 0 : i32
        %dma_start3A_539 = tpu.memref_slice %arg8[%mul3A_534, %dma_start3A_538] : memref<2560x128xf32, #tpu.memory_space<hbm>> -> memref<160x128xf32, #tpu.memory_space<hbm>>
        tpu.enqueue_dma source(%arg14 : memref<160x128xf32, #tpu.memory_space<vmem>>) target(%dma_start3A_539 : memref<160x128xf32, #tpu.memory_space<hbm>>) target_semaphore(%run_scoped3A_535 : memref<!tpu.dma_semaphore, #tpu.memory_space<semaphore_mem>>)
        %dma_wait3A_540 = arith.constant 0 : i32
        %dma_wait3A_541 = tpu.memref_slice %arg8[%mul3A_534, %dma_wait3A_540] : memref<2560x128xf32, #tpu.memory_space<hbm>> -> memref<160x128xf32, #tpu.memory_space<hbm>>
        %dma_wait3A_542 = arith.constant 0 : i32
        %dma_wait3A_543 = tpu.memref_slice %arg8[%mul3A_534, %dma_wait3A_542] : memref<2560x128xf32, #tpu.memory_space<hbm>> -> memref<160x128xf32, #tpu.memory_space<hbm>>
        tpu.wait_dma2 semaphore(%run_scoped3A_535 : memref<!tpu.dma_semaphore, #tpu.memory_space<semaphore_mem>>) src(%arg14 : memref<160x128xf32, #tpu.memory_space<vmem>>) dst(%dma_wait3A_543 : memref<160x128xf32, #tpu.memory_space<hbm>>)
        tpu.yield
      }) : () -> ()
    } else {
    }
    %dma_wait3A_527 = arith.constant 0 : i32
    %dma_wait3A_528 = tpu.memref_slice %arg6[%add3A_244, %dma_wait3A_527] : memref<10240x128xf32, #tpu.memory_space<hbm>> -> memref<320x128xf32, #tpu.memory_space<hbm>>
    %dma_wait3A_529 = arith.constant 0 : i32
    %dma_wait3A_530 = tpu.memref_slice %arg9[%mul3A_2, %dma_wait3A_529] : memref<5136x128xf32, #tpu.memory_space<vmem_shared>> -> memref<320x128xf32, #tpu.memory_space<vmem_shared>>
    tpu.wait_dma2 semaphore(%arg12 : memref<!tpu.dma_semaphore, #tpu.memory_space<semaphore_mem>>) src(%dma_wait3A_530 : memref<320x128xf32, #tpu.memory_space<vmem_shared>>) dst(%dma_wait3A_528 : memref<320x128xf32, #tpu.memory_space<hbm>>)
    return
  }
}

#map = affine_map<(d0, d1) -> (0, 0)>
#map1 = affine_map<(d0, d1) -> (0, 0, 0)>
module attributes {stable_mosaic.version = 14 : i64} {
  func.func @sk(%arg0: i32, %arg1: i32, %arg2: memref<10240x128xf32, #tpu.memory_space<hbm>>, %arg3: memref<2560x128xf32, #tpu.memory_space<hbm>>, %arg4: memref<16x2x80xi32, #tpu.memory_space<hbm>>, %arg5: memref<16x2x80xi32, #tpu.memory_space<hbm>>, %arg6: memref<10240x128xf32, #tpu.memory_space<hbm>>, %arg7: memref<2560x128xf32, #tpu.memory_space<hbm>>, %arg8: memref<2560x128xf32, #tpu.memory_space<hbm>>, %arg9: memref<5136x128xf32, #tpu.memory_space<vmem_shared>>, %arg10: memref<2x80xi32, #tpu.memory_space<vmem>>, %arg11: memref<2x80x128xf32, #tpu.memory_space<vmem>>, %arg12: memref<!tpu.dma_semaphore, #tpu.memory_space<semaphore_mem>>, %arg13: memref<2x80xi32, #tpu.memory_space<vmem>>, %arg14: memref<160x128xf32, #tpu.memory_space<vmem>>, %arg15: memref<8x128xf32, #tpu.memory_space<vmem>>, %arg16: memref<!tpu.dma_semaphore, #tpu.memory_space<semaphore_mem>>) attributes {dimension_semantics = [#tpu.dimension_semantics<core_parallel>, #tpu.dimension_semantics<subcore_parallel>], iteration_bounds = array<i64: 2, 16>, scalar_prefetch = 0 : i64, scratch_operands = 8 : i64, tpu.core_type = #tpu.core_type<sc_vector_subcore>, window_params = [{transform_indices = #map}, {transform_indices = #map}, {transform_indices = #map1}, {transform_indices = #map1}, {transform_indices = #map}, {transform_indices = #map}, {transform_indices = #map}]} {
    %mul3A = arith.constant 5120 : i32
    %mul3A_0 = arith.muli %arg0, %mul3A : i32
    %mul3A_1 = arith.constant 320 : i32
    %mul3A_2 = arith.muli %arg1, %mul3A_1 : i32
    %add3A = arith.addi %mul3A_0, %mul3A_2 : i32
    "tpu.region"() ({
      %run_scoped3A_531 = tpu.sem_alloc : memref<!tpu.dma_semaphore, #tpu.memory_space<semaphore_mem>>
      %dma_start3A_532 = arith.constant 0 : i32
      %dma_start3A_533 = tpu.memref_slice %arg9[%mul3A_2, %dma_start3A_532] : memref<5136x128xf32, #tpu.memory_space<vmem_shared>> -> memref<320x128xf32, #tpu.memory_space<vmem_shared>>
      %dma_start3A_534 = arith.constant 0 : i32
      %dma_start3A_535 = tpu.memref_slice %arg2[%add3A, %dma_start3A_534] : memref<10240x128xf32, #tpu.memory_space<hbm>> -> memref<320x128xf32, #tpu.memory_space<hbm>>
      tpu.enqueue_dma source(%dma_start3A_535 : memref<320x128xf32, #tpu.memory_space<hbm>>) target(%dma_start3A_533 : memref<320x128xf32, #tpu.memory_space<vmem_shared>>) target_semaphore(%run_scoped3A_531 : memref<!tpu.dma_semaphore, #tpu.memory_space<semaphore_mem>>)
      %dma_wait3A_536 = arith.constant 0 : i32
      %dma_wait3A_537 = tpu.memref_slice %arg9[%mul3A_2, %dma_wait3A_536] : memref<5136x128xf32, #tpu.memory_space<vmem_shared>> -> memref<320x128xf32, #tpu.memory_space<vmem_shared>>
      %dma_wait3A_538 = arith.constant 0 : i32
      %dma_wait3A_539 = tpu.memref_slice %arg2[%add3A, %dma_wait3A_538] : memref<10240x128xf32, #tpu.memory_space<hbm>> -> memref<320x128xf32, #tpu.memory_space<hbm>>
      tpu.wait_dma2 semaphore(%run_scoped3A_531 : memref<!tpu.dma_semaphore, #tpu.memory_space<semaphore_mem>>) src(%dma_wait3A_539 : memref<320x128xf32, #tpu.memory_space<hbm>>) dst(%dma_wait3A_537 : memref<320x128xf32, #tpu.memory_space<vmem_shared>>)
      tpu.yield
    }) : () -> ()
    "tpu.region"() ({
      %run_scoped3A_531 = tpu.sem_alloc : memref<!tpu.dma_semaphore, #tpu.memory_space<semaphore_mem>>
      %dma_start3A_532 = arith.constant 0 : i32
      %dma_start3A_533 = arith.constant 0 : i32
      %dma_start3A_534 = tpu.memref_slice %arg4[%arg1, %dma_start3A_532, %dma_start3A_533] : memref<16x2x80xi32, #tpu.memory_space<hbm>> -> memref<1x2x80xi32, #tpu.memory_space<hbm>>
      %dma_start3A_535 = tpu.memref_squeeze %dma_start3A_534 : memref<1x2x80xi32, #tpu.memory_space<hbm>> -> memref<2x80xi32, #tpu.memory_space<hbm>>
      %dma_start3A_536 = arith.constant 0 : i32
      %dma_start3A_537 = arith.constant 0 : i32
      %dma_start3A_538 = tpu.memref_slice %arg4[%arg1, %dma_start3A_536, %dma_start3A_537] : memref<16x2x80xi32, #tpu.memory_space<hbm>> -> memref<1x2x80xi32, #tpu.memory_space<hbm>>
      %dma_start3A_539 = tpu.memref_squeeze %dma_start3A_538 : memref<1x2x80xi32, #tpu.memory_space<hbm>> -> memref<2x80xi32, #tpu.memory_space<hbm>>
      tpu.enqueue_dma source(%dma_start3A_539 : memref<2x80xi32, #tpu.memory_space<hbm>>) target(%arg10 : memref<2x80xi32, #tpu.memory_space<vmem>>) target_semaphore(%run_scoped3A_531 : memref<!tpu.dma_semaphore, #tpu.memory_space<semaphore_mem>>)
      %dma_wait3A_540 = arith.constant 0 : i32
      %dma_wait3A_541 = arith.constant 0 : i32
      %dma_wait3A_542 = tpu.memref_slice %arg4[%arg1, %dma_wait3A_540, %dma_wait3A_541] : memref<16x2x80xi32, #tpu.memory_space<hbm>> -> memref<1x2x80xi32, #tpu.memory_space<hbm>>
      %dma_wait3A_543 = tpu.memref_squeeze %dma_wait3A_542 : memref<1x2x80xi32, #tpu.memory_space<hbm>> -> memref<2x80xi32, #tpu.memory_space<hbm>>
      %dma_wait3A_544 = arith.constant 0 : i32
      %dma_wait3A_545 = arith.constant 0 : i32
      %dma_wait3A_546 = tpu.memref_slice %arg4[%arg1, %dma_wait3A_544, %dma_wait3A_545] : memref<16x2x80xi32, #tpu.memory_space<hbm>> -> memref<1x2x80xi32, #tpu.memory_space<hbm>>
      %dma_wait3A_547 = tpu.memref_squeeze %dma_wait3A_546 : memref<1x2x80xi32, #tpu.memory_space<hbm>> -> memref<2x80xi32, #tpu.memory_space<hbm>>
      tpu.wait_dma2 semaphore(%run_scoped3A_531 : memref<!tpu.dma_semaphore, #tpu.memory_space<semaphore_mem>>) src(%dma_wait3A_547 : memref<2x80xi32, #tpu.memory_space<hbm>>) dst(%arg10 : memref<2x80xi32, #tpu.memory_space<vmem>>)
      tpu.yield
    }) : () -> ()
    %get3A = arith.constant 0 : i32
    %get3A_3 = arith.index_cast %get3A : i32 to index
    %get3A_4 = arith.constant 0 : index
    %get3A_5 = tpu.vector_load %arg10[%get3A_3, %get3A_4] {strides = array<i32>} : memref<2x80xi32, #tpu.memory_space<vmem>>, vector<1x16xi32>,
    %get3A_6 = vector.shape_cast %get3A_5 : vector<1x16xi32> to vector<16xi32>
    %sub3A = vector.broadcast %mul3A_0 : i32 to vector<16xi32>
    %sub3A_7 = arith.subi %get3A_6, %sub3A : vector<16xi32>
    %ge3A = arith.constant 0 : i32
    %ge3A_8 = vector.broadcast %ge3A : i32 to vector<16xi32>
    %ge3A_9 = arith.cmpi sge, %sub3A_7, %ge3A_8 : vector<16xi32>
    %lt3A = arith.constant 5120 : i32
    %lt3A_10 = vector.broadcast %lt3A : i32 to vector<16xi32>
    %lt3A_11 = arith.cmpi slt, %sub3A_7, %lt3A_10 : vector<16xi32>
    %and3A = arith.andi %ge3A_9, %lt3A_11 : vector<16xi1>
    %jit3A = arith.constant 5128 : i32
    %broadcast_in_dim3A = vector.broadcast %jit3A : i32 to vector<16xi32>
    %select_n3A = arith.select %and3A, %sub3A_7, %broadcast_in_dim3A : vector<16xi1>, vector<16xi32>
    %swap3A = arith.constant 0 : i32
    %swap3A_12 = arith.index_cast %swap3A : i32 to index
    %swap3A_13 = arith.constant 0 : index
    %swap3A_14 = tpu.vector_load %arg10[%swap3A_12, %swap3A_13] {strides = array<i32>} : memref<2x80xi32, #tpu.memory_space<vmem>>, vector<1x16xi32>,
    %swap3A_15 = vector.shape_cast %swap3A_14 : vector<1x16xi32> to vector<16xi32>
    %swap3A_16 = vector.shape_cast %select_n3A : vector<16xi32> to vector<1x16xi32>
    tpu.vector_store %arg10[%swap3A_12, %swap3A_13], %swap3A_16 {strides = array<i32>} : memref<2x80xi32, #tpu.memory_space<vmem>>, vector<1x16xi32>,
    %get3A_17 = arith.constant 0 : i32
    %get3A_18 = arith.index_cast %get3A_17 : i32 to index
    %get3A_19 = arith.constant 16 : index
    %get3A_20 = tpu.vector_load %arg10[%get3A_18, %get3A_19] {strides = array<i32>} : memref<2x80xi32, #tpu.memory_space<vmem>>, vector<1x16xi32>,
    %get3A_21 = vector.shape_cast %get3A_20 : vector<1x16xi32> to vector<16xi32>
    %sub3A_22 = vector.broadcast %mul3A_0 : i32 to vector<16xi32>
    %sub3A_23 = arith.subi %get3A_21, %sub3A_22 : vector<16xi32>
    %ge3A_24 = arith.constant 0 : i32
    %ge3A_25 = vector.broadcast %ge3A_24 : i32 to vector<16xi32>
    %ge3A_26 = arith.cmpi sge, %sub3A_23, %ge3A_25 : vector<16xi32>
    %lt3A_27 = arith.constant 5120 : i32
    %lt3A_28 = vector.broadcast %lt3A_27 : i32 to vector<16xi32>
    %lt3A_29 = arith.cmpi slt, %sub3A_23, %lt3A_28 : vector<16xi32>
    %and3A_30 = arith.andi %ge3A_26, %lt3A_29 : vector<16xi1>
    %jit3A_31 = arith.constant 5128 : i32
    %broadcast_in_dim3A_32 = vector.broadcast %jit3A_31 : i32 to vector<16xi32>
    %select_n3A_33 = arith.select %and3A_30, %sub3A_23, %broadcast_in_dim3A_32 : vector<16xi1>, vector<16xi32>
    %swap3A_34 = arith.constant 0 : i32
    %swap3A_35 = arith.index_cast %swap3A_34 : i32 to index
    %swap3A_36 = arith.constant 16 : index
    %swap3A_37 = tpu.vector_load %arg10[%swap3A_35, %swap3A_36] {strides = array<i32>} : memref<2x80xi32, #tpu.memory_space<vmem>>, vector<1x16xi32>,
    %swap3A_38 = vector.shape_cast %swap3A_37 : vector<1x16xi32> to vector<16xi32>
    %swap3A_39 = vector.shape_cast %select_n3A_33 : vector<16xi32> to vector<1x16xi32>
    tpu.vector_store %arg10[%swap3A_35, %swap3A_36], %swap3A_39 {strides = array<i32>} : memref<2x80xi32, #tpu.memory_space<vmem>>, vector<1x16xi32>,
    %get3A_40 = arith.constant 0 : i32
    %get3A_41 = arith.index_cast %get3A_40 : i32 to index
    %get3A_42 = arith.constant 32 : index
    %get3A_43 = tpu.vector_load %arg10[%get3A_41, %get3A_42] {strides = array<i32>} : memref<2x80xi32, #tpu.memory_space<vmem>>, vector<1x16xi32>,
    %get3A_44 = vector.shape_cast %get3A_43 : vector<1x16xi32> to vector<16xi32>
    %sub3A_45 = vector.broadcast %mul3A_0 : i32 to vector<16xi32>
    %sub3A_46 = arith.subi %get3A_44, %sub3A_45 : vector<16xi32>
    %ge3A_47 = arith.constant 0 : i32
    %ge3A_48 = vector.broadcast %ge3A_47 : i32 to vector<16xi32>
    %ge3A_49 = arith.cmpi sge, %sub3A_46, %ge3A_48 : vector<16xi32>
    %lt3A_50 = arith.constant 5120 : i32
    %lt3A_51 = vector.broadcast %lt3A_50 : i32 to vector<16xi32>
    %lt3A_52 = arith.cmpi slt, %sub3A_46, %lt3A_51 : vector<16xi32>
    %and3A_53 = arith.andi %ge3A_49, %lt3A_52 : vector<16xi1>
    %jit3A_54 = arith.constant 5128 : i32
    %broadcast_in_dim3A_55 = vector.broadcast %jit3A_54 : i32 to vector<16xi32>
    %select_n3A_56 = arith.select %and3A_53, %sub3A_46, %broadcast_in_dim3A_55 : vector<16xi1>, vector<16xi32>
    %swap3A_57 = arith.constant 0 : i32
    %swap3A_58 = arith.index_cast %swap3A_57 : i32 to index
    %swap3A_59 = arith.constant 32 : index
    %swap3A_60 = tpu.vector_load %arg10[%swap3A_58, %swap3A_59] {strides = array<i32>} : memref<2x80xi32, #tpu.memory_space<vmem>>, vector<1x16xi32>,
    %swap3A_61 = vector.shape_cast %swap3A_60 : vector<1x16xi32> to vector<16xi32>
    %swap3A_62 = vector.shape_cast %select_n3A_56 : vector<16xi32> to vector<1x16xi32>
    tpu.vector_store %arg10[%swap3A_58, %swap3A_59], %swap3A_62 {strides = array<i32>} : memref<2x80xi32, #tpu.memory_space<vmem>>, vector<1x16xi32>,
    %get3A_63 = arith.constant 0 : i32
    %get3A_64 = arith.index_cast %get3A_63 : i32 to index
    %get3A_65 = arith.constant 48 : index
    %get3A_66 = tpu.vector_load %arg10[%get3A_64, %get3A_65] {strides = array<i32>} : memref<2x80xi32, #tpu.memory_space<vmem>>, vector<1x16xi32>,
    %get3A_67 = vector.shape_cast %get3A_66 : vector<1x16xi32> to vector<16xi32>
    %sub3A_68 = vector.broadcast %mul3A_0 : i32 to vector<16xi32>
    %sub3A_69 = arith.subi %get3A_67, %sub3A_68 : vector<16xi32>
    %ge3A_70 = arith.constant 0 : i32
    %ge3A_71 = vector.broadcast %ge3A_70 : i32 to vector<16xi32>
    %ge3A_72 = arith.cmpi sge, %sub3A_69, %ge3A_71 : vector<16xi32>
    %lt3A_73 = arith.constant 5120 : i32
    %lt3A_74 = vector.broadcast %lt3A_73 : i32 to vector<16xi32>
    %lt3A_75 = arith.cmpi slt, %sub3A_69, %lt3A_74 : vector<16xi32>
    %and3A_76 = arith.andi %ge3A_72, %lt3A_75 : vector<16xi1>
    %jit3A_77 = arith.constant 5128 : i32
    %broadcast_in_dim3A_78 = vector.broadcast %jit3A_77 : i32 to vector<16xi32>
    %select_n3A_79 = arith.select %and3A_76, %sub3A_69, %broadcast_in_dim3A_78 : vector<16xi1>, vector<16xi32>
    %swap3A_80 = arith.constant 0 : i32
    %swap3A_81 = arith.index_cast %swap3A_80 : i32 to index
    %swap3A_82 = arith.constant 48 : index
    %swap3A_83 = tpu.vector_load %arg10[%swap3A_81, %swap3A_82] {strides = array<i32>} : memref<2x80xi32, #tpu.memory_space<vmem>>, vector<1x16xi32>,
    %swap3A_84 = vector.shape_cast %swap3A_83 : vector<1x16xi32> to vector<16xi32>
    %swap3A_85 = vector.shape_cast %select_n3A_79 : vector<16xi32> to vector<1x16xi32>
    tpu.vector_store %arg10[%swap3A_81, %swap3A_82], %swap3A_85 {strides = array<i32>} : memref<2x80xi32, #tpu.memory_space<vmem>>, vector<1x16xi32>,
    %get3A_86 = arith.constant 0 : i32
    %get3A_87 = arith.index_cast %get3A_86 : i32 to index
    %get3A_88 = arith.constant 64 : index
    %get3A_89 = tpu.vector_load %arg10[%get3A_87, %get3A_88] {strides = array<i32>} : memref<2x80xi32, #tpu.memory_space<vmem>>, vector<1x16xi32>,
    %get3A_90 = vector.shape_cast %get3A_89 : vector<1x16xi32> to vector<16xi32>
    %sub3A_91 = vector.broadcast %mul3A_0 : i32 to vector<16xi32>
    %sub3A_92 = arith.subi %get3A_90, %sub3A_91 : vector<16xi32>
    %ge3A_93 = arith.constant 0 : i32
    %ge3A_94 = vector.broadcast %ge3A_93 : i32 to vector<16xi32>
    %ge3A_95 = arith.cmpi sge, %sub3A_92, %ge3A_94 : vector<16xi32>
    %lt3A_96 = arith.constant 5120 : i32
    %lt3A_97 = vector.broadcast %lt3A_96 : i32 to vector<16xi32>
    %lt3A_98 = arith.cmpi slt, %sub3A_92, %lt3A_97 : vector<16xi32>
    %and3A_99 = arith.andi %ge3A_95, %lt3A_98 : vector<16xi1>
    %jit3A_100 = arith.constant 5128 : i32
    %broadcast_in_dim3A_101 = vector.broadcast %jit3A_100 : i32 to vector<16xi32>
    %select_n3A_102 = arith.select %and3A_99, %sub3A_92, %broadcast_in_dim3A_101 : vector<16xi1>, vector<16xi32>
    %swap3A_103 = arith.constant 0 : i32
    %swap3A_104 = arith.index_cast %swap3A_103 : i32 to index
    %swap3A_105 = arith.constant 64 : index
    %swap3A_106 = tpu.vector_load %arg10[%swap3A_104, %swap3A_105] {strides = array<i32>} : memref<2x80xi32, #tpu.memory_space<vmem>>, vector<1x16xi32>,
    %swap3A_107 = vector.shape_cast %swap3A_106 : vector<1x16xi32> to vector<16xi32>
    %swap3A_108 = vector.shape_cast %select_n3A_102 : vector<16xi32> to vector<1x16xi32>
    tpu.vector_store %arg10[%swap3A_104, %swap3A_105], %swap3A_108 {strides = array<i32>} : memref<2x80xi32, #tpu.memory_space<vmem>>, vector<1x16xi32>,
    %mul3A_109 = arith.constant 2 : i32
    %mul3A_110 = arith.muli %arg1, %mul3A_109 : i32
    %mul3A_111 = arith.constant 80 : i32
    %mul3A_112 = arith.muli %mul3A_110, %mul3A_111 : i32
    %add3A_113 = arith.constant 0 : i32
    %add3A_114 = arith.addi %mul3A_112, %add3A_113 : i32
    %run_scoped3A = arith.constant 0 : i32
    "tpu.region"() ({
      %run_scoped3A_531 = tpu.sem_alloc : memref<!tpu.dma_semaphore, #tpu.memory_space<semaphore_mem>>
      %dma_start3A_532 = arith.constant 0 : i32
      %dma_start3A_533 = arith.constant 0 : i32
      %dma_start3A_534 = tpu.memref_slice %arg11[%run_scoped3A, %dma_start3A_532, %dma_start3A_533] : memref<2x80x128xf32, #tpu.memory_space<vmem>> -> memref<1x80x128xf32, #tpu.memory_space<vmem>>
      %dma_start3A_535 = tpu.memref_squeeze %dma_start3A_534 : memref<1x80x128xf32, #tpu.memory_space<vmem>> -> memref<80x128xf32, #tpu.memory_space<vmem>>
      %dma_start3A_536 = arith.constant 0 : i32
      %dma_start3A_537 = tpu.memref_slice %arg3[%add3A_114, %dma_start3A_536] : memref<2560x128xf32, #tpu.memory_space<hbm>> -> memref<80x128xf32, #tpu.memory_space<hbm>>
      %dma_start3A_538 = arith.constant 0 : i32
      %dma_start3A_539 = arith.constant 0 : i32
      %dma_start3A_540 = tpu.memref_slice %arg11[%run_scoped3A, %dma_start3A_538, %dma_start3A_539] : memref<2x80x128xf32, #tpu.memory_space<vmem>> -> memref<1x80x128xf32, #tpu.memory_space<vmem>>
      %dma_start3A_541 = tpu.memref_squeeze %dma_start3A_540 : memref<1x80x128xf32, #tpu.memory_space<vmem>> -> memref<80x128xf32, #tpu.memory_space<vmem>>
      %dma_start3A_542 = arith.constant 0 : i32
      %dma_start3A_543 = tpu.memref_slice %arg3[%add3A_114, %dma_start3A_542] : memref<2560x128xf32, #tpu.memory_space<hbm>> -> memref<80x128xf32, #tpu.memory_space<hbm>>
      tpu.enqueue_dma source(%dma_start3A_543 : memref<80x128xf32, #tpu.memory_space<hbm>>) target(%dma_start3A_541 : memref<80x128xf32, #tpu.memory_space<vmem>>) target_semaphore(%run_scoped3A_531 : memref<!tpu.dma_semaphore, #tpu.memory_space<semaphore_mem>>)
      %dma_wait3A_544 = arith.constant 0 : i32
      %dma_wait3A_545 = arith.constant 0 : i32
      %dma_wait3A_546 = tpu.memref_slice %arg11[%run_scoped3A, %dma_wait3A_544, %dma_wait3A_545] : memref<2x80x128xf32, #tpu.memory_space<vmem>> -> memref<1x80x128xf32, #tpu.memory_space<vmem>>
      %dma_wait3A_547 = tpu.memref_squeeze %dma_wait3A_546 : memref<1x80x128xf32, #tpu.memory_space<vmem>> -> memref<80x128xf32, #tpu.memory_space<vmem>>
      %dma_wait3A_548 = arith.constant 0 : i32
      %dma_wait3A_549 = tpu.memref_slice %arg3[%add3A_114, %dma_wait3A_548] : memref<2560x128xf32, #tpu.memory_space<hbm>> -> memref<80x128xf32, #tpu.memory_space<hbm>>
      %dma_wait3A_550 = arith.constant 0 : i32
      %dma_wait3A_551 = arith.constant 0 : i32
      %dma_wait3A_552 = tpu.memref_slice %arg11[%run_scoped3A, %dma_wait3A_550, %dma_wait3A_551] : memref<2x80x128xf32, #tpu.memory_space<vmem>> -> memref<1x80x128xf32, #tpu.memory_space<vmem>>
      %dma_wait3A_553 = tpu.memref_squeeze %dma_wait3A_552 : memref<1x80x128xf32, #tpu.memory_space<vmem>> -> memref<80x128xf32, #tpu.memory_space<vmem>>
      %dma_wait3A_554 = arith.constant 0 : i32
      %dma_wait3A_555 = tpu.memref_slice %arg3[%add3A_114, %dma_wait3A_554] : memref<2560x128xf32, #tpu.memory_space<hbm>> -> memref<80x128xf32, #tpu.memory_space<hbm>>
      tpu.wait_dma2 semaphore(%run_scoped3A_531 : memref<!tpu.dma_semaphore, #tpu.memory_space<semaphore_mem>>) src(%dma_wait3A_555 : memref<80x128xf32, #tpu.memory_space<hbm>>) dst(%dma_wait3A_553 : memref<80x128xf32, #tpu.memory_space<vmem>>)
      tpu.yield
    }) : () -> ()
    %get3A_115 = arith.constant 1 : i32
    %get3A_116 = arith.index_cast %get3A_115 : i32 to index
    %get3A_117 = arith.constant 0 : index
    %get3A_118 = tpu.vector_load %arg10[%get3A_116, %get3A_117] {strides = array<i32>} : memref<2x80xi32, #tpu.memory_space<vmem>>, vector<1x16xi32>,
    %get3A_119 = vector.shape_cast %get3A_118 : vector<1x16xi32> to vector<16xi32>
    %sub3A_120 = vector.broadcast %mul3A_0 : i32 to vector<16xi32>
    %sub3A_121 = arith.subi %get3A_119, %sub3A_120 : vector<16xi32>
    %ge3A_122 = arith.constant 0 : i32
    %ge3A_123 = vector.broadcast %ge3A_122 : i32 to vector<16xi32>
    %ge3A_124 = arith.cmpi sge, %sub3A_121, %ge3A_123 : vector<16xi32>
    %lt3A_125 = arith.constant 5120 : i32
    %lt3A_126 = vector.broadcast %lt3A_125 : i32 to vector<16xi32>
    %lt3A_127 = arith.cmpi slt, %sub3A_121, %lt3A_126 : vector<16xi32>
    %and3A_128 = arith.andi %ge3A_124, %lt3A_127 : vector<16xi1>
    %jit3A_129 = arith.constant 5128 : i32
    %broadcast_in_dim3A_130 = vector.broadcast %jit3A_129 : i32 to vector<16xi32>
    %select_n3A_131 = arith.select %and3A_128, %sub3A_121, %broadcast_in_dim3A_130 : vector<16xi1>, vector<16xi32>
    %swap3A_132 = arith.constant 1 : i32
    %swap3A_133 = arith.index_cast %swap3A_132 : i32 to index
    %swap3A_134 = arith.constant 0 : index
    %swap3A_135 = tpu.vector_load %arg10[%swap3A_133, %swap3A_134] {strides = array<i32>} : memref<2x80xi32, #tpu.memory_space<vmem>>, vector<1x16xi32>,
    %swap3A_136 = vector.shape_cast %swap3A_135 : vector<1x16xi32> to vector<16xi32>
    %swap3A_137 = vector.shape_cast %select_n3A_131 : vector<16xi32> to vector<1x16xi32>
    tpu.vector_store %arg10[%swap3A_133, %swap3A_134], %swap3A_137 {strides = array<i32>} : memref<2x80xi32, #tpu.memory_space<vmem>>, vector<1x16xi32>,
    %get3A_138 = arith.constant 1 : i32
    %get3A_139 = arith.index_cast %get3A_138 : i32 to index
    %get3A_140 = arith.constant 16 : index
    %get3A_141 = tpu.vector_load %arg10[%get3A_139, %get3A_140] {strides = array<i32>} : memref<2x80xi32, #tpu.memory_space<vmem>>, vector<1x16xi32>,
    %get3A_142 = vector.shape_cast %get3A_141 : vector<1x16xi32> to vector<16xi32>
    %sub3A_143 = vector.broadcast %mul3A_0 : i32 to vector<16xi32>
    %sub3A_144 = arith.subi %get3A_142, %sub3A_143 : vector<16xi32>
    %ge3A_145 = arith.constant 0 : i32
    %ge3A_146 = vector.broadcast %ge3A_145 : i32 to vector<16xi32>
    %ge3A_147 = arith.cmpi sge, %sub3A_144, %ge3A_146 : vector<16xi32>
    %lt3A_148 = arith.constant 5120 : i32
    %lt3A_149 = vector.broadcast %lt3A_148 : i32 to vector<16xi32>
    %lt3A_150 = arith.cmpi slt, %sub3A_144, %lt3A_149 : vector<16xi32>
    %and3A_151 = arith.andi %ge3A_147, %lt3A_150 : vector<16xi1>
    %jit3A_152 = arith.constant 5128 : i32
    %broadcast_in_dim3A_153 = vector.broadcast %jit3A_152 : i32 to vector<16xi32>
    %select_n3A_154 = arith.select %and3A_151, %sub3A_144, %broadcast_in_dim3A_153 : vector<16xi1>, vector<16xi32>
    %swap3A_155 = arith.constant 1 : i32
    %swap3A_156 = arith.index_cast %swap3A_155 : i32 to index
    %swap3A_157 = arith.constant 16 : index
    %swap3A_158 = tpu.vector_load %arg10[%swap3A_156, %swap3A_157] {strides = array<i32>} : memref<2x80xi32, #tpu.memory_space<vmem>>, vector<1x16xi32>,
    %swap3A_159 = vector.shape_cast %swap3A_158 : vector<1x16xi32> to vector<16xi32>
    %swap3A_160 = vector.shape_cast %select_n3A_154 : vector<16xi32> to vector<1x16xi32>
    tpu.vector_store %arg10[%swap3A_156, %swap3A_157], %swap3A_160 {strides = array<i32>} : memref<2x80xi32, #tpu.memory_space<vmem>>, vector<1x16xi32>,
    %get3A_161 = arith.constant 1 : i32
    %get3A_162 = arith.index_cast %get3A_161 : i32 to index
    %get3A_163 = arith.constant 32 : index
    %get3A_164 = tpu.vector_load %arg10[%get3A_162, %get3A_163] {strides = array<i32>} : memref<2x80xi32, #tpu.memory_space<vmem>>, vector<1x16xi32>,
    %get3A_165 = vector.shape_cast %get3A_164 : vector<1x16xi32> to vector<16xi32>
    %sub3A_166 = vector.broadcast %mul3A_0 : i32 to vector<16xi32>
    %sub3A_167 = arith.subi %get3A_165, %sub3A_166 : vector<16xi32>
    %ge3A_168 = arith.constant 0 : i32
    %ge3A_169 = vector.broadcast %ge3A_168 : i32 to vector<16xi32>
    %ge3A_170 = arith.cmpi sge, %sub3A_167, %ge3A_169 : vector<16xi32>
    %lt3A_171 = arith.constant 5120 : i32
    %lt3A_172 = vector.broadcast %lt3A_171 : i32 to vector<16xi32>
    %lt3A_173 = arith.cmpi slt, %sub3A_167, %lt3A_172 : vector<16xi32>
    %and3A_174 = arith.andi %ge3A_170, %lt3A_173 : vector<16xi1>
    %jit3A_175 = arith.constant 5128 : i32
    %broadcast_in_dim3A_176 = vector.broadcast %jit3A_175 : i32 to vector<16xi32>
    %select_n3A_177 = arith.select %and3A_174, %sub3A_167, %broadcast_in_dim3A_176 : vector<16xi1>, vector<16xi32>
    %swap3A_178 = arith.constant 1 : i32
    %swap3A_179 = arith.index_cast %swap3A_178 : i32 to index
    %swap3A_180 = arith.constant 32 : index
    %swap3A_181 = tpu.vector_load %arg10[%swap3A_179, %swap3A_180] {strides = array<i32>} : memref<2x80xi32, #tpu.memory_space<vmem>>, vector<1x16xi32>,
    %swap3A_182 = vector.shape_cast %swap3A_181 : vector<1x16xi32> to vector<16xi32>
    %swap3A_183 = vector.shape_cast %select_n3A_177 : vector<16xi32> to vector<1x16xi32>
    tpu.vector_store %arg10[%swap3A_179, %swap3A_180], %swap3A_183 {strides = array<i32>} : memref<2x80xi32, #tpu.memory_space<vmem>>, vector<1x16xi32>,
    %get3A_184 = arith.constant 1 : i32
    %get3A_185 = arith.index_cast %get3A_184 : i32 to index
    %get3A_186 = arith.constant 48 : index
    %get3A_187 = tpu.vector_load %arg10[%get3A_185, %get3A_186] {strides = array<i32>} : memref<2x80xi32, #tpu.memory_space<vmem>>, vector<1x16xi32>,
    %get3A_188 = vector.shape_cast %get3A_187 : vector<1x16xi32> to vector<16xi32>
    %sub3A_189 = vector.broadcast %mul3A_0 : i32 to vector<16xi32>
    %sub3A_190 = arith.subi %get3A_188, %sub3A_189 : vector<16xi32>
    %ge3A_191 = arith.constant 0 : i32
    %ge3A_192 = vector.broadcast %ge3A_191 : i32 to vector<16xi32>
    %ge3A_193 = arith.cmpi sge, %sub3A_190, %ge3A_192 : vector<16xi32>
    %lt3A_194 = arith.constant 5120 : i32
    %lt3A_195 = vector.broadcast %lt3A_194 : i32 to vector<16xi32>
    %lt3A_196 = arith.cmpi slt, %sub3A_190, %lt3A_195 : vector<16xi32>
    %and3A_197 = arith.andi %ge3A_193, %lt3A_196 : vector<16xi1>
    %jit3A_198 = arith.constant 5128 : i32
    %broadcast_in_dim3A_199 = vector.broadcast %jit3A_198 : i32 to vector<16xi32>
    %select_n3A_200 = arith.select %and3A_197, %sub3A_190, %broadcast_in_dim3A_199 : vector<16xi1>, vector<16xi32>
    %swap3A_201 = arith.constant 1 : i32
    %swap3A_202 = arith.index_cast %swap3A_201 : i32 to index
    %swap3A_203 = arith.constant 48 : index
    %swap3A_204 = tpu.vector_load %arg10[%swap3A_202, %swap3A_203] {strides = array<i32>} : memref<2x80xi32, #tpu.memory_space<vmem>>, vector<1x16xi32>,
    %swap3A_205 = vector.shape_cast %swap3A_204 : vector<1x16xi32> to vector<16xi32>
    %swap3A_206 = vector.shape_cast %select_n3A_200 : vector<16xi32> to vector<1x16xi32>
    tpu.vector_store %arg10[%swap3A_202, %swap3A_203], %swap3A_206 {strides = array<i32>} : memref<2x80xi32, #tpu.memory_space<vmem>>, vector<1x16xi32>,
    %get3A_207 = arith.constant 1 : i32
    %get3A_208 = arith.index_cast %get3A_207 : i32 to index
    %get3A_209 = arith.constant 64 : index
    %get3A_210 = tpu.vector_load %arg10[%get3A_208, %get3A_209] {strides = array<i32>} : memref<2x80xi32, #tpu.memory_space<vmem>>, vector<1x16xi32>,
    %get3A_211 = vector.shape_cast %get3A_210 : vector<1x16xi32> to vector<16xi32>
    %sub3A_212 = vector.broadcast %mul3A_0 : i32 to vector<16xi32>
    %sub3A_213 = arith.subi %get3A_211, %sub3A_212 : vector<16xi32>
    %ge3A_214 = arith.constant 0 : i32
    %ge3A_215 = vector.broadcast %ge3A_214 : i32 to vector<16xi32>
    %ge3A_216 = arith.cmpi sge, %sub3A_213, %ge3A_215 : vector<16xi32>
    %lt3A_217 = arith.constant 5120 : i32
    %lt3A_218 = vector.broadcast %lt3A_217 : i32 to vector<16xi32>
    %lt3A_219 = arith.cmpi slt, %sub3A_213, %lt3A_218 : vector<16xi32>
    %and3A_220 = arith.andi %ge3A_216, %lt3A_219 : vector<16xi1>
    %jit3A_221 = arith.constant 5128 : i32
    %broadcast_in_dim3A_222 = vector.broadcast %jit3A_221 : i32 to vector<16xi32>
    %select_n3A_223 = arith.select %and3A_220, %sub3A_213, %broadcast_in_dim3A_222 : vector<16xi1>, vector<16xi32>
    %swap3A_224 = arith.constant 1 : i32
    %swap3A_225 = arith.index_cast %swap3A_224 : i32 to index
    %swap3A_226 = arith.constant 64 : index
    %swap3A_227 = tpu.vector_load %arg10[%swap3A_225, %swap3A_226] {strides = array<i32>} : memref<2x80xi32, #tpu.memory_space<vmem>>, vector<1x16xi32>,
    %swap3A_228 = vector.shape_cast %swap3A_227 : vector<1x16xi32> to vector<16xi32>
    %swap3A_229 = vector.shape_cast %select_n3A_223 : vector<16xi32> to vector<1x16xi32>
    tpu.vector_store %arg10[%swap3A_225, %swap3A_226], %swap3A_229 {strides = array<i32>} : memref<2x80xi32, #tpu.memory_space<vmem>>, vector<1x16xi32>,
    %mul3A_230 = arith.constant 2 : i32
    %mul3A_231 = arith.muli %arg1, %mul3A_230 : i32
    %mul3A_232 = arith.constant 80 : i32
    %mul3A_233 = arith.muli %mul3A_231, %mul3A_232 : i32
    %add3A_234 = arith.constant 80 : i32
    %add3A_235 = arith.addi %mul3A_233, %add3A_234 : i32
    %run_scoped3A_236 = arith.constant 1 : i32
    "tpu.region"() ({
      %run_scoped3A_531 = tpu.sem_alloc : memref<!tpu.dma_semaphore, #tpu.memory_space<semaphore_mem>>
      %dma_start3A_532 = arith.constant 0 : i32
      %dma_start3A_533 = arith.constant 0 : i32
      %dma_start3A_534 = tpu.memref_slice %arg11[%run_scoped3A_236, %dma_start3A_532, %dma_start3A_533] : memref<2x80x128xf32, #tpu.memory_space<vmem>> -> memref<1x80x128xf32, #tpu.memory_space<vmem>>
      %dma_start3A_535 = tpu.memref_squeeze %dma_start3A_534 : memref<1x80x128xf32, #tpu.memory_space<vmem>> -> memref<80x128xf32, #tpu.memory_space<vmem>>
      %dma_start3A_536 = arith.constant 0 : i32
      %dma_start3A_537 = tpu.memref_slice %arg3[%add3A_235, %dma_start3A_536] : memref<2560x128xf32, #tpu.memory_space<hbm>> -> memref<80x128xf32, #tpu.memory_space<hbm>>
      %dma_start3A_538 = arith.constant 0 : i32
      %dma_start3A_539 = arith.constant 0 : i32
      %dma_start3A_540 = tpu.memref_slice %arg11[%run_scoped3A_236, %dma_start3A_538, %dma_start3A_539] : memref<2x80x128xf32, #tpu.memory_space<vmem>> -> memref<1x80x128xf32, #tpu.memory_space<vmem>>
      %dma_start3A_541 = tpu.memref_squeeze %dma_start3A_540 : memref<1x80x128xf32, #tpu.memory_space<vmem>> -> memref<80x128xf32, #tpu.memory_space<vmem>>
      %dma_start3A_542 = arith.constant 0 : i32
      %dma_start3A_543 = tpu.memref_slice %arg3[%add3A_235, %dma_start3A_542] : memref<2560x128xf32, #tpu.memory_space<hbm>> -> memref<80x128xf32, #tpu.memory_space<hbm>>
      tpu.enqueue_dma source(%dma_start3A_543 : memref<80x128xf32, #tpu.memory_space<hbm>>) target(%dma_start3A_541 : memref<80x128xf32, #tpu.memory_space<vmem>>) target_semaphore(%run_scoped3A_531 : memref<!tpu.dma_semaphore, #tpu.memory_space<semaphore_mem>>)
      %dma_wait3A_544 = arith.constant 0 : i32
      %dma_wait3A_545 = arith.constant 0 : i32
      %dma_wait3A_546 = tpu.memref_slice %arg11[%run_scoped3A_236, %dma_wait3A_544, %dma_wait3A_545] : memref<2x80x128xf32, #tpu.memory_space<vmem>> -> memref<1x80x128xf32, #tpu.memory_space<vmem>>
      %dma_wait3A_547 = tpu.memref_squeeze %dma_wait3A_546 : memref<1x80x128xf32, #tpu.memory_space<vmem>> -> memref<80x128xf32, #tpu.memory_space<vmem>>
      %dma_wait3A_548 = arith.constant 0 : i32
      %dma_wait3A_549 = tpu.memref_slice %arg3[%add3A_235, %dma_wait3A_548] : memref<2560x128xf32, #tpu.memory_space<hbm>> -> memref<80x128xf32, #tpu.memory_space<hbm>>
      %dma_wait3A_550 = arith.constant 0 : i32
      %dma_wait3A_551 = arith.constant 0 : i32
      %dma_wait3A_552 = tpu.memref_slice %arg11[%run_scoped3A_236, %dma_wait3A_550, %dma_wait3A_551] : memref<2x80x128xf32, #tpu.memory_space<vmem>> -> memref<1x80x128xf32, #tpu.memory_space<vmem>>
      %dma_wait3A_553 = tpu.memref_squeeze %dma_wait3A_552 : memref<1x80x128xf32, #tpu.memory_space<vmem>> -> memref<80x128xf32, #tpu.memory_space<vmem>>
      %dma_wait3A_554 = arith.constant 0 : i32
      %dma_wait3A_555 = tpu.memref_slice %arg3[%add3A_235, %dma_wait3A_554] : memref<2560x128xf32, #tpu.memory_space<hbm>> -> memref<80x128xf32, #tpu.memory_space<hbm>>
      tpu.wait_dma2 semaphore(%run_scoped3A_531 : memref<!tpu.dma_semaphore, #tpu.memory_space<semaphore_mem>>) src(%dma_wait3A_555 : memref<80x128xf32, #tpu.memory_space<hbm>>) dst(%dma_wait3A_553 : memref<80x128xf32, #tpu.memory_space<vmem>>)
      tpu.yield
    }) : () -> ()
    %eq3A = arith.constant 0 : i32
    %eq3A_237 = arith.cmpi eq, %arg1, %eq3A : i32
    %convert_element_type3A = arith.extui %eq3A_237 : i1 to i32
    %cond3A = arith.constant 0 : i32
    %cond3A_238 = arith.cmpi ne, %convert_element_type3A, %cond3A : i32
    scf.if %cond3A_238 {
      %broadcast_in_dim3A_531 = arith.constant 0.000000e+00 : f32
      %broadcast_in_dim3A_532 = vector.broadcast %broadcast_in_dim3A_531 : f32 to vector<16xf32>
      %swap3A_533 = arith.constant 0 : i32
      %swap3A_534 = arith.index_cast %swap3A_533 : i32 to index
      %swap3A_535 = arith.constant 0 : index
      %swap3A_536 = tpu.vector_load %arg15[%swap3A_534, %swap3A_535] {strides = array<i32>} : memref<8x128xf32, #tpu.memory_space<vmem>>, vector<1x16xf32>,
      %swap3A_537 = vector.shape_cast %swap3A_536 : vector<1x16xf32> to vector<16xf32>
      %swap3A_538 = vector.shape_cast %broadcast_in_dim3A_532 : vector<16xf32> to vector<1x16xf32>
      tpu.vector_store %arg15[%swap3A_534, %swap3A_535], %swap3A_538 {strides = array<i32>} : memref<8x128xf32, #tpu.memory_space<vmem>>, vector<1x16xf32>,
      %broadcast_in_dim3A_539 = arith.constant 0.000000e+00 : f32
      %broadcast_in_dim3A_540 = vector.broadcast %broadcast_in_dim3A_539 : f32 to vector<16xf32>
      %swap3A_541 = arith.constant 0 : i32
      %swap3A_542 = arith.index_cast %swap3A_541 : i32 to index
      %swap3A_543 = arith.constant 16 : index
      %swap3A_544 = tpu.vector_load %arg15[%swap3A_542, %swap3A_543] {strides = array<i32>} : memref<8x128xf32, #tpu.memory_space<vmem>>, vector<1x16xf32>,
      %swap3A_545 = vector.shape_cast %swap3A_544 : vector<1x16xf32> to vector<16xf32>
      %swap3A_546 = vector.shape_cast %broadcast_in_dim3A_540 : vector<16xf32> to vector<1x16xf32>
      tpu.vector_store %arg15[%swap3A_542, %swap3A_543], %swap3A_546 {strides = array<i32>} : memref<8x128xf32, #tpu.memory_space<vmem>>, vector<1x16xf32>,
      %broadcast_in_dim3A_547 = arith.constant 0.000000e+00 : f32
      %broadcast_in_dim3A_548 = vector.broadcast %broadcast_in_dim3A_547 : f32 to vector<16xf32>
      %swap3A_549 = arith.constant 0 : i32
      %swap3A_550 = arith.index_cast %swap3A_549 : i32 to index
      %swap3A_551 = arith.constant 32 : index
      %swap3A_552 = tpu.vector_load %arg15[%swap3A_550, %swap3A_551] {strides = array<i32>} : memref<8x128xf32, #tpu.memory_space<vmem>>, vector<1x16xf32>,
      %swap3A_553 = vector.shape_cast %swap3A_552 : vector<1x16xf32> to vector<16xf32>
      %swap3A_554 = vector.shape_cast %broadcast_in_dim3A_548 : vector<16xf32> to vector<1x16xf32>
      tpu.vector_store %arg15[%swap3A_550, %swap3A_551], %swap3A_554 {strides = array<i32>} : memref<8x128xf32, #tpu.memory_space<vmem>>, vector<1x16xf32>,
      %broadcast_in_dim3A_555 = arith.constant 0.000000e+00 : f32
      %broadcast_in_dim3A_556 = vector.broadcast %broadcast_in_dim3A_555 : f32 to vector<16xf32>
      %swap3A_557 = arith.constant 0 : i32
      %swap3A_558 = arith.index_cast %swap3A_557 : i32 to index
      %swap3A_559 = arith.constant 48 : index
      %swap3A_560 = tpu.vector_load %arg15[%swap3A_558, %swap3A_559] {strides = array<i32>} : memref<8x128xf32, #tpu.memory_space<vmem>>, vector<1x16xf32>,
      %swap3A_561 = vector.shape_cast %swap3A_560 : vector<1x16xf32> to vector<16xf32>
      %swap3A_562 = vector.shape_cast %broadcast_in_dim3A_556 : vector<16xf32> to vector<1x16xf32>
      tpu.vector_store %arg15[%swap3A_558, %swap3A_559], %swap3A_562 {strides = array<i32>} : memref<8x128xf32, #tpu.memory_space<vmem>>, vector<1x16xf32>,
      %broadcast_in_dim3A_563 = arith.constant 0.000000e+00 : f32
      %broadcast_in_dim3A_564 = vector.broadcast %broadcast_in_dim3A_563 : f32 to vector<16xf32>
      %swap3A_565 = arith.constant 0 : i32
      %swap3A_566 = arith.index_cast %swap3A_565 : i32 to index
      %swap3A_567 = arith.constant 64 : index
      %swap3A_568 = tpu.vector_load %arg15[%swap3A_566, %swap3A_567] {strides = array<i32>} : memref<8x128xf32, #tpu.memory_space<vmem>>, vector<1x16xf32>,
      %swap3A_569 = vector.shape_cast %swap3A_568 : vector<1x16xf32> to vector<16xf32>
      %swap3A_570 = vector.shape_cast %broadcast_in_dim3A_564 : vector<16xf32> to vector<1x16xf32>
      tpu.vector_store %arg15[%swap3A_566, %swap3A_567], %swap3A_570 {strides = array<i32>} : memref<8x128xf32, #tpu.memory_space<vmem>>, vector<1x16xf32>,
      %broadcast_in_dim3A_571 = arith.constant 0.000000e+00 : f32
      %broadcast_in_dim3A_572 = vector.broadcast %broadcast_in_dim3A_571 : f32 to vector<16xf32>
      %swap3A_573 = arith.constant 0 : i32
      %swap3A_574 = arith.index_cast %swap3A_573 : i32 to index
      %swap3A_575 = arith.constant 80 : index
      %swap3A_576 = tpu.vector_load %arg15[%swap3A_574, %swap3A_575] {strides = array<i32>} : memref<8x128xf32, #tpu.memory_space<vmem>>, vector<1x16xf32>,
      %swap3A_577 = vector.shape_cast %swap3A_576 : vector<1x16xf32> to vector<16xf32>
      %swap3A_578 = vector.shape_cast %broadcast_in_dim3A_572 : vector<16xf32> to vector<1x16xf32>
      tpu.vector_store %arg15[%swap3A_574, %swap3A_575], %swap3A_578 {strides = array<i32>} : memref<8x128xf32, #tpu.memory_space<vmem>>, vector<1x16xf32>,
      %broadcast_in_dim3A_579 = arith.constant 0.000000e+00 : f32
      %broadcast_in_dim3A_580 = vector.broadcast %broadcast_in_dim3A_579 : f32 to vector<16xf32>
      %swap3A_581 = arith.constant 0 : i32
      %swap3A_582 = arith.index_cast %swap3A_581 : i32 to index
      %swap3A_583 = arith.constant 96 : index
      %swap3A_584 = tpu.vector_load %arg15[%swap3A_582, %swap3A_583] {strides = array<i32>} : memref<8x128xf32, #tpu.memory_space<vmem>>, vector<1x16xf32>,
      %swap3A_585 = vector.shape_cast %swap3A_584 : vector<1x16xf32> to vector<16xf32>
      %swap3A_586 = vector.shape_cast %broadcast_in_dim3A_580 : vector<16xf32> to vector<1x16xf32>
      tpu.vector_store %arg15[%swap3A_582, %swap3A_583], %swap3A_586 {strides = array<i32>} : memref<8x128xf32, #tpu.memory_space<vmem>>, vector<1x16xf32>,
      %broadcast_in_dim3A_587 = arith.constant 0.000000e+00 : f32
      %broadcast_in_dim3A_588 = vector.broadcast %broadcast_in_dim3A_587 : f32 to vector<16xf32>
      %swap3A_589 = arith.constant 0 : i32
      %swap3A_590 = arith.index_cast %swap3A_589 : i32 to index
      %swap3A_591 = arith.constant 112 : index
      %swap3A_592 = tpu.vector_load %arg15[%swap3A_590, %swap3A_591] {strides = array<i32>} : memref<8x128xf32, #tpu.memory_space<vmem>>, vector<1x16xf32>,
      %swap3A_593 = vector.shape_cast %swap3A_592 : vector<1x16xf32> to vector<16xf32>
      %swap3A_594 = vector.shape_cast %broadcast_in_dim3A_588 : vector<16xf32> to vector<1x16xf32>
      tpu.vector_store %arg15[%swap3A_590, %swap3A_591], %swap3A_594 {strides = array<i32>} : memref<8x128xf32, #tpu.memory_space<vmem>>, vector<1x16xf32>,
      %broadcast_in_dim3A_595 = arith.constant 0.000000e+00 : f32
      %broadcast_in_dim3A_596 = vector.broadcast %broadcast_in_dim3A_595 : f32 to vector<16xf32>
      %swap3A_597 = arith.constant 1 : i32
      %swap3A_598 = arith.index_cast %swap3A_597 : i32 to index
      %swap3A_599 = arith.constant 0 : index
      %swap3A_600 = tpu.vector_load %arg15[%swap3A_598, %swap3A_599] {strides = array<i32>} : memref<8x128xf32, #tpu.memory_space<vmem>>, vector<1x16xf32>,
      %swap3A_601 = vector.shape_cast %swap3A_600 : vector<1x16xf32> to vector<16xf32>
      %swap3A_602 = vector.shape_cast %broadcast_in_dim3A_596 : vector<16xf32> to vector<1x16xf32>
      tpu.vector_store %arg15[%swap3A_598, %swap3A_599], %swap3A_602 {strides = array<i32>} : memref<8x128xf32, #tpu.memory_space<vmem>>, vector<1x16xf32>,
      %broadcast_in_dim3A_603 = arith.constant 0.000000e+00 : f32
      %broadcast_in_dim3A_604 = vector.broadcast %broadcast_in_dim3A_603 : f32 to vector<16xf32>
      %swap3A_605 = arith.constant 1 : i32
      %swap3A_606 = arith.index_cast %swap3A_605 : i32 to index
      %swap3A_607 = arith.constant 16 : index
      %swap3A_608 = tpu.vector_load %arg15[%swap3A_606, %swap3A_607] {strides = array<i32>} : memref<8x128xf32, #tpu.memory_space<vmem>>, vector<1x16xf32>,
      %swap3A_609 = vector.shape_cast %swap3A_608 : vector<1x16xf32> to vector<16xf32>
      %swap3A_610 = vector.shape_cast %broadcast_in_dim3A_604 : vector<16xf32> to vector<1x16xf32>
      tpu.vector_store %arg15[%swap3A_606, %swap3A_607], %swap3A_610 {strides = array<i32>} : memref<8x128xf32, #tpu.memory_space<vmem>>, vector<1x16xf32>,
      %broadcast_in_dim3A_611 = arith.constant 0.000000e+00 : f32
      %broadcast_in_dim3A_612 = vector.broadcast %broadcast_in_dim3A_611 : f32 to vector<16xf32>
      %swap3A_613 = arith.constant 1 : i32
      %swap3A_614 = arith.index_cast %swap3A_613 : i32 to index
      %swap3A_615 = arith.constant 32 : index
      %swap3A_616 = tpu.vector_load %arg15[%swap3A_614, %swap3A_615] {strides = array<i32>} : memref<8x128xf32, #tpu.memory_space<vmem>>, vector<1x16xf32>,
      %swap3A_617 = vector.shape_cast %swap3A_616 : vector<1x16xf32> to vector<16xf32>
      %swap3A_618 = vector.shape_cast %broadcast_in_dim3A_612 : vector<16xf32> to vector<1x16xf32>
      tpu.vector_store %arg15[%swap3A_614, %swap3A_615], %swap3A_618 {strides = array<i32>} : memref<8x128xf32, #tpu.memory_space<vmem>>, vector<1x16xf32>,
      %broadcast_in_dim3A_619 = arith.constant 0.000000e+00 : f32
      %broadcast_in_dim3A_620 = vector.broadcast %broadcast_in_dim3A_619 : f32 to vector<16xf32>
      %swap3A_621 = arith.constant 1 : i32
      %swap3A_622 = arith.index_cast %swap3A_621 : i32 to index
      %swap3A_623 = arith.constant 48 : index
      %swap3A_624 = tpu.vector_load %arg15[%swap3A_622, %swap3A_623] {strides = array<i32>} : memref<8x128xf32, #tpu.memory_space<vmem>>, vector<1x16xf32>,
      %swap3A_625 = vector.shape_cast %swap3A_624 : vector<1x16xf32> to vector<16xf32>
      %swap3A_626 = vector.shape_cast %broadcast_in_dim3A_620 : vector<16xf32> to vector<1x16xf32>
      tpu.vector_store %arg15[%swap3A_622, %swap3A_623], %swap3A_626 {strides = array<i32>} : memref<8x128xf32, #tpu.memory_space<vmem>>, vector<1x16xf32>,
      %broadcast_in_dim3A_627 = arith.constant 0.000000e+00 : f32
      %broadcast_in_dim3A_628 = vector.broadcast %broadcast_in_dim3A_627 : f32 to vector<16xf32>
      %swap3A_629 = arith.constant 1 : i32
      %swap3A_630 = arith.index_cast %swap3A_629 : i32 to index
      %swap3A_631 = arith.constant 64 : index
      %swap3A_632 = tpu.vector_load %arg15[%swap3A_630, %swap3A_631] {strides = array<i32>} : memref<8x128xf32, #tpu.memory_space<vmem>>, vector<1x16xf32>,
      %swap3A_633 = vector.shape_cast %swap3A_632 : vector<1x16xf32> to vector<16xf32>
      %swap3A_634 = vector.shape_cast %broadcast_in_dim3A_628 : vector<16xf32> to vector<1x16xf32>
      tpu.vector_store %arg15[%swap3A_630, %swap3A_631], %swap3A_634 {strides = array<i32>} : memref<8x128xf32, #tpu.memory_space<vmem>>, vector<1x16xf32>,
      %broadcast_in_dim3A_635 = arith.constant 0.000000e+00 : f32
      %broadcast_in_dim3A_636 = vector.broadcast %broadcast_in_dim3A_635 : f32 to vector<16xf32>
      %swap3A_637 = arith.constant 1 : i32
      %swap3A_638 = arith.index_cast %swap3A_637 : i32 to index
      %swap3A_639 = arith.constant 80 : index
      %swap3A_640 = tpu.vector_load %arg15[%swap3A_638, %swap3A_639] {strides = array<i32>} : memref<8x128xf32, #tpu.memory_space<vmem>>, vector<1x16xf32>,
      %swap3A_641 = vector.shape_cast %swap3A_640 : vector<1x16xf32> to vector<16xf32>
      %swap3A_642 = vector.shape_cast %broadcast_in_dim3A_636 : vector<16xf32> to vector<1x16xf32>
      tpu.vector_store %arg15[%swap3A_638, %swap3A_639], %swap3A_642 {strides = array<i32>} : memref<8x128xf32, #tpu.memory_space<vmem>>, vector<1x16xf32>,
      %broadcast_in_dim3A_643 = arith.constant 0.000000e+00 : f32
      %broadcast_in_dim3A_644 = vector.broadcast %broadcast_in_dim3A_643 : f32 to vector<16xf32>
      %swap3A_645 = arith.constant 1 : i32
      %swap3A_646 = arith.index_cast %swap3A_645 : i32 to index
      %swap3A_647 = arith.constant 96 : index
      %swap3A_648 = tpu.vector_load %arg15[%swap3A_646, %swap3A_647] {strides = array<i32>} : memref<8x128xf32, #tpu.memory_space<vmem>>, vector<1x16xf32>,
      %swap3A_649 = vector.shape_cast %swap3A_648 : vector<1x16xf32> to vector<16xf32>
      %swap3A_650 = vector.shape_cast %broadcast_in_dim3A_644 : vector<16xf32> to vector<1x16xf32>
      tpu.vector_store %arg15[%swap3A_646, %swap3A_647], %swap3A_650 {strides = array<i32>} : memref<8x128xf32, #tpu.memory_space<vmem>>, vector<1x16xf32>,
      %broadcast_in_dim3A_651 = arith.constant 0.000000e+00 : f32
      %broadcast_in_dim3A_652 = vector.broadcast %broadcast_in_dim3A_651 : f32 to vector<16xf32>
      %swap3A_653 = arith.constant 1 : i32
      %swap3A_654 = arith.index_cast %swap3A_653 : i32 to index
      %swap3A_655 = arith.constant 112 : index
      %swap3A_656 = tpu.vector_load %arg15[%swap3A_654, %swap3A_655] {strides = array<i32>} : memref<8x128xf32, #tpu.memory_space<vmem>>, vector<1x16xf32>,
      %swap3A_657 = vector.shape_cast %swap3A_656 : vector<1x16xf32> to vector<16xf32>
      %swap3A_658 = vector.shape_cast %broadcast_in_dim3A_652 : vector<16xf32> to vector<1x16xf32>
      tpu.vector_store %arg15[%swap3A_654, %swap3A_655], %swap3A_658 {strides = array<i32>} : memref<8x128xf32, #tpu.memory_space<vmem>>, vector<1x16xf32>,
      %broadcast_in_dim3A_659 = arith.constant 0.000000e+00 : f32
      %broadcast_in_dim3A_660 = vector.broadcast %broadcast_in_dim3A_659 : f32 to vector<16xf32>
      %swap3A_661 = arith.constant 2 : i32
      %swap3A_662 = arith.index_cast %swap3A_661 : i32 to index
      %swap3A_663 = arith.constant 0 : index
      %swap3A_664 = tpu.vector_load %arg15[%swap3A_662, %swap3A_663] {strides = array<i32>} : memref<8x128xf32, #tpu.memory_space<vmem>>, vector<1x16xf32>,
      %swap3A_665 = vector.shape_cast %swap3A_664 : vector<1x16xf32> to vector<16xf32>
      %swap3A_666 = vector.shape_cast %broadcast_in_dim3A_660 : vector<16xf32> to vector<1x16xf32>
      tpu.vector_store %arg15[%swap3A_662, %swap3A_663], %swap3A_666 {strides = array<i32>} : memref<8x128xf32, #tpu.memory_space<vmem>>, vector<1x16xf32>,
      %broadcast_in_dim3A_667 = arith.constant 0.000000e+00 : f32
      %broadcast_in_dim3A_668 = vector.broadcast %broadcast_in_dim3A_667 : f32 to vector<16xf32>
      %swap3A_669 = arith.constant 2 : i32
      %swap3A_670 = arith.index_cast %swap3A_669 : i32 to index
      %swap3A_671 = arith.constant 16 : index
      %swap3A_672 = tpu.vector_load %arg15[%swap3A_670, %swap3A_671] {strides = array<i32>} : memref<8x128xf32, #tpu.memory_space<vmem>>, vector<1x16xf32>,
      %swap3A_673 = vector.shape_cast %swap3A_672 : vector<1x16xf32> to vector<16xf32>
      %swap3A_674 = vector.shape_cast %broadcast_in_dim3A_668 : vector<16xf32> to vector<1x16xf32>
      tpu.vector_store %arg15[%swap3A_670, %swap3A_671], %swap3A_674 {strides = array<i32>} : memref<8x128xf32, #tpu.memory_space<vmem>>, vector<1x16xf32>,
      %broadcast_in_dim3A_675 = arith.constant 0.000000e+00 : f32
      %broadcast_in_dim3A_676 = vector.broadcast %broadcast_in_dim3A_675 : f32 to vector<16xf32>
      %swap3A_677 = arith.constant 2 : i32
      %swap3A_678 = arith.index_cast %swap3A_677 : i32 to index
      %swap3A_679 = arith.constant 32 : index
      %swap3A_680 = tpu.vector_load %arg15[%swap3A_678, %swap3A_679] {strides = array<i32>} : memref<8x128xf32, #tpu.memory_space<vmem>>, vector<1x16xf32>,
      %swap3A_681 = vector.shape_cast %swap3A_680 : vector<1x16xf32> to vector<16xf32>
      %swap3A_682 = vector.shape_cast %broadcast_in_dim3A_676 : vector<16xf32> to vector<1x16xf32>
      tpu.vector_store %arg15[%swap3A_678, %swap3A_679], %swap3A_682 {strides = array<i32>} : memref<8x128xf32, #tpu.memory_space<vmem>>, vector<1x16xf32>,
      %broadcast_in_dim3A_683 = arith.constant 0.000000e+00 : f32
      %broadcast_in_dim3A_684 = vector.broadcast %broadcast_in_dim3A_683 : f32 to vector<16xf32>
      %swap3A_685 = arith.constant 2 : i32
      %swap3A_686 = arith.index_cast %swap3A_685 : i32 to index
      %swap3A_687 = arith.constant 48 : index
      %swap3A_688 = tpu.vector_load %arg15[%swap3A_686, %swap3A_687] {strides = array<i32>} : memref<8x128xf32, #tpu.memory_space<vmem>>, vector<1x16xf32>,
      %swap3A_689 = vector.shape_cast %swap3A_688 : vector<1x16xf32> to vector<16xf32>
      %swap3A_690 = vector.shape_cast %broadcast_in_dim3A_684 : vector<16xf32> to vector<1x16xf32>
      tpu.vector_store %arg15[%swap3A_686, %swap3A_687], %swap3A_690 {strides = array<i32>} : memref<8x128xf32, #tpu.memory_space<vmem>>, vector<1x16xf32>,
      %broadcast_in_dim3A_691 = arith.constant 0.000000e+00 : f32
      %broadcast_in_dim3A_692 = vector.broadcast %broadcast_in_dim3A_691 : f32 to vector<16xf32>
      %swap3A_693 = arith.constant 2 : i32
      %swap3A_694 = arith.index_cast %swap3A_693 : i32 to index
      %swap3A_695 = arith.constant 64 : index
      %swap3A_696 = tpu.vector_load %arg15[%swap3A_694, %swap3A_695] {strides = array<i32>} : memref<8x128xf32, #tpu.memory_space<vmem>>, vector<1x16xf32>,
      %swap3A_697 = vector.shape_cast %swap3A_696 : vector<1x16xf32> to vector<16xf32>
      %swap3A_698 = vector.shape_cast %broadcast_in_dim3A_692 : vector<16xf32> to vector<1x16xf32>
      tpu.vector_store %arg15[%swap3A_694, %swap3A_695], %swap3A_698 {strides = array<i32>} : memref<8x128xf32, #tpu.memory_space<vmem>>, vector<1x16xf32>,
      %broadcast_in_dim3A_699 = arith.constant 0.000000e+00 : f32
      %broadcast_in_dim3A_700 = vector.broadcast %broadcast_in_dim3A_699 : f32 to vector<16xf32>
      %swap3A_701 = arith.constant 2 : i32
      %swap3A_702 = arith.index_cast %swap3A_701 : i32 to index
      %swap3A_703 = arith.constant 80 : index
      %swap3A_704 = tpu.vector_load %arg15[%swap3A_702, %swap3A_703] {strides = array<i32>} : memref<8x128xf32, #tpu.memory_space<vmem>>, vector<1x16xf32>,
      %swap3A_705 = vector.shape_cast %swap3A_704 : vector<1x16xf32> to vector<16xf32>
      %swap3A_706 = vector.shape_cast %broadcast_in_dim3A_700 : vector<16xf32> to vector<1x16xf32>
      tpu.vector_store %arg15[%swap3A_702, %swap3A_703], %swap3A_706 {strides = array<i32>} : memref<8x128xf32, #tpu.memory_space<vmem>>, vector<1x16xf32>,
      %broadcast_in_dim3A_707 = arith.constant 0.000000e+00 : f32
      %broadcast_in_dim3A_708 = vector.broadcast %broadcast_in_dim3A_707 : f32 to vector<16xf32>
      %swap3A_709 = arith.constant 2 : i32
      %swap3A_710 = arith.index_cast %swap3A_709 : i32 to index
      %swap3A_711 = arith.constant 96 : index
      %swap3A_712 = tpu.vector_load %arg15[%swap3A_710, %swap3A_711] {strides = array<i32>} : memref<8x128xf32, #tpu.memory_space<vmem>>, vector<1x16xf32>,
      %swap3A_713 = vector.shape_cast %swap3A_712 : vector<1x16xf32> to vector<16xf32>
      %swap3A_714 = vector.shape_cast %broadcast_in_dim3A_708 : vector<16xf32> to vector<1x16xf32>
      tpu.vector_store %arg15[%swap3A_710, %swap3A_711], %swap3A_714 {strides = array<i32>} : memref<8x128xf32, #tpu.memory_space<vmem>>, vector<1x16xf32>,
      %broadcast_in_dim3A_715 = arith.constant 0.000000e+00 : f32
      %broadcast_in_dim3A_716 = vector.broadcast %broadcast_in_dim3A_715 : f32 to vector<16xf32>
      %swap3A_717 = arith.constant 2 : i32
      %swap3A_718 = arith.index_cast %swap3A_717 : i32 to index
      %swap3A_719 = arith.constant 112 : index
      %swap3A_720 = tpu.vector_load %arg15[%swap3A_718, %swap3A_719] {strides = array<i32>} : memref<8x128xf32, #tpu.memory_space<vmem>>, vector<1x16xf32>,
      %swap3A_721 = vector.shape_cast %swap3A_720 : vector<1x16xf32> to vector<16xf32>
      %swap3A_722 = vector.shape_cast %broadcast_in_dim3A_716 : vector<16xf32> to vector<1x16xf32>
      tpu.vector_store %arg15[%swap3A_718, %swap3A_719], %swap3A_722 {strides = array<i32>} : memref<8x128xf32, #tpu.memory_space<vmem>>, vector<1x16xf32>,
      %broadcast_in_dim3A_723 = arith.constant 0.000000e+00 : f32
      %broadcast_in_dim3A_724 = vector.broadcast %broadcast_in_dim3A_723 : f32 to vector<16xf32>
      %swap3A_725 = arith.constant 3 : i32
      %swap3A_726 = arith.index_cast %swap3A_725 : i32 to index
      %swap3A_727 = arith.constant 0 : index
      %swap3A_728 = tpu.vector_load %arg15[%swap3A_726, %swap3A_727] {strides = array<i32>} : memref<8x128xf32, #tpu.memory_space<vmem>>, vector<1x16xf32>,
      %swap3A_729 = vector.shape_cast %swap3A_728 : vector<1x16xf32> to vector<16xf32>
      %swap3A_730 = vector.shape_cast %broadcast_in_dim3A_724 : vector<16xf32> to vector<1x16xf32>
      tpu.vector_store %arg15[%swap3A_726, %swap3A_727], %swap3A_730 {strides = array<i32>} : memref<8x128xf32, #tpu.memory_space<vmem>>, vector<1x16xf32>,
      %broadcast_in_dim3A_731 = arith.constant 0.000000e+00 : f32
      %broadcast_in_dim3A_732 = vector.broadcast %broadcast_in_dim3A_731 : f32 to vector<16xf32>
      %swap3A_733 = arith.constant 3 : i32
      %swap3A_734 = arith.index_cast %swap3A_733 : i32 to index
      %swap3A_735 = arith.constant 16 : index
      %swap3A_736 = tpu.vector_load %arg15[%swap3A_734, %swap3A_735] {strides = array<i32>} : memref<8x128xf32, #tpu.memory_space<vmem>>, vector<1x16xf32>,
      %swap3A_737 = vector.shape_cast %swap3A_736 : vector<1x16xf32> to vector<16xf32>
      %swap3A_738 = vector.shape_cast %broadcast_in_dim3A_732 : vector<16xf32> to vector<1x16xf32>
      tpu.vector_store %arg15[%swap3A_734, %swap3A_735], %swap3A_738 {strides = array<i32>} : memref<8x128xf32, #tpu.memory_space<vmem>>, vector<1x16xf32>,
      %broadcast_in_dim3A_739 = arith.constant 0.000000e+00 : f32
      %broadcast_in_dim3A_740 = vector.broadcast %broadcast_in_dim3A_739 : f32 to vector<16xf32>
      %swap3A_741 = arith.constant 3 : i32
      %swap3A_742 = arith.index_cast %swap3A_741 : i32 to index
      %swap3A_743 = arith.constant 32 : index
      %swap3A_744 = tpu.vector_load %arg15[%swap3A_742, %swap3A_743] {strides = array<i32>} : memref<8x128xf32, #tpu.memory_space<vmem>>, vector<1x16xf32>,
      %swap3A_745 = vector.shape_cast %swap3A_744 : vector<1x16xf32> to vector<16xf32>
      %swap3A_746 = vector.shape_cast %broadcast_in_dim3A_740 : vector<16xf32> to vector<1x16xf32>
      tpu.vector_store %arg15[%swap3A_742, %swap3A_743], %swap3A_746 {strides = array<i32>} : memref<8x128xf32, #tpu.memory_space<vmem>>, vector<1x16xf32>,
      %broadcast_in_dim3A_747 = arith.constant 0.000000e+00 : f32
      %broadcast_in_dim3A_748 = vector.broadcast %broadcast_in_dim3A_747 : f32 to vector<16xf32>
      %swap3A_749 = arith.constant 3 : i32
      %swap3A_750 = arith.index_cast %swap3A_749 : i32 to index
      %swap3A_751 = arith.constant 48 : index
      %swap3A_752 = tpu.vector_load %arg15[%swap3A_750, %swap3A_751] {strides = array<i32>} : memref<8x128xf32, #tpu.memory_space<vmem>>, vector<1x16xf32>,
      %swap3A_753 = vector.shape_cast %swap3A_752 : vector<1x16xf32> to vector<16xf32>
      %swap3A_754 = vector.shape_cast %broadcast_in_dim3A_748 : vector<16xf32> to vector<1x16xf32>
      tpu.vector_store %arg15[%swap3A_750, %swap3A_751], %swap3A_754 {strides = array<i32>} : memref<8x128xf32, #tpu.memory_space<vmem>>, vector<1x16xf32>,
      %broadcast_in_dim3A_755 = arith.constant 0.000000e+00 : f32
      %broadcast_in_dim3A_756 = vector.broadcast %broadcast_in_dim3A_755 : f32 to vector<16xf32>
      %swap3A_757 = arith.constant 3 : i32
      %swap3A_758 = arith.index_cast %swap3A_757 : i32 to index
      %swap3A_759 = arith.constant 64 : index
      %swap3A_760 = tpu.vector_load %arg15[%swap3A_758, %swap3A_759] {strides = array<i32>} : memref<8x128xf32, #tpu.memory_space<vmem>>, vector<1x16xf32>,
      %swap3A_761 = vector.shape_cast %swap3A_760 : vector<1x16xf32> to vector<16xf32>
      %swap3A_762 = vector.shape_cast %broadcast_in_dim3A_756 : vector<16xf32> to vector<1x16xf32>
      tpu.vector_store %arg15[%swap3A_758, %swap3A_759], %swap3A_762 {strides = array<i32>} : memref<8x128xf32, #tpu.memory_space<vmem>>, vector<1x16xf32>,
      %broadcast_in_dim3A_763 = arith.constant 0.000000e+00 : f32
      %broadcast_in_dim3A_764 = vector.broadcast %broadcast_in_dim3A_763 : f32 to vector<16xf32>
      %swap3A_765 = arith.constant 3 : i32
      %swap3A_766 = arith.index_cast %swap3A_765 : i32 to index
      %swap3A_767 = arith.constant 80 : index
      %swap3A_768 = tpu.vector_load %arg15[%swap3A_766, %swap3A_767] {strides = array<i32>} : memref<8x128xf32, #tpu.memory_space<vmem>>, vector<1x16xf32>,
      %swap3A_769 = vector.shape_cast %swap3A_768 : vector<1x16xf32> to vector<16xf32>
      %swap3A_770 = vector.shape_cast %broadcast_in_dim3A_764 : vector<16xf32> to vector<1x16xf32>
      tpu.vector_store %arg15[%swap3A_766, %swap3A_767], %swap3A_770 {strides = array<i32>} : memref<8x128xf32, #tpu.memory_space<vmem>>, vector<1x16xf32>,
      %broadcast_in_dim3A_771 = arith.constant 0.000000e+00 : f32
      %broadcast_in_dim3A_772 = vector.broadcast %broadcast_in_dim3A_771 : f32 to vector<16xf32>
      %swap3A_773 = arith.constant 3 : i32
      %swap3A_774 = arith.index_cast %swap3A_773 : i32 to index
      %swap3A_775 = arith.constant 96 : index
      %swap3A_776 = tpu.vector_load %arg15[%swap3A_774, %swap3A_775] {strides = array<i32>} : memref<8x128xf32, #tpu.memory_space<vmem>>, vector<1x16xf32>,
      %swap3A_777 = vector.shape_cast %swap3A_776 : vector<1x16xf32> to vector<16xf32>
      %swap3A_778 = vector.shape_cast %broadcast_in_dim3A_772 : vector<16xf32> to vector<1x16xf32>
      tpu.vector_store %arg15[%swap3A_774, %swap3A_775], %swap3A_778 {strides = array<i32>} : memref<8x128xf32, #tpu.memory_space<vmem>>, vector<1x16xf32>,
      %broadcast_in_dim3A_779 = arith.constant 0.000000e+00 : f32
      %broadcast_in_dim3A_780 = vector.broadcast %broadcast_in_dim3A_779 : f32 to vector<16xf32>
      %swap3A_781 = arith.constant 3 : i32
      %swap3A_782 = arith.index_cast %swap3A_781 : i32 to index
      %swap3A_783 = arith.constant 112 : index
      %swap3A_784 = tpu.vector_load %arg15[%swap3A_782, %swap3A_783] {strides = array<i32>} : memref<8x128xf32, #tpu.memory_space<vmem>>, vector<1x16xf32>,
      %swap3A_785 = vector.shape_cast %swap3A_784 : vector<1x16xf32> to vector<16xf32>
      %swap3A_786 = vector.shape_cast %broadcast_in_dim3A_780 : vector<16xf32> to vector<1x16xf32>
      tpu.vector_store %arg15[%swap3A_782, %swap3A_783], %swap3A_786 {strides = array<i32>} : memref<8x128xf32, #tpu.memory_space<vmem>>, vector<1x16xf32>,
      %broadcast_in_dim3A_787 = arith.constant 0.000000e+00 : f32
      %broadcast_in_dim3A_788 = vector.broadcast %broadcast_in_dim3A_787 : f32 to vector<16xf32>
      %swap3A_789 = arith.constant 4 : i32
      %swap3A_790 = arith.index_cast %swap3A_789 : i32 to index
      %swap3A_791 = arith.constant 0 : index
      %swap3A_792 = tpu.vector_load %arg15[%swap3A_790, %swap3A_791] {strides = array<i32>} : memref<8x128xf32, #tpu.memory_space<vmem>>, vector<1x16xf32>,
      %swap3A_793 = vector.shape_cast %swap3A_792 : vector<1x16xf32> to vector<16xf32>
      %swap3A_794 = vector.shape_cast %broadcast_in_dim3A_788 : vector<16xf32> to vector<1x16xf32>
      tpu.vector_store %arg15[%swap3A_790, %swap3A_791], %swap3A_794 {strides = array<i32>} : memref<8x128xf32, #tpu.memory_space<vmem>>, vector<1x16xf32>,
      %broadcast_in_dim3A_795 = arith.constant 0.000000e+00 : f32
      %broadcast_in_dim3A_796 = vector.broadcast %broadcast_in_dim3A_795 : f32 to vector<16xf32>
      %swap3A_797 = arith.constant 4 : i32
      %swap3A_798 = arith.index_cast %swap3A_797 : i32 to index
      %swap3A_799 = arith.constant 16 : index
      %swap3A_800 = tpu.vector_load %arg15[%swap3A_798, %swap3A_799] {strides = array<i32>} : memref<8x128xf32, #tpu.memory_space<vmem>>, vector<1x16xf32>,
      %swap3A_801 = vector.shape_cast %swap3A_800 : vector<1x16xf32> to vector<16xf32>
      %swap3A_802 = vector.shape_cast %broadcast_in_dim3A_796 : vector<16xf32> to vector<1x16xf32>
      tpu.vector_store %arg15[%swap3A_798, %swap3A_799], %swap3A_802 {strides = array<i32>} : memref<8x128xf32, #tpu.memory_space<vmem>>, vector<1x16xf32>,
      %broadcast_in_dim3A_803 = arith.constant 0.000000e+00 : f32
      %broadcast_in_dim3A_804 = vector.broadcast %broadcast_in_dim3A_803 : f32 to vector<16xf32>
      %swap3A_805 = arith.constant 4 : i32
      %swap3A_806 = arith.index_cast %swap3A_805 : i32 to index
      %swap3A_807 = arith.constant 32 : index
      %swap3A_808 = tpu.vector_load %arg15[%swap3A_806, %swap3A_807] {strides = array<i32>} : memref<8x128xf32, #tpu.memory_space<vmem>>, vector<1x16xf32>,
      %swap3A_809 = vector.shape_cast %swap3A_808 : vector<1x16xf32> to vector<16xf32>
      %swap3A_810 = vector.shape_cast %broadcast_in_dim3A_804 : vector<16xf32> to vector<1x16xf32>
      tpu.vector_store %arg15[%swap3A_806, %swap3A_807], %swap3A_810 {strides = array<i32>} : memref<8x128xf32, #tpu.memory_space<vmem>>, vector<1x16xf32>,
      %broadcast_in_dim3A_811 = arith.constant 0.000000e+00 : f32
      %broadcast_in_dim3A_812 = vector.broadcast %broadcast_in_dim3A_811 : f32 to vector<16xf32>
      %swap3A_813 = arith.constant 4 : i32
      %swap3A_814 = arith.index_cast %swap3A_813 : i32 to index
      %swap3A_815 = arith.constant 48 : index
      %swap3A_816 = tpu.vector_load %arg15[%swap3A_814, %swap3A_815] {strides = array<i32>} : memref<8x128xf32, #tpu.memory_space<vmem>>, vector<1x16xf32>,
      %swap3A_817 = vector.shape_cast %swap3A_816 : vector<1x16xf32> to vector<16xf32>
      %swap3A_818 = vector.shape_cast %broadcast_in_dim3A_812 : vector<16xf32> to vector<1x16xf32>
      tpu.vector_store %arg15[%swap3A_814, %swap3A_815], %swap3A_818 {strides = array<i32>} : memref<8x128xf32, #tpu.memory_space<vmem>>, vector<1x16xf32>,
      %broadcast_in_dim3A_819 = arith.constant 0.000000e+00 : f32
      %broadcast_in_dim3A_820 = vector.broadcast %broadcast_in_dim3A_819 : f32 to vector<16xf32>
      %swap3A_821 = arith.constant 4 : i32
      %swap3A_822 = arith.index_cast %swap3A_821 : i32 to index
      %swap3A_823 = arith.constant 64 : index
      %swap3A_824 = tpu.vector_load %arg15[%swap3A_822, %swap3A_823] {strides = array<i32>} : memref<8x128xf32, #tpu.memory_space<vmem>>, vector<1x16xf32>,
      %swap3A_825 = vector.shape_cast %swap3A_824 : vector<1x16xf32> to vector<16xf32>
      %swap3A_826 = vector.shape_cast %broadcast_in_dim3A_820 : vector<16xf32> to vector<1x16xf32>
      tpu.vector_store %arg15[%swap3A_822, %swap3A_823], %swap3A_826 {strides = array<i32>} : memref<8x128xf32, #tpu.memory_space<vmem>>, vector<1x16xf32>,
      %broadcast_in_dim3A_827 = arith.constant 0.000000e+00 : f32
      %broadcast_in_dim3A_828 = vector.broadcast %broadcast_in_dim3A_827 : f32 to vector<16xf32>
      %swap3A_829 = arith.constant 4 : i32
      %swap3A_830 = arith.index_cast %swap3A_829 : i32 to index
      %swap3A_831 = arith.constant 80 : index
      %swap3A_832 = tpu.vector_load %arg15[%swap3A_830, %swap3A_831] {strides = array<i32>} : memref<8x128xf32, #tpu.memory_space<vmem>>, vector<1x16xf32>,
      %swap3A_833 = vector.shape_cast %swap3A_832 : vector<1x16xf32> to vector<16xf32>
      %swap3A_834 = vector.shape_cast %broadcast_in_dim3A_828 : vector<16xf32> to vector<1x16xf32>
      tpu.vector_store %arg15[%swap3A_830, %swap3A_831], %swap3A_834 {strides = array<i32>} : memref<8x128xf32, #tpu.memory_space<vmem>>, vector<1x16xf32>,
      %broadcast_in_dim3A_835 = arith.constant 0.000000e+00 : f32
      %broadcast_in_dim3A_836 = vector.broadcast %broadcast_in_dim3A_835 : f32 to vector<16xf32>
      %swap3A_837 = arith.constant 4 : i32
      %swap3A_838 = arith.index_cast %swap3A_837 : i32 to index
      %swap3A_839 = arith.constant 96 : index
      %swap3A_840 = tpu.vector_load %arg15[%swap3A_838, %swap3A_839] {strides = array<i32>} : memref<8x128xf32, #tpu.memory_space<vmem>>, vector<1x16xf32>,
      %swap3A_841 = vector.shape_cast %swap3A_840 : vector<1x16xf32> to vector<16xf32>
      %swap3A_842 = vector.shape_cast %broadcast_in_dim3A_836 : vector<16xf32> to vector<1x16xf32>
      tpu.vector_store %arg15[%swap3A_838, %swap3A_839], %swap3A_842 {strides = array<i32>} : memref<8x128xf32, #tpu.memory_space<vmem>>, vector<1x16xf32>,
      %broadcast_in_dim3A_843 = arith.constant 0.000000e+00 : f32
      %broadcast_in_dim3A_844 = vector.broadcast %broadcast_in_dim3A_843 : f32 to vector<16xf32>
      %swap3A_845 = arith.constant 4 : i32
      %swap3A_846 = arith.index_cast %swap3A_845 : i32 to index
      %swap3A_847 = arith.constant 112 : index
      %swap3A_848 = tpu.vector_load %arg15[%swap3A_846, %swap3A_847] {strides = array<i32>} : memref<8x128xf32, #tpu.memory_space<vmem>>, vector<1x16xf32>,
      %swap3A_849 = vector.shape_cast %swap3A_848 : vector<1x16xf32> to vector<16xf32>
      %swap3A_850 = vector.shape_cast %broadcast_in_dim3A_844 : vector<16xf32> to vector<1x16xf32>
      tpu.vector_store %arg15[%swap3A_846, %swap3A_847], %swap3A_850 {strides = array<i32>} : memref<8x128xf32, #tpu.memory_space<vmem>>, vector<1x16xf32>,
      %broadcast_in_dim3A_851 = arith.constant 0.000000e+00 : f32
      %broadcast_in_dim3A_852 = vector.broadcast %broadcast_in_dim3A_851 : f32 to vector<16xf32>
      %swap3A_853 = arith.constant 5 : i32
      %swap3A_854 = arith.index_cast %swap3A_853 : i32 to index
      %swap3A_855 = arith.constant 0 : index
      %swap3A_856 = tpu.vector_load %arg15[%swap3A_854, %swap3A_855] {strides = array<i32>} : memref<8x128xf32, #tpu.memory_space<vmem>>, vector<1x16xf32>,
      %swap3A_857 = vector.shape_cast %swap3A_856 : vector<1x16xf32> to vector<16xf32>
      %swap3A_858 = vector.shape_cast %broadcast_in_dim3A_852 : vector<16xf32> to vector<1x16xf32>
      tpu.vector_store %arg15[%swap3A_854, %swap3A_855], %swap3A_858 {strides = array<i32>} : memref<8x128xf32, #tpu.memory_space<vmem>>, vector<1x16xf32>,
      %broadcast_in_dim3A_859 = arith.constant 0.000000e+00 : f32
      %broadcast_in_dim3A_860 = vector.broadcast %broadcast_in_dim3A_859 : f32 to vector<16xf32>
      %swap3A_861 = arith.constant 5 : i32
      %swap3A_862 = arith.index_cast %swap3A_861 : i32 to index
      %swap3A_863 = arith.constant 16 : index
      %swap3A_864 = tpu.vector_load %arg15[%swap3A_862, %swap3A_863] {strides = array<i32>} : memref<8x128xf32, #tpu.memory_space<vmem>>, vector<1x16xf32>,
      %swap3A_865 = vector.shape_cast %swap3A_864 : vector<1x16xf32> to vector<16xf32>
      %swap3A_866 = vector.shape_cast %broadcast_in_dim3A_860 : vector<16xf32> to vector<1x16xf32>
      tpu.vector_store %arg15[%swap3A_862, %swap3A_863], %swap3A_866 {strides = array<i32>} : memref<8x128xf32, #tpu.memory_space<vmem>>, vector<1x16xf32>,
      %broadcast_in_dim3A_867 = arith.constant 0.000000e+00 : f32
      %broadcast_in_dim3A_868 = vector.broadcast %broadcast_in_dim3A_867 : f32 to vector<16xf32>
      %swap3A_869 = arith.constant 5 : i32
      %swap3A_870 = arith.index_cast %swap3A_869 : i32 to index
      %swap3A_871 = arith.constant 32 : index
      %swap3A_872 = tpu.vector_load %arg15[%swap3A_870, %swap3A_871] {strides = array<i32>} : memref<8x128xf32, #tpu.memory_space<vmem>>, vector<1x16xf32>,
      %swap3A_873 = vector.shape_cast %swap3A_872 : vector<1x16xf32> to vector<16xf32>
      %swap3A_874 = vector.shape_cast %broadcast_in_dim3A_868 : vector<16xf32> to vector<1x16xf32>
      tpu.vector_store %arg15[%swap3A_870, %swap3A_871], %swap3A_874 {strides = array<i32>} : memref<8x128xf32, #tpu.memory_space<vmem>>, vector<1x16xf32>,
      %broadcast_in_dim3A_875 = arith.constant 0.000000e+00 : f32
      %broadcast_in_dim3A_876 = vector.broadcast %broadcast_in_dim3A_875 : f32 to vector<16xf32>
      %swap3A_877 = arith.constant 5 : i32
      %swap3A_878 = arith.index_cast %swap3A_877 : i32 to index
      %swap3A_879 = arith.constant 48 : index
      %swap3A_880 = tpu.vector_load %arg15[%swap3A_878, %swap3A_879] {strides = array<i32>} : memref<8x128xf32, #tpu.memory_space<vmem>>, vector<1x16xf32>,
      %swap3A_881 = vector.shape_cast %swap3A_880 : vector<1x16xf32> to vector<16xf32>
      %swap3A_882 = vector.shape_cast %broadcast_in_dim3A_876 : vector<16xf32> to vector<1x16xf32>
      tpu.vector_store %arg15[%swap3A_878, %swap3A_879], %swap3A_882 {strides = array<i32>} : memref<8x128xf32, #tpu.memory_space<vmem>>, vector<1x16xf32>,
      %broadcast_in_dim3A_883 = arith.constant 0.000000e+00 : f32
      %broadcast_in_dim3A_884 = vector.broadcast %broadcast_in_dim3A_883 : f32 to vector<16xf32>
      %swap3A_885 = arith.constant 5 : i32
      %swap3A_886 = arith.index_cast %swap3A_885 : i32 to index
      %swap3A_887 = arith.constant 64 : index
      %swap3A_888 = tpu.vector_load %arg15[%swap3A_886, %swap3A_887] {strides = array<i32>} : memref<8x128xf32, #tpu.memory_space<vmem>>, vector<1x16xf32>,
      %swap3A_889 = vector.shape_cast %swap3A_888 : vector<1x16xf32> to vector<16xf32>
      %swap3A_890 = vector.shape_cast %broadcast_in_dim3A_884 : vector<16xf32> to vector<1x16xf32>
      tpu.vector_store %arg15[%swap3A_886, %swap3A_887], %swap3A_890 {strides = array<i32>} : memref<8x128xf32, #tpu.memory_space<vmem>>, vector<1x16xf32>,
      %broadcast_in_dim3A_891 = arith.constant 0.000000e+00 : f32
      %broadcast_in_dim3A_892 = vector.broadcast %broadcast_in_dim3A_891 : f32 to vector<16xf32>
      %swap3A_893 = arith.constant 5 : i32
      %swap3A_894 = arith.index_cast %swap3A_893 : i32 to index
      %swap3A_895 = arith.constant 80 : index
      %swap3A_896 = tpu.vector_load %arg15[%swap3A_894, %swap3A_895] {strides = array<i32>} : memref<8x128xf32, #tpu.memory_space<vmem>>, vector<1x16xf32>,
      %swap3A_897 = vector.shape_cast %swap3A_896 : vector<1x16xf32> to vector<16xf32>
      %swap3A_898 = vector.shape_cast %broadcast_in_dim3A_892 : vector<16xf32> to vector<1x16xf32>
      tpu.vector_store %arg15[%swap3A_894, %swap3A_895], %swap3A_898 {strides = array<i32>} : memref<8x128xf32, #tpu.memory_space<vmem>>, vector<1x16xf32>,
      %broadcast_in_dim3A_899 = arith.constant 0.000000e+00 : f32
      %broadcast_in_dim3A_900 = vector.broadcast %broadcast_in_dim3A_899 : f32 to vector<16xf32>
      %swap3A_901 = arith.constant 5 : i32
      %swap3A_902 = arith.index_cast %swap3A_901 : i32 to index
      %swap3A_903 = arith.constant 96 : index
      %swap3A_904 = tpu.vector_load %arg15[%swap3A_902, %swap3A_903] {strides = array<i32>} : memref<8x128xf32, #tpu.memory_space<vmem>>, vector<1x16xf32>,
      %swap3A_905 = vector.shape_cast %swap3A_904 : vector<1x16xf32> to vector<16xf32>
      %swap3A_906 = vector.shape_cast %broadcast_in_dim3A_900 : vector<16xf32> to vector<1x16xf32>
      tpu.vector_store %arg15[%swap3A_902, %swap3A_903], %swap3A_906 {strides = array<i32>} : memref<8x128xf32, #tpu.memory_space<vmem>>, vector<1x16xf32>,
      %broadcast_in_dim3A_907 = arith.constant 0.000000e+00 : f32
      %broadcast_in_dim3A_908 = vector.broadcast %broadcast_in_dim3A_907 : f32 to vector<16xf32>
      %swap3A_909 = arith.constant 5 : i32
      %swap3A_910 = arith.index_cast %swap3A_909 : i32 to index
      %swap3A_911 = arith.constant 112 : index
      %swap3A_912 = tpu.vector_load %arg15[%swap3A_910, %swap3A_911] {strides = array<i32>} : memref<8x128xf32, #tpu.memory_space<vmem>>, vector<1x16xf32>,
      %swap3A_913 = vector.shape_cast %swap3A_912 : vector<1x16xf32> to vector<16xf32>
      %swap3A_914 = vector.shape_cast %broadcast_in_dim3A_908 : vector<16xf32> to vector<1x16xf32>
      tpu.vector_store %arg15[%swap3A_910, %swap3A_911], %swap3A_914 {strides = array<i32>} : memref<8x128xf32, #tpu.memory_space<vmem>>, vector<1x16xf32>,
      %broadcast_in_dim3A_915 = arith.constant 0.000000e+00 : f32
      %broadcast_in_dim3A_916 = vector.broadcast %broadcast_in_dim3A_915 : f32 to vector<16xf32>
      %swap3A_917 = arith.constant 6 : i32
      %swap3A_918 = arith.index_cast %swap3A_917 : i32 to index
      %swap3A_919 = arith.constant 0 : index
      %swap3A_920 = tpu.vector_load %arg15[%swap3A_918, %swap3A_919] {strides = array<i32>} : memref<8x128xf32, #tpu.memory_space<vmem>>, vector<1x16xf32>,
      %swap3A_921 = vector.shape_cast %swap3A_920 : vector<1x16xf32> to vector<16xf32>
      %swap3A_922 = vector.shape_cast %broadcast_in_dim3A_916 : vector<16xf32> to vector<1x16xf32>
      tpu.vector_store %arg15[%swap3A_918, %swap3A_919], %swap3A_922 {strides = array<i32>} : memref<8x128xf32, #tpu.memory_space<vmem>>, vector<1x16xf32>,
      %broadcast_in_dim3A_923 = arith.constant 0.000000e+00 : f32
      %broadcast_in_dim3A_924 = vector.broadcast %broadcast_in_dim3A_923 : f32 to vector<16xf32>
      %swap3A_925 = arith.constant 6 : i32
      %swap3A_926 = arith.index_cast %swap3A_925 : i32 to index
      %swap3A_927 = arith.constant 16 : index
      %swap3A_928 = tpu.vector_load %arg15[%swap3A_926, %swap3A_927] {strides = array<i32>} : memref<8x128xf32, #tpu.memory_space<vmem>>, vector<1x16xf32>,
      %swap3A_929 = vector.shape_cast %swap3A_928 : vector<1x16xf32> to vector<16xf32>
      %swap3A_930 = vector.shape_cast %broadcast_in_dim3A_924 : vector<16xf32> to vector<1x16xf32>
      tpu.vector_store %arg15[%swap3A_926, %swap3A_927], %swap3A_930 {strides = array<i32>} : memref<8x128xf32, #tpu.memory_space<vmem>>, vector<1x16xf32>,
      %broadcast_in_dim3A_931 = arith.constant 0.000000e+00 : f32
      %broadcast_in_dim3A_932 = vector.broadcast %broadcast_in_dim3A_931 : f32 to vector<16xf32>
      %swap3A_933 = arith.constant 6 : i32
      %swap3A_934 = arith.index_cast %swap3A_933 : i32 to index
      %swap3A_935 = arith.constant 32 : index
      %swap3A_936 = tpu.vector_load %arg15[%swap3A_934, %swap3A_935] {strides = array<i32>} : memref<8x128xf32, #tpu.memory_space<vmem>>, vector<1x16xf32>,
      %swap3A_937 = vector.shape_cast %swap3A_936 : vector<1x16xf32> to vector<16xf32>
      %swap3A_938 = vector.shape_cast %broadcast_in_dim3A_932 : vector<16xf32> to vector<1x16xf32>
      tpu.vector_store %arg15[%swap3A_934, %swap3A_935], %swap3A_938 {strides = array<i32>} : memref<8x128xf32, #tpu.memory_space<vmem>>, vector<1x16xf32>,
      %broadcast_in_dim3A_939 = arith.constant 0.000000e+00 : f32
      %broadcast_in_dim3A_940 = vector.broadcast %broadcast_in_dim3A_939 : f32 to vector<16xf32>
      %swap3A_941 = arith.constant 6 : i32
      %swap3A_942 = arith.index_cast %swap3A_941 : i32 to index
      %swap3A_943 = arith.constant 48 : index
      %swap3A_944 = tpu.vector_load %arg15[%swap3A_942, %swap3A_943] {strides = array<i32>} : memref<8x128xf32, #tpu.memory_space<vmem>>, vector<1x16xf32>,
      %swap3A_945 = vector.shape_cast %swap3A_944 : vector<1x16xf32> to vector<16xf32>
      %swap3A_946 = vector.shape_cast %broadcast_in_dim3A_940 : vector<16xf32> to vector<1x16xf32>
      tpu.vector_store %arg15[%swap3A_942, %swap3A_943], %swap3A_946 {strides = array<i32>} : memref<8x128xf32, #tpu.memory_space<vmem>>, vector<1x16xf32>,
      %broadcast_in_dim3A_947 = arith.constant 0.000000e+00 : f32
      %broadcast_in_dim3A_948 = vector.broadcast %broadcast_in_dim3A_947 : f32 to vector<16xf32>
      %swap3A_949 = arith.constant 6 : i32
      %swap3A_950 = arith.index_cast %swap3A_949 : i32 to index
      %swap3A_951 = arith.constant 64 : index
      %swap3A_952 = tpu.vector_load %arg15[%swap3A_950, %swap3A_951] {strides = array<i32>} : memref<8x128xf32, #tpu.memory_space<vmem>>, vector<1x16xf32>,
      %swap3A_953 = vector.shape_cast %swap3A_952 : vector<1x16xf32> to vector<16xf32>
      %swap3A_954 = vector.shape_cast %broadcast_in_dim3A_948 : vector<16xf32> to vector<1x16xf32>
      tpu.vector_store %arg15[%swap3A_950, %swap3A_951], %swap3A_954 {strides = array<i32>} : memref<8x128xf32, #tpu.memory_space<vmem>>, vector<1x16xf32>,
      %broadcast_in_dim3A_955 = arith.constant 0.000000e+00 : f32
      %broadcast_in_dim3A_956 = vector.broadcast %broadcast_in_dim3A_955 : f32 to vector<16xf32>
      %swap3A_957 = arith.constant 6 : i32
      %swap3A_958 = arith.index_cast %swap3A_957 : i32 to index
      %swap3A_959 = arith.constant 80 : index
      %swap3A_960 = tpu.vector_load %arg15[%swap3A_958, %swap3A_959] {strides = array<i32>} : memref<8x128xf32, #tpu.memory_space<vmem>>, vector<1x16xf32>,
      %swap3A_961 = vector.shape_cast %swap3A_960 : vector<1x16xf32> to vector<16xf32>
      %swap3A_962 = vector.shape_cast %broadcast_in_dim3A_956 : vector<16xf32> to vector<1x16xf32>
      tpu.vector_store %arg15[%swap3A_958, %swap3A_959], %swap3A_962 {strides = array<i32>} : memref<8x128xf32, #tpu.memory_space<vmem>>, vector<1x16xf32>,
      %broadcast_in_dim3A_963 = arith.constant 0.000000e+00 : f32
      %broadcast_in_dim3A_964 = vector.broadcast %broadcast_in_dim3A_963 : f32 to vector<16xf32>
      %swap3A_965 = arith.constant 6 : i32
      %swap3A_966 = arith.index_cast %swap3A_965 : i32 to index
      %swap3A_967 = arith.constant 96 : index
      %swap3A_968 = tpu.vector_load %arg15[%swap3A_966, %swap3A_967] {strides = array<i32>} : memref<8x128xf32, #tpu.memory_space<vmem>>, vector<1x16xf32>,
      %swap3A_969 = vector.shape_cast %swap3A_968 : vector<1x16xf32> to vector<16xf32>
      %swap3A_970 = vector.shape_cast %broadcast_in_dim3A_964 : vector<16xf32> to vector<1x16xf32>
      tpu.vector_store %arg15[%swap3A_966, %swap3A_967], %swap3A_970 {strides = array<i32>} : memref<8x128xf32, #tpu.memory_space<vmem>>, vector<1x16xf32>,
      %broadcast_in_dim3A_971 = arith.constant 0.000000e+00 : f32
      %broadcast_in_dim3A_972 = vector.broadcast %broadcast_in_dim3A_971 : f32 to vector<16xf32>
      %swap3A_973 = arith.constant 6 : i32
      %swap3A_974 = arith.index_cast %swap3A_973 : i32 to index
      %swap3A_975 = arith.constant 112 : index
      %swap3A_976 = tpu.vector_load %arg15[%swap3A_974, %swap3A_975] {strides = array<i32>} : memref<8x128xf32, #tpu.memory_space<vmem>>, vector<1x16xf32>,
      %swap3A_977 = vector.shape_cast %swap3A_976 : vector<1x16xf32> to vector<16xf32>
      %swap3A_978 = vector.shape_cast %broadcast_in_dim3A_972 : vector<16xf32> to vector<1x16xf32>
      tpu.vector_store %arg15[%swap3A_974, %swap3A_975], %swap3A_978 {strides = array<i32>} : memref<8x128xf32, #tpu.memory_space<vmem>>, vector<1x16xf32>,
      %broadcast_in_dim3A_979 = arith.constant 0.000000e+00 : f32
      %broadcast_in_dim3A_980 = vector.broadcast %broadcast_in_dim3A_979 : f32 to vector<16xf32>
      %swap3A_981 = arith.constant 7 : i32
      %swap3A_982 = arith.index_cast %swap3A_981 : i32 to index
      %swap3A_983 = arith.constant 0 : index
      %swap3A_984 = tpu.vector_load %arg15[%swap3A_982, %swap3A_983] {strides = array<i32>} : memref<8x128xf32, #tpu.memory_space<vmem>>, vector<1x16xf32>,
      %swap3A_985 = vector.shape_cast %swap3A_984 : vector<1x16xf32> to vector<16xf32>
      %swap3A_986 = vector.shape_cast %broadcast_in_dim3A_980 : vector<16xf32> to vector<1x16xf32>
      tpu.vector_store %arg15[%swap3A_982, %swap3A_983], %swap3A_986 {strides = array<i32>} : memref<8x128xf32, #tpu.memory_space<vmem>>, vector<1x16xf32>,
      %broadcast_in_dim3A_987 = arith.constant 0.000000e+00 : f32
      %broadcast_in_dim3A_988 = vector.broadcast %broadcast_in_dim3A_987 : f32 to vector<16xf32>
      %swap3A_989 = arith.constant 7 : i32
      %swap3A_990 = arith.index_cast %swap3A_989 : i32 to index
      %swap3A_991 = arith.constant 16 : index
      %swap3A_992 = tpu.vector_load %arg15[%swap3A_990, %swap3A_991] {strides = array<i32>} : memref<8x128xf32, #tpu.memory_space<vmem>>, vector<1x16xf32>,
      %swap3A_993 = vector.shape_cast %swap3A_992 : vector<1x16xf32> to vector<16xf32>
      %swap3A_994 = vector.shape_cast %broadcast_in_dim3A_988 : vector<16xf32> to vector<1x16xf32>
      tpu.vector_store %arg15[%swap3A_990, %swap3A_991], %swap3A_994 {strides = array<i32>} : memref<8x128xf32, #tpu.memory_space<vmem>>, vector<1x16xf32>,
      %broadcast_in_dim3A_995 = arith.constant 0.000000e+00 : f32
      %broadcast_in_dim3A_996 = vector.broadcast %broadcast_in_dim3A_995 : f32 to vector<16xf32>
      %swap3A_997 = arith.constant 7 : i32
      %swap3A_998 = arith.index_cast %swap3A_997 : i32 to index
      %swap3A_999 = arith.constant 32 : index
      %swap3A_1000 = tpu.vector_load %arg15[%swap3A_998, %swap3A_999] {strides = array<i32>} : memref<8x128xf32, #tpu.memory_space<vmem>>, vector<1x16xf32>,
      %swap3A_1001 = vector.shape_cast %swap3A_1000 : vector<1x16xf32> to vector<16xf32>
      %swap3A_1002 = vector.shape_cast %broadcast_in_dim3A_996 : vector<16xf32> to vector<1x16xf32>
      tpu.vector_store %arg15[%swap3A_998, %swap3A_999], %swap3A_1002 {strides = array<i32>} : memref<8x128xf32, #tpu.memory_space<vmem>>, vector<1x16xf32>,
      %broadcast_in_dim3A_1003 = arith.constant 0.000000e+00 : f32
      %broadcast_in_dim3A_1004 = vector.broadcast %broadcast_in_dim3A_1003 : f32 to vector<16xf32>
      %swap3A_1005 = arith.constant 7 : i32
      %swap3A_1006 = arith.index_cast %swap3A_1005 : i32 to index
      %swap3A_1007 = arith.constant 48 : index
      %swap3A_1008 = tpu.vector_load %arg15[%swap3A_1006, %swap3A_1007] {strides = array<i32>} : memref<8x128xf32, #tpu.memory_space<vmem>>, vector<1x16xf32>,
      %swap3A_1009 = vector.shape_cast %swap3A_1008 : vector<1x16xf32> to vector<16xf32>
      %swap3A_1010 = vector.shape_cast %broadcast_in_dim3A_1004 : vector<16xf32> to vector<1x16xf32>
      tpu.vector_store %arg15[%swap3A_1006, %swap3A_1007], %swap3A_1010 {strides = array<i32>} : memref<8x128xf32, #tpu.memory_space<vmem>>, vector<1x16xf32>,
      %broadcast_in_dim3A_1011 = arith.constant 0.000000e+00 : f32
      %broadcast_in_dim3A_1012 = vector.broadcast %broadcast_in_dim3A_1011 : f32 to vector<16xf32>
      %swap3A_1013 = arith.constant 7 : i32
      %swap3A_1014 = arith.index_cast %swap3A_1013 : i32 to index
      %swap3A_1015 = arith.constant 64 : index
      %swap3A_1016 = tpu.vector_load %arg15[%swap3A_1014, %swap3A_1015] {strides = array<i32>} : memref<8x128xf32, #tpu.memory_space<vmem>>, vector<1x16xf32>,
      %swap3A_1017 = vector.shape_cast %swap3A_1016 : vector<1x16xf32> to vector<16xf32>
      %swap3A_1018 = vector.shape_cast %broadcast_in_dim3A_1012 : vector<16xf32> to vector<1x16xf32>
      tpu.vector_store %arg15[%swap3A_1014, %swap3A_1015], %swap3A_1018 {strides = array<i32>} : memref<8x128xf32, #tpu.memory_space<vmem>>, vector<1x16xf32>,
      %broadcast_in_dim3A_1019 = arith.constant 0.000000e+00 : f32
      %broadcast_in_dim3A_1020 = vector.broadcast %broadcast_in_dim3A_1019 : f32 to vector<16xf32>
      %swap3A_1021 = arith.constant 7 : i32
      %swap3A_1022 = arith.index_cast %swap3A_1021 : i32 to index
      %swap3A_1023 = arith.constant 80 : index
      %swap3A_1024 = tpu.vector_load %arg15[%swap3A_1022, %swap3A_1023] {strides = array<i32>} : memref<8x128xf32, #tpu.memory_space<vmem>>, vector<1x16xf32>,
      %swap3A_1025 = vector.shape_cast %swap3A_1024 : vector<1x16xf32> to vector<16xf32>
      %swap3A_1026 = vector.shape_cast %broadcast_in_dim3A_1020 : vector<16xf32> to vector<1x16xf32>
      tpu.vector_store %arg15[%swap3A_1022, %swap3A_1023], %swap3A_1026 {strides = array<i32>} : memref<8x128xf32, #tpu.memory_space<vmem>>, vector<1x16xf32>,
      %broadcast_in_dim3A_1027 = arith.constant 0.000000e+00 : f32
      %broadcast_in_dim3A_1028 = vector.broadcast %broadcast_in_dim3A_1027 : f32 to vector<16xf32>
      %swap3A_1029 = arith.constant 7 : i32
      %swap3A_1030 = arith.index_cast %swap3A_1029 : i32 to index
      %swap3A_1031 = arith.constant 96 : index
      %swap3A_1032 = tpu.vector_load %arg15[%swap3A_1030, %swap3A_1031] {strides = array<i32>} : memref<8x128xf32, #tpu.memory_space<vmem>>, vector<1x16xf32>,
      %swap3A_1033 = vector.shape_cast %swap3A_1032 : vector<1x16xf32> to vector<16xf32>
      %swap3A_1034 = vector.shape_cast %broadcast_in_dim3A_1028 : vector<16xf32> to vector<1x16xf32>
      tpu.vector_store %arg15[%swap3A_1030, %swap3A_1031], %swap3A_1034 {strides = array<i32>} : memref<8x128xf32, #tpu.memory_space<vmem>>, vector<1x16xf32>,
      %broadcast_in_dim3A_1035 = arith.constant 0.000000e+00 : f32
      %broadcast_in_dim3A_1036 = vector.broadcast %broadcast_in_dim3A_1035 : f32 to vector<16xf32>
      %swap3A_1037 = arith.constant 7 : i32
      %swap3A_1038 = arith.index_cast %swap3A_1037 : i32 to index
      %swap3A_1039 = arith.constant 112 : index
      %swap3A_1040 = tpu.vector_load %arg15[%swap3A_1038, %swap3A_1039] {strides = array<i32>} : memref<8x128xf32, #tpu.memory_space<vmem>>, vector<1x16xf32>,
      %swap3A_1041 = vector.shape_cast %swap3A_1040 : vector<1x16xf32> to vector<16xf32>
      %swap3A_1042 = vector.shape_cast %broadcast_in_dim3A_1036 : vector<16xf32> to vector<1x16xf32>
      tpu.vector_store %arg15[%swap3A_1038, %swap3A_1039], %swap3A_1042 {strides = array<i32>} : memref<8x128xf32, #tpu.memory_space<vmem>>, vector<1x16xf32>,
      "tpu.region"() ({
        %run_scoped3A_1043 = tpu.sem_alloc : memref<!tpu.dma_semaphore, #tpu.memory_space<semaphore_mem>>
        %dma_start3A_1044 = arith.constant 5120 : i32
        %dma_start3A_1045 = arith.constant 0 : i32
        %dma_start3A_1046 = tpu.memref_slice %arg9[%dma_start3A_1044, %dma_start3A_1045] : memref<5136x128xf32, #tpu.memory_space<vmem_shared>> -> memref<8x128xf32, #tpu.memory_space<vmem_shared>>
        %dma_start3A_1047 = arith.constant 5120 : i32
        %dma_start3A_1048 = arith.constant 0 : i32
        %dma_start3A_1049 = tpu.memref_slice %arg9[%dma_start3A_1047, %dma_start3A_1048] : memref<5136x128xf32, #tpu.memory_space<vmem_shared>> -> memref<8x128xf32, #tpu.memory_space<vmem_shared>>
        tpu.enqueue_dma source(%arg15 : memref<8x128xf32, #tpu.memory_space<vmem>>) target(%dma_start3A_1049 : memref<8x128xf32, #tpu.memory_space<vmem_shared>>) target_semaphore(%run_scoped3A_1043 : memref<!tpu.dma_semaphore, #tpu.memory_space<semaphore_mem>>)
        %dma_wait3A_1050 = arith.constant 5120 : i32
        %dma_wait3A_1051 = arith.constant 0 : i32
        %dma_wait3A_1052 = tpu.memref_slice %arg9[%dma_wait3A_1050, %dma_wait3A_1051] : memref<5136x128xf32, #tpu.memory_space<vmem_shared>> -> memref<8x128xf32, #tpu.memory_space<vmem_shared>>
        %dma_wait3A_1053 = arith.constant 5120 : i32
        %dma_wait3A_1054 = arith.constant 0 : i32
        %dma_wait3A_1055 = tpu.memref_slice %arg9[%dma_wait3A_1053, %dma_wait3A_1054] : memref<5136x128xf32, #tpu.memory_space<vmem_shared>> -> memref<8x128xf32, #tpu.memory_space<vmem_shared>>
        tpu.wait_dma2 semaphore(%run_scoped3A_1043 : memref<!tpu.dma_semaphore, #tpu.memory_space<semaphore_mem>>) src(%arg15 : memref<8x128xf32, #tpu.memory_space<vmem>>) dst(%dma_wait3A_1055 : memref<8x128xf32, #tpu.memory_space<vmem_shared>>)
        tpu.yield
      }) : () -> ()
    } else {
    }
    %barrier3A = arith.constant 0 : index
    tpu.barrier barrier_id(%barrier3A)
    %run_scoped3A_239 = arith.constant 0 : i32
    %run_scoped3A_240 = arith.constant 0 : i32
    "tpu.region"() ({
      %run_scoped3A_531 = tpu.sem_alloc : memref<!tpu.dma_semaphore, #tpu.memory_space<semaphore_mem>>
      %dma_start3A_532 = arith.constant 0 : i32
      %dma_start3A_533 = arith.constant 0 : i32
      %dma_start3A_534 = tpu.memref_slice %arg11[%run_scoped3A_239, %dma_start3A_532, %dma_start3A_533] : memref<2x80x128xf32, #tpu.memory_space<vmem>> -> memref<1x80x128xf32, #tpu.memory_space<vmem>>
      %dma_start3A_535 = tpu.memref_squeeze %dma_start3A_534 : memref<1x80x128xf32, #tpu.memory_space<vmem>> -> memref<80x128xf32, #tpu.memory_space<vmem>>
      %dma_start3A_536 = arith.constant 0 : i32
      %dma_start3A_537 = tpu.memref_slice %arg10[%run_scoped3A_240, %dma_start3A_536] : memref<2x80xi32, #tpu.memory_space<vmem>> -> memref<1x80xi32, #tpu.memory_space<vmem>>
      %dma_start3A_538 = tpu.memref_squeeze %dma_start3A_537 : memref<1x80xi32, #tpu.memory_space<vmem>> -> memref<80xi32, #tpu.memory_space<vmem>>
      %dma_start3A_539 = arith.constant 0 : i32
      %dma_start3A_540 = arith.constant 0 : i32
      %dma_start3A_541 = tpu.memref_slice %arg9[%dma_start3A_539, %dma_start3A_540] : memref<5136x128xf32, #tpu.memory_space<vmem_shared>> -> memref<5136x128xf32, #tpu.memory_space<vmem_shared>>
      tpu.enqueue_indirect_dma source(%dma_start3A_535 : memref<80x128xf32, #tpu.memory_space<vmem>>) target(%dma_start3A_541 : memref<5136x128xf32, #tpu.memory_space<vmem_shared>>) offsets(%dma_start3A_538 : memref<80xi32, #tpu.memory_space<vmem>>) semaphore(%run_scoped3A_531 : memref<!tpu.dma_semaphore, #tpu.memory_space<semaphore_mem>>) {add = true}
      %dma_wait3A_542 = arith.constant 0 : i32
      %dma_wait3A_543 = arith.constant 0 : i32
      %dma_wait3A_544 = tpu.memref_slice %arg11[%run_scoped3A_239, %dma_wait3A_542, %dma_wait3A_543] : memref<2x80x128xf32, #tpu.memory_space<vmem>> -> memref<1x80x128xf32, #tpu.memory_space<vmem>>
      %dma_wait3A_545 = tpu.memref_squeeze %dma_wait3A_544 : memref<1x80x128xf32, #tpu.memory_space<vmem>> -> memref<80x128xf32, #tpu.memory_space<vmem>>
      %dma_wait3A_546 = arith.constant 0 : i32
      %dma_wait3A_547 = tpu.memref_slice %arg10[%run_scoped3A_240, %dma_wait3A_546] : memref<2x80xi32, #tpu.memory_space<vmem>> -> memref<1x80xi32, #tpu.memory_space<vmem>>
      %dma_wait3A_548 = tpu.memref_squeeze %dma_wait3A_547 : memref<1x80xi32, #tpu.memory_space<vmem>> -> memref<80xi32, #tpu.memory_space<vmem>>
      %dma_wait3A_549 = arith.constant 0 : i32
      %dma_wait3A_550 = arith.constant 0 : i32
      %dma_wait3A_551 = tpu.memref_slice %arg9[%dma_wait3A_549, %dma_wait3A_550] : memref<5136x128xf32, #tpu.memory_space<vmem_shared>> -> memref<5136x128xf32, #tpu.memory_space<vmem_shared>>
      tpu.wait_indirect_dma semaphore(%run_scoped3A_531 : memref<!tpu.dma_semaphore, #tpu.memory_space<semaphore_mem>>) src(%dma_wait3A_545 : memref<80x128xf32, #tpu.memory_space<vmem>>) dst(%dma_wait3A_551 : memref<5136x128xf32, #tpu.memory_space<vmem_shared>>)
      tpu.yield
    }) : () -> ()
    %run_scoped3A_241 = arith.constant 1 : i32
    %run_scoped3A_242 = arith.constant 1 : i32
    "tpu.region"() ({
      %run_scoped3A_531 = tpu.sem_alloc : memref<!tpu.dma_semaphore, #tpu.memory_space<semaphore_mem>>
      %dma_start3A_532 = arith.constant 0 : i32
      %dma_start3A_533 = arith.constant 0 : i32
      %dma_start3A_534 = tpu.memref_slice %arg11[%run_scoped3A_241, %dma_start3A_532, %dma_start3A_533] : memref<2x80x128xf32, #tpu.memory_space<vmem>> -> memref<1x80x128xf32, #tpu.memory_space<vmem>>
      %dma_start3A_535 = tpu.memref_squeeze %dma_start3A_534 : memref<1x80x128xf32, #tpu.memory_space<vmem>> -> memref<80x128xf32, #tpu.memory_space<vmem>>
      %dma_start3A_536 = arith.constant 0 : i32
      %dma_start3A_537 = tpu.memref_slice %arg10[%run_scoped3A_242, %dma_start3A_536] : memref<2x80xi32, #tpu.memory_space<vmem>> -> memref<1x80xi32, #tpu.memory_space<vmem>>
      %dma_start3A_538 = tpu.memref_squeeze %dma_start3A_537 : memref<1x80xi32, #tpu.memory_space<vmem>> -> memref<80xi32, #tpu.memory_space<vmem>>
      %dma_start3A_539 = arith.constant 0 : i32
      %dma_start3A_540 = arith.constant 0 : i32
      %dma_start3A_541 = tpu.memref_slice %arg9[%dma_start3A_539, %dma_start3A_540] : memref<5136x128xf32, #tpu.memory_space<vmem_shared>> -> memref<5136x128xf32, #tpu.memory_space<vmem_shared>>
      tpu.enqueue_indirect_dma source(%dma_start3A_535 : memref<80x128xf32, #tpu.memory_space<vmem>>) target(%dma_start3A_541 : memref<5136x128xf32, #tpu.memory_space<vmem_shared>>) offsets(%dma_start3A_538 : memref<80xi32, #tpu.memory_space<vmem>>) semaphore(%run_scoped3A_531 : memref<!tpu.dma_semaphore, #tpu.memory_space<semaphore_mem>>) {add = true}
      %dma_wait3A_542 = arith.constant 0 : i32
      %dma_wait3A_543 = arith.constant 0 : i32
      %dma_wait3A_544 = tpu.memref_slice %arg11[%run_scoped3A_241, %dma_wait3A_542, %dma_wait3A_543] : memref<2x80x128xf32, #tpu.memory_space<vmem>> -> memref<1x80x128xf32, #tpu.memory_space<vmem>>
      %dma_wait3A_545 = tpu.memref_squeeze %dma_wait3A_544 : memref<1x80x128xf32, #tpu.memory_space<vmem>> -> memref<80x128xf32, #tpu.memory_space<vmem>>
      %dma_wait3A_546 = arith.constant 0 : i32
      %dma_wait3A_547 = tpu.memref_slice %arg10[%run_scoped3A_242, %dma_wait3A_546] : memref<2x80xi32, #tpu.memory_space<vmem>> -> memref<1x80xi32, #tpu.memory_space<vmem>>
      %dma_wait3A_548 = tpu.memref_squeeze %dma_wait3A_547 : memref<1x80xi32, #tpu.memory_space<vmem>> -> memref<80xi32, #tpu.memory_space<vmem>>
      %dma_wait3A_549 = arith.constant 0 : i32
      %dma_wait3A_550 = arith.constant 0 : i32
      %dma_wait3A_551 = tpu.memref_slice %arg9[%dma_wait3A_549, %dma_wait3A_550] : memref<5136x128xf32, #tpu.memory_space<vmem_shared>> -> memref<5136x128xf32, #tpu.memory_space<vmem_shared>>
      tpu.wait_indirect_dma semaphore(%run_scoped3A_531 : memref<!tpu.dma_semaphore, #tpu.memory_space<semaphore_mem>>) src(%dma_wait3A_545 : memref<80x128xf32, #tpu.memory_space<vmem>>) dst(%dma_wait3A_551 : memref<5136x128xf32, #tpu.memory_space<vmem_shared>>)
      tpu.yield
    }) : () -> ()
    %barrier3A_243 = arith.constant 0 : index
    tpu.barrier barrier_id(%barrier3A_243)
    %add3A_244 = arith.addi %mul3A_0, %mul3A_2 : i32
    %dma_start3A = arith.constant 0 : i32
    %dma_start3A_245 = tpu.memref_slice %arg6[%add3A_244, %dma_start3A] : memref<10240x128xf32, #tpu.memory_space<hbm>> -> memref<320x128xf32, #tpu.memory_space<hbm>>
    %dma_start3A_246 = arith.constant 0 : i32
    %dma_start3A_247 = tpu.memref_slice %arg9[%mul3A_2, %dma_start3A_246] : memref<5136x128xf32, #tpu.memory_space<vmem_shared>> -> memref<320x128xf32, #tpu.memory_space<vmem_shared>>
    tpu.enqueue_dma source(%dma_start3A_247 : memref<320x128xf32, #tpu.memory_space<vmem_shared>>) target(%dma_start3A_245 : memref<320x128xf32, #tpu.memory_space<hbm>>) target_semaphore(%arg12 : memref<!tpu.dma_semaphore, #tpu.memory_space<semaphore_mem>>)
    "tpu.region"() ({
      %run_scoped3A_531 = tpu.sem_alloc : memref<!tpu.dma_semaphore, #tpu.memory_space<semaphore_mem>>
      %dma_start3A_532 = arith.constant 0 : i32
      %dma_start3A_533 = arith.constant 0 : i32
      %dma_start3A_534 = tpu.memref_slice %arg5[%arg1, %dma_start3A_532, %dma_start3A_533] : memref<16x2x80xi32, #tpu.memory_space<hbm>> -> memref<1x2x80xi32, #tpu.memory_space<hbm>>
      %dma_start3A_535 = tpu.memref_squeeze %dma_start3A_534 : memref<1x2x80xi32, #tpu.memory_space<hbm>> -> memref<2x80xi32, #tpu.memory_space<hbm>>
      %dma_start3A_536 = arith.constant 0 : i32
      %dma_start3A_537 = arith.constant 0 : i32
      %dma_start3A_538 = tpu.memref_slice %arg5[%arg1, %dma_start3A_536, %dma_start3A_537] : memref<16x2x80xi32, #tpu.memory_space<hbm>> -> memref<1x2x80xi32, #tpu.memory_space<hbm>>
      %dma_start3A_539 = tpu.memref_squeeze %dma_start3A_538 : memref<1x2x80xi32, #tpu.memory_space<hbm>> -> memref<2x80xi32, #tpu.memory_space<hbm>>
      tpu.enqueue_dma source(%dma_start3A_539 : memref<2x80xi32, #tpu.memory_space<hbm>>) target(%arg13 : memref<2x80xi32, #tpu.memory_space<vmem>>) target_semaphore(%run_scoped3A_531 : memref<!tpu.dma_semaphore, #tpu.memory_space<semaphore_mem>>)
      %dma_wait3A_540 = arith.constant 0 : i32
      %dma_wait3A_541 = arith.constant 0 : i32
      %dma_wait3A_542 = tpu.memref_slice %arg5[%arg1, %dma_wait3A_540, %dma_wait3A_541] : memref<16x2x80xi32, #tpu.memory_space<hbm>> -> memref<1x2x80xi32, #tpu.memory_space<hbm>>
      %dma_wait3A_543 = tpu.memref_squeeze %dma_wait3A_542 : memref<1x2x80xi32, #tpu.memory_space<hbm>> -> memref<2x80xi32, #tpu.memory_space<hbm>>
      %dma_wait3A_544 = arith.constant 0 : i32
      %dma_wait3A_545 = arith.constant 0 : i32
      %dma_wait3A_546 = tpu.memref_slice %arg5[%arg1, %dma_wait3A_544, %dma_wait3A_545] : memref<16x2x80xi32, #tpu.memory_space<hbm>> -> memref<1x2x80xi32, #tpu.memory_space<hbm>>
      %dma_wait3A_547 = tpu.memref_squeeze %dma_wait3A_546 : memref<1x2x80xi32, #tpu.memory_space<hbm>> -> memref<2x80xi32, #tpu.memory_space<hbm>>
      tpu.wait_dma2 semaphore(%run_scoped3A_531 : memref<!tpu.dma_semaphore, #tpu.memory_space<semaphore_mem>>) src(%dma_wait3A_547 : memref<2x80xi32, #tpu.memory_space<hbm>>) dst(%arg13 : memref<2x80xi32, #tpu.memory_space<vmem>>)
      tpu.yield
    }) : () -> ()
    %get3A_248 = arith.constant 0 : i32
    %get3A_249 = arith.index_cast %get3A_248 : i32 to index
    %get3A_250 = arith.constant 0 : index
    %get3A_251 = tpu.vector_load %arg13[%get3A_249, %get3A_250] {strides = array<i32>} : memref<2x80xi32, #tpu.memory_space<vmem>>, vector<1x16xi32>,
    %get3A_252 = vector.shape_cast %get3A_251 : vector<1x16xi32> to vector<16xi32>
    %sub3A_253 = vector.broadcast %mul3A_0 : i32 to vector<16xi32>
    %sub3A_254 = arith.subi %get3A_252, %sub3A_253 : vector<16xi32>
    %ge3A_255 = arith.constant 0 : i32
    %ge3A_256 = vector.broadcast %ge3A_255 : i32 to vector<16xi32>
    %ge3A_257 = arith.cmpi sge, %sub3A_254, %ge3A_256 : vector<16xi32>
    %lt3A_258 = arith.constant 5120 : i32
    %lt3A_259 = vector.broadcast %lt3A_258 : i32 to vector<16xi32>
    %lt3A_260 = arith.cmpi slt, %sub3A_254, %lt3A_259 : vector<16xi32>
    %and3A_261 = arith.andi %ge3A_257, %lt3A_260 : vector<16xi1>
    %jit3A_262 = arith.constant 5120 : i32
    %broadcast_in_dim3A_263 = vector.broadcast %jit3A_262 : i32 to vector<16xi32>
    %select_n3A_264 = arith.select %and3A_261, %sub3A_254, %broadcast_in_dim3A_263 : vector<16xi1>, vector<16xi32>
    %swap3A_265 = arith.constant 0 : i32
    %swap3A_266 = arith.index_cast %swap3A_265 : i32 to index
    %swap3A_267 = arith.constant 0 : index
    %swap3A_268 = tpu.vector_load %arg13[%swap3A_266, %swap3A_267] {strides = array<i32>} : memref<2x80xi32, #tpu.memory_space<vmem>>, vector<1x16xi32>,
    %swap3A_269 = vector.shape_cast %swap3A_268 : vector<1x16xi32> to vector<16xi32>
    %swap3A_270 = vector.shape_cast %select_n3A_264 : vector<16xi32> to vector<1x16xi32>
    tpu.vector_store %arg13[%swap3A_266, %swap3A_267], %swap3A_270 {strides = array<i32>} : memref<2x80xi32, #tpu.memory_space<vmem>>, vector<1x16xi32>,
    %get3A_271 = arith.constant 0 : i32
    %get3A_272 = arith.index_cast %get3A_271 : i32 to index
    %get3A_273 = arith.constant 16 : index
    %get3A_274 = tpu.vector_load %arg13[%get3A_272, %get3A_273] {strides = array<i32>} : memref<2x80xi32, #tpu.memory_space<vmem>>, vector<1x16xi32>,
    %get3A_275 = vector.shape_cast %get3A_274 : vector<1x16xi32> to vector<16xi32>
    %sub3A_276 = vector.broadcast %mul3A_0 : i32 to vector<16xi32>
    %sub3A_277 = arith.subi %get3A_275, %sub3A_276 : vector<16xi32>
    %ge3A_278 = arith.constant 0 : i32
    %ge3A_279 = vector.broadcast %ge3A_278 : i32 to vector<16xi32>
    %ge3A_280 = arith.cmpi sge, %sub3A_277, %ge3A_279 : vector<16xi32>
    %lt3A_281 = arith.constant 5120 : i32
    %lt3A_282 = vector.broadcast %lt3A_281 : i32 to vector<16xi32>
    %lt3A_283 = arith.cmpi slt, %sub3A_277, %lt3A_282 : vector<16xi32>
    %and3A_284 = arith.andi %ge3A_280, %lt3A_283 : vector<16xi1>
    %jit3A_285 = arith.constant 5120 : i32
    %broadcast_in_dim3A_286 = vector.broadcast %jit3A_285 : i32 to vector<16xi32>
    %select_n3A_287 = arith.select %and3A_284, %sub3A_277, %broadcast_in_dim3A_286 : vector<16xi1>, vector<16xi32>
    %swap3A_288 = arith.constant 0 : i32
    %swap3A_289 = arith.index_cast %swap3A_288 : i32 to index
    %swap3A_290 = arith.constant 16 : index
    %swap3A_291 = tpu.vector_load %arg13[%swap3A_289, %swap3A_290] {strides = array<i32>} : memref<2x80xi32, #tpu.memory_space<vmem>>, vector<1x16xi32>,
    %swap3A_292 = vector.shape_cast %swap3A_291 : vector<1x16xi32> to vector<16xi32>
    %swap3A_293 = vector.shape_cast %select_n3A_287 : vector<16xi32> to vector<1x16xi32>
    tpu.vector_store %arg13[%swap3A_289, %swap3A_290], %swap3A_293 {strides = array<i32>} : memref<2x80xi32, #tpu.memory_space<vmem>>, vector<1x16xi32>,
    %get3A_294 = arith.constant 0 : i32
    %get3A_295 = arith.index_cast %get3A_294 : i32 to index
    %get3A_296 = arith.constant 32 : index
    %get3A_297 = tpu.vector_load %arg13[%get3A_295, %get3A_296] {strides = array<i32>} : memref<2x80xi32, #tpu.memory_space<vmem>>, vector<1x16xi32>,
    %get3A_298 = vector.shape_cast %get3A_297 : vector<1x16xi32> to vector<16xi32>
    %sub3A_299 = vector.broadcast %mul3A_0 : i32 to vector<16xi32>
    %sub3A_300 = arith.subi %get3A_298, %sub3A_299 : vector<16xi32>
    %ge3A_301 = arith.constant 0 : i32
    %ge3A_302 = vector.broadcast %ge3A_301 : i32 to vector<16xi32>
    %ge3A_303 = arith.cmpi sge, %sub3A_300, %ge3A_302 : vector<16xi32>
    %lt3A_304 = arith.constant 5120 : i32
    %lt3A_305 = vector.broadcast %lt3A_304 : i32 to vector<16xi32>
    %lt3A_306 = arith.cmpi slt, %sub3A_300, %lt3A_305 : vector<16xi32>
    %and3A_307 = arith.andi %ge3A_303, %lt3A_306 : vector<16xi1>
    %jit3A_308 = arith.constant 5120 : i32
    %broadcast_in_dim3A_309 = vector.broadcast %jit3A_308 : i32 to vector<16xi32>
    %select_n3A_310 = arith.select %and3A_307, %sub3A_300, %broadcast_in_dim3A_309 : vector<16xi1>, vector<16xi32>
    %swap3A_311 = arith.constant 0 : i32
    %swap3A_312 = arith.index_cast %swap3A_311 : i32 to index
    %swap3A_313 = arith.constant 32 : index
    %swap3A_314 = tpu.vector_load %arg13[%swap3A_312, %swap3A_313] {strides = array<i32>} : memref<2x80xi32, #tpu.memory_space<vmem>>, vector<1x16xi32>,
    %swap3A_315 = vector.shape_cast %swap3A_314 : vector<1x16xi32> to vector<16xi32>
    %swap3A_316 = vector.shape_cast %select_n3A_310 : vector<16xi32> to vector<1x16xi32>
    tpu.vector_store %arg13[%swap3A_312, %swap3A_313], %swap3A_316 {strides = array<i32>} : memref<2x80xi32, #tpu.memory_space<vmem>>, vector<1x16xi32>,
    %get3A_317 = arith.constant 0 : i32
    %get3A_318 = arith.index_cast %get3A_317 : i32 to index
    %get3A_319 = arith.constant 48 : index
    %get3A_320 = tpu.vector_load %arg13[%get3A_318, %get3A_319] {strides = array<i32>} : memref<2x80xi32, #tpu.memory_space<vmem>>, vector<1x16xi32>,
    %get3A_321 = vector.shape_cast %get3A_320 : vector<1x16xi32> to vector<16xi32>
    %sub3A_322 = vector.broadcast %mul3A_0 : i32 to vector<16xi32>
    %sub3A_323 = arith.subi %get3A_321, %sub3A_322 : vector<16xi32>
    %ge3A_324 = arith.constant 0 : i32
    %ge3A_325 = vector.broadcast %ge3A_324 : i32 to vector<16xi32>
    %ge3A_326 = arith.cmpi sge, %sub3A_323, %ge3A_325 : vector<16xi32>
    %lt3A_327 = arith.constant 5120 : i32
    %lt3A_328 = vector.broadcast %lt3A_327 : i32 to vector<16xi32>
    %lt3A_329 = arith.cmpi slt, %sub3A_323, %lt3A_328 : vector<16xi32>
    %and3A_330 = arith.andi %ge3A_326, %lt3A_329 : vector<16xi1>
    %jit3A_331 = arith.constant 5120 : i32
    %broadcast_in_dim3A_332 = vector.broadcast %jit3A_331 : i32 to vector<16xi32>
    %select_n3A_333 = arith.select %and3A_330, %sub3A_323, %broadcast_in_dim3A_332 : vector<16xi1>, vector<16xi32>
    %swap3A_334 = arith.constant 0 : i32
    %swap3A_335 = arith.index_cast %swap3A_334 : i32 to index
    %swap3A_336 = arith.constant 48 : index
    %swap3A_337 = tpu.vector_load %arg13[%swap3A_335, %swap3A_336] {strides = array<i32>} : memref<2x80xi32, #tpu.memory_space<vmem>>, vector<1x16xi32>,
    %swap3A_338 = vector.shape_cast %swap3A_337 : vector<1x16xi32> to vector<16xi32>
    %swap3A_339 = vector.shape_cast %select_n3A_333 : vector<16xi32> to vector<1x16xi32>
    tpu.vector_store %arg13[%swap3A_335, %swap3A_336], %swap3A_339 {strides = array<i32>} : memref<2x80xi32, #tpu.memory_space<vmem>>, vector<1x16xi32>,
    %get3A_340 = arith.constant 0 : i32
    %get3A_341 = arith.index_cast %get3A_340 : i32 to index
    %get3A_342 = arith.constant 64 : index
    %get3A_343 = tpu.vector_load %arg13[%get3A_341, %get3A_342] {strides = array<i32>} : memref<2x80xi32, #tpu.memory_space<vmem>>, vector<1x16xi32>,
    %get3A_344 = vector.shape_cast %get3A_343 : vector<1x16xi32> to vector<16xi32>
    %sub3A_345 = vector.broadcast %mul3A_0 : i32 to vector<16xi32>
    %sub3A_346 = arith.subi %get3A_344, %sub3A_345 : vector<16xi32>
    %ge3A_347 = arith.constant 0 : i32
    %ge3A_348 = vector.broadcast %ge3A_347 : i32 to vector<16xi32>
    %ge3A_349 = arith.cmpi sge, %sub3A_346, %ge3A_348 : vector<16xi32>
    %lt3A_350 = arith.constant 5120 : i32
    %lt3A_351 = vector.broadcast %lt3A_350 : i32 to vector<16xi32>
    %lt3A_352 = arith.cmpi slt, %sub3A_346, %lt3A_351 : vector<16xi32>
    %and3A_353 = arith.andi %ge3A_349, %lt3A_352 : vector<16xi1>
    %jit3A_354 = arith.constant 5120 : i32
    %broadcast_in_dim3A_355 = vector.broadcast %jit3A_354 : i32 to vector<16xi32>
    %select_n3A_356 = arith.select %and3A_353, %sub3A_346, %broadcast_in_dim3A_355 : vector<16xi1>, vector<16xi32>
    %swap3A_357 = arith.constant 0 : i32
    %swap3A_358 = arith.index_cast %swap3A_357 : i32 to index
    %swap3A_359 = arith.constant 64 : index
    %swap3A_360 = tpu.vector_load %arg13[%swap3A_358, %swap3A_359] {strides = array<i32>} : memref<2x80xi32, #tpu.memory_space<vmem>>, vector<1x16xi32>,
    %swap3A_361 = vector.shape_cast %swap3A_360 : vector<1x16xi32> to vector<16xi32>
    %swap3A_362 = vector.shape_cast %select_n3A_356 : vector<16xi32> to vector<1x16xi32>
    tpu.vector_store %arg13[%swap3A_358, %swap3A_359], %swap3A_362 {strides = array<i32>} : memref<2x80xi32, #tpu.memory_space<vmem>>, vector<1x16xi32>,
    %dma_start3A_363 = arith.constant 0 : i32
    %dma_start3A_364 = arith.constant 0 : i32
    %dma_start3A_365 = arith.constant 0 : i32
    %dma_start3A_366 = tpu.memref_slice %arg14[%dma_start3A_364, %dma_start3A_365] : memref<160x128xf32, #tpu.memory_space<vmem>> -> memref<80x128xf32, #tpu.memory_space<vmem>>
    %dma_start3A_367 = arith.constant 0 : i32
    %dma_start3A_368 = tpu.memref_slice %arg13[%dma_start3A_363, %dma_start3A_367] : memref<2x80xi32, #tpu.memory_space<vmem>> -> memref<1x80xi32, #tpu.memory_space<vmem>>
    %dma_start3A_369 = tpu.memref_squeeze %dma_start3A_368 : memref<1x80xi32, #tpu.memory_space<vmem>> -> memref<80xi32, #tpu.memory_space<vmem>>
    %dma_start3A_370 = arith.constant 0 : i32
    %dma_start3A_371 = arith.constant 0 : i32
    %dma_start3A_372 = tpu.memref_slice %arg9[%dma_start3A_370, %dma_start3A_371] : memref<5136x128xf32, #tpu.memory_space<vmem_shared>> -> memref<5136x128xf32, #tpu.memory_space<vmem_shared>>
    tpu.enqueue_indirect_dma source(%dma_start3A_372 : memref<5136x128xf32, #tpu.memory_space<vmem_shared>>) target(%dma_start3A_366 : memref<80x128xf32, #tpu.memory_space<vmem>>) offsets(%dma_start3A_369 : memref<80xi32, #tpu.memory_space<vmem>>) semaphore(%arg16 : memref<!tpu.dma_semaphore, #tpu.memory_space<semaphore_mem>>)
    %dma_wait3A = arith.constant 0 : i32
    %dma_wait3A_373 = arith.constant 0 : i32
    %dma_wait3A_374 = arith.constant 0 : i32
    %dma_wait3A_375 = tpu.memref_slice %arg14[%dma_wait3A_373, %dma_wait3A_374] : memref<160x128xf32, #tpu.memory_space<vmem>> -> memref<80x128xf32, #tpu.memory_space<vmem>>
    %dma_wait3A_376 = arith.constant 0 : i32
    %dma_wait3A_377 = tpu.memref_slice %arg13[%dma_wait3A, %dma_wait3A_376] : memref<2x80xi32, #tpu.memory_space<vmem>> -> memref<1x80xi32, #tpu.memory_space<vmem>>
    %dma_wait3A_378 = tpu.memref_squeeze %dma_wait3A_377 : memref<1x80xi32, #tpu.memory_space<vmem>> -> memref<80xi32, #tpu.memory_space<vmem>>
    %dma_wait3A_379 = arith.constant 0 : i32
    %dma_wait3A_380 = arith.constant 0 : i32
    %dma_wait3A_381 = tpu.memref_slice %arg9[%dma_wait3A_379, %dma_wait3A_380] : memref<5136x128xf32, #tpu.memory_space<vmem_shared>> -> memref<5136x128xf32, #tpu.memory_space<vmem_shared>>
    tpu.wait_indirect_dma semaphore(%arg16 : memref<!tpu.dma_semaphore, #tpu.memory_space<semaphore_mem>>) src(%dma_wait3A_381 : memref<5136x128xf32, #tpu.memory_space<vmem_shared>>) dst(%dma_wait3A_375 : memref<80x128xf32, #tpu.memory_space<vmem>>)
    %get3A_382 = arith.constant 1 : i32
    %get3A_383 = arith.index_cast %get3A_382 : i32 to index
    %get3A_384 = arith.constant 0 : index
    %get3A_385 = tpu.vector_load %arg13[%get3A_383, %get3A_384] {strides = array<i32>} : memref<2x80xi32, #tpu.memory_space<vmem>>, vector<1x16xi32>,
    %get3A_386 = vector.shape_cast %get3A_385 : vector<1x16xi32> to vector<16xi32>
    %sub3A_387 = vector.broadcast %mul3A_0 : i32 to vector<16xi32>
    %sub3A_388 = arith.subi %get3A_386, %sub3A_387 : vector<16xi32>
    %ge3A_389 = arith.constant 0 : i32
    %ge3A_390 = vector.broadcast %ge3A_389 : i32 to vector<16xi32>
    %ge3A_391 = arith.cmpi sge, %sub3A_388, %ge3A_390 : vector<16xi32>
    %lt3A_392 = arith.constant 5120 : i32
    %lt3A_393 = vector.broadcast %lt3A_392 : i32 to vector<16xi32>
    %lt3A_394 = arith.cmpi slt, %sub3A_388, %lt3A_393 : vector<16xi32>
    %and3A_395 = arith.andi %ge3A_391, %lt3A_394 : vector<16xi1>
    %jit3A_396 = arith.constant 5120 : i32
    %broadcast_in_dim3A_397 = vector.broadcast %jit3A_396 : i32 to vector<16xi32>
    %select_n3A_398 = arith.select %and3A_395, %sub3A_388, %broadcast_in_dim3A_397 : vector<16xi1>, vector<16xi32>
    %swap3A_399 = arith.constant 1 : i32
    %swap3A_400 = arith.index_cast %swap3A_399 : i32 to index
    %swap3A_401 = arith.constant 0 : index
    %swap3A_402 = tpu.vector_load %arg13[%swap3A_400, %swap3A_401] {strides = array<i32>} : memref<2x80xi32, #tpu.memory_space<vmem>>, vector<1x16xi32>,
    %swap3A_403 = vector.shape_cast %swap3A_402 : vector<1x16xi32> to vector<16xi32>
    %swap3A_404 = vector.shape_cast %select_n3A_398 : vector<16xi32> to vector<1x16xi32>
    tpu.vector_store %arg13[%swap3A_400, %swap3A_401], %swap3A_404 {strides = array<i32>} : memref<2x80xi32, #tpu.memory_space<vmem>>, vector<1x16xi32>,
    %get3A_405 = arith.constant 1 : i32
    %get3A_406 = arith.index_cast %get3A_405 : i32 to index
    %get3A_407 = arith.constant 16 : index
    %get3A_408 = tpu.vector_load %arg13[%get3A_406, %get3A_407] {strides = array<i32>} : memref<2x80xi32, #tpu.memory_space<vmem>>, vector<1x16xi32>,
    %get3A_409 = vector.shape_cast %get3A_408 : vector<1x16xi32> to vector<16xi32>
    %sub3A_410 = vector.broadcast %mul3A_0 : i32 to vector<16xi32>
    %sub3A_411 = arith.subi %get3A_409, %sub3A_410 : vector<16xi32>
    %ge3A_412 = arith.constant 0 : i32
    %ge3A_413 = vector.broadcast %ge3A_412 : i32 to vector<16xi32>
    %ge3A_414 = arith.cmpi sge, %sub3A_411, %ge3A_413 : vector<16xi32>
    %lt3A_415 = arith.constant 5120 : i32
    %lt3A_416 = vector.broadcast %lt3A_415 : i32 to vector<16xi32>
    %lt3A_417 = arith.cmpi slt, %sub3A_411, %lt3A_416 : vector<16xi32>
    %and3A_418 = arith.andi %ge3A_414, %lt3A_417 : vector<16xi1>
    %jit3A_419 = arith.constant 5120 : i32
    %broadcast_in_dim3A_420 = vector.broadcast %jit3A_419 : i32 to vector<16xi32>
    %select_n3A_421 = arith.select %and3A_418, %sub3A_411, %broadcast_in_dim3A_420 : vector<16xi1>, vector<16xi32>
    %swap3A_422 = arith.constant 1 : i32
    %swap3A_423 = arith.index_cast %swap3A_422 : i32 to index
    %swap3A_424 = arith.constant 16 : index
    %swap3A_425 = tpu.vector_load %arg13[%swap3A_423, %swap3A_424] {strides = array<i32>} : memref<2x80xi32, #tpu.memory_space<vmem>>, vector<1x16xi32>,
    %swap3A_426 = vector.shape_cast %swap3A_425 : vector<1x16xi32> to vector<16xi32>
    %swap3A_427 = vector.shape_cast %select_n3A_421 : vector<16xi32> to vector<1x16xi32>
    tpu.vector_store %arg13[%swap3A_423, %swap3A_424], %swap3A_427 {strides = array<i32>} : memref<2x80xi32, #tpu.memory_space<vmem>>, vector<1x16xi32>,
    %get3A_428 = arith.constant 1 : i32
    %get3A_429 = arith.index_cast %get3A_428 : i32 to index
    %get3A_430 = arith.constant 32 : index
    %get3A_431 = tpu.vector_load %arg13[%get3A_429, %get3A_430] {strides = array<i32>} : memref<2x80xi32, #tpu.memory_space<vmem>>, vector<1x16xi32>,
    %get3A_432 = vector.shape_cast %get3A_431 : vector<1x16xi32> to vector<16xi32>
    %sub3A_433 = vector.broadcast %mul3A_0 : i32 to vector<16xi32>
    %sub3A_434 = arith.subi %get3A_432, %sub3A_433 : vector<16xi32>
    %ge3A_435 = arith.constant 0 : i32
    %ge3A_436 = vector.broadcast %ge3A_435 : i32 to vector<16xi32>
    %ge3A_437 = arith.cmpi sge, %sub3A_434, %ge3A_436 : vector<16xi32>
    %lt3A_438 = arith.constant 5120 : i32
    %lt3A_439 = vector.broadcast %lt3A_438 : i32 to vector<16xi32>
    %lt3A_440 = arith.cmpi slt, %sub3A_434, %lt3A_439 : vector<16xi32>
    %and3A_441 = arith.andi %ge3A_437, %lt3A_440 : vector<16xi1>
    %jit3A_442 = arith.constant 5120 : i32
    %broadcast_in_dim3A_443 = vector.broadcast %jit3A_442 : i32 to vector<16xi32>
    %select_n3A_444 = arith.select %and3A_441, %sub3A_434, %broadcast_in_dim3A_443 : vector<16xi1>, vector<16xi32>
    %swap3A_445 = arith.constant 1 : i32
    %swap3A_446 = arith.index_cast %swap3A_445 : i32 to index
    %swap3A_447 = arith.constant 32 : index
    %swap3A_448 = tpu.vector_load %arg13[%swap3A_446, %swap3A_447] {strides = array<i32>} : memref<2x80xi32, #tpu.memory_space<vmem>>, vector<1x16xi32>,
    %swap3A_449 = vector.shape_cast %swap3A_448 : vector<1x16xi32> to vector<16xi32>
    %swap3A_450 = vector.shape_cast %select_n3A_444 : vector<16xi32> to vector<1x16xi32>
    tpu.vector_store %arg13[%swap3A_446, %swap3A_447], %swap3A_450 {strides = array<i32>} : memref<2x80xi32, #tpu.memory_space<vmem>>, vector<1x16xi32>,
    %get3A_451 = arith.constant 1 : i32
    %get3A_452 = arith.index_cast %get3A_451 : i32 to index
    %get3A_453 = arith.constant 48 : index
    %get3A_454 = tpu.vector_load %arg13[%get3A_452, %get3A_453] {strides = array<i32>} : memref<2x80xi32, #tpu.memory_space<vmem>>, vector<1x16xi32>,
    %get3A_455 = vector.shape_cast %get3A_454 : vector<1x16xi32> to vector<16xi32>
    %sub3A_456 = vector.broadcast %mul3A_0 : i32 to vector<16xi32>
    %sub3A_457 = arith.subi %get3A_455, %sub3A_456 : vector<16xi32>
    %ge3A_458 = arith.constant 0 : i32
    %ge3A_459 = vector.broadcast %ge3A_458 : i32 to vector<16xi32>
    %ge3A_460 = arith.cmpi sge, %sub3A_457, %ge3A_459 : vector<16xi32>
    %lt3A_461 = arith.constant 5120 : i32
    %lt3A_462 = vector.broadcast %lt3A_461 : i32 to vector<16xi32>
    %lt3A_463 = arith.cmpi slt, %sub3A_457, %lt3A_462 : vector<16xi32>
    %and3A_464 = arith.andi %ge3A_460, %lt3A_463 : vector<16xi1>
    %jit3A_465 = arith.constant 5120 : i32
    %broadcast_in_dim3A_466 = vector.broadcast %jit3A_465 : i32 to vector<16xi32>
    %select_n3A_467 = arith.select %and3A_464, %sub3A_457, %broadcast_in_dim3A_466 : vector<16xi1>, vector<16xi32>
    %swap3A_468 = arith.constant 1 : i32
    %swap3A_469 = arith.index_cast %swap3A_468 : i32 to index
    %swap3A_470 = arith.constant 48 : index
    %swap3A_471 = tpu.vector_load %arg13[%swap3A_469, %swap3A_470] {strides = array<i32>} : memref<2x80xi32, #tpu.memory_space<vmem>>, vector<1x16xi32>,
    %swap3A_472 = vector.shape_cast %swap3A_471 : vector<1x16xi32> to vector<16xi32>
    %swap3A_473 = vector.shape_cast %select_n3A_467 : vector<16xi32> to vector<1x16xi32>
    tpu.vector_store %arg13[%swap3A_469, %swap3A_470], %swap3A_473 {strides = array<i32>} : memref<2x80xi32, #tpu.memory_space<vmem>>, vector<1x16xi32>,
    %get3A_474 = arith.constant 1 : i32
    %get3A_475 = arith.index_cast %get3A_474 : i32 to index
    %get3A_476 = arith.constant 64 : index
    %get3A_477 = tpu.vector_load %arg13[%get3A_475, %get3A_476] {strides = array<i32>} : memref<2x80xi32, #tpu.memory_space<vmem>>, vector<1x16xi32>,
    %get3A_478 = vector.shape_cast %get3A_477 : vector<1x16xi32> to vector<16xi32>
    %sub3A_479 = vector.broadcast %mul3A_0 : i32 to vector<16xi32>
    %sub3A_480 = arith.subi %get3A_478, %sub3A_479 : vector<16xi32>
    %ge3A_481 = arith.constant 0 : i32
    %ge3A_482 = vector.broadcast %ge3A_481 : i32 to vector<16xi32>
    %ge3A_483 = arith.cmpi sge, %sub3A_480, %ge3A_482 : vector<16xi32>
    %lt3A_484 = arith.constant 5120 : i32
    %lt3A_485 = vector.broadcast %lt3A_484 : i32 to vector<16xi32>
    %lt3A_486 = arith.cmpi slt, %sub3A_480, %lt3A_485 : vector<16xi32>
    %and3A_487 = arith.andi %ge3A_483, %lt3A_486 : vector<16xi1>
    %jit3A_488 = arith.constant 5120 : i32
    %broadcast_in_dim3A_489 = vector.broadcast %jit3A_488 : i32 to vector<16xi32>
    %select_n3A_490 = arith.select %and3A_487, %sub3A_480, %broadcast_in_dim3A_489 : vector<16xi1>, vector<16xi32>
    %swap3A_491 = arith.constant 1 : i32
    %swap3A_492 = arith.index_cast %swap3A_491 : i32 to index
    %swap3A_493 = arith.constant 64 : index
    %swap3A_494 = tpu.vector_load %arg13[%swap3A_492, %swap3A_493] {strides = array<i32>} : memref<2x80xi32, #tpu.memory_space<vmem>>, vector<1x16xi32>,
    %swap3A_495 = vector.shape_cast %swap3A_494 : vector<1x16xi32> to vector<16xi32>
    %swap3A_496 = vector.shape_cast %select_n3A_490 : vector<16xi32> to vector<1x16xi32>
    tpu.vector_store %arg13[%swap3A_492, %swap3A_493], %swap3A_496 {strides = array<i32>} : memref<2x80xi32, #tpu.memory_space<vmem>>, vector<1x16xi32>,
    %dma_start3A_497 = arith.constant 1 : i32
    %dma_start3A_498 = arith.constant 80 : i32
    %dma_start3A_499 = arith.constant 0 : i32
    %dma_start3A_500 = tpu.memref_slice %arg14[%dma_start3A_498, %dma_start3A_499] : memref<160x128xf32, #tpu.memory_space<vmem>> -> memref<80x128xf32, #tpu.memory_space<vmem>>
    %dma_start3A_501 = arith.constant 0 : i32
    %dma_start3A_502 = tpu.memref_slice %arg13[%dma_start3A_497, %dma_start3A_501] : memref<2x80xi32, #tpu.memory_space<vmem>> -> memref<1x80xi32, #tpu.memory_space<vmem>>
    %dma_start3A_503 = tpu.memref_squeeze %dma_start3A_502 : memref<1x80xi32, #tpu.memory_space<vmem>> -> memref<80xi32, #tpu.memory_space<vmem>>
    %dma_start3A_504 = arith.constant 0 : i32
    %dma_start3A_505 = arith.constant 0 : i32
    %dma_start3A_506 = tpu.memref_slice %arg9[%dma_start3A_504, %dma_start3A_505] : memref<5136x128xf32, #tpu.memory_space<vmem_shared>> -> memref<5136x128xf32, #tpu.memory_space<vmem_shared>>
    tpu.enqueue_indirect_dma source(%dma_start3A_506 : memref<5136x128xf32, #tpu.memory_space<vmem_shared>>) target(%dma_start3A_500 : memref<80x128xf32, #tpu.memory_space<vmem>>) offsets(%dma_start3A_503 : memref<80xi32, #tpu.memory_space<vmem>>) semaphore(%arg16 : memref<!tpu.dma_semaphore, #tpu.memory_space<semaphore_mem>>)
    %dma_wait3A_507 = arith.constant 1 : i32
    %dma_wait3A_508 = arith.constant 80 : i32
    %dma_wait3A_509 = arith.constant 0 : i32
    %dma_wait3A_510 = tpu.memref_slice %arg14[%dma_wait3A_508, %dma_wait3A_509] : memref<160x128xf32, #tpu.memory_space<vmem>> -> memref<80x128xf32, #tpu.memory_space<vmem>>
    %dma_wait3A_511 = arith.constant 0 : i32
    %dma_wait3A_512 = tpu.memref_slice %arg13[%dma_wait3A_507, %dma_wait3A_511] : memref<2x80xi32, #tpu.memory_space<vmem>> -> memref<1x80xi32, #tpu.memory_space<vmem>>
    %dma_wait3A_513 = tpu.memref_squeeze %dma_wait3A_512 : memref<1x80xi32, #tpu.memory_space<vmem>> -> memref<80xi32, #tpu.memory_space<vmem>>
    %dma_wait3A_514 = arith.constant 0 : i32
    %dma_wait3A_515 = arith.constant 0 : i32
    %dma_wait3A_516 = tpu.memref_slice %arg9[%dma_wait3A_514, %dma_wait3A_515] : memref<5136x128xf32, #tpu.memory_space<vmem_shared>> -> memref<5136x128xf32, #tpu.memory_space<vmem_shared>>
    tpu.wait_indirect_dma semaphore(%arg16 : memref<!tpu.dma_semaphore, #tpu.memory_space<semaphore_mem>>) src(%dma_wait3A_516 : memref<5136x128xf32, #tpu.memory_space<vmem_shared>>) dst(%dma_wait3A_510 : memref<80x128xf32, #tpu.memory_space<vmem>>)
    %eq3A_517 = arith.constant 0 : i32
    %eq3A_518 = arith.cmpi eq, %arg0, %eq3A_517 : i32
    %convert_element_type3A_519 = arith.extui %eq3A_518 : i1 to i32
    %cond3A_520 = arith.constant 0 : i32
    %cond3A_521 = arith.cmpi ne, %convert_element_type3A_519, %cond3A_520 : i32
    scf.if %cond3A_521 {
      %mul3A_531 = arith.constant 2 : i32
      %mul3A_532 = arith.muli %arg1, %mul3A_531 : i32
      %mul3A_533 = arith.constant 80 : i32
      %mul3A_534 = arith.muli %mul3A_532, %mul3A_533 : i32
      "tpu.region"() ({
        %run_scoped3A_535 = tpu.sem_alloc : memref<!tpu.dma_semaphore, #tpu.memory_space<semaphore_mem>>
        %dma_start3A_536 = arith.constant 0 : i32
        %dma_start3A_537 = tpu.memref_slice %arg7[%mul3A_534, %dma_start3A_536] : memref<2560x128xf32, #tpu.memory_space<hbm>> -> memref<160x128xf32, #tpu.memory_space<hbm>>
        %dma_start3A_538 = arith.constant 0 : i32
        %dma_start3A_539 = tpu.memref_slice %arg7[%mul3A_534, %dma_start3A_538] : memref<2560x128xf32, #tpu.memory_space<hbm>> -> memref<160x128xf32, #tpu.memory_space<hbm>>
        tpu.enqueue_dma source(%arg14 : memref<160x128xf32, #tpu.memory_space<vmem>>) target(%dma_start3A_539 : memref<160x128xf32, #tpu.memory_space<hbm>>) target_semaphore(%run_scoped3A_535 : memref<!tpu.dma_semaphore, #tpu.memory_space<semaphore_mem>>)
        %dma_wait3A_540 = arith.constant 0 : i32
        %dma_wait3A_541 = tpu.memref_slice %arg7[%mul3A_534, %dma_wait3A_540] : memref<2560x128xf32, #tpu.memory_space<hbm>> -> memref<160x128xf32, #tpu.memory_space<hbm>>
        %dma_wait3A_542 = arith.constant 0 : i32
        %dma_wait3A_543 = tpu.memref_slice %arg7[%mul3A_534, %dma_wait3A_542] : memref<2560x128xf32, #tpu.memory_space<hbm>> -> memref<160x128xf32, #tpu.memory_space<hbm>>
        tpu.wait_dma2 semaphore(%run_scoped3A_535 : memref<!tpu.dma_semaphore, #tpu.memory_space<semaphore_mem>>) src(%arg14 : memref<160x128xf32, #tpu.memory_space<vmem>>) dst(%dma_wait3A_543 : memref<160x128xf32, #tpu.memory_space<hbm>>)
        tpu.yield
      }) : () -> ()
    } else {
    }
    %eq3A_522 = arith.constant 1 : i32
    %eq3A_523 = arith.cmpi eq, %arg0, %eq3A_522 : i32
    %convert_element_type3A_524 = arith.extui %eq3A_523 : i1 to i32
    %cond3A_525 = arith.constant 0 : i32
    %cond3A_526 = arith.cmpi ne, %convert_element_type3A_524, %cond3A_525 : i32
    scf.if %cond3A_526 {
      %mul3A_531 = arith.constant 2 : i32
      %mul3A_532 = arith.muli %arg1, %mul3A_531 : i32
      %mul3A_533 = arith.constant 80 : i32
      %mul3A_534 = arith.muli %mul3A_532, %mul3A_533 : i32
      "tpu.region"() ({
        %run_scoped3A_535 = tpu.sem_alloc : memref<!tpu.dma_semaphore, #tpu.memory_space<semaphore_mem>>
        %dma_start3A_536 = arith.constant 0 : i32
        %dma_start3A_537 = tpu.memref_slice %arg8[%mul3A_534, %dma_start3A_536] : memref<2560x128xf32, #tpu.memory_space<hbm>> -> memref<160x128xf32, #tpu.memory_space<hbm>>
        %dma_start3A_538 = arith.constant 0 : i32
        %dma_start3A_539 = tpu.memref_slice %arg8[%mul3A_534, %dma_start3A_538] : memref<2560x128xf32, #tpu.memory_space<hbm>> -> memref<160x128xf32, #tpu.memory_space<hbm>>
        tpu.enqueue_dma source(%arg14 : memref<160x128xf32, #tpu.memory_space<vmem>>) target(%dma_start3A_539 : memref<160x128xf32, #tpu.memory_space<hbm>>) target_semaphore(%run_scoped3A_535 : memref<!tpu.dma_semaphore, #tpu.memory_space<semaphore_mem>>)
        %dma_wait3A_540 = arith.constant 0 : i32
        %dma_wait3A_541 = tpu.memref_slice %arg8[%mul3A_534, %dma_wait3A_540] : memref<2560x128xf32, #tpu.memory_space<hbm>> -> memref<160x128xf32, #tpu.memory_space<hbm>>
        %dma_wait3A_542 = arith.constant 0 : i32
        %dma_wait3A_543 = tpu.memref_slice %arg8[%mul3A_534, %dma_wait3A_542] : memref<2560x128xf32, #tpu.memory_space<hbm>> -> memref<160x128xf32, #tpu.memory_space<hbm>>
        tpu.wait_dma2 semaphore(%run_scoped3A_535 : memref<!tpu.dma_semaphore, #tpu.memory_space<semaphore_mem>>) src(%arg14 : memref<160x128xf32, #tpu.memory_space<vmem>>) dst(%dma_wait3A_543 : memref<160x128xf32, #tpu.memory_space<hbm>>)
        tpu.yield
      }) : () -> ()
    } else {
    }
    %dma_wait3A_527 = arith.constant 0 : i32
    %dma_wait3A_528 = tpu.memref_slice %arg6[%add3A_244, %dma_wait3A_527] : memref<10240x128xf32, #tpu.memory_space<hbm>> -> memref<320x128xf32, #tpu.memory_space<hbm>>
    %dma_wait3A_529 = arith.constant 0 : i32
    %dma_wait3A_530 = tpu.memref_slice %arg9[%mul3A_2, %dma_wait3A_529] : memref<5136x128xf32, #tpu.memory_space<vmem_shared>> -> memref<320x128xf32, #tpu.memory_space<vmem_shared>>
    tpu.wait_dma2 semaphore(%arg12 : memref<!tpu.dma_semaphore, #tpu.memory_space<semaphore_mem>>) src(%dma_wait3A_530 : memref<320x128xf32, #tpu.memory_space<vmem_shared>>) dst(%dma_wait3A_528 : memref<320x128xf32, #tpu.memory_space<hbm>>)
    return
  }
}

#map = affine_map<(d0, d1) -> (0, 0)>
#map1 = affine_map<(d0, d1) -> (0, 0, 0)>
module attributes {stable_mosaic.version = 14 : i64} {
  func.func @gk(%arg0: i32, %arg1: i32, %arg2: memref<10000x128xf32, #tpu.memory_space<hbm>>, %arg3: memref<32x1x80xi32, #tpu.memory_space<hbm>>, %arg4: memref<2560x128xf32, #tpu.memory_space<hbm>>, %arg5: memref<1x80xi32, #tpu.memory_space<vmem>>, %arg6: memref<80x128xf32, #tpu.memory_space<vmem>>, %arg7: memref<!tpu.dma_semaphore, #tpu.memory_space<semaphore_mem>>) attributes {dimension_semantics = [#tpu.dimension_semantics<core_parallel>, #tpu.dimension_semantics<subcore_parallel>], iteration_bounds = array<i64: 2, 16>, scalar_prefetch = 0 : i64, scratch_operands = 3 : i64, tpu.core_type = #tpu.core_type<sc_vector_subcore>, window_params = [{transform_indices = #map}, {transform_indices = #map1}, {transform_indices = #map}]} {
    %mul3A = arith.constant 2 : i32
    %mul3A_0 = arith.muli %arg1, %mul3A : i32
    %add3A = arith.addi %mul3A_0, %arg0 : i32
    "tpu.region"() ({
      %run_scoped3A = tpu.sem_alloc : memref<!tpu.dma_semaphore, #tpu.memory_space<semaphore_mem>>
      %dma_start3A_15 = arith.constant 0 : i32
      %dma_start3A_16 = arith.constant 0 : i32
      %dma_start3A_17 = tpu.memref_slice %arg3[%add3A, %dma_start3A_15, %dma_start3A_16] : memref<32x1x80xi32, #tpu.memory_space<hbm>> -> memref<1x1x80xi32, #tpu.memory_space<hbm>>
      %dma_start3A_18 = tpu.memref_squeeze %dma_start3A_17 : memref<1x1x80xi32, #tpu.memory_space<hbm>> -> memref<1x80xi32, #tpu.memory_space<hbm>>
      %dma_start3A_19 = arith.constant 0 : i32
      %dma_start3A_20 = arith.constant 0 : i32
      %dma_start3A_21 = tpu.memref_slice %arg3[%add3A, %dma_start3A_19, %dma_start3A_20] : memref<32x1x80xi32, #tpu.memory_space<hbm>> -> memref<1x1x80xi32, #tpu.memory_space<hbm>>
      %dma_start3A_22 = tpu.memref_squeeze %dma_start3A_21 : memref<1x1x80xi32, #tpu.memory_space<hbm>> -> memref<1x80xi32, #tpu.memory_space<hbm>>
      tpu.enqueue_dma source(%dma_start3A_22 : memref<1x80xi32, #tpu.memory_space<hbm>>) target(%arg5 : memref<1x80xi32, #tpu.memory_space<vmem>>) target_semaphore(%run_scoped3A : memref<!tpu.dma_semaphore, #tpu.memory_space<semaphore_mem>>)
      %dma_wait3A_23 = arith.constant 0 : i32
      %dma_wait3A_24 = arith.constant 0 : i32
      %dma_wait3A_25 = tpu.memref_slice %arg3[%add3A, %dma_wait3A_23, %dma_wait3A_24] : memref<32x1x80xi32, #tpu.memory_space<hbm>> -> memref<1x1x80xi32, #tpu.memory_space<hbm>>
      %dma_wait3A_26 = tpu.memref_squeeze %dma_wait3A_25 : memref<1x1x80xi32, #tpu.memory_space<hbm>> -> memref<1x80xi32, #tpu.memory_space<hbm>>
      %dma_wait3A_27 = arith.constant 0 : i32
      %dma_wait3A_28 = arith.constant 0 : i32
      %dma_wait3A_29 = tpu.memref_slice %arg3[%add3A, %dma_wait3A_27, %dma_wait3A_28] : memref<32x1x80xi32, #tpu.memory_space<hbm>> -> memref<1x1x80xi32, #tpu.memory_space<hbm>>
      %dma_wait3A_30 = tpu.memref_squeeze %dma_wait3A_29 : memref<1x1x80xi32, #tpu.memory_space<hbm>> -> memref<1x80xi32, #tpu.memory_space<hbm>>
      tpu.wait_dma2 semaphore(%run_scoped3A : memref<!tpu.dma_semaphore, #tpu.memory_space<semaphore_mem>>) src(%dma_wait3A_30 : memref<1x80xi32, #tpu.memory_space<hbm>>) dst(%arg5 : memref<1x80xi32, #tpu.memory_space<vmem>>)
      tpu.yield
    }) : () -> ()
    %dma_start3A = arith.constant 0 : i32
    %dma_start3A_1 = arith.constant 0 : i32
    %dma_start3A_2 = tpu.memref_slice %arg5[%dma_start3A, %dma_start3A_1] : memref<1x80xi32, #tpu.memory_space<vmem>> -> memref<1x80xi32, #tpu.memory_space<vmem>>
    %dma_start3A_3 = tpu.memref_squeeze %dma_start3A_2 : memref<1x80xi32, #tpu.memory_space<vmem>> -> memref<80xi32, #tpu.memory_space<vmem>>
    %dma_start3A_4 = arith.constant 0 : i32
    %dma_start3A_5 = arith.constant 0 : i32
    %dma_start3A_6 = tpu.memref_slice %arg2[%dma_start3A_4, %dma_start3A_5] : memref<10000x128xf32, #tpu.memory_space<hbm>> -> memref<10000x128xf32, #tpu.memory_space<hbm>>
    tpu.enqueue_indirect_dma source(%dma_start3A_6 : memref<10000x128xf32, #tpu.memory_space<hbm>>) target(%arg6 : memref<80x128xf32, #tpu.memory_space<vmem>>) offsets(%dma_start3A_3 : memref<80xi32, #tpu.memory_space<vmem>>) semaphore(%arg7 : memref<!tpu.dma_semaphore, #tpu.memory_space<semaphore_mem>>)
    %dma_wait3A = arith.constant 0 : i32
    %dma_wait3A_7 = arith.constant 0 : i32
    %dma_wait3A_8 = tpu.memref_slice %arg5[%dma_wait3A, %dma_wait3A_7] : memref<1x80xi32, #tpu.memory_space<vmem>> -> memref<1x80xi32, #tpu.memory_space<vmem>>
    %dma_wait3A_9 = tpu.memref_squeeze %dma_wait3A_8 : memref<1x80xi32, #tpu.memory_space<vmem>> -> memref<80xi32, #tpu.memory_space<vmem>>
    %dma_wait3A_10 = arith.constant 0 : i32
    %dma_wait3A_11 = arith.constant 0 : i32
    %dma_wait3A_12 = tpu.memref_slice %arg2[%dma_wait3A_10, %dma_wait3A_11] : memref<10000x128xf32, #tpu.memory_space<hbm>> -> memref<10000x128xf32, #tpu.memory_space<hbm>>
    tpu.wait_indirect_dma semaphore(%arg7 : memref<!tpu.dma_semaphore, #tpu.memory_space<semaphore_mem>>) src(%dma_wait3A_12 : memref<10000x128xf32, #tpu.memory_space<hbm>>) dst(%arg6 : memref<80x128xf32, #tpu.memory_space<vmem>>)
    %mul3A_13 = arith.constant 80 : i32
    %mul3A_14 = arith.muli %add3A, %mul3A_13 : i32
    "tpu.region"() ({
      %run_scoped3A = tpu.sem_alloc : memref<!tpu.dma_semaphore, #tpu.memory_space<semaphore_mem>>
      %dma_start3A_15 = arith.constant 0 : i32
      %dma_start3A_16 = tpu.memref_slice %arg4[%mul3A_14, %dma_start3A_15] : memref<2560x128xf32, #tpu.memory_space<hbm>> -> memref<80x128xf32, #tpu.memory_space<hbm>>
      %dma_start3A_17 = arith.constant 0 : i32
      %dma_start3A_18 = tpu.memref_slice %arg4[%mul3A_14, %dma_start3A_17] : memref<2560x128xf32, #tpu.memory_space<hbm>> -> memref<80x128xf32, #tpu.memory_space<hbm>>
      tpu.enqueue_dma source(%arg6 : memref<80x128xf32, #tpu.memory_space<vmem>>) target(%dma_start3A_18 : memref<80x128xf32, #tpu.memory_space<hbm>>) target_semaphore(%run_scoped3A : memref<!tpu.dma_semaphore, #tpu.memory_space<semaphore_mem>>)
      %dma_wait3A_19 = arith.constant 0 : i32
      %dma_wait3A_20 = tpu.memref_slice %arg4[%mul3A_14, %dma_wait3A_19] : memref<2560x128xf32, #tpu.memory_space<hbm>> -> memref<80x128xf32, #tpu.memory_space<hbm>>
      %dma_wait3A_21 = arith.constant 0 : i32
      %dma_wait3A_22 = tpu.memref_slice %arg4[%mul3A_14, %dma_wait3A_21] : memref<2560x128xf32, #tpu.memory_space<hbm>> -> memref<80x128xf32, #tpu.memory_space<hbm>>
      tpu.wait_dma2 semaphore(%run_scoped3A : memref<!tpu.dma_semaphore, #tpu.memory_space<semaphore_mem>>) src(%arg6 : memref<80x128xf32, #tpu.memory_space<vmem>>) dst(%dma_wait3A_22 : memref<80x128xf32, #tpu.memory_space<hbm>>)
      tpu.yield
    }) : () -> ()
    return
  }
}

#map = affine_map<(d0, d1) -> (0, 0)>
#map1 = affine_map<(d0, d1) -> (0, 0, 0)>
module attributes {stable_mosaic.version = 14 : i64} {
  func.func @sk(%arg0: i32, %arg1: i32, %arg2: memref<10240x128xf32, #tpu.memory_space<hbm>>, %arg3: memref<2560x128xf32, #tpu.memory_space<hbm>>, %arg4: memref<16x2x80xi32, #tpu.memory_space<hbm>>, %arg5: memref<10240x128xf32, #tpu.memory_space<hbm>>, %arg6: memref<5136x128xf32, #tpu.memory_space<vmem_shared>>, %arg7: memref<2x80xi32, #tpu.memory_space<vmem>>, %arg8: memref<2x80x128xf32, #tpu.memory_space<vmem>>, %arg9: memref<!tpu.dma_semaphore, #tpu.memory_space<semaphore_mem>>) attributes {dimension_semantics = [#tpu.dimension_semantics<core_parallel>, #tpu.dimension_semantics<subcore_parallel>], iteration_bounds = array<i64: 2, 16>, scalar_prefetch = 0 : i64, scratch_operands = 4 : i64, tpu.core_type = #tpu.core_type<sc_vector_subcore>, window_params = [{transform_indices = #map}, {transform_indices = #map}, {transform_indices = #map1}, {transform_indices = #map}]} {
    %mul3A = arith.constant 5120 : i32
    %mul3A_0 = arith.muli %arg0, %mul3A : i32
    %mul3A_1 = arith.constant 320 : i32
    %mul3A_2 = arith.muli %arg1, %mul3A_1 : i32
    %add3A = arith.addi %mul3A_0, %mul3A_2 : i32
    "tpu.region"() ({
      %run_scoped3A_249 = tpu.sem_alloc : memref<!tpu.dma_semaphore, #tpu.memory_space<semaphore_mem>>
      %dma_start3A_250 = arith.constant 0 : i32
      %dma_start3A_251 = tpu.memref_slice %arg6[%mul3A_2, %dma_start3A_250] : memref<5136x128xf32, #tpu.memory_space<vmem_shared>> -> memref<320x128xf32, #tpu.memory_space<vmem_shared>>
      %dma_start3A_252 = arith.constant 0 : i32
      %dma_start3A_253 = tpu.memref_slice %arg2[%add3A, %dma_start3A_252] : memref<10240x128xf32, #tpu.memory_space<hbm>> -> memref<320x128xf32, #tpu.memory_space<hbm>>
      tpu.enqueue_dma source(%dma_start3A_253 : memref<320x128xf32, #tpu.memory_space<hbm>>) target(%dma_start3A_251 : memref<320x128xf32, #tpu.memory_space<vmem_shared>>) target_semaphore(%run_scoped3A_249 : memref<!tpu.dma_semaphore, #tpu.memory_space<semaphore_mem>>)
      %dma_wait3A_254 = arith.constant 0 : i32
      %dma_wait3A_255 = tpu.memref_slice %arg6[%mul3A_2, %dma_wait3A_254] : memref<5136x128xf32, #tpu.memory_space<vmem_shared>> -> memref<320x128xf32, #tpu.memory_space<vmem_shared>>
      %dma_wait3A_256 = arith.constant 0 : i32
      %dma_wait3A_257 = tpu.memref_slice %arg2[%add3A, %dma_wait3A_256] : memref<10240x128xf32, #tpu.memory_space<hbm>> -> memref<320x128xf32, #tpu.memory_space<hbm>>
      tpu.wait_dma2 semaphore(%run_scoped3A_249 : memref<!tpu.dma_semaphore, #tpu.memory_space<semaphore_mem>>) src(%dma_wait3A_257 : memref<320x128xf32, #tpu.memory_space<hbm>>) dst(%dma_wait3A_255 : memref<320x128xf32, #tpu.memory_space<vmem_shared>>)
      tpu.yield
    }) : () -> ()
    "tpu.region"() ({
      %run_scoped3A_249 = tpu.sem_alloc : memref<!tpu.dma_semaphore, #tpu.memory_space<semaphore_mem>>
      %dma_start3A_250 = arith.constant 0 : i32
      %dma_start3A_251 = arith.constant 0 : i32
      %dma_start3A_252 = tpu.memref_slice %arg4[%arg1, %dma_start3A_250, %dma_start3A_251] : memref<16x2x80xi32, #tpu.memory_space<hbm>> -> memref<1x2x80xi32, #tpu.memory_space<hbm>>
      %dma_start3A_253 = tpu.memref_squeeze %dma_start3A_252 : memref<1x2x80xi32, #tpu.memory_space<hbm>> -> memref<2x80xi32, #tpu.memory_space<hbm>>
      %dma_start3A_254 = arith.constant 0 : i32
      %dma_start3A_255 = arith.constant 0 : i32
      %dma_start3A_256 = tpu.memref_slice %arg4[%arg1, %dma_start3A_254, %dma_start3A_255] : memref<16x2x80xi32, #tpu.memory_space<hbm>> -> memref<1x2x80xi32, #tpu.memory_space<hbm>>
      %dma_start3A_257 = tpu.memref_squeeze %dma_start3A_256 : memref<1x2x80xi32, #tpu.memory_space<hbm>> -> memref<2x80xi32, #tpu.memory_space<hbm>>
      tpu.enqueue_dma source(%dma_start3A_257 : memref<2x80xi32, #tpu.memory_space<hbm>>) target(%arg7 : memref<2x80xi32, #tpu.memory_space<vmem>>) target_semaphore(%run_scoped3A_249 : memref<!tpu.dma_semaphore, #tpu.memory_space<semaphore_mem>>)
      %dma_wait3A_258 = arith.constant 0 : i32
      %dma_wait3A_259 = arith.constant 0 : i32
      %dma_wait3A_260 = tpu.memref_slice %arg4[%arg1, %dma_wait3A_258, %dma_wait3A_259] : memref<16x2x80xi32, #tpu.memory_space<hbm>> -> memref<1x2x80xi32, #tpu.memory_space<hbm>>
      %dma_wait3A_261 = tpu.memref_squeeze %dma_wait3A_260 : memref<1x2x80xi32, #tpu.memory_space<hbm>> -> memref<2x80xi32, #tpu.memory_space<hbm>>
      %dma_wait3A_262 = arith.constant 0 : i32
      %dma_wait3A_263 = arith.constant 0 : i32
      %dma_wait3A_264 = tpu.memref_slice %arg4[%arg1, %dma_wait3A_262, %dma_wait3A_263] : memref<16x2x80xi32, #tpu.memory_space<hbm>> -> memref<1x2x80xi32, #tpu.memory_space<hbm>>
      %dma_wait3A_265 = tpu.memref_squeeze %dma_wait3A_264 : memref<1x2x80xi32, #tpu.memory_space<hbm>> -> memref<2x80xi32, #tpu.memory_space<hbm>>
      tpu.wait_dma2 semaphore(%run_scoped3A_249 : memref<!tpu.dma_semaphore, #tpu.memory_space<semaphore_mem>>) src(%dma_wait3A_265 : memref<2x80xi32, #tpu.memory_space<hbm>>) dst(%arg7 : memref<2x80xi32, #tpu.memory_space<vmem>>)
      tpu.yield
    }) : () -> ()
    %get3A = arith.constant 0 : i32
    %get3A_3 = arith.index_cast %get3A : i32 to index
    %get3A_4 = arith.constant 0 : index
    %get3A_5 = tpu.vector_load %arg7[%get3A_3, %get3A_4] {strides = array<i32>} : memref<2x80xi32, #tpu.memory_space<vmem>>, vector<1x16xi32>,
    %get3A_6 = vector.shape_cast %get3A_5 : vector<1x16xi32> to vector<16xi32>
    %sub3A = vector.broadcast %mul3A_0 : i32 to vector<16xi32>
    %sub3A_7 = arith.subi %get3A_6, %sub3A : vector<16xi32>
    %ge3A = arith.constant 0 : i32
    %ge3A_8 = vector.broadcast %ge3A : i32 to vector<16xi32>
    %ge3A_9 = arith.cmpi sge, %sub3A_7, %ge3A_8 : vector<16xi32>
    %lt3A = arith.constant 5120 : i32
    %lt3A_10 = vector.broadcast %lt3A : i32 to vector<16xi32>
    %lt3A_11 = arith.cmpi slt, %sub3A_7, %lt3A_10 : vector<16xi32>
    %and3A = arith.andi %ge3A_9, %lt3A_11 : vector<16xi1>
    %jit3A = arith.constant 5128 : i32
    %broadcast_in_dim3A = vector.broadcast %jit3A : i32 to vector<16xi32>
    %select_n3A = arith.select %and3A, %sub3A_7, %broadcast_in_dim3A : vector<16xi1>, vector<16xi32>
    %swap3A = arith.constant 0 : i32
    %swap3A_12 = arith.index_cast %swap3A : i32 to index
    %swap3A_13 = arith.constant 0 : index
    %swap3A_14 = tpu.vector_load %arg7[%swap3A_12, %swap3A_13] {strides = array<i32>} : memref<2x80xi32, #tpu.memory_space<vmem>>, vector<1x16xi32>,
    %swap3A_15 = vector.shape_cast %swap3A_14 : vector<1x16xi32> to vector<16xi32>
    %swap3A_16 = vector.shape_cast %select_n3A : vector<16xi32> to vector<1x16xi32>
    tpu.vector_store %arg7[%swap3A_12, %swap3A_13], %swap3A_16 {strides = array<i32>} : memref<2x80xi32, #tpu.memory_space<vmem>>, vector<1x16xi32>,
    %get3A_17 = arith.constant 0 : i32
    %get3A_18 = arith.index_cast %get3A_17 : i32 to index
    %get3A_19 = arith.constant 16 : index
    %get3A_20 = tpu.vector_load %arg7[%get3A_18, %get3A_19] {strides = array<i32>} : memref<2x80xi32, #tpu.memory_space<vmem>>, vector<1x16xi32>,
    %get3A_21 = vector.shape_cast %get3A_20 : vector<1x16xi32> to vector<16xi32>
    %sub3A_22 = vector.broadcast %mul3A_0 : i32 to vector<16xi32>
    %sub3A_23 = arith.subi %get3A_21, %sub3A_22 : vector<16xi32>
    %ge3A_24 = arith.constant 0 : i32
    %ge3A_25 = vector.broadcast %ge3A_24 : i32 to vector<16xi32>
    %ge3A_26 = arith.cmpi sge, %sub3A_23, %ge3A_25 : vector<16xi32>
    %lt3A_27 = arith.constant 5120 : i32
    %lt3A_28 = vector.broadcast %lt3A_27 : i32 to vector<16xi32>
    %lt3A_29 = arith.cmpi slt, %sub3A_23, %lt3A_28 : vector<16xi32>
    %and3A_30 = arith.andi %ge3A_26, %lt3A_29 : vector<16xi1>
    %jit3A_31 = arith.constant 5128 : i32
    %broadcast_in_dim3A_32 = vector.broadcast %jit3A_31 : i32 to vector<16xi32>
    %select_n3A_33 = arith.select %and3A_30, %sub3A_23, %broadcast_in_dim3A_32 : vector<16xi1>, vector<16xi32>
    %swap3A_34 = arith.constant 0 : i32
    %swap3A_35 = arith.index_cast %swap3A_34 : i32 to index
    %swap3A_36 = arith.constant 16 : index
    %swap3A_37 = tpu.vector_load %arg7[%swap3A_35, %swap3A_36] {strides = array<i32>} : memref<2x80xi32, #tpu.memory_space<vmem>>, vector<1x16xi32>,
    %swap3A_38 = vector.shape_cast %swap3A_37 : vector<1x16xi32> to vector<16xi32>
    %swap3A_39 = vector.shape_cast %select_n3A_33 : vector<16xi32> to vector<1x16xi32>
    tpu.vector_store %arg7[%swap3A_35, %swap3A_36], %swap3A_39 {strides = array<i32>} : memref<2x80xi32, #tpu.memory_space<vmem>>, vector<1x16xi32>,
    %get3A_40 = arith.constant 0 : i32
    %get3A_41 = arith.index_cast %get3A_40 : i32 to index
    %get3A_42 = arith.constant 32 : index
    %get3A_43 = tpu.vector_load %arg7[%get3A_41, %get3A_42] {strides = array<i32>} : memref<2x80xi32, #tpu.memory_space<vmem>>, vector<1x16xi32>,
    %get3A_44 = vector.shape_cast %get3A_43 : vector<1x16xi32> to vector<16xi32>
    %sub3A_45 = vector.broadcast %mul3A_0 : i32 to vector<16xi32>
    %sub3A_46 = arith.subi %get3A_44, %sub3A_45 : vector<16xi32>
    %ge3A_47 = arith.constant 0 : i32
    %ge3A_48 = vector.broadcast %ge3A_47 : i32 to vector<16xi32>
    %ge3A_49 = arith.cmpi sge, %sub3A_46, %ge3A_48 : vector<16xi32>
    %lt3A_50 = arith.constant 5120 : i32
    %lt3A_51 = vector.broadcast %lt3A_50 : i32 to vector<16xi32>
    %lt3A_52 = arith.cmpi slt, %sub3A_46, %lt3A_51 : vector<16xi32>
    %and3A_53 = arith.andi %ge3A_49, %lt3A_52 : vector<16xi1>
    %jit3A_54 = arith.constant 5128 : i32
    %broadcast_in_dim3A_55 = vector.broadcast %jit3A_54 : i32 to vector<16xi32>
    %select_n3A_56 = arith.select %and3A_53, %sub3A_46, %broadcast_in_dim3A_55 : vector<16xi1>, vector<16xi32>
    %swap3A_57 = arith.constant 0 : i32
    %swap3A_58 = arith.index_cast %swap3A_57 : i32 to index
    %swap3A_59 = arith.constant 32 : index
    %swap3A_60 = tpu.vector_load %arg7[%swap3A_58, %swap3A_59] {strides = array<i32>} : memref<2x80xi32, #tpu.memory_space<vmem>>, vector<1x16xi32>,
    %swap3A_61 = vector.shape_cast %swap3A_60 : vector<1x16xi32> to vector<16xi32>
    %swap3A_62 = vector.shape_cast %select_n3A_56 : vector<16xi32> to vector<1x16xi32>
    tpu.vector_store %arg7[%swap3A_58, %swap3A_59], %swap3A_62 {strides = array<i32>} : memref<2x80xi32, #tpu.memory_space<vmem>>, vector<1x16xi32>,
    %get3A_63 = arith.constant 0 : i32
    %get3A_64 = arith.index_cast %get3A_63 : i32 to index
    %get3A_65 = arith.constant 48 : index
    %get3A_66 = tpu.vector_load %arg7[%get3A_64, %get3A_65] {strides = array<i32>} : memref<2x80xi32, #tpu.memory_space<vmem>>, vector<1x16xi32>,
    %get3A_67 = vector.shape_cast %get3A_66 : vector<1x16xi32> to vector<16xi32>
    %sub3A_68 = vector.broadcast %mul3A_0 : i32 to vector<16xi32>
    %sub3A_69 = arith.subi %get3A_67, %sub3A_68 : vector<16xi32>
    %ge3A_70 = arith.constant 0 : i32
    %ge3A_71 = vector.broadcast %ge3A_70 : i32 to vector<16xi32>
    %ge3A_72 = arith.cmpi sge, %sub3A_69, %ge3A_71 : vector<16xi32>
    %lt3A_73 = arith.constant 5120 : i32
    %lt3A_74 = vector.broadcast %lt3A_73 : i32 to vector<16xi32>
    %lt3A_75 = arith.cmpi slt, %sub3A_69, %lt3A_74 : vector<16xi32>
    %and3A_76 = arith.andi %ge3A_72, %lt3A_75 : vector<16xi1>
    %jit3A_77 = arith.constant 5128 : i32
    %broadcast_in_dim3A_78 = vector.broadcast %jit3A_77 : i32 to vector<16xi32>
    %select_n3A_79 = arith.select %and3A_76, %sub3A_69, %broadcast_in_dim3A_78 : vector<16xi1>, vector<16xi32>
    %swap3A_80 = arith.constant 0 : i32
    %swap3A_81 = arith.index_cast %swap3A_80 : i32 to index
    %swap3A_82 = arith.constant 48 : index
    %swap3A_83 = tpu.vector_load %arg7[%swap3A_81, %swap3A_82] {strides = array<i32>} : memref<2x80xi32, #tpu.memory_space<vmem>>, vector<1x16xi32>,
    %swap3A_84 = vector.shape_cast %swap3A_83 : vector<1x16xi32> to vector<16xi32>
    %swap3A_85 = vector.shape_cast %select_n3A_79 : vector<16xi32> to vector<1x16xi32>
    tpu.vector_store %arg7[%swap3A_81, %swap3A_82], %swap3A_85 {strides = array<i32>} : memref<2x80xi32, #tpu.memory_space<vmem>>, vector<1x16xi32>,
    %get3A_86 = arith.constant 0 : i32
    %get3A_87 = arith.index_cast %get3A_86 : i32 to index
    %get3A_88 = arith.constant 64 : index
    %get3A_89 = tpu.vector_load %arg7[%get3A_87, %get3A_88] {strides = array<i32>} : memref<2x80xi32, #tpu.memory_space<vmem>>, vector<1x16xi32>,
    %get3A_90 = vector.shape_cast %get3A_89 : vector<1x16xi32> to vector<16xi32>
    %sub3A_91 = vector.broadcast %mul3A_0 : i32 to vector<16xi32>
    %sub3A_92 = arith.subi %get3A_90, %sub3A_91 : vector<16xi32>
    %ge3A_93 = arith.constant 0 : i32
    %ge3A_94 = vector.broadcast %ge3A_93 : i32 to vector<16xi32>
    %ge3A_95 = arith.cmpi sge, %sub3A_92, %ge3A_94 : vector<16xi32>
    %lt3A_96 = arith.constant 5120 : i32
    %lt3A_97 = vector.broadcast %lt3A_96 : i32 to vector<16xi32>
    %lt3A_98 = arith.cmpi slt, %sub3A_92, %lt3A_97 : vector<16xi32>
    %and3A_99 = arith.andi %ge3A_95, %lt3A_98 : vector<16xi1>
    %jit3A_100 = arith.constant 5128 : i32
    %broadcast_in_dim3A_101 = vector.broadcast %jit3A_100 : i32 to vector<16xi32>
    %select_n3A_102 = arith.select %and3A_99, %sub3A_92, %broadcast_in_dim3A_101 : vector<16xi1>, vector<16xi32>
    %swap3A_103 = arith.constant 0 : i32
    %swap3A_104 = arith.index_cast %swap3A_103 : i32 to index
    %swap3A_105 = arith.constant 64 : index
    %swap3A_106 = tpu.vector_load %arg7[%swap3A_104, %swap3A_105] {strides = array<i32>} : memref<2x80xi32, #tpu.memory_space<vmem>>, vector<1x16xi32>,
    %swap3A_107 = vector.shape_cast %swap3A_106 : vector<1x16xi32> to vector<16xi32>
    %swap3A_108 = vector.shape_cast %select_n3A_102 : vector<16xi32> to vector<1x16xi32>
    tpu.vector_store %arg7[%swap3A_104, %swap3A_105], %swap3A_108 {strides = array<i32>} : memref<2x80xi32, #tpu.memory_space<vmem>>, vector<1x16xi32>,
    %mul3A_109 = arith.constant 2 : i32
    %mul3A_110 = arith.muli %arg1, %mul3A_109 : i32
    %mul3A_111 = arith.constant 80 : i32
    %mul3A_112 = arith.muli %mul3A_110, %mul3A_111 : i32
    %add3A_113 = arith.constant 0 : i32
    %add3A_114 = arith.addi %mul3A_112, %add3A_113 : i32
    %run_scoped3A = arith.constant 0 : i32
    "tpu.region"() ({
      %run_scoped3A_249 = tpu.sem_alloc : memref<!tpu.dma_semaphore, #tpu.memory_space<semaphore_mem>>
      %dma_start3A_250 = arith.constant 0 : i32
      %dma_start3A_251 = arith.constant 0 : i32
      %dma_start3A_252 = tpu.memref_slice %arg8[%run_scoped3A, %dma_start3A_250, %dma_start3A_251] : memref<2x80x128xf32, #tpu.memory_space<vmem>> -> memref<1x80x128xf32, #tpu.memory_space<vmem>>
      %dma_start3A_253 = tpu.memref_squeeze %dma_start3A_252 : memref<1x80x128xf32, #tpu.memory_space<vmem>> -> memref<80x128xf32, #tpu.memory_space<vmem>>
      %dma_start3A_254 = arith.constant 0 : i32
      %dma_start3A_255 = tpu.memref_slice %arg3[%add3A_114, %dma_start3A_254] : memref<2560x128xf32, #tpu.memory_space<hbm>> -> memref<80x128xf32, #tpu.memory_space<hbm>>
      %dma_start3A_256 = arith.constant 0 : i32
      %dma_start3A_257 = arith.constant 0 : i32
      %dma_start3A_258 = tpu.memref_slice %arg8[%run_scoped3A, %dma_start3A_256, %dma_start3A_257] : memref<2x80x128xf32, #tpu.memory_space<vmem>> -> memref<1x80x128xf32, #tpu.memory_space<vmem>>
      %dma_start3A_259 = tpu.memref_squeeze %dma_start3A_258 : memref<1x80x128xf32, #tpu.memory_space<vmem>> -> memref<80x128xf32, #tpu.memory_space<vmem>>
      %dma_start3A_260 = arith.constant 0 : i32
      %dma_start3A_261 = tpu.memref_slice %arg3[%add3A_114, %dma_start3A_260] : memref<2560x128xf32, #tpu.memory_space<hbm>> -> memref<80x128xf32, #tpu.memory_space<hbm>>
      tpu.enqueue_dma source(%dma_start3A_261 : memref<80x128xf32, #tpu.memory_space<hbm>>) target(%dma_start3A_259 : memref<80x128xf32, #tpu.memory_space<vmem>>) target_semaphore(%run_scoped3A_249 : memref<!tpu.dma_semaphore, #tpu.memory_space<semaphore_mem>>)
      %dma_wait3A_262 = arith.constant 0 : i32
      %dma_wait3A_263 = arith.constant 0 : i32
      %dma_wait3A_264 = tpu.memref_slice %arg8[%run_scoped3A, %dma_wait3A_262, %dma_wait3A_263] : memref<2x80x128xf32, #tpu.memory_space<vmem>> -> memref<1x80x128xf32, #tpu.memory_space<vmem>>
      %dma_wait3A_265 = tpu.memref_squeeze %dma_wait3A_264 : memref<1x80x128xf32, #tpu.memory_space<vmem>> -> memref<80x128xf32, #tpu.memory_space<vmem>>
      %dma_wait3A_266 = arith.constant 0 : i32
      %dma_wait3A_267 = tpu.memref_slice %arg3[%add3A_114, %dma_wait3A_266] : memref<2560x128xf32, #tpu.memory_space<hbm>> -> memref<80x128xf32, #tpu.memory_space<hbm>>
      %dma_wait3A_268 = arith.constant 0 : i32
      %dma_wait3A_269 = arith.constant 0 : i32
      %dma_wait3A_270 = tpu.memref_slice %arg8[%run_scoped3A, %dma_wait3A_268, %dma_wait3A_269] : memref<2x80x128xf32, #tpu.memory_space<vmem>> -> memref<1x80x128xf32, #tpu.memory_space<vmem>>
      %dma_wait3A_271 = tpu.memref_squeeze %dma_wait3A_270 : memref<1x80x128xf32, #tpu.memory_space<vmem>> -> memref<80x128xf32, #tpu.memory_space<vmem>>
      %dma_wait3A_272 = arith.constant 0 : i32
      %dma_wait3A_273 = tpu.memref_slice %arg3[%add3A_114, %dma_wait3A_272] : memref<2560x128xf32, #tpu.memory_space<hbm>> -> memref<80x128xf32, #tpu.memory_space<hbm>>
      tpu.wait_dma2 semaphore(%run_scoped3A_249 : memref<!tpu.dma_semaphore, #tpu.memory_space<semaphore_mem>>) src(%dma_wait3A_273 : memref<80x128xf32, #tpu.memory_space<hbm>>) dst(%dma_wait3A_271 : memref<80x128xf32, #tpu.memory_space<vmem>>)
      tpu.yield
    }) : () -> ()
    %get3A_115 = arith.constant 1 : i32
    %get3A_116 = arith.index_cast %get3A_115 : i32 to index
    %get3A_117 = arith.constant 0 : index
    %get3A_118 = tpu.vector_load %arg7[%get3A_116, %get3A_117] {strides = array<i32>} : memref<2x80xi32, #tpu.memory_space<vmem>>, vector<1x16xi32>,
    %get3A_119 = vector.shape_cast %get3A_118 : vector<1x16xi32> to vector<16xi32>
    %sub3A_120 = vector.broadcast %mul3A_0 : i32 to vector<16xi32>
    %sub3A_121 = arith.subi %get3A_119, %sub3A_120 : vector<16xi32>
    %ge3A_122 = arith.constant 0 : i32
    %ge3A_123 = vector.broadcast %ge3A_122 : i32 to vector<16xi32>
    %ge3A_124 = arith.cmpi sge, %sub3A_121, %ge3A_123 : vector<16xi32>
    %lt3A_125 = arith.constant 5120 : i32
    %lt3A_126 = vector.broadcast %lt3A_125 : i32 to vector<16xi32>
    %lt3A_127 = arith.cmpi slt, %sub3A_121, %lt3A_126 : vector<16xi32>
    %and3A_128 = arith.andi %ge3A_124, %lt3A_127 : vector<16xi1>
    %jit3A_129 = arith.constant 5128 : i32
    %broadcast_in_dim3A_130 = vector.broadcast %jit3A_129 : i32 to vector<16xi32>
    %select_n3A_131 = arith.select %and3A_128, %sub3A_121, %broadcast_in_dim3A_130 : vector<16xi1>, vector<16xi32>
    %swap3A_132 = arith.constant 1 : i32
    %swap3A_133 = arith.index_cast %swap3A_132 : i32 to index
    %swap3A_134 = arith.constant 0 : index
    %swap3A_135 = tpu.vector_load %arg7[%swap3A_133, %swap3A_134] {strides = array<i32>} : memref<2x80xi32, #tpu.memory_space<vmem>>, vector<1x16xi32>,
    %swap3A_136 = vector.shape_cast %swap3A_135 : vector<1x16xi32> to vector<16xi32>
    %swap3A_137 = vector.shape_cast %select_n3A_131 : vector<16xi32> to vector<1x16xi32>
    tpu.vector_store %arg7[%swap3A_133, %swap3A_134], %swap3A_137 {strides = array<i32>} : memref<2x80xi32, #tpu.memory_space<vmem>>, vector<1x16xi32>,
    %get3A_138 = arith.constant 1 : i32
    %get3A_139 = arith.index_cast %get3A_138 : i32 to index
    %get3A_140 = arith.constant 16 : index
    %get3A_141 = tpu.vector_load %arg7[%get3A_139, %get3A_140] {strides = array<i32>} : memref<2x80xi32, #tpu.memory_space<vmem>>, vector<1x16xi32>,
    %get3A_142 = vector.shape_cast %get3A_141 : vector<1x16xi32> to vector<16xi32>
    %sub3A_143 = vector.broadcast %mul3A_0 : i32 to vector<16xi32>
    %sub3A_144 = arith.subi %get3A_142, %sub3A_143 : vector<16xi32>
    %ge3A_145 = arith.constant 0 : i32
    %ge3A_146 = vector.broadcast %ge3A_145 : i32 to vector<16xi32>
    %ge3A_147 = arith.cmpi sge, %sub3A_144, %ge3A_146 : vector<16xi32>
    %lt3A_148 = arith.constant 5120 : i32
    %lt3A_149 = vector.broadcast %lt3A_148 : i32 to vector<16xi32>
    %lt3A_150 = arith.cmpi slt, %sub3A_144, %lt3A_149 : vector<16xi32>
    %and3A_151 = arith.andi %ge3A_147, %lt3A_150 : vector<16xi1>
    %jit3A_152 = arith.constant 5128 : i32
    %broadcast_in_dim3A_153 = vector.broadcast %jit3A_152 : i32 to vector<16xi32>
    %select_n3A_154 = arith.select %and3A_151, %sub3A_144, %broadcast_in_dim3A_153 : vector<16xi1>, vector<16xi32>
    %swap3A_155 = arith.constant 1 : i32
    %swap3A_156 = arith.index_cast %swap3A_155 : i32 to index
    %swap3A_157 = arith.constant 16 : index
    %swap3A_158 = tpu.vector_load %arg7[%swap3A_156, %swap3A_157] {strides = array<i32>} : memref<2x80xi32, #tpu.memory_space<vmem>>, vector<1x16xi32>,
    %swap3A_159 = vector.shape_cast %swap3A_158 : vector<1x16xi32> to vector<16xi32>
    %swap3A_160 = vector.shape_cast %select_n3A_154 : vector<16xi32> to vector<1x16xi32>
    tpu.vector_store %arg7[%swap3A_156, %swap3A_157], %swap3A_160 {strides = array<i32>} : memref<2x80xi32, #tpu.memory_space<vmem>>, vector<1x16xi32>,
    %get3A_161 = arith.constant 1 : i32
    %get3A_162 = arith.index_cast %get3A_161 : i32 to index
    %get3A_163 = arith.constant 32 : index
    %get3A_164 = tpu.vector_load %arg7[%get3A_162, %get3A_163] {strides = array<i32>} : memref<2x80xi32, #tpu.memory_space<vmem>>, vector<1x16xi32>,
    %get3A_165 = vector.shape_cast %get3A_164 : vector<1x16xi32> to vector<16xi32>
    %sub3A_166 = vector.broadcast %mul3A_0 : i32 to vector<16xi32>
    %sub3A_167 = arith.subi %get3A_165, %sub3A_166 : vector<16xi32>
    %ge3A_168 = arith.constant 0 : i32
    %ge3A_169 = vector.broadcast %ge3A_168 : i32 to vector<16xi32>
    %ge3A_170 = arith.cmpi sge, %sub3A_167, %ge3A_169 : vector<16xi32>
    %lt3A_171 = arith.constant 5120 : i32
    %lt3A_172 = vector.broadcast %lt3A_171 : i32 to vector<16xi32>
    %lt3A_173 = arith.cmpi slt, %sub3A_167, %lt3A_172 : vector<16xi32>
    %and3A_174 = arith.andi %ge3A_170, %lt3A_173 : vector<16xi1>
    %jit3A_175 = arith.constant 5128 : i32
    %broadcast_in_dim3A_176 = vector.broadcast %jit3A_175 : i32 to vector<16xi32>
    %select_n3A_177 = arith.select %and3A_174, %sub3A_167, %broadcast_in_dim3A_176 : vector<16xi1>, vector<16xi32>
    %swap3A_178 = arith.constant 1 : i32
    %swap3A_179 = arith.index_cast %swap3A_178 : i32 to index
    %swap3A_180 = arith.constant 32 : index
    %swap3A_181 = tpu.vector_load %arg7[%swap3A_179, %swap3A_180] {strides = array<i32>} : memref<2x80xi32, #tpu.memory_space<vmem>>, vector<1x16xi32>,
    %swap3A_182 = vector.shape_cast %swap3A_181 : vector<1x16xi32> to vector<16xi32>
    %swap3A_183 = vector.shape_cast %select_n3A_177 : vector<16xi32> to vector<1x16xi32>
    tpu.vector_store %arg7[%swap3A_179, %swap3A_180], %swap3A_183 {strides = array<i32>} : memref<2x80xi32, #tpu.memory_space<vmem>>, vector<1x16xi32>,
    %get3A_184 = arith.constant 1 : i32
    %get3A_185 = arith.index_cast %get3A_184 : i32 to index
    %get3A_186 = arith.constant 48 : index
    %get3A_187 = tpu.vector_load %arg7[%get3A_185, %get3A_186] {strides = array<i32>} : memref<2x80xi32, #tpu.memory_space<vmem>>, vector<1x16xi32>,
    %get3A_188 = vector.shape_cast %get3A_187 : vector<1x16xi32> to vector<16xi32>
    %sub3A_189 = vector.broadcast %mul3A_0 : i32 to vector<16xi32>
    %sub3A_190 = arith.subi %get3A_188, %sub3A_189 : vector<16xi32>
    %ge3A_191 = arith.constant 0 : i32
    %ge3A_192 = vector.broadcast %ge3A_191 : i32 to vector<16xi32>
    %ge3A_193 = arith.cmpi sge, %sub3A_190, %ge3A_192 : vector<16xi32>
    %lt3A_194 = arith.constant 5120 : i32
    %lt3A_195 = vector.broadcast %lt3A_194 : i32 to vector<16xi32>
    %lt3A_196 = arith.cmpi slt, %sub3A_190, %lt3A_195 : vector<16xi32>
    %and3A_197 = arith.andi %ge3A_193, %lt3A_196 : vector<16xi1>
    %jit3A_198 = arith.constant 5128 : i32
    %broadcast_in_dim3A_199 = vector.broadcast %jit3A_198 : i32 to vector<16xi32>
    %select_n3A_200 = arith.select %and3A_197, %sub3A_190, %broadcast_in_dim3A_199 : vector<16xi1>, vector<16xi32>
    %swap3A_201 = arith.constant 1 : i32
    %swap3A_202 = arith.index_cast %swap3A_201 : i32 to index
    %swap3A_203 = arith.constant 48 : index
    %swap3A_204 = tpu.vector_load %arg7[%swap3A_202, %swap3A_203] {strides = array<i32>} : memref<2x80xi32, #tpu.memory_space<vmem>>, vector<1x16xi32>,
    %swap3A_205 = vector.shape_cast %swap3A_204 : vector<1x16xi32> to vector<16xi32>
    %swap3A_206 = vector.shape_cast %select_n3A_200 : vector<16xi32> to vector<1x16xi32>
    tpu.vector_store %arg7[%swap3A_202, %swap3A_203], %swap3A_206 {strides = array<i32>} : memref<2x80xi32, #tpu.memory_space<vmem>>, vector<1x16xi32>,
    %get3A_207 = arith.constant 1 : i32
    %get3A_208 = arith.index_cast %get3A_207 : i32 to index
    %get3A_209 = arith.constant 64 : index
    %get3A_210 = tpu.vector_load %arg7[%get3A_208, %get3A_209] {strides = array<i32>} : memref<2x80xi32, #tpu.memory_space<vmem>>, vector<1x16xi32>,
    %get3A_211 = vector.shape_cast %get3A_210 : vector<1x16xi32> to vector<16xi32>
    %sub3A_212 = vector.broadcast %mul3A_0 : i32 to vector<16xi32>
    %sub3A_213 = arith.subi %get3A_211, %sub3A_212 : vector<16xi32>
    %ge3A_214 = arith.constant 0 : i32
    %ge3A_215 = vector.broadcast %ge3A_214 : i32 to vector<16xi32>
    %ge3A_216 = arith.cmpi sge, %sub3A_213, %ge3A_215 : vector<16xi32>
    %lt3A_217 = arith.constant 5120 : i32
    %lt3A_218 = vector.broadcast %lt3A_217 : i32 to vector<16xi32>
    %lt3A_219 = arith.cmpi slt, %sub3A_213, %lt3A_218 : vector<16xi32>
    %and3A_220 = arith.andi %ge3A_216, %lt3A_219 : vector<16xi1>
    %jit3A_221 = arith.constant 5128 : i32
    %broadcast_in_dim3A_222 = vector.broadcast %jit3A_221 : i32 to vector<16xi32>
    %select_n3A_223 = arith.select %and3A_220, %sub3A_213, %broadcast_in_dim3A_222 : vector<16xi1>, vector<16xi32>
    %swap3A_224 = arith.constant 1 : i32
    %swap3A_225 = arith.index_cast %swap3A_224 : i32 to index
    %swap3A_226 = arith.constant 64 : index
    %swap3A_227 = tpu.vector_load %arg7[%swap3A_225, %swap3A_226] {strides = array<i32>} : memref<2x80xi32, #tpu.memory_space<vmem>>, vector<1x16xi32>,
    %swap3A_228 = vector.shape_cast %swap3A_227 : vector<1x16xi32> to vector<16xi32>
    %swap3A_229 = vector.shape_cast %select_n3A_223 : vector<16xi32> to vector<1x16xi32>
    tpu.vector_store %arg7[%swap3A_225, %swap3A_226], %swap3A_229 {strides = array<i32>} : memref<2x80xi32, #tpu.memory_space<vmem>>, vector<1x16xi32>,
    %mul3A_230 = arith.constant 2 : i32
    %mul3A_231 = arith.muli %arg1, %mul3A_230 : i32
    %mul3A_232 = arith.constant 80 : i32
    %mul3A_233 = arith.muli %mul3A_231, %mul3A_232 : i32
    %add3A_234 = arith.constant 80 : i32
    %add3A_235 = arith.addi %mul3A_233, %add3A_234 : i32
    %run_scoped3A_236 = arith.constant 1 : i32
    "tpu.region"() ({
      %run_scoped3A_249 = tpu.sem_alloc : memref<!tpu.dma_semaphore, #tpu.memory_space<semaphore_mem>>
      %dma_start3A_250 = arith.constant 0 : i32
      %dma_start3A_251 = arith.constant 0 : i32
      %dma_start3A_252 = tpu.memref_slice %arg8[%run_scoped3A_236, %dma_start3A_250, %dma_start3A_251] : memref<2x80x128xf32, #tpu.memory_space<vmem>> -> memref<1x80x128xf32, #tpu.memory_space<vmem>>
      %dma_start3A_253 = tpu.memref_squeeze %dma_start3A_252 : memref<1x80x128xf32, #tpu.memory_space<vmem>> -> memref<80x128xf32, #tpu.memory_space<vmem>>
      %dma_start3A_254 = arith.constant 0 : i32
      %dma_start3A_255 = tpu.memref_slice %arg3[%add3A_235, %dma_start3A_254] : memref<2560x128xf32, #tpu.memory_space<hbm>> -> memref<80x128xf32, #tpu.memory_space<hbm>>
      %dma_start3A_256 = arith.constant 0 : i32
      %dma_start3A_257 = arith.constant 0 : i32
      %dma_start3A_258 = tpu.memref_slice %arg8[%run_scoped3A_236, %dma_start3A_256, %dma_start3A_257] : memref<2x80x128xf32, #tpu.memory_space<vmem>> -> memref<1x80x128xf32, #tpu.memory_space<vmem>>
      %dma_start3A_259 = tpu.memref_squeeze %dma_start3A_258 : memref<1x80x128xf32, #tpu.memory_space<vmem>> -> memref<80x128xf32, #tpu.memory_space<vmem>>
      %dma_start3A_260 = arith.constant 0 : i32
      %dma_start3A_261 = tpu.memref_slice %arg3[%add3A_235, %dma_start3A_260] : memref<2560x128xf32, #tpu.memory_space<hbm>> -> memref<80x128xf32, #tpu.memory_space<hbm>>
      tpu.enqueue_dma source(%dma_start3A_261 : memref<80x128xf32, #tpu.memory_space<hbm>>) target(%dma_start3A_259 : memref<80x128xf32, #tpu.memory_space<vmem>>) target_semaphore(%run_scoped3A_249 : memref<!tpu.dma_semaphore, #tpu.memory_space<semaphore_mem>>)
      %dma_wait3A_262 = arith.constant 0 : i32
      %dma_wait3A_263 = arith.constant 0 : i32
      %dma_wait3A_264 = tpu.memref_slice %arg8[%run_scoped3A_236, %dma_wait3A_262, %dma_wait3A_263] : memref<2x80x128xf32, #tpu.memory_space<vmem>> -> memref<1x80x128xf32, #tpu.memory_space<vmem>>
      %dma_wait3A_265 = tpu.memref_squeeze %dma_wait3A_264 : memref<1x80x128xf32, #tpu.memory_space<vmem>> -> memref<80x128xf32, #tpu.memory_space<vmem>>
      %dma_wait3A_266 = arith.constant 0 : i32
      %dma_wait3A_267 = tpu.memref_slice %arg3[%add3A_235, %dma_wait3A_266] : memref<2560x128xf32, #tpu.memory_space<hbm>> -> memref<80x128xf32, #tpu.memory_space<hbm>>
      %dma_wait3A_268 = arith.constant 0 : i32
      %dma_wait3A_269 = arith.constant 0 : i32
      %dma_wait3A_270 = tpu.memref_slice %arg8[%run_scoped3A_236, %dma_wait3A_268, %dma_wait3A_269] : memref<2x80x128xf32, #tpu.memory_space<vmem>> -> memref<1x80x128xf32, #tpu.memory_space<vmem>>
      %dma_wait3A_271 = tpu.memref_squeeze %dma_wait3A_270 : memref<1x80x128xf32, #tpu.memory_space<vmem>> -> memref<80x128xf32, #tpu.memory_space<vmem>>
      %dma_wait3A_272 = arith.constant 0 : i32
      %dma_wait3A_273 = tpu.memref_slice %arg3[%add3A_235, %dma_wait3A_272] : memref<2560x128xf32, #tpu.memory_space<hbm>> -> memref<80x128xf32, #tpu.memory_space<hbm>>
      tpu.wait_dma2 semaphore(%run_scoped3A_249 : memref<!tpu.dma_semaphore, #tpu.memory_space<semaphore_mem>>) src(%dma_wait3A_273 : memref<80x128xf32, #tpu.memory_space<hbm>>) dst(%dma_wait3A_271 : memref<80x128xf32, #tpu.memory_space<vmem>>)
      tpu.yield
    }) : () -> ()
    %barrier3A = arith.constant 0 : index
    tpu.barrier barrier_id(%barrier3A)
    %run_scoped3A_237 = arith.constant 0 : i32
    %run_scoped3A_238 = arith.constant 0 : i32
    "tpu.region"() ({
      %run_scoped3A_249 = tpu.sem_alloc : memref<!tpu.dma_semaphore, #tpu.memory_space<semaphore_mem>>
      %dma_start3A_250 = arith.constant 0 : i32
      %dma_start3A_251 = arith.constant 0 : i32
      %dma_start3A_252 = tpu.memref_slice %arg8[%run_scoped3A_237, %dma_start3A_250, %dma_start3A_251] : memref<2x80x128xf32, #tpu.memory_space<vmem>> -> memref<1x80x128xf32, #tpu.memory_space<vmem>>
      %dma_start3A_253 = tpu.memref_squeeze %dma_start3A_252 : memref<1x80x128xf32, #tpu.memory_space<vmem>> -> memref<80x128xf32, #tpu.memory_space<vmem>>
      %dma_start3A_254 = arith.constant 0 : i32
      %dma_start3A_255 = tpu.memref_slice %arg7[%run_scoped3A_238, %dma_start3A_254] : memref<2x80xi32, #tpu.memory_space<vmem>> -> memref<1x80xi32, #tpu.memory_space<vmem>>
      %dma_start3A_256 = tpu.memref_squeeze %dma_start3A_255 : memref<1x80xi32, #tpu.memory_space<vmem>> -> memref<80xi32, #tpu.memory_space<vmem>>
      %dma_start3A_257 = arith.constant 0 : i32
      %dma_start3A_258 = arith.constant 0 : i32
      %dma_start3A_259 = tpu.memref_slice %arg6[%dma_start3A_257, %dma_start3A_258] : memref<5136x128xf32, #tpu.memory_space<vmem_shared>> -> memref<5136x128xf32, #tpu.memory_space<vmem_shared>>
      tpu.enqueue_indirect_dma source(%dma_start3A_253 : memref<80x128xf32, #tpu.memory_space<vmem>>) target(%dma_start3A_259 : memref<5136x128xf32, #tpu.memory_space<vmem_shared>>) offsets(%dma_start3A_256 : memref<80xi32, #tpu.memory_space<vmem>>) semaphore(%run_scoped3A_249 : memref<!tpu.dma_semaphore, #tpu.memory_space<semaphore_mem>>) {add = true}
      %dma_wait3A_260 = arith.constant 0 : i32
      %dma_wait3A_261 = arith.constant 0 : i32
      %dma_wait3A_262 = tpu.memref_slice %arg8[%run_scoped3A_237, %dma_wait3A_260, %dma_wait3A_261] : memref<2x80x128xf32, #tpu.memory_space<vmem>> -> memref<1x80x128xf32, #tpu.memory_space<vmem>>
      %dma_wait3A_263 = tpu.memref_squeeze %dma_wait3A_262 : memref<1x80x128xf32, #tpu.memory_space<vmem>> -> memref<80x128xf32, #tpu.memory_space<vmem>>
      %dma_wait3A_264 = arith.constant 0 : i32
      %dma_wait3A_265 = tpu.memref_slice %arg7[%run_scoped3A_238, %dma_wait3A_264] : memref<2x80xi32, #tpu.memory_space<vmem>> -> memref<1x80xi32, #tpu.memory_space<vmem>>
      %dma_wait3A_266 = tpu.memref_squeeze %dma_wait3A_265 : memref<1x80xi32, #tpu.memory_space<vmem>> -> memref<80xi32, #tpu.memory_space<vmem>>
      %dma_wait3A_267 = arith.constant 0 : i32
      %dma_wait3A_268 = arith.constant 0 : i32
      %dma_wait3A_269 = tpu.memref_slice %arg6[%dma_wait3A_267, %dma_wait3A_268] : memref<5136x128xf32, #tpu.memory_space<vmem_shared>> -> memref<5136x128xf32, #tpu.memory_space<vmem_shared>>
      tpu.wait_indirect_dma semaphore(%run_scoped3A_249 : memref<!tpu.dma_semaphore, #tpu.memory_space<semaphore_mem>>) src(%dma_wait3A_263 : memref<80x128xf32, #tpu.memory_space<vmem>>) dst(%dma_wait3A_269 : memref<5136x128xf32, #tpu.memory_space<vmem_shared>>)
      tpu.yield
    }) : () -> ()
    %run_scoped3A_239 = arith.constant 1 : i32
    %run_scoped3A_240 = arith.constant 1 : i32
    "tpu.region"() ({
      %run_scoped3A_249 = tpu.sem_alloc : memref<!tpu.dma_semaphore, #tpu.memory_space<semaphore_mem>>
      %dma_start3A_250 = arith.constant 0 : i32
      %dma_start3A_251 = arith.constant 0 : i32
      %dma_start3A_252 = tpu.memref_slice %arg8[%run_scoped3A_239, %dma_start3A_250, %dma_start3A_251] : memref<2x80x128xf32, #tpu.memory_space<vmem>> -> memref<1x80x128xf32, #tpu.memory_space<vmem>>
      %dma_start3A_253 = tpu.memref_squeeze %dma_start3A_252 : memref<1x80x128xf32, #tpu.memory_space<vmem>> -> memref<80x128xf32, #tpu.memory_space<vmem>>
      %dma_start3A_254 = arith.constant 0 : i32
      %dma_start3A_255 = tpu.memref_slice %arg7[%run_scoped3A_240, %dma_start3A_254] : memref<2x80xi32, #tpu.memory_space<vmem>> -> memref<1x80xi32, #tpu.memory_space<vmem>>
      %dma_start3A_256 = tpu.memref_squeeze %dma_start3A_255 : memref<1x80xi32, #tpu.memory_space<vmem>> -> memref<80xi32, #tpu.memory_space<vmem>>
      %dma_start3A_257 = arith.constant 0 : i32
      %dma_start3A_258 = arith.constant 0 : i32
      %dma_start3A_259 = tpu.memref_slice %arg6[%dma_start3A_257, %dma_start3A_258] : memref<5136x128xf32, #tpu.memory_space<vmem_shared>> -> memref<5136x128xf32, #tpu.memory_space<vmem_shared>>
      tpu.enqueue_indirect_dma source(%dma_start3A_253 : memref<80x128xf32, #tpu.memory_space<vmem>>) target(%dma_start3A_259 : memref<5136x128xf32, #tpu.memory_space<vmem_shared>>) offsets(%dma_start3A_256 : memref<80xi32, #tpu.memory_space<vmem>>) semaphore(%run_scoped3A_249 : memref<!tpu.dma_semaphore, #tpu.memory_space<semaphore_mem>>) {add = true}
      %dma_wait3A_260 = arith.constant 0 : i32
      %dma_wait3A_261 = arith.constant 0 : i32
      %dma_wait3A_262 = tpu.memref_slice %arg8[%run_scoped3A_239, %dma_wait3A_260, %dma_wait3A_261] : memref<2x80x128xf32, #tpu.memory_space<vmem>> -> memref<1x80x128xf32, #tpu.memory_space<vmem>>
      %dma_wait3A_263 = tpu.memref_squeeze %dma_wait3A_262 : memref<1x80x128xf32, #tpu.memory_space<vmem>> -> memref<80x128xf32, #tpu.memory_space<vmem>>
      %dma_wait3A_264 = arith.constant 0 : i32
      %dma_wait3A_265 = tpu.memref_slice %arg7[%run_scoped3A_240, %dma_wait3A_264] : memref<2x80xi32, #tpu.memory_space<vmem>> -> memref<1x80xi32, #tpu.memory_space<vmem>>
      %dma_wait3A_266 = tpu.memref_squeeze %dma_wait3A_265 : memref<1x80xi32, #tpu.memory_space<vmem>> -> memref<80xi32, #tpu.memory_space<vmem>>
      %dma_wait3A_267 = arith.constant 0 : i32
      %dma_wait3A_268 = arith.constant 0 : i32
      %dma_wait3A_269 = tpu.memref_slice %arg6[%dma_wait3A_267, %dma_wait3A_268] : memref<5136x128xf32, #tpu.memory_space<vmem_shared>> -> memref<5136x128xf32, #tpu.memory_space<vmem_shared>>
      tpu.wait_indirect_dma semaphore(%run_scoped3A_249 : memref<!tpu.dma_semaphore, #tpu.memory_space<semaphore_mem>>) src(%dma_wait3A_263 : memref<80x128xf32, #tpu.memory_space<vmem>>) dst(%dma_wait3A_269 : memref<5136x128xf32, #tpu.memory_space<vmem_shared>>)
      tpu.yield
    }) : () -> ()
    %barrier3A_241 = arith.constant 0 : index
    tpu.barrier barrier_id(%barrier3A_241)
    %add3A_242 = arith.addi %mul3A_0, %mul3A_2 : i32
    %dma_start3A = arith.constant 0 : i32
    %dma_start3A_243 = tpu.memref_slice %arg5[%add3A_242, %dma_start3A] : memref<10240x128xf32, #tpu.memory_space<hbm>> -> memref<320x128xf32, #tpu.memory_space<hbm>>
    %dma_start3A_244 = arith.constant 0 : i32
    %dma_start3A_245 = tpu.memref_slice %arg6[%mul3A_2, %dma_start3A_244] : memref<5136x128xf32, #tpu.memory_space<vmem_shared>> -> memref<320x128xf32, #tpu.memory_space<vmem_shared>>
    tpu.enqueue_dma source(%dma_start3A_245 : memref<320x128xf32, #tpu.memory_space<vmem_shared>>) target(%dma_start3A_243 : memref<320x128xf32, #tpu.memory_space<hbm>>) target_semaphore(%arg9 : memref<!tpu.dma_semaphore, #tpu.memory_space<semaphore_mem>>)
    %dma_wait3A = arith.constant 0 : i32
    %dma_wait3A_246 = tpu.memref_slice %arg5[%add3A_242, %dma_wait3A] : memref<10240x128xf32, #tpu.memory_space<hbm>> -> memref<320x128xf32, #tpu.memory_space<hbm>>
    %dma_wait3A_247 = arith.constant 0 : i32
    %dma_wait3A_248 = tpu.memref_slice %arg6[%mul3A_2, %dma_wait3A_247] : memref<5136x128xf32, #tpu.memory_space<vmem_shared>> -> memref<320x128xf32, #tpu.memory_space<vmem_shared>>
    tpu.wait_dma2 semaphore(%arg9 : memref<!tpu.dma_semaphore, #tpu.memory_space<semaphore_mem>>) src(%dma_wait3A_248 : memref<320x128xf32, #tpu.memory_space<vmem_shared>>) dst(%dma_wait3A_246 : memref<320x128xf32, #tpu.memory_space<hbm>>)
    return
  }
}

module attributes {stable_mosaic.version = 14 : i64} {
  func.func @body(%arg0: memref<2560x128xf32, #tpu.memory_space<vmem>>, %arg1: memref<16x2560xf32, #tpu.memory_space<vmem>>, %arg2: memref<10000x128xf32, #tpu.memory_space<vmem>>, %arg3: memref<128x128xf32, #tpu.memory_space<vmem>>, %arg4: memref<16x128xf32, #tpu.memory_space<vmem>>, %arg5: memref<128x128xf32, #tpu.memory_space<vmem>>, %arg6: memref<1x128xf32, #tpu.memory_space<vmem>>, %arg7: memref<2560x128xf32, #tpu.memory_space<vmem>>, %arg8: memref<10240x128xf32, #tpu.memory_space<vmem>>) attributes {dimension_semantics = [], scalar_prefetch = 0 : i64, scratch_operands = 0 : i64, tpu.core_type = #tpu.core_type<tc>} {
    %get3A = arith.constant 0 : index
    %get3A_0 = arith.constant 0 : index
    %get3A_1 = vector.load %arg0[%get3A, %get3A_0] : memref<2560x128xf32, #tpu.memory_space<vmem>>, vector<2560x128xf32>
    %get3A_2 = arith.constant 0 : index
    %get3A_3 = arith.constant 0 : index
    %get3A_4 = vector.load %arg2[%get3A_2, %get3A_3] : memref<10000x128xf32, #tpu.memory_space<vmem>>, vector<10000x128xf32>
    %get3A_5 = arith.constant 0 : index
    %get3A_6 = arith.constant 0 : index
    %get3A_7 = vector.load %arg1[%get3A_5, %get3A_6] : memref<16x2560xf32, #tpu.memory_space<vmem>>, vector<16x2560xf32>
    %get3A_8 = arith.constant 0 : index
    %get3A_9 = arith.constant 0 : index
    %get3A_10 = vector.load %arg4[%get3A_8, %get3A_9] : memref<16x128xf32, #tpu.memory_space<vmem>>, vector<16x128xf32>
    %dot_general3A = arith.constant dense<0.000000e+00> : vector<2560x128xf32>
    %dot_general3A_11 = tpu.matmul %get3A_7, %get3A_10, %dot_general3A {dimension_numbers = #tpu.dot_dimension_numbers<[0], [0], [1], [1], [0, 1, 1, 1], [], []>, transpose_lhs_hint = false} : vector<16x2560xf32>, vector<16x128xf32>, vector<2560x128xf32> -> vector<2560x128xf32>
    %get3A_12 = arith.constant 0 : index
    %get3A_13 = arith.constant 0 : index
    %get3A_14 = vector.load %arg3[%get3A_12, %get3A_13] : memref<128x128xf32, #tpu.memory_space<vmem>>, vector<128x128xf32>
    %dot_general3A_15 = arith.constant dense<0.000000e+00> : vector<2560x128xf32>
    %dot_general3A_16 = tpu.matmul %get3A_1, %get3A_14, %dot_general3A_15 {dimension_numbers = #tpu.dot_dimension_numbers<[1], [0], [0], [1], [0, 0, 1, 1], [], []>, transpose_lhs_hint = false} : vector<2560x128xf32>, vector<128x128xf32>, vector<2560x128xf32> -> vector<2560x128xf32>
    %add3A = arith.addf %dot_general3A_16, %dot_general3A_11 : vector<2560x128xf32>
    %swap3A = arith.constant 0 : index
    %swap3A_17 = arith.constant 0 : index
    %swap3A_18 = vector.load %arg7[%swap3A, %swap3A_17] : memref<2560x128xf32, #tpu.memory_space<vmem>>, vector<2560x128xf32>
    tpu.vector_store %arg7[%swap3A, %swap3A_17], %add3A {strides = array<i32>} : memref<2560x128xf32, #tpu.memory_space<vmem>>, vector<2560x128xf32>,
    %get3A_19 = arith.constant 0 : index
    %get3A_20 = arith.constant 0 : index
    %get3A_21 = vector.load %arg5[%get3A_19, %get3A_20] : memref<128x128xf32, #tpu.memory_space<vmem>>, vector<128x128xf32>
    %dot_general3A_22 = arith.constant dense<0.000000e+00> : vector<10000x128xf32>
    %dot_general3A_23 = tpu.matmul %get3A_4, %get3A_21, %dot_general3A_22 {dimension_numbers = #tpu.dot_dimension_numbers<[1], [0], [0], [1], [0, 0, 1, 1], [], []>, transpose_lhs_hint = false} : vector<10000x128xf32>, vector<128x128xf32>, vector<10000x128xf32> -> vector<10000x128xf32>
    %get3A_24 = arith.constant 0 : index
    %get3A_25 = arith.constant 0 : index
    %get3A_26 = vector.load %arg6[%get3A_24, %get3A_25] : memref<1x128xf32, #tpu.memory_space<vmem>>, vector<1x128xf32>
    %add3A_27 = vector.broadcast %get3A_26 : vector<1x128xf32> to vector<10000x128xf32>
    %add3A_28 = arith.addf %dot_general3A_23, %add3A_27 : vector<10000x128xf32>
    %swap3A_29 = arith.constant 0 : index
    %swap3A_30 = arith.constant 0 : index
    %swap3A_31 = vector.load %arg8[%swap3A_29, %swap3A_30] : memref<10240x128xf32, #tpu.memory_space<vmem>>, vector<10000x128xf32>
    tpu.vector_store %arg8[%swap3A_29, %swap3A_30], %add3A_28 {strides = array<i32>} : memref<10240x128xf32, #tpu.memory_space<vmem>>, vector<10000x128xf32>,
    %broadcast_in_dim3A = arith.constant 0.000000e+00 : f32
    %broadcast_in_dim3A_32 = vector.broadcast %broadcast_in_dim3A : f32 to vector<240x128xf32>
    %swap3A_33 = arith.constant 10000 : index
    %swap3A_34 = arith.constant 0 : index
    %swap3A_35 = vector.load %arg8[%swap3A_33, %swap3A_34] : memref<10240x128xf32, #tpu.memory_space<vmem>>, vector<240x128xf32>
    tpu.vector_store %arg8[%swap3A_33, %swap3A_34], %broadcast_in_dim3A_32 {strides = array<i32>} : memref<10240x128xf32, #tpu.memory_space<vmem>>, vector<240x128xf32>,
    return
  }
}

module attributes {stable_mosaic.version = 14 : i64} {
  func.func @body(%arg0: memref<2560x128xf32, #tpu.memory_space<vmem>>, %arg1: memref<2560x128xf32, #tpu.memory_space<vmem>>, %arg2: memref<16x2560xf32, #tpu.memory_space<vmem>>, %arg3: memref<10240x128xf32, #tpu.memory_space<vmem>>, %arg4: memref<128x128xf32, #tpu.memory_space<vmem>>, %arg5: memref<16x128xf32, #tpu.memory_space<vmem>>, %arg6: memref<128x128xf32, #tpu.memory_space<vmem>>, %arg7: memref<1x128xf32, #tpu.memory_space<vmem>>, %arg8: memref<2560x128xf32, #tpu.memory_space<vmem>>, %arg9: memref<10240x128xf32, #tpu.memory_space<vmem>>) attributes {dimension_semantics = [], scalar_prefetch = 0 : i64, scratch_operands = 0 : i64, tpu.core_type = #tpu.core_type<tc>} {
    %get3A = arith.constant 0 : index
    %get3A_0 = arith.constant 0 : index
    %get3A_1 = vector.load %arg0[%get3A, %get3A_0] : memref<2560x128xf32, #tpu.memory_space<vmem>>, vector<2560x128xf32>
    %get3A_2 = arith.constant 0 : index
    %get3A_3 = arith.constant 0 : index
    %get3A_4 = vector.load %arg1[%get3A_2, %get3A_3] : memref<2560x128xf32, #tpu.memory_space<vmem>>, vector<2560x128xf32>
    %add3A = arith.addf %get3A_1, %get3A_4 : vector<2560x128xf32>
    %get3A_5 = arith.constant 0 : index
    %get3A_6 = arith.constant 0 : index
    %get3A_7 = vector.load %arg3[%get3A_5, %get3A_6] : memref<10240x128xf32, #tpu.memory_space<vmem>>, vector<10240x128xf32>
    %max3A = arith.constant 0.000000e+00 : f32
    %max3A_8 = vector.broadcast %max3A : f32 to vector<2560x128xf32>
    %max3A_9 = arith.maximumf %add3A, %max3A_8 : vector<2560x128xf32>
    %max3A_10 = arith.constant 0.000000e+00 : f32
    %max3A_11 = vector.broadcast %max3A_10 : f32 to vector<10240x128xf32>
    %max3A_12 = arith.maximumf %get3A_7, %max3A_11 : vector<10240x128xf32>
    %get3A_13 = arith.constant 0 : index
    %get3A_14 = arith.constant 0 : index
    %get3A_15 = vector.load %arg2[%get3A_13, %get3A_14] : memref<16x2560xf32, #tpu.memory_space<vmem>>, vector<16x2560xf32>
    %get3A_16 = arith.constant 0 : index
    %get3A_17 = arith.constant 0 : index
    %get3A_18 = vector.load %arg5[%get3A_16, %get3A_17] : memref<16x128xf32, #tpu.memory_space<vmem>>, vector<16x128xf32>
    %dot_general3A = arith.constant dense<0.000000e+00> : vector<2560x128xf32>
    %dot_general3A_19 = tpu.matmul %get3A_15, %get3A_18, %dot_general3A {dimension_numbers = #tpu.dot_dimension_numbers<[0], [0], [1], [1], [0, 1, 1, 1], [], []>, transpose_lhs_hint = false} : vector<16x2560xf32>, vector<16x128xf32>, vector<2560x128xf32> -> vector<2560x128xf32>
    %get3A_20 = arith.constant 0 : index
    %get3A_21 = arith.constant 0 : index
    %get3A_22 = vector.load %arg4[%get3A_20, %get3A_21] : memref<128x128xf32, #tpu.memory_space<vmem>>, vector<128x128xf32>
    %dot_general3A_23 = arith.constant dense<0.000000e+00> : vector<2560x128xf32>
    %dot_general3A_24 = tpu.matmul %max3A_9, %get3A_22, %dot_general3A_23 {dimension_numbers = #tpu.dot_dimension_numbers<[1], [0], [0], [1], [0, 0, 1, 1], [], []>, transpose_lhs_hint = false} : vector<2560x128xf32>, vector<128x128xf32>, vector<2560x128xf32> -> vector<2560x128xf32>
    %add3A_25 = arith.addf %dot_general3A_24, %dot_general3A_19 : vector<2560x128xf32>
    %swap3A = arith.constant 0 : index
    %swap3A_26 = arith.constant 0 : index
    %swap3A_27 = vector.load %arg8[%swap3A, %swap3A_26] : memref<2560x128xf32, #tpu.memory_space<vmem>>, vector<2560x128xf32>
    tpu.vector_store %arg8[%swap3A, %swap3A_26], %add3A_25 {strides = array<i32>} : memref<2560x128xf32, #tpu.memory_space<vmem>>, vector<2560x128xf32>,
    %get3A_28 = arith.constant 0 : index
    %get3A_29 = arith.constant 0 : index
    %get3A_30 = vector.load %arg6[%get3A_28, %get3A_29] : memref<128x128xf32, #tpu.memory_space<vmem>>, vector<128x128xf32>
    %dot_general3A_31 = arith.constant dense<0.000000e+00> : vector<10240x128xf32>
    %dot_general3A_32 = tpu.matmul %max3A_12, %get3A_30, %dot_general3A_31 {dimension_numbers = #tpu.dot_dimension_numbers<[1], [0], [0], [1], [0, 0, 1, 1], [], []>, transpose_lhs_hint = false} : vector<10240x128xf32>, vector<128x128xf32>, vector<10240x128xf32> -> vector<10240x128xf32>
    %get3A_33 = arith.constant 0 : index
    %get3A_34 = arith.constant 0 : index
    %get3A_35 = vector.load %arg7[%get3A_33, %get3A_34] : memref<1x128xf32, #tpu.memory_space<vmem>>, vector<1x128xf32>
    %add3A_36 = vector.broadcast %get3A_35 : vector<1x128xf32> to vector<10240x128xf32>
    %add3A_37 = arith.addf %dot_general3A_32, %add3A_36 : vector<10240x128xf32>
    %swap3A_38 = arith.constant 0 : index
    %swap3A_39 = arith.constant 0 : index
    %swap3A_40 = vector.load %arg9[%swap3A_38, %swap3A_39] : memref<10240x128xf32, #tpu.memory_space<vmem>>, vector<10240x128xf32>
    tpu.vector_store %arg9[%swap3A_38, %swap3A_39], %add3A_37 {strides = array<i32>} : memref<10240x128xf32, #tpu.memory_space<vmem>>, vector<10240x128xf32>,
    return
  }
}

module attributes {stable_mosaic.version = 14 : i64} {
  func.func @body(%arg0: memref<10240x128xf32, #tpu.memory_space<vmem>>, %arg1: memref<10000x128xf32, #tpu.memory_space<vmem>>) attributes {dimension_semantics = [], scalar_prefetch = 0 : i64, scratch_operands = 0 : i64, tpu.core_type = #tpu.core_type<tc>} {
    %get3A = arith.constant 0 : index
    %get3A_0 = arith.constant 0 : index
    %get3A_1 = vector.load %arg0[%get3A, %get3A_0] : memref<10240x128xf32, #tpu.memory_space<vmem>>, vector<10000x128xf32>
    %max3A = arith.constant 0.000000e+00 : f32
    %max3A_2 = vector.broadcast %max3A : f32 to vector<10000x128xf32>
    %max3A_3 = arith.maximumf %get3A_1, %max3A_2 : vector<10000x128xf32>
    %swap3A = arith.constant 0 : index
    %swap3A_4 = arith.constant 0 : index
    %swap3A_5 = vector.load %arg1[%swap3A, %swap3A_4] : memref<10000x128xf32, #tpu.memory_space<vmem>>, vector<10000x128xf32>
    tpu.vector_store %arg1[%swap3A, %swap3A_4], %max3A_3 {strides = array<i32>} : memref<10000x128xf32, #tpu.memory_space<vmem>>, vector<10000x128xf32>,
    return
  }
}

</mosaic_0001>

<sc_bundles>
// kernel: kernel.12.cloned.1.call-start
scs
__scs_entry_jumppad:
0x0: {  	(pc) =	sbr.rel $0x88, $3  }
0x1: {  	(tag) =	ssettag $0x0;
	lr =	simm.s32 $0x1  }
0x2: {  	[smem:$0x3F9A] =	sst lr;
	_ =	strace $0xD0000000  }
0x3: {  	_ = 	snop  }
0x4: {  	_ = 	snop  }
0x5: {  	_ = 	snop  }
0x6: {  	_ = 	snop  }
0x7: {  	_ = 	snop  }
__scs_overlays_trampoline_lowered:
0x8: {  	[smem:$0x3FA9] =	sst s0  }
0x9: {  	[smem:$0x3FAA] =	sst s1  }
0xa: {  	[smem:$0x3FAB] =	sst s2  }
0xb: {  	[smem:$0x3FAC] =	sst s3  }
0xc: {  	[smem:$0x3FAD] =	sst s4  }
0xd: {  	[smem:$0x3FAE] =	sst s5  }
0xe: {  	[smem:$0x3FAF] =	sst s6  }
0xf: {  	[smem:$0x3FB0] =	sst s7  }
0x10: {  	[smem:$0x3FB1] =	sst s8  }
0x11: {  	[smem:$0x3FB2] =	sst s9;
	s0 =	simm.s32 @!p0 $0x0  }
0x12: {  	s1 =	sld [smem:$0x3F98];
	s0 =	simm.s32 @p0 $0x1  }
0x13: {  	[smem:$0x3FB3] =	sst s0;
	s0 =	simm.s32 @!p1 $0x0  }
0x14: {  	s2 =	sld [smem:$0x3F97];
	s0 =	simm.s32 @p1 $0x1  }
0x15: {  	[smem:$0x3FB4] =	sst s0;
	s0 =	simm.s32 @!p2 $0x0  }
0x16: {  	s3 =	sld [smem:$0x3FDB];
	s0 =	simm.s32 @p2 $0x1  }
0x17: {  	s4 =	simm.s32 $0x1BF5;
	[smem:$0x3FB6] =	sst s0  }
0x18: {  	s0 =	sld [smem:$0x3F99];
	_ =	swait.ge [sflag:s4], $0x0  }
0x19: {  	s7 =	sld [smem:$0x3F9A]  }
0x1a: {  	s8 =	sadd.s32 $0xFFFFE003, lr  }
0x1b: {  	s9 =	sadd.s32 $0xFFFFFEF7, lr;
	s5 =	simm.s32 $0xFFFFFFFF;
	p2 =	slt.u32 s8, $0xFFFFF086  }
0x1c: {  	p1 =	slt.u32 s9, $0xF7A;
	s5 =	simm.s32 @!p2 $0x0  }
0x1d: {  	s5 =	simm.s32 @p1 $0x1;
	p0 =	seq.s32 s7, s2  }
0x1e: {  	s7 =	smul.u32 @!p0 $0xF7A, s2;
	p2 =	seq.s32 @!p0 s5, $0x0  }
0x1f: {  	s9 =	smul.u32 $0xF7A, s1;
	s8 =	simm.s32 @!p0 $0x1BF5;
	p2 =	por !p2, p0  }
0x20: {  	[sflag:s8] =	ssyncset.s32 @!p0 $0xFFFFF086;
	s6 =	sadd.s32 @!p0 s3, s7;
	s7 =	simm.s32 @!p0 $0x108  }
0x21: {  	s3 =	sadd.s32 s3, s9;
	s6 =	sadd.s32 @!p0 $0x88, s6;
	s7 =	simm.s32 @p2 $0x1082  }
0x22: {  	[simem:s7], [sflag:s8] =	dma.local @!p0 [hbm:s6], $0xF7A  }
0x23: {  	s9 =	sor.u32 $0xD0000000, s2;
	s6 =	simm.s32 $0x108;
	_ =	swait.ge @!p0 [sflag:s8], $0x0  }
0x24: {  	s3 =	sadd.s32 $0x88, s3;
	s6 =	simm.s32 @!p1 $0x1082;
	[sflag:s4] =	ssyncset.s32 $0xFFFFF086  }
0x25: {  	[simem:s6], [sflag:s4] =	dma.local [hbm:s3], $0xF7A  }
0x26: {  	[smem:$0x3F9A] =	sst s1;
	(tag) =	ssettag s2;
	_ =	strace s9  }
0x27: {  	s1 =	sld [smem:$0x3FAA]  }
0x28: {  	s2 =	sld [smem:$0x3FAB]  }
0x29: {  	s4 =	sld [smem:$0x3FAD]  }
0x2a: {  	p0 =	seq.s32 s5, $0x0;
	s5 =	sld [smem:$0x3FAE]  }
0x2b: {  	s6 =	sld [smem:$0x3FAF]  }
0x2c: {  	s7 =	sld [smem:$0x3FB0]  }
0x2d: {  	s3 =	simm.s32 $0x108;
	s8 =	sld [smem:$0x3FB1]  }
0x2e: {  	s3 =	simm.s32 @!p0 $0x1082;
	s9 =	sld [smem:$0x3FB2]  }
0x2f: {  	lr =	sadd.s32 s0, s3;
	s0 =	sld [smem:$0x3FA9]  }
0x30: {  	s3 =	sld [smem:$0x3FAC]  }
0x31: {  	[smem:$0x3FB5] =	sst s10  }
0x32: {  	s10 =	sld [smem:$0x3FB3];
	_ =	sdelay $0x3  }
0x33: {  	p0 =	seq.s32 s10, $0x1;
	s10 =	sld [smem:$0x3FB5];
	_ =	sdelay $0x3  }
0x34: {  	[smem:$0x3FB5] =	sst s10  }
0x35: {  	s10 =	sld [smem:$0x3FB4];
	_ =	sdelay $0x3  }
0x36: {  	p1 =	seq.s32 s10, $0x1;
	s10 =	sld [smem:$0x3FB5];
	_ =	sdelay $0x3  }
0x37: {  	[smem:$0x3FB5] =	sst s10  }
0x38: {  	s10 =	sld [smem:$0x3FB6]  }
0x39: {  	_ = 	snop;
	(pc) =	sbr.ind lr, $3  }
0x3a: {  	_ = 	snop  }
0x3b: {  	_ = 	snop  }
0x3c: {  	p2 =	seq.s32 s10, $0x1;
	s10 =	sld [smem:$0x3FB5]  }
0x3d: {  	_ =	shalt  }
0x3e: {  	_ =	shalt  }
0x3f: {  	_ =	shalt  }
0x40: {  	_ =	shalt  }
0x41: {  	_ =	shalt  }
0x42: {  	_ =	shalt  }
0x43: {  	_ =	shalt  }
0x44: {  	_ =	shalt  }
0x45: {  	_ =	shalt  }
0x46: {  	_ =	shalt  }
0x47: {  	_ =	shalt  }
0x48: {  	_ =	shalt  }
0x49: {  	_ =	shalt  }
0x4a: {  	_ =	shalt  }
0x4b: {  	_ =	shalt  }
0x4c: {  	_ =	shalt  }
0x4d: {  	_ =	shalt  }
0x4e: {  	_ =	shalt  }
0x4f: {  	_ =	shalt  }
0x50: {  	_ =	shalt  }
0x51: {  	_ =	shalt  }
0x52: {  	_ =	shalt  }
0x53: {  	_ =	shalt  }
0x54: {  	_ =	shalt  }
0x55: {  	_ =	shalt  }
0x56: {  	_ =	shalt  }
0x57: {  	_ =	shalt  }
0x58: {  	_ =	shalt  }
0x59: {  	_ =	shalt  }
0x5a: {  	_ =	shalt  }
0x5b: {  	_ =	shalt  }
0x5c: {  	_ =	shalt  }
0x5d: {  	_ =	shalt  }
0x5e: {  	_ =	shalt  }
0x5f: {  	_ =	shalt  }
0x60: {  	_ =	shalt  }
0x61: {  	_ =	shalt  }
0x62: {  	_ =	shalt  }
0x63: {  	_ =	shalt  }
0x64: {  	_ =	shalt  }
0x65: {  	_ =	shalt  }
0x66: {  	_ =	shalt  }
0x67: {  	_ =	shalt  }
0x68: {  	_ =	shalt  }
0x69: {  	_ =	shalt  }
0x6a: {  	_ =	shalt  }
0x6b: {  	_ =	shalt  }
0x6c: {  	_ =	shalt  }
0x6d: {  	_ =	shalt  }
0x6e: {  	_ =	shalt  }
0x6f: {  	_ =	shalt  }
0x70: {  	_ =	shalt  }
0x71: {  	_ =	shalt  }
0x72: {  	_ =	shalt  }
0x73: {  	_ =	shalt  }
0x74: {  	_ =	shalt  }
0x75: {  	_ =	shalt  }
0x76: {  	_ =	shalt  }
0x77: {  	_ =	shalt  }
0x78: {  	_ =	shalt  }
0x79: {  	_ =	shalt  }
0x7a: {  	_ =	shalt  }
0x7b: {  	_ =	shalt  }
0x7c: {  	_ =	shalt  }
0x7d: {  	_ =	shalt  }
0x7e: {  	_ =	shalt  }
0x7f: {  	_ =	shalt  }
0x80: {  	_ =	shalt  }
0x81: {  	_ =	shalt  }
0x82: {  	_ =	shalt  }
0x83: {  	_ =	shalt  }
0x84: {  	_ =	shalt  }
0x85: {  	_ =	shalt  }
0x86: {  	_ =	shalt  }
0x87: {  	_ =	shalt  }
.Lfunc_end0:
.L_simem_size_0:
called_computation_lowered:
.L_overlay_start_0:
0x88: {  	s2 =	sld [smem:$0x3FD9]  }
0x89: {  	s3 =	sld [smem:$0x3FFE];
	_ =	sdelay $0x1  }
0x8a: {  	s1 =	srdreg.scid  }
0x8b: {  	s0 =	sand.u32 $0x1, s1  }
0x8c: {  	s17 =	sshll.u32 s0, $0xA;
	s2 =	sadd.s32 s3, s2  }
0x8d: {  	s2 =	sadd.s32 s2, s17  }
0x8e: {  	[smem:$0x3FC1] =	sst s2  }
0x8f: {  	_ = 	snop  }
0x90: {  	s2 =	sld [smem:$0x3FC9]  }
0x91: {  	s18 =	sld [smem:$0x3FD0];
	(tm) =	ssettm $0x1  }
0x92: {  	s4 =	sld [smem:$0x3FFB];
	_ =	sdelay $0x3  }
0x93: {  	_ =	strace s4  }
0x94: {  	s4 =	sld [smem:$0x3FFC];
	_ =	sdelay $0x3  }
0x95: {  	_ =	strace s4  }
0x96: {  	s4 =	sld [smem:$0x3FFD];
	_ =	sdelay $0x3  }
0x97: {  	_ =	strace s4  }
0x98: {  	_ =	strace $0x8FFFFFFF  }
0x99: {  	s19 =	sld [smem:$0x3FDB];
	_ =	sdelay $0x1  }
0x9a: {  	s5 =	simm.s32 $_scs_section_size  }
0x9b: {  	s6 =	simm.s32 $_size__tile_overlayer_lowered;
	s7 =	simm.s32 $_tile_overlayer_lowered  }
0x9c: {  	s22 =	simm.s32 $0x1BFF;
	s21 =	sshll.u32 s7, $0x1;
	s4 =	sadd.s32 s5, s19  }
0x9d: {  	s8 =	simm.s32 $0x0;
	s20 =	sshll.u32 s6, $0x1;
	s6 =	sadd.s32 s21, s4  }
0x9e: {  	[timem:s8], [sflag:s22] =	dma.local [hbm:s6], s20  }
0x9f: {  	_ =	swait.ge [sflag:s22], s20  }
0xa0: {  	s5 =	ssub.s32 $0x0, s20;
	[sflag:s22] =	ssyncset.done $0x0  }
0xa1: {  	[sflag:s22] =	ssyncadd.s32 s5;
	_ =	sdelay $0x1  }
0xa2: {  	s23 =	simm.s32 $0x1B8B  }
0xa3: {  	_ =	swait.ge [sflag:s23], $0x1  }
0xa4: {  	[sflag:s23] =	ssyncset.done $0x0  }
0xa5: {  	s25 =	simm.s32 $0x1B8E;
	s24 =	sld [smem:$0x3FFE];
	[sflag:s23] =	ssyncadd.s32 $0xFFFFFFFF  }
0xa6: {  	s26 =	simm.s32 $execute0_lowered;
	[smem:$0x3FD2] =	sst s25  }
0xa7: {  	s6 =	sshll.u32 s26, $0x1;
	_ =	strace $0x80000046;
	[dreg:$0x1] =	wrdreg $0xFFFFFFFF  }
0xa8: {  	s28 =	simm.s32 $_size_execute0_lowered;
	s4 =	sadd.s32 s4, s6;
	[dreg:$0x0] =	wrdreg $0x0  }
0xa9: {  	s6 =	sshll.u32 s28, $0x1;
	[dreg:$0x2] =	wrdreg s4  }
0xaa: {  	[dreg:$0x3] =	wrdreg s6  }
0xab: {  	[dreg:$0x4] =	wrdreg $0xC0  }
0xac: {  	_ =	task [dreg:s8], $0x5FFFF  }
0xad: {  	[dreg:$0x1] =	wrdreg $0xFFFFFFFF  }
0xae: {  	[dreg:$0x0] =	wrdreg $0x60  }
0xaf: {  	[dreg:$0x2] =	wrdreg s2  }
0xb0: {  	[dreg:$0x3] =	wrdreg s24  }
0xb1: {  	[dreg:$0x4] =	wrdreg s18  }
0xb2: {  	[dreg:$0x5] =	wrdreg $0x9  }
0xb3: {  	_ =	task.clear_ibuf [dreg:s8], $0x6FFFF;
	_ =	strace $0x90000046  }
0xb4: {  	s29 =	simm.s32 $0x9;
	_ =	strace $0x80000048  }
0xb5: {  	_ =	swait.ge [sflag:s29], $0x1  }
0xb6: {  	[sflag:s29] =	ssyncadd.s32 $0xFFFFFFFF  }
0xb7: {  	_ =	strace $0x90000048  }
0xb8: {  	_ =	sfence  }
0xb9: {  	s30 =	sld [smem:$0x0];
	_ =	sdelay $0x2  }
0xba: {  	s31 =	sshll.u32 s1, $0xD;
	s1 =	sshrl.u32 s1, $0x2  }
0xbb: {  	s3 =	sand.u32 $0x4000, s31;
	s1 =	sadd.s32 s1, s30  }
0xbc: {  	s0 =	sor.u32 s3, s0;
	s1 =	sshll.u32 s1, $0x11  }
0xbd: {  	s0 =	sor.u32 s1, s0  }
0xbe: {  	s0 =	sadd.s32 $0x8F2B, s0  }
0xbf: {  	[sflag:s0] =	ssyncadd.remote.s32 $0x1  }
0xc0: {  	_ =	sfence.sel $0xFFFF  }
0xc1: {  	[dreg:$0x0] =	wrdreg $0xFFFFFFFF;
	(pc) =	sbr.abs _section_cstart, $3  }
0xc2: {  	[dreg:$0x1] =	wrdreg $0xFFFFFFFF  }
0xc3: {  	_ =	task.clear_ibuf [dreg:s8], $0x2FFFF;
	_ =	strace $0x9FFFFFFF  }
0xc4: {  	(tm) =	ssettm $0x7FFFFFFF  }
0xc5: {  	_ =	shalt  }
tec
execute0_lowered:
.L_overlay_start_1:
0x0: {  	(tag) =	ssettag $0x1  }
0x1: {  	s1 =	rddreg [dreg:$0x0]  }
0x2: {  	s2 =	srdreg.scid;
	s0 =	stileid.u32  }
0x3: {  	s4 =	rddreg [dreg:$0x1];
	s6 =	sand.u32 $0x1, s2;
	s30 =	sshll.u32 s0, $0x1  }
0x4: {  	s9 =	rddreg [dreg:$0x2];
	s3 =	simm.s32 $0x0;
	s10 =	sor.u32 s6, s30  }
0x5: {  	[smem:$0x7FF] =	sst s3;
	s5 =	sshll.u32 s10, $0x4  }
0x6: {  	s2 =	rddreg [dreg:$0x3];
	_ =	strace $0x80000047;
	s4 =	sadd.s32 s5, s4  }
0x7: {  	s11 =	ssub.s32 $0x2, s6;
	s5 =	sadd.s32 $0x3200, s4;
	s4 =	simm.s32 $0x2  }
0x8: {  	[tilespmem:s3], [sflag:$0x2] =	stream.linear.gather [hbm4b:s5+s3], $0x80, $0x38;
	[tilespmem:$0x2880] =	vst v63  }
0x9: {  	s7 =	simm.s32 $0x80;
	s12 =	sshrl.u32 s11, $0x1;
	_ =	swait.ge [sflag:s4], $0x80  }
0xa: {  	s8 =	simm.s32 $0x1;
	s11 =	ssub.s32 s11, s12;
	[sflag:s4] =	ssyncset.done $0x0  }
0xb: {  	s6 =	simm.s32 $0x50;
	s31 =	smax.u32 s11, $0x1;
	[sflag:s4] =	ssyncadd.s32 $0xFFFFFF80  }
0xc: {  	[tilespmem:s7], [sflag:$0x1] =	stream.indirect.gather [hbm4b:s1+s6], $0x80, s3, s6, $0xb8;
	[tilespmem:$0x2880] =	vst v63  }
0xd: {  	s10 =	smul.u32 $0x500, s10;
	p0 =	sne.s32 s31, $0x1;
	_ =	swait.ge [sflag:s8], $0x2800  }
.Ltmp0:
0xe: {  	[sflag:s8] =	ssyncset.done $0x0;
	(pc) =	sbr.rel @!p0 .LBB2_2-.Ltmp0, $4  }
0xf: {  	s9 =	sadd.s32 s9, s10;
	[sflag:s8] =	ssyncadd.s32 $0xFFFFD800  }
0x10: {  	[hbm4b:s9+s3] =	stream.linear.scatter [tilespmem:s7], [sflag:$0x2], $0x2800, $0x38;
	[tilespmem:$0x2880] =	vst v63  }
0x11: {  	_ =	swait.ge [sflag:s4], $0x2800  }
0x12: {  	s10 =	sadd.s32 $0xFFFFFFFF, s31;
	[sflag:s4] =	ssyncset.done $0x0  }
.LBB2_1:
0x13: {  	p0 =	sne.s32 s10, $0x1;
	s10 =	sadd.s32 $0xFFFFFFFF, s10;
	[sflag:s4] =	ssyncadd.s32 $0xFFFFD800  }
0x14: {  	[tilespmem:s3], [sflag:$0x2] =	stream.linear.gather [hbm4b:s5+s3], $0x80, $0x38;
	[tilespmem:$0x2880] =	vst v63  }
0x15: {  	_ =	swait.ge [sflag:s4], $0x80  }
0x16: {  	[sflag:s4] =	ssyncset.done $0x0  }
0x17: {  	[sflag:s4] =	ssyncadd.s32 $0xFFFFFF80  }
0x18: {  	[tilespmem:s7], [sflag:$0x1] =	stream.indirect.gather [hbm4b:s1+s6], $0x80, s3, s6, $0xb8;
	[tilespmem:$0x2880] =	vst v63  }
0x19: {  	_ =	swait.ge [sflag:s8], $0x2800  }
.Ltmp1:
0x1a: {  	[sflag:s8] =	ssyncset.done $0x0;
	(pc) =	sbr.rel @p0 .LBB2_1-.Ltmp1, $4  }
0x1b: {  	[sflag:s8] =	ssyncadd.s32 $0xFFFFD800  }
0x1c: {  	[hbm4b:s9+s3] =	stream.linear.scatter [tilespmem:s7], [sflag:$0x2], $0x2800, $0x38;
	[tilespmem:$0x2880] =	vst v63  }
0x1d: {  	_ =	swait.ge [sflag:s4], $0x2800  }
0x1e: {  	[sflag:s4] =	ssyncset.done $0x0  }
.LBB2_2:
0x1f: {  	[sflag:s4] =	ssyncadd.s32 $0xFFFFD800  }
0x20: {  	_ =	sfence.sel $0x180000  }
0x21: {  	[bflag:$0x0] =	sbarrier.arrive $0xFFFF  }
0x22: {  	p0 =	sne.s32 s0, $0x0;
	_ =	strace $0x90000047  }
0x23: {  	s0 =	sadd.s32 @!p0 $0x100000, s2;
	[bflag:$0x2] =	sbarrier.arrive $0xFFFF  }
0x24: {  	[sflag:s0] =	ssyncadd.tile.s32 @!p0 $0x1;
	_ =	shalt  }
.Lfunc_end2:
_tile_overlayer_lowered:
.L_overlay_start_2:
0x25: {  	(tag) =	ssettag $0x2  }
0x26: {  	s0 =	rddreg [dreg:$0x0];
	s2 =	stileid.u32  }
0x27: {  	s1 =	rddreg [dreg:$0x1];
	p0 =	sne.s32 s2, $0x0  }
0x28: {  	s3 =	rddreg [dreg:$0x2];
	[bflag:$0x3] =	sbarrier.arrive $0xFFFF;
	s2 =	simm.s32 @!p0 $0x1C02  }
0x29: {  	[timem:s3], [sflag:s2] =	dma.local @!p0 [hbm:s0], s1  }
0x2a: {  	s0 =	simm.s32 @!p0 $0x2  }
0x2b: {  	_ =	swait.ge @!p0 [sflag:s0], s1  }
0x2c: {  	s1 =	ssub.s32 @!p0 $0x0, s1;
	[sflag:s0] =	ssyncset.done @!p0 $0x0  }
0x2d: {  	[sflag:s0] =	ssyncadd.s32 @!p0 s1  }
0x2e: {  	[bflag:$0x3] =	sbarrier.arrive $0xFFFF  }
0x2f: {  	_ =	shalt  }

// kernel: kernel.15.cloned.1.call-start
scs
__scs_entry_jumppad:
0x0: {  	(pc) =	sbr.rel $0x88, $3  }
0x1: {  	(tag) =	ssettag $0x0;
	lr =	simm.s32 $0x1  }
0x2: {  	[smem:$0x3F9A] =	sst lr;
	_ =	strace $0xD0000000  }
0x3: {  	_ = 	snop  }
0x4: {  	_ = 	snop  }
0x5: {  	_ = 	snop  }
0x6: {  	_ = 	snop  }
0x7: {  	_ = 	snop  }
__scs_overlays_trampoline_lowered:
0x8: {  	[smem:$0x3FA9] =	sst s0  }
0x9: {  	[smem:$0x3FAA] =	sst s1  }
0xa: {  	[smem:$0x3FAB] =	sst s2  }
0xb: {  	[smem:$0x3FAC] =	sst s3  }
0xc: {  	[smem:$0x3FAD] =	sst s4  }
0xd: {  	[smem:$0x3FAE] =	sst s5  }
0xe: {  	[smem:$0x3FAF] =	sst s6  }
0xf: {  	[smem:$0x3FB0] =	sst s7  }
0x10: {  	[smem:$0x3FB1] =	sst s8  }
0x11: {  	[smem:$0x3FB2] =	sst s9;
	s0 =	simm.s32 @!p0 $0x0  }
0x12: {  	s1 =	sld [smem:$0x3F98];
	s0 =	simm.s32 @p0 $0x1  }
0x13: {  	[smem:$0x3FB3] =	sst s0;
	s0 =	simm.s32 @!p1 $0x0  }
0x14: {  	s2 =	sld [smem:$0x3F97];
	s0 =	simm.s32 @p1 $0x1  }
0x15: {  	[smem:$0x3FB4] =	sst s0;
	s0 =	simm.s32 @!p2 $0x0  }
0x16: {  	s3 =	sld [smem:$0x3FDB];
	s0 =	simm.s32 @p2 $0x1  }
0x17: {  	s4 =	simm.s32 $0x1BF5;
	[smem:$0x3FB6] =	sst s0  }
0x18: {  	s0 =	sld [smem:$0x3F99];
	_ =	swait.ge [sflag:s4], $0x0  }
0x19: {  	s7 =	sld [smem:$0x3F9A]  }
0x1a: {  	s8 =	sadd.s32 $0xFFFFE003, lr  }
0x1b: {  	s9 =	sadd.s32 $0xFFFFFEF7, lr;
	s5 =	simm.s32 $0xFFFFFFFF;
	p2 =	slt.u32 s8, $0xFFFFF086  }
0x1c: {  	p1 =	slt.u32 s9, $0xF7A;
	s5 =	simm.s32 @!p2 $0x0  }
0x1d: {  	s5 =	simm.s32 @p1 $0x1;
	p0 =	seq.s32 s7, s2  }
0x1e: {  	s7 =	smul.u32 @!p0 $0xF7A, s2;
	p2 =	seq.s32 @!p0 s5, $0x0  }
0x1f: {  	s9 =	smul.u32 $0xF7A, s1;
	s8 =	simm.s32 @!p0 $0x1BF5;
	p2 =	por !p2, p0  }
0x20: {  	[sflag:s8] =	ssyncset.s32 @!p0 $0xFFFFF086;
	s6 =	sadd.s32 @!p0 s3, s7;
	s7 =	simm.s32 @!p0 $0x108  }
0x21: {  	s3 =	sadd.s32 s3, s9;
	s6 =	sadd.s32 @!p0 $0x88, s6;
	s7 =	simm.s32 @p2 $0x1082  }
0x22: {  	[simem:s7], [sflag:s8] =	dma.local @!p0 [hbm:s6], $0xF7A  }
0x23: {  	s9 =	sor.u32 $0xD0000000, s2;
	s6 =	simm.s32 $0x108;
	_ =	swait.ge @!p0 [sflag:s8], $0x0  }
0x24: {  	s3 =	sadd.s32 $0x88, s3;
	s6 =	simm.s32 @!p1 $0x1082;
	[sflag:s4] =	ssyncset.s32 $0xFFFFF086  }
0x25: {  	[simem:s6], [sflag:s4] =	dma.local [hbm:s3], $0xF7A  }
0x26: {  	[smem:$0x3F9A] =	sst s1;
	(tag) =	ssettag s2;
	_ =	strace s9  }
0x27: {  	s1 =	sld [smem:$0x3FAA]  }
0x28: {  	s2 =	sld [smem:$0x3FAB]  }
0x29: {  	s4 =	sld [smem:$0x3FAD]  }
0x2a: {  	p0 =	seq.s32 s5, $0x0;
	s5 =	sld [smem:$0x3FAE]  }
0x2b: {  	s6 =	sld [smem:$0x3FAF]  }
0x2c: {  	s7 =	sld [smem:$0x3FB0]  }
0x2d: {  	s3 =	simm.s32 $0x108;
	s8 =	sld [smem:$0x3FB1]  }
0x2e: {  	s3 =	simm.s32 @!p0 $0x1082;
	s9 =	sld [smem:$0x3FB2]  }
0x2f: {  	lr =	sadd.s32 s0, s3;
	s0 =	sld [smem:$0x3FA9]  }
0x30: {  	s3 =	sld [smem:$0x3FAC]  }
0x31: {  	[smem:$0x3FB5] =	sst s10  }
0x32: {  	s10 =	sld [smem:$0x3FB3];
	_ =	sdelay $0x3  }
0x33: {  	p0 =	seq.s32 s10, $0x1;
	s10 =	sld [smem:$0x3FB5];
	_ =	sdelay $0x3  }
0x34: {  	[smem:$0x3FB5] =	sst s10  }
0x35: {  	s10 =	sld [smem:$0x3FB4];
	_ =	sdelay $0x3  }
0x36: {  	p1 =	seq.s32 s10, $0x1;
	s10 =	sld [smem:$0x3FB5];
	_ =	sdelay $0x3  }
0x37: {  	[smem:$0x3FB5] =	sst s10  }
0x38: {  	s10 =	sld [smem:$0x3FB6]  }
0x39: {  	_ = 	snop;
	(pc) =	sbr.ind lr, $3  }
0x3a: {  	_ = 	snop  }
0x3b: {  	_ = 	snop  }
0x3c: {  	p2 =	seq.s32 s10, $0x1;
	s10 =	sld [smem:$0x3FB5]  }
0x3d: {  	_ =	shalt  }
0x3e: {  	_ =	shalt  }
0x3f: {  	_ =	shalt  }
0x40: {  	_ =	shalt  }
0x41: {  	_ =	shalt  }
0x42: {  	_ =	shalt  }
0x43: {  	_ =	shalt  }
0x44: {  	_ =	shalt  }
0x45: {  	_ =	shalt  }
0x46: {  	_ =	shalt  }
0x47: {  	_ =	shalt  }
0x48: {  	_ =	shalt  }
0x49: {  	_ =	shalt  }
0x4a: {  	_ =	shalt  }
0x4b: {  	_ =	shalt  }
0x4c: {  	_ =	shalt  }
0x4d: {  	_ =	shalt  }
0x4e: {  	_ =	shalt  }
0x4f: {  	_ =	shalt  }
0x50: {  	_ =	shalt  }
0x51: {  	_ =	shalt  }
0x52: {  	_ =	shalt  }
0x53: {  	_ =	shalt  }
0x54: {  	_ =	shalt  }
0x55: {  	_ =	shalt  }
0x56: {  	_ =	shalt  }
0x57: {  	_ =	shalt  }
0x58: {  	_ =	shalt  }
0x59: {  	_ =	shalt  }
0x5a: {  	_ =	shalt  }
0x5b: {  	_ =	shalt  }
0x5c: {  	_ =	shalt  }
0x5d: {  	_ =	shalt  }
0x5e: {  	_ =	shalt  }
0x5f: {  	_ =	shalt  }
0x60: {  	_ =	shalt  }
0x61: {  	_ =	shalt  }
0x62: {  	_ =	shalt  }
0x63: {  	_ =	shalt  }
0x64: {  	_ =	shalt  }
0x65: {  	_ =	shalt  }
0x66: {  	_ =	shalt  }
0x67: {  	_ =	shalt  }
0x68: {  	_ =	shalt  }
0x69: {  	_ =	shalt  }
0x6a: {  	_ =	shalt  }
0x6b: {  	_ =	shalt  }
0x6c: {  	_ =	shalt  }
0x6d: {  	_ =	shalt  }
0x6e: {  	_ =	shalt  }
0x6f: {  	_ =	shalt  }
0x70: {  	_ =	shalt  }
0x71: {  	_ =	shalt  }
0x72: {  	_ =	shalt  }
0x73: {  	_ =	shalt  }
0x74: {  	_ =	shalt  }
0x75: {  	_ =	shalt  }
0x76: {  	_ =	shalt  }
0x77: {  	_ =	shalt  }
0x78: {  	_ =	shalt  }
0x79: {  	_ =	shalt  }
0x7a: {  	_ =	shalt  }
0x7b: {  	_ =	shalt  }
0x7c: {  	_ =	shalt  }
0x7d: {  	_ =	shalt  }
0x7e: {  	_ =	shalt  }
0x7f: {  	_ =	shalt  }
0x80: {  	_ =	shalt  }
0x81: {  	_ =	shalt  }
0x82: {  	_ =	shalt  }
0x83: {  	_ =	shalt  }
0x84: {  	_ =	shalt  }
0x85: {  	_ =	shalt  }
0x86: {  	_ =	shalt  }
0x87: {  	_ =	shalt  }
.Lfunc_end0:
.L_simem_size_0:
called_computation.1_lowered:
.L_overlay_start_0:
0x88: {  	s2 =	sld [smem:$0x3FD9]  }
0x89: {  	s3 =	sld [smem:$0x3FFE];
	_ =	sdelay $0x1  }
0x8a: {  	s1 =	srdreg.scid  }
0x8b: {  	s0 =	sand.u32 $0x1, s1  }
0x8c: {  	s17 =	sshll.u32 s0, $0xA;
	s2 =	sadd.s32 s3, s2  }
0x8d: {  	s2 =	sadd.s32 s2, s17  }
0x8e: {  	[smem:$0x3FC1] =	sst s2  }
0x8f: {  	_ = 	snop  }
0x90: {  	s2 =	sld [smem:$0x3FD0];
	(tm) =	ssettm $0x1  }
0x91: {  	s18 =	sld [smem:$0x3FFB];
	_ =	sdelay $0x3  }
0x92: {  	_ =	strace s18  }
0x93: {  	s3 =	sld [smem:$0x3FFC];
	_ =	sdelay $0x3  }
0x94: {  	_ =	strace s3  }
0x95: {  	s3 =	sld [smem:$0x3FFD];
	_ =	sdelay $0x3  }
0x96: {  	_ =	strace s3  }
0x97: {  	_ =	strace $0x8FFFFFFF  }
0x98: {  	s19 =	sld [smem:$0x3FDB];
	_ =	sdelay $0x1  }
0x99: {  	s4 =	simm.s32 $_scs_section_size  }
0x9a: {  	s5 =	simm.s32 $_size__tile_overlayer_lowered;
	s6 =	simm.s32 $_tile_overlayer_lowered  }
0x9b: {  	s22 =	simm.s32 $0x1BFF;
	s21 =	sshll.u32 s6, $0x1;
	s3 =	sadd.s32 s4, s19  }
0x9c: {  	s7 =	simm.s32 $0x0;
	s20 =	sshll.u32 s5, $0x1;
	s5 =	sadd.s32 s21, s3  }
0x9d: {  	[timem:s7], [sflag:s22] =	dma.local [hbm:s5], s20  }
0x9e: {  	_ =	swait.ge [sflag:s22], s20  }
0x9f: {  	s4 =	ssub.s32 $0x0, s20;
	[sflag:s22] =	ssyncset.done $0x0  }
0xa0: {  	[sflag:s22] =	ssyncadd.s32 s4;
	_ =	sdelay $0x1  }
0xa1: {  	s23 =	simm.s32 $0x1B8B  }
0xa2: {  	_ =	swait.ge [sflag:s23], $0x1  }
0xa3: {  	[sflag:s23] =	ssyncset.done $0x0  }
0xa4: {  	s25 =	simm.s32 $0x1B8E;
	s24 =	sld [smem:$0x3FFE];
	[sflag:s23] =	ssyncadd.s32 $0xFFFFFFFF  }
0xa5: {  	s26 =	simm.s32 $execute0_lowered;
	[smem:$0x3FD2] =	sst s25  }
0xa6: {  	s5 =	sshll.u32 s26, $0x1;
	_ =	strace $0x80000049;
	[dreg:$0x1] =	wrdreg $0xFFFFFFFF  }
0xa7: {  	s28 =	simm.s32 $_size_execute0_lowered;
	s3 =	sadd.s32 s3, s5;
	[dreg:$0x0] =	wrdreg $0x0  }
0xa8: {  	s5 =	sshll.u32 s28, $0x1;
	[dreg:$0x2] =	wrdreg s3  }
0xa9: {  	[dreg:$0x3] =	wrdreg s5  }
0xaa: {  	[dreg:$0x4] =	wrdreg $0xC0  }
0xab: {  	_ =	task [dreg:s7], $0x5FFFF  }
0xac: {  	[dreg:$0x1] =	wrdreg $0xFFFFFFFF  }
0xad: {  	[dreg:$0x0] =	wrdreg $0x60  }
0xae: {  	[dreg:$0x2] =	wrdreg s24  }
0xaf: {  	[dreg:$0x3] =	wrdreg s2  }
0xb0: {  	[dreg:$0x4] =	wrdreg $0x0  }
0xb1: {  	[dreg:$0x5] =	wrdreg $0x9  }
0xb2: {  	_ =	task.clear_ibuf [dreg:s7], $0x6FFFF;
	_ =	strace $0x90000049  }
0xb3: {  	s29 =	simm.s32 $0x9;
	_ =	strace $0x8000004B  }
0xb4: {  	_ =	swait.ge [sflag:s29], $0x1  }
0xb5: {  	[sflag:s29] =	ssyncadd.s32 $0xFFFFFFFF  }
0xb6: {  	_ =	strace $0x9000004B  }
0xb7: {  	_ =	sfence  }
0xb8: {  	s30 =	sld [smem:$0x0];
	_ =	sdelay $0x2  }
0xb9: {  	s31 =	sshll.u32 s1, $0xD;
	s1 =	sshrl.u32 s1, $0x2  }
0xba: {  	s3 =	sand.u32 $0x4000, s31;
	s1 =	sadd.s32 s1, s30  }
0xbb: {  	s0 =	sor.u32 s3, s0;
	s1 =	sshll.u32 s1, $0x11  }
0xbc: {  	s0 =	sor.u32 s1, s0  }
0xbd: {  	s0 =	sadd.s32 $0x8F2B, s0  }
0xbe: {  	[sflag:s0] =	ssyncadd.remote.s32 $0x1  }
0xbf: {  	_ =	sfence.sel $0xFFFF  }
0xc0: {  	[dreg:$0x0] =	wrdreg $0xFFFFFFFF;
	(pc) =	sbr.abs _section_cstart, $3  }
0xc1: {  	[dreg:$0x1] =	wrdreg $0xFFFFFFFF  }
0xc2: {  	_ =	task.clear_ibuf [dreg:s7], $0x2FFFF;
	_ =	strace $0x9FFFFFFF  }
0xc3: {  	(tm) =	ssettm $0x7FFFFFFF  }
tec
execute0_lowered:
.L_overlay_start_1:
0x0: {  	(tag) =	ssettag $0x1  }
0x1: {  	s11 =	rddreg [dreg:$0x0]  }
0x2: {  	s7 =	rddreg [dreg:$0x1]  }
0x3: {  	s1 =	rddreg [dreg:$0x2];
	s2 =	srdreg.scid  }
0x4: {  	s0 =	rddreg [dreg:$0x3];
	s14 =	stileid.u32;
	s17 =	simm.s32 $0x5D800  }
0x5: {  	s18 =	simm.s32 $0xC980;
	s19 =	simm.s32 $0x14280;
	s20 =	simm.s32 $0x50  }
0x6: {  	s21 =	simm.s32 $0xA100;
	s22 =	simm.s32 $0xF180;
	s3 =	smul.u32 $0x140, s14  }
0x7: {  	s23 =	simm.s32 $0xF280;
	s24 =	simm.s32 $0x2;
	s9 =	smul.u32 $0x28000, s14  }
0x8: {  	s26 =	simm.s32 $0x11A80;
	s28 =	simm.s32 $0x1;
	s31 =	smul.u32 $0x5000, s14  }
0x9: {  	s8 =	sand.u32 $0x1, s2;
	s2 =	simm.s32 $0x0;
	s16 =	smul.u32 $0xA00, s14  }
0xa: {  	s4 =	sshll.u32 s14, $0x5;
	s25 =	smul.u32 $0x1400, s8;
	[smem:$0x7FF] =	sst s2  }
0xb: {  	s5 =	ssub.s32 $0x2, s8;
	s12 =	sadd.s32 s4, s11;
	p0 =	seq.s32 s8, $0x1  }
0xc: {  	_ =	strace $0x8000004A;
	s6 =	sshrl.u32 s5, $0x1;
	s30 =	sshrl.u32 s9, $0x2  }
0xd: {  	s9 =	sshrl.u32 s31, $0x3;
	s17 =	simm.s32 @!p0 $0x53800;
	p0 =	sne.s32 s14, $0x0  }
0xe: {  	s3 =	sadd.s32 s3, s25;
	s13 =	ssub.s32 s5, s6;
	s15 =	sadd.s32 s30, s1  }
0xf: {  	s6 =	sadd.s32 $0x3600, s12;
	s9 =	sadd.s32 s7, s9;
	s7 =	sadd.s32 s7, s16  }
0x10: {  	s17 =	sadd.s32 s17, s11;
	v0 =	vmov s25;
	s25 =	simm.s32 $0xF200;
	s3 =	sshll.u32 s3, $0x4  }
.Ltmp0:
0x11: {  	s8 =	sadd.s32 $0x500, s9;
	s9 =	sadd.s32 $0xA0000, s1;
	(pc) =	sbr.rel .LBB2_1-.Ltmp0, $4  }
0x12: {  	s10 =	sadd.s32 s3, s11;
	s3 =	sshll.u32 s14, $0x6;
	s11 =	sadd.s32 $0x3400, s12  }
0x13: {  	s12 =	smax.u32 s13, $0x1;
	s13 =	sadd.s32 s17, s16;
	s14 =	sshrl.u32 s15, $0x3  }
0x14: {  	s15 =	simm.s32 $0x3;
	s16 =	simm.s32 $0xA080;
	s17 =	simm.s32 $0xA180  }
0x15: {  	v1 =	vimm.f32 $0.0e+00;
	s4 =	sadd.s32 $0x3800, s10;
	s5 =	sor.u32 $0x1C03, s3;
	s10 =	sadd.s32 $0x2B800, s10  }
.LBB2_3:
0x16: {  	[bflag:$0x0] =	sbarrier.arrive $0xFFFF  }
0x17: {  	[spmem:s1] =	stream.indirect.scatter.add.f32 [tilespmem:s17], [sflag:$0x3], $0x80, s16, s20, $0xb8;
	[tilespmem:$0x14680] =	vst v63  }
0x18: {  	_ =	swait.ge [sflag:s15], $0x2800  }
0x19: {  	[sflag:s15] =	ssyncset.done $0x0  }
0x1a: {  	[sflag:s15] =	ssyncadd.s32 $0xFFFFD800  }
0x1b: {  	[spmem:s1] =	stream.indirect.scatter.add.f32 [tilespmem:s18], [sflag:$0x3], $0x80, s21, s20, $0xb8;
	[tilespmem:$0x14680] =	vst v63  }
0x1c: {  	_ =	swait.ge [sflag:s15], $0x2800  }
0x1d: {  	[sflag:s15] =	ssyncset.done $0x0  }
0x1e: {  	[sflag:s15] =	ssyncadd.s32 $0xFFFFD800  }
0x1f: {  	s29 =	sor.u32 $0x1C01, s3;
	[bflag:$0x0] =	sbarrier.arrive $0xFFFF  }
0x20: {  	[hbm:s10], [sflag:s29] =	dma.local [spmem:s14], $0x1400  }
0x21: {  	[tilespmem:s22], [sflag:$0x3] =	stream.linear.gather [hbm4b:s11+s2], $0x100, $0x38;
	[tilespmem:$0x14680] =	vst v63  }
0x22: {  	_ =	swait.ge [sflag:s15], $0x100  }
0x23: {  	[sflag:s15] =	ssyncset.done $0x0  }
0x24: {  	[sflag:s15] =	ssyncadd.s32 $0xFFFFFF00  }
0x25: {  	v2 =	vld [tilespmem:$0xF180]  }
0x26: {  	v3 =	vld [tilespmem:$0xF190]  }
0x27: {  	v4 =	vld [tilespmem:$0xF1A0]  }
0x28: {  	v5 =	vld [tilespmem:$0xF1B0]  }
0x29: {  	v6 =	vld [tilespmem:$0xF1C0]  }
0x2a: {  	v2 =	vsub.s32 v2, v0  }
0x2b: {  	v3 =	vsub.s32 v3, v0;
	v2 =	vmin.u32 v2, $0x1400  }
0x2c: {  	[tilespmem:$0xF180] =	vst v2;
	v2 =	vmin.u32 v3, $0x1400;
	v3 =	vsub.s32 v4, v0  }
0x2d: {  	[tilespmem:$0xF190] =	vst v2;
	v2 =	vmin.u32 v3, $0x1400;
	v3 =	vsub.s32 v5, v0  }
0x2e: {  	[tilespmem:$0xF1A0] =	vst v2;
	v2 =	vmin.u32 v3, $0x1400;
	v3 =	vsub.s32 v6, v0  }
0x2f: {  	[tilespmem:$0xF1B0] =	vst v2;
	v2 =	vmin.u32 v3, $0x1400  }
0x30: {  	[tilespmem:$0xF1C0] =	vst v2  }
0x31: {  	[tilespmem:s23], [sflag:$0x2] =	stream.indirect.gather [spmem:s1], $0x80, s22, s20, $0xb8;
	[tilespmem:$0x14680] =	vst v63  }
0x32: {  	_ =	swait.ge [sflag:s24], $0x2800  }
0x33: {  	[sflag:s24] =	ssyncset.done $0x0  }
0x34: {  	[sflag:s24] =	ssyncadd.s32 $0xFFFFD800  }
0x35: {  	v2 =	vld [tilespmem:$0xF200]  }
0x36: {  	v3 =	vld [tilespmem:$0xF210]  }
0x37: {  	v61 =	vld [tilespmem:$0xF220]  }
0x38: {  	v62 =	vld [tilespmem:$0xF230]  }
0x39: {  	v63 =	vld [tilespmem:$0xF240]  }
0x3a: {  	v2 =	vsub.s32 v2, v0  }
0x3b: {  	v3 =	vsub.s32 v3, v0;
	v2 =	vmin.u32 v2, $0x1400  }
0x3c: {  	[tilespmem:$0xF200] =	vst v2;
	v2 =	vmin.u32 v3, $0x1400;
	v3 =	vsub.s32 v61, v0  }
0x3d: {  	[tilespmem:$0xF210] =	vst v2;
	v2 =	vmin.u32 v3, $0x1400;
	v3 =	vsub.s32 v62, v0  }
0x3e: {  	[tilespmem:$0xF220] =	vst v2;
	v2 =	vmin.u32 v3, $0x1400;
	v3 =	vsub.s32 v63, v0  }
0x3f: {  	[tilespmem:$0xF230] =	vst v2;
	v2 =	vmin.u32 v3, $0x1400  }
0x40: {  	[tilespmem:$0xF240] =	vst v2  }
0x41: {  	[tilespmem:s26], [sflag:$0x2] =	stream.indirect.gather [spmem:s1], $0x80, s25, s20, $0xb8;
	[tilespmem:$0x14680] =	vst v63  }
0x42: {  	_ =	swait.ge [sflag:s24], $0x2800  }
0x43: {  	[sflag:s24] =	ssyncset.done $0x0  }
0x44: {  	s12 =	sadd.s32 $0xFFFFFFFF, s12;
	[sflag:s24] =	ssyncadd.s32 $0xFFFFD800  }
0x45: {  	[hbm4b:s13+s2] =	stream.linear.scatter [tilespmem:s23], [sflag:$0x3], $0x5000, $0x38;
	[tilespmem:$0x14680] =	vst v63  }
0x46: {  	p1 =	sne.s32 s12, $0x0;
	_ =	swait.ge [sflag:s15], $0x5000  }
.Ltmp1:
0x47: {  	[sflag:s15] =	ssyncset.done $0x0;
	(pc) =	sbr.rel @!p1 .LBB2_4-.Ltmp1, $4  }
0x48: {  	[sflag:s15] =	ssyncadd.s32 $0xFFFFB000  }
0x49: {  	_ =	swait.ge [sflag:s28], $0x1400  }
0x4a: {  	[sflag:s28] =	ssyncset.done $0x0  }
0x4b: {  	[sflag:s28] =	ssyncadd.s32 $0xFFFFEC00  }
.LBB2_1:
0x4c: {  	[spmem:s14], [sflag:s5] =	dma.local [hbm:s4], $0x1400  }
0x4d: {  	_ =	swait.ge [sflag:s15], $0x1400  }
0x4e: {  	[sflag:s15] =	ssyncset.done $0x0  }
0x4f: {  	[sflag:s15] =	ssyncadd.s32 $0xFFFFEC00  }
0x50: {  	[tilespmem:s16], [sflag:$0x3] =	stream.linear.gather [hbm4b:s6+s2], $0x100, $0x38;
	[tilespmem:$0x14680] =	vst v63  }
0x51: {  	_ =	swait.ge [sflag:s15], $0x100  }
0x52: {  	[sflag:s15] =	ssyncset.done $0x0  }
0x53: {  	[sflag:s15] =	ssyncadd.s32 $0xFFFFFF00  }
0x54: {  	v2 =	vld [tilespmem:$0xA080]  }
0x55: {  	v3 =	vld [tilespmem:$0xA090]  }
0x56: {  	v4 =	vld [tilespmem:$0xA0A0]  }
0x57: {  	v5 =	vld [tilespmem:$0xA0B0]  }
0x58: {  	v6 =	vld [tilespmem:$0xA0C0]  }
0x59: {  	v2 =	vsub.s32 v2, v0  }
0x5a: {  	v3 =	vsub.s32 v3, v0;
	vm0 =	vlt.u32 v2, $0x1400  }
0x5b: {  	v4 =	vsub.s32 v4, v0;
	vm7 =	vlt.u32 v3, $0x1400;
	v2 =	vnsel vm0, $0x1408, v2  }
0x5c: {  	vm8 =	vlt.u32 v4, $0x1400;
	[tilespmem:$0xA080] =	vst v2;
	v2 =	vnsel vm7, $0x1408, v3;
	v3 =	vsub.s32 v5, v0  }
0x5d: {  	v59 =	vsub.s32 v6, v0;
	[tilespmem:$0xA090] =	vst v2;
	v2 =	vnsel vm8, $0x1408, v4;
	vm9 =	vlt.u32 v3, $0x1400  }
0x5e: {  	vm10 =	vlt.u32 v59, $0x1400;
	[tilespmem:$0xA0A0] =	vst v2;
	v2 =	vnsel vm9, $0x1408, v3  }
0x5f: {  	[tilespmem:$0xA0B0] =	vst v2;
	v2 =	vnsel vm10, $0x1408, v59  }
0x60: {  	[tilespmem:$0xA0C0] =	vst v2  }
0x61: {  	[tilespmem:s17], [sflag:$0x3] =	stream.linear.gather [hbm4b:s7+s2], $0x2800, $0x38;
	[tilespmem:$0x14680] =	vst v63  }
0x62: {  	_ =	swait.ge [sflag:s15], $0x2800  }
0x63: {  	[sflag:s15] =	ssyncset.done $0x0  }
0x64: {  	[sflag:s15] =	ssyncadd.s32 $0xFFFFD800  }
0x65: {  	v2 =	vld [tilespmem:$0xA100]  }
0x66: {  	v3 =	vld [tilespmem:$0xA110]  }
0x67: {  	v60 =	vld [tilespmem:$0xA120]  }
0x68: {  	v61 =	vld [tilespmem:$0xA130]  }
0x69: {  	v62 =	vld [tilespmem:$0xA140]  }
0x6a: {  	v2 =	vsub.s32 v2, v0  }
0x6b: {  	v3 =	vsub.s32 v3, v0;
	vm11 =	vlt.u32 v2, $0x1400  }
0x6c: {  	v4 =	vsub.s32 v60, v0;
	vm12 =	vlt.u32 v3, $0x1400;
	v2 =	vnsel vm11, $0x1408, v2  }
0x6d: {  	vm13 =	vlt.u32 v4, $0x1400;
	[tilespmem:$0xA100] =	vst v2;
	v2 =	vnsel vm12, $0x1408, v3;
	v3 =	vsub.s32 v61, v0  }
0x6e: {  	v63 =	vsub.s32 v62, v0;
	[tilespmem:$0xA110] =	vst v2;
	v2 =	vnsel vm13, $0x1408, v4;
	vm14 =	vlt.u32 v3, $0x1400  }
0x6f: {  	vm15 =	vlt.u32 v63, $0x1400;
	[tilespmem:$0xA120] =	vst v2;
	v2 =	vnsel vm14, $0x1408, v3  }
0x70: {  	[tilespmem:$0xA130] =	vst v2;
	v2 =	vnsel vm15, $0x1408, v63  }
.Ltmp2:
0x71: {  	[tilespmem:$0xA140] =	vst v2;
	(pc) =	sbr.rel @p0 .LBB2_3-.Ltmp2, $4  }
0x72: {  	[tilespmem:s18], [sflag:$0x3] =	stream.linear.gather [hbm4b:s8+s2], $0x2800, $0x38;
	[tilespmem:$0x14680] =	vst v63  }
0x73: {  	_ =	swait.ge [sflag:s15], $0x2800  }
0x74: {  	[sflag:s15] =	ssyncset.done $0x0  }
0x75: {  	[sflag:s15] =	ssyncadd.s32 $0xFFFFD800  }
0x76: {  	[tilespmem:$0x14280] =	vst v1  }
0x77: {  	[tilespmem:$0x14290] =	vst v1  }
0x78: {  	[tilespmem:$0x142A0] =	vst v1  }
0x79: {  	[tilespmem:$0x142B0] =	vst v1  }
0x7a: {  	[tilespmem:$0x142C0] =	vst v1  }
0x7b: {  	[tilespmem:$0x142D0] =	vst v1  }
0x7c: {  	[tilespmem:$0x142E0] =	vst v1  }
0x7d: {  	[tilespmem:$0x142F0] =	vst v1  }
0x7e: {  	[tilespmem:$0x14300] =	vst v1  }
0x7f: {  	[tilespmem:$0x14310] =	vst v1  }
0x80: {  	[tilespmem:$0x14320] =	vst v1  }
0x81: {  	[tilespmem:$0x14330] =	vst v1  }
0x82: {  	[tilespmem:$0x14340] =	vst v1  }
0x83: {  	[tilespmem:$0x14350] =	vst v1  }
0x84: {  	[tilespmem:$0x14360] =	vst v1  }
0x85: {  	[tilespmem:$0x14370] =	vst v1  }
0x86: {  	[tilespmem:$0x14380] =	vst v1  }
0x87: {  	[tilespmem:$0x14390] =	vst v1  }
0x88: {  	[tilespmem:$0x143A0] =	vst v1  }
0x89: {  	[tilespmem:$0x143B0] =	vst v1  }
0x8a: {  	[tilespmem:$0x143C0] =	vst v1  }
0x8b: {  	[tilespmem:$0x143D0] =	vst v1  }
0x8c: {  	[tilespmem:$0x143E0] =	vst v1  }
0x8d: {  	[tilespmem:$0x143F0] =	vst v1  }
0x8e: {  	[tilespmem:$0x14400] =	vst v1  }
0x8f: {  	[tilespmem:$0x14410] =	vst v1  }
0x90: {  	[tilespmem:$0x14420] =	vst v1  }
0x91: {  	[tilespmem:$0x14430] =	vst v1  }
0x92: {  	[tilespmem:$0x14440] =	vst v1  }
0x93: {  	[tilespmem:$0x14450] =	vst v1  }
0x94: {  	[tilespmem:$0x14460] =	vst v1  }
0x95: {  	[tilespmem:$0x14470] =	vst v1  }
0x96: {  	[tilespmem:$0x14480] =	vst v1  }
0x97: {  	[tilespmem:$0x14490] =	vst v1  }
0x98: {  	[tilespmem:$0x144A0] =	vst v1  }
0x99: {  	[tilespmem:$0x144B0] =	vst v1  }
0x9a: {  	[tilespmem:$0x144C0] =	vst v1  }
0x9b: {  	[tilespmem:$0x144D0] =	vst v1  }
0x9c: {  	[tilespmem:$0x144E0] =	vst v1  }
0x9d: {  	[tilespmem:$0x144F0] =	vst v1  }
0x9e: {  	[tilespmem:$0x14500] =	vst v1  }
0x9f: {  	[tilespmem:$0x14510] =	vst v1  }
0xa0: {  	[tilespmem:$0x14520] =	vst v1  }
0xa1: {  	[tilespmem:$0x14530] =	vst v1  }
0xa2: {  	[tilespmem:$0x14540] =	vst v1  }
0xa3: {  	[tilespmem:$0x14550] =	vst v1  }
0xa4: {  	[tilespmem:$0x14560] =	vst v1  }
0xa5: {  	[tilespmem:$0x14570] =	vst v1  }
0xa6: {  	[tilespmem:$0x14580] =	vst v1  }
0xa7: {  	[tilespmem:$0x14590] =	vst v1  }
0xa8: {  	[tilespmem:$0x145A0] =	vst v1  }
0xa9: {  	[tilespmem:$0x145B0] =	vst v1  }
0xaa: {  	[tilespmem:$0x145C0] =	vst v1  }
0xab: {  	[tilespmem:$0x145D0] =	vst v1  }
0xac: {  	[tilespmem:$0x145E0] =	vst v1  }
0xad: {  	[tilespmem:$0x145F0] =	vst v1  }
0xae: {  	[tilespmem:$0x14600] =	vst v1  }
0xaf: {  	[tilespmem:$0x14610] =	vst v1  }
0xb0: {  	[tilespmem:$0x14620] =	vst v1  }
0xb1: {  	[tilespmem:$0x14630] =	vst v1  }
0xb2: {  	[tilespmem:$0x14640] =	vst v1  }
0xb3: {  	[tilespmem:$0x14650] =	vst v1  }
0xb4: {  	[tilespmem:$0x14660] =	vst v1  }
.Ltmp3:
0xb5: {  	[tilespmem:$0x14670] =	vst v1;
	(pc) =	sbr.rel .LBB2_3-.Ltmp3, $4  }
0xb6: {  	[spmem:s9] =	stream.linear.scatter [tilespmem:s19], [sflag:$0x3], $0x400, $0x38;
	[tilespmem:$0x14680] =	vst v63  }
0xb7: {  	_ =	swait.ge [sflag:s15], $0x400  }
0xb8: {  	[sflag:s15] =	ssyncset.done $0x0  }
0xb9: {  	[sflag:s15] =	ssyncadd.s32 $0xFFFFFC00  }
.LBB2_4:
0xba: {  	_ =	sfence.sel $0x180000  }
0xbb: {  	[bflag:$0x0] =	sbarrier.arrive $0xFFFF  }
0xbc: {  	_ =	strace $0x9000004A  }
0xbd: {  	s0 =	sadd.s32 @!p0 $0x100000, s0;
	[bflag:$0x2] =	sbarrier.arrive $0xFFFF  }
0xbe: {  	[sflag:s0] =	ssyncadd.tile.s32 @!p0 $0x1;
	_ =	shalt  }
.Lfunc_end2:
_tile_overlayer_lowered:
.L_overlay_start_2:
0xbf: {  	(tag) =	ssettag $0x2  }
0xc0: {  	s0 =	rddreg [dreg:$0x0];
	s2 =	stileid.u32  }
0xc1: {  	s1 =	rddreg [dreg:$0x1];
	p0 =	sne.s32 s2, $0x0  }
0xc2: {  	s3 =	rddreg [dreg:$0x2];
	[bflag:$0x3] =	sbarrier.arrive $0xFFFF;
	s2 =	simm.s32 @!p0 $0x1C03  }
0xc3: {  	[timem:s3], [sflag:s2] =	dma.local @!p0 [hbm:s0], s1  }
0xc4: {  	s0 =	simm.s32 @!p0 $0x3  }
0xc5: {  	_ =	swait.ge @!p0 [sflag:s0], s1  }
0xc6: {  	s1 =	ssub.s32 @!p0 $0x0, s1;
	[sflag:s0] =	ssyncset.done @!p0 $0x0  }
0xc7: {  	[sflag:s0] =	ssyncadd.s32 @!p0 s1  }
0xc8: {  	[bflag:$0x3] =	sbarrier.arrive $0xFFFF  }
0xc9: {  	_ =	shalt  }

// kernel: kernel.18.cloned.1.call-start
scs
__scs_entry_jumppad:
0x0: {  	(pc) =	sbr.rel $0x88, $3  }
0x1: {  	(tag) =	ssettag $0x0;
	lr =	simm.s32 $0x1  }
0x2: {  	[smem:$0x3F9A] =	sst lr;
	_ =	strace $0xD0000000  }
0x3: {  	_ = 	snop  }
0x4: {  	_ = 	snop  }
0x5: {  	_ = 	snop  }
0x6: {  	_ = 	snop  }
0x7: {  	_ = 	snop  }
__scs_overlays_trampoline_lowered:
0x8: {  	[smem:$0x3FA9] =	sst s0  }
0x9: {  	[smem:$0x3FAA] =	sst s1  }
0xa: {  	[smem:$0x3FAB] =	sst s2  }
0xb: {  	[smem:$0x3FAC] =	sst s3  }
0xc: {  	[smem:$0x3FAD] =	sst s4  }
0xd: {  	[smem:$0x3FAE] =	sst s5  }
0xe: {  	[smem:$0x3FAF] =	sst s6  }
0xf: {  	[smem:$0x3FB0] =	sst s7  }
0x10: {  	[smem:$0x3FB1] =	sst s8  }
0x11: {  	[smem:$0x3FB2] =	sst s9;
	s0 =	simm.s32 @!p0 $0x0  }
0x12: {  	s1 =	sld [smem:$0x3F98];
	s0 =	simm.s32 @p0 $0x1  }
0x13: {  	[smem:$0x3FB3] =	sst s0;
	s0 =	simm.s32 @!p1 $0x0  }
0x14: {  	s2 =	sld [smem:$0x3F97];
	s0 =	simm.s32 @p1 $0x1  }
0x15: {  	[smem:$0x3FB4] =	sst s0;
	s0 =	simm.s32 @!p2 $0x0  }
0x16: {  	s3 =	sld [smem:$0x3FDB];
	s0 =	simm.s32 @p2 $0x1  }
0x17: {  	s4 =	simm.s32 $0x1BF5;
	[smem:$0x3FB6] =	sst s0  }
0x18: {  	s0 =	sld [smem:$0x3F99];
	_ =	swait.ge [sflag:s4], $0x0  }
0x19: {  	s7 =	sld [smem:$0x3F9A]  }
0x1a: {  	s8 =	sadd.s32 $0xFFFFE003, lr  }
0x1b: {  	s9 =	sadd.s32 $0xFFFFFEF7, lr;
	s5 =	simm.s32 $0xFFFFFFFF;
	p2 =	slt.u32 s8, $0xFFFFF086  }
0x1c: {  	p1 =	slt.u32 s9, $0xF7A;
	s5 =	simm.s32 @!p2 $0x0  }
0x1d: {  	s5 =	simm.s32 @p1 $0x1;
	p0 =	seq.s32 s7, s2  }
0x1e: {  	s7 =	smul.u32 @!p0 $0xF7A, s2;
	p2 =	seq.s32 @!p0 s5, $0x0  }
0x1f: {  	s9 =	smul.u32 $0xF7A, s1;
	s8 =	simm.s32 @!p0 $0x1BF5;
	p2 =	por !p2, p0  }
0x20: {  	[sflag:s8] =	ssyncset.s32 @!p0 $0xFFFFF086;
	s6 =	sadd.s32 @!p0 s3, s7;
	s7 =	simm.s32 @!p0 $0x108  }
0x21: {  	s3 =	sadd.s32 s3, s9;
	s6 =	sadd.s32 @!p0 $0x88, s6;
	s7 =	simm.s32 @p2 $0x1082  }
0x22: {  	[simem:s7], [sflag:s8] =	dma.local @!p0 [hbm:s6], $0xF7A  }
0x23: {  	s9 =	sor.u32 $0xD0000000, s2;
	s6 =	simm.s32 $0x108;
	_ =	swait.ge @!p0 [sflag:s8], $0x0  }
0x24: {  	s3 =	sadd.s32 $0x88, s3;
	s6 =	simm.s32 @!p1 $0x1082;
	[sflag:s4] =	ssyncset.s32 $0xFFFFF086  }
0x25: {  	[simem:s6], [sflag:s4] =	dma.local [hbm:s3], $0xF7A  }
0x26: {  	[smem:$0x3F9A] =	sst s1;
	(tag) =	ssettag s2;
	_ =	strace s9  }
0x27: {  	s1 =	sld [smem:$0x3FAA]  }
0x28: {  	s2 =	sld [smem:$0x3FAB]  }
0x29: {  	s4 =	sld [smem:$0x3FAD]  }
0x2a: {  	p0 =	seq.s32 s5, $0x0;
	s5 =	sld [smem:$0x3FAE]  }
0x2b: {  	s6 =	sld [smem:$0x3FAF]  }
0x2c: {  	s7 =	sld [smem:$0x3FB0]  }
0x2d: {  	s3 =	simm.s32 $0x108;
	s8 =	sld [smem:$0x3FB1]  }
0x2e: {  	s3 =	simm.s32 @!p0 $0x1082;
	s9 =	sld [smem:$0x3FB2]  }
0x2f: {  	lr =	sadd.s32 s0, s3;
	s0 =	sld [smem:$0x3FA9]  }
0x30: {  	s3 =	sld [smem:$0x3FAC]  }
0x31: {  	[smem:$0x3FB5] =	sst s10  }
0x32: {  	s10 =	sld [smem:$0x3FB3];
	_ =	sdelay $0x3  }
0x33: {  	p0 =	seq.s32 s10, $0x1;
	s10 =	sld [smem:$0x3FB5];
	_ =	sdelay $0x3  }
0x34: {  	[smem:$0x3FB5] =	sst s10  }
0x35: {  	s10 =	sld [smem:$0x3FB4];
	_ =	sdelay $0x3  }
0x36: {  	p1 =	seq.s32 s10, $0x1;
	s10 =	sld [smem:$0x3FB5];
	_ =	sdelay $0x3  }
0x37: {  	[smem:$0x3FB5] =	sst s10  }
0x38: {  	s10 =	sld [smem:$0x3FB6]  }
0x39: {  	_ = 	snop;
	(pc) =	sbr.ind lr, $3  }
0x3a: {  	_ = 	snop  }
0x3b: {  	_ = 	snop  }
0x3c: {  	p2 =	seq.s32 s10, $0x1;
	s10 =	sld [smem:$0x3FB5]  }
0x3d: {  	_ =	shalt  }
0x3e: {  	_ =	shalt  }
0x3f: {  	_ =	shalt  }
0x40: {  	_ =	shalt  }
0x41: {  	_ =	shalt  }
0x42: {  	_ =	shalt  }
0x43: {  	_ =	shalt  }
0x44: {  	_ =	shalt  }
0x45: {  	_ =	shalt  }
0x46: {  	_ =	shalt  }
0x47: {  	_ =	shalt  }
0x48: {  	_ =	shalt  }
0x49: {  	_ =	shalt  }
0x4a: {  	_ =	shalt  }
0x4b: {  	_ =	shalt  }
0x4c: {  	_ =	shalt  }
0x4d: {  	_ =	shalt  }
0x4e: {  	_ =	shalt  }
0x4f: {  	_ =	shalt  }
0x50: {  	_ =	shalt  }
0x51: {  	_ =	shalt  }
0x52: {  	_ =	shalt  }
0x53: {  	_ =	shalt  }
0x54: {  	_ =	shalt  }
0x55: {  	_ =	shalt  }
0x56: {  	_ =	shalt  }
0x57: {  	_ =	shalt  }
0x58: {  	_ =	shalt  }
0x59: {  	_ =	shalt  }
0x5a: {  	_ =	shalt  }
0x5b: {  	_ =	shalt  }
0x5c: {  	_ =	shalt  }
0x5d: {  	_ =	shalt  }
0x5e: {  	_ =	shalt  }
0x5f: {  	_ =	shalt  }
0x60: {  	_ =	shalt  }
0x61: {  	_ =	shalt  }
0x62: {  	_ =	shalt  }
0x63: {  	_ =	shalt  }
0x64: {  	_ =	shalt  }
0x65: {  	_ =	shalt  }
0x66: {  	_ =	shalt  }
0x67: {  	_ =	shalt  }
0x68: {  	_ =	shalt  }
0x69: {  	_ =	shalt  }
0x6a: {  	_ =	shalt  }
0x6b: {  	_ =	shalt  }
0x6c: {  	_ =	shalt  }
0x6d: {  	_ =	shalt  }
0x6e: {  	_ =	shalt  }
0x6f: {  	_ =	shalt  }
0x70: {  	_ =	shalt  }
0x71: {  	_ =	shalt  }
0x72: {  	_ =	shalt  }
0x73: {  	_ =	shalt  }
0x74: {  	_ =	shalt  }
0x75: {  	_ =	shalt  }
0x76: {  	_ =	shalt  }
0x77: {  	_ =	shalt  }
0x78: {  	_ =	shalt  }
0x79: {  	_ =	shalt  }
0x7a: {  	_ =	shalt  }
0x7b: {  	_ =	shalt  }
0x7c: {  	_ =	shalt  }
0x7d: {  	_ =	shalt  }
0x7e: {  	_ =	shalt  }
0x7f: {  	_ =	shalt  }
0x80: {  	_ =	shalt  }
0x81: {  	_ =	shalt  }
0x82: {  	_ =	shalt  }
0x83: {  	_ =	shalt  }
0x84: {  	_ =	shalt  }
0x85: {  	_ =	shalt  }
0x86: {  	_ =	shalt  }
0x87: {  	_ =	shalt  }
.Lfunc_end0:
.L_simem_size_0:
called_computation.2_lowered:
.L_overlay_start_0:
0x88: {  	s2 =	sld [smem:$0x3FD9]  }
0x89: {  	s3 =	sld [smem:$0x3FFE];
	_ =	sdelay $0x1  }
0x8a: {  	s1 =	srdreg.scid  }
0x8b: {  	s0 =	sand.u32 $0x1, s1  }
0x8c: {  	s17 =	sshll.u32 s0, $0xA;
	s2 =	sadd.s32 s3, s2  }
0x8d: {  	s2 =	sadd.s32 s2, s17  }
0x8e: {  	[smem:$0x3FC1] =	sst s2  }
0x8f: {  	_ = 	snop  }
0x90: {  	s2 =	sld [smem:$0x3FD0];
	(tm) =	ssettm $0x1  }
0x91: {  	s18 =	sld [smem:$0x3FFB];
	_ =	sdelay $0x3  }
0x92: {  	_ =	strace s18  }
0x93: {  	s3 =	sld [smem:$0x3FFC];
	_ =	sdelay $0x3  }
0x94: {  	_ =	strace s3  }
0x95: {  	s3 =	sld [smem:$0x3FFD];
	_ =	sdelay $0x3  }
0x96: {  	_ =	strace s3  }
0x97: {  	_ =	strace $0x8FFFFFFF  }
0x98: {  	s19 =	sld [smem:$0x3FDB];
	_ =	sdelay $0x1  }
0x99: {  	s4 =	simm.s32 $_scs_section_size  }
0x9a: {  	s5 =	simm.s32 $_size__tile_overlayer_lowered;
	s6 =	simm.s32 $_tile_overlayer_lowered  }
0x9b: {  	s22 =	simm.s32 $0x1BFF;
	s21 =	sshll.u32 s6, $0x1;
	s3 =	sadd.s32 s4, s19  }
0x9c: {  	s7 =	simm.s32 $0x0;
	s20 =	sshll.u32 s5, $0x1;
	s5 =	sadd.s32 s21, s3  }
0x9d: {  	[timem:s7], [sflag:s22] =	dma.local [hbm:s5], s20  }
0x9e: {  	_ =	swait.ge [sflag:s22], s20  }
0x9f: {  	s4 =	ssub.s32 $0x0, s20;
	[sflag:s22] =	ssyncset.done $0x0  }
0xa0: {  	[sflag:s22] =	ssyncadd.s32 s4;
	_ =	sdelay $0x1  }
0xa1: {  	s23 =	simm.s32 $0x1B8B  }
0xa2: {  	_ =	swait.ge [sflag:s23], $0x1  }
0xa3: {  	[sflag:s23] =	ssyncset.done $0x0  }
0xa4: {  	s25 =	simm.s32 $0x1B8E;
	s24 =	sld [smem:$0x3FFE];
	[sflag:s23] =	ssyncadd.s32 $0xFFFFFFFF  }
0xa5: {  	s26 =	simm.s32 $execute0_lowered;
	[smem:$0x3FD2] =	sst s25  }
0xa6: {  	s5 =	sshll.u32 s26, $0x1;
	_ =	strace $0x8000004C;
	[dreg:$0x1] =	wrdreg $0xFFFFFFFF  }
0xa7: {  	s28 =	simm.s32 $_size_execute0_lowered;
	s3 =	sadd.s32 s3, s5;
	[dreg:$0x0] =	wrdreg $0x0  }
0xa8: {  	s5 =	sshll.u32 s28, $0x1;
	[dreg:$0x2] =	wrdreg s3  }
0xa9: {  	[dreg:$0x3] =	wrdreg s5  }
0xaa: {  	[dreg:$0x4] =	wrdreg $0xC0  }
0xab: {  	_ =	task [dreg:s7], $0x5FFFF  }
0xac: {  	[dreg:$0x1] =	wrdreg $0xFFFFFFFF  }
0xad: {  	[dreg:$0x0] =	wrdreg $0x60  }
0xae: {  	[dreg:$0x2] =	wrdreg s24  }
0xaf: {  	[dreg:$0x3] =	wrdreg s2  }
0xb0: {  	[dreg:$0x4] =	wrdreg $0x0  }
0xb1: {  	[dreg:$0x5] =	wrdreg $0x9  }
0xb2: {  	_ =	task.clear_ibuf [dreg:s7], $0x6FFFF;
	_ =	strace $0x9000004C  }
0xb3: {  	s29 =	simm.s32 $0x9;
	_ =	strace $0x8000004E  }
0xb4: {  	_ =	swait.ge [sflag:s29], $0x1  }
0xb5: {  	[sflag:s29] =	ssyncadd.s32 $0xFFFFFFFF  }
0xb6: {  	_ =	strace $0x9000004E  }
0xb7: {  	_ =	sfence  }
0xb8: {  	s30 =	sld [smem:$0x0];
	_ =	sdelay $0x2  }
0xb9: {  	s31 =	sshll.u32 s1, $0xD;
	s1 =	sshrl.u32 s1, $0x2  }
0xba: {  	s3 =	sand.u32 $0x4000, s31;
	s1 =	sadd.s32 s1, s30  }
0xbb: {  	s0 =	sor.u32 s3, s0;
	s1 =	sshll.u32 s1, $0x11  }
0xbc: {  	s0 =	sor.u32 s1, s0  }
0xbd: {  	s0 =	sadd.s32 $0x8F2B, s0  }
0xbe: {  	[sflag:s0] =	ssyncadd.remote.s32 $0x1  }
0xbf: {  	_ =	sfence.sel $0xFFFF  }
0xc0: {  	[dreg:$0x0] =	wrdreg $0xFFFFFFFF;
	(pc) =	sbr.abs _section_cstart, $3  }
0xc1: {  	[dreg:$0x1] =	wrdreg $0xFFFFFFFF  }
0xc2: {  	_ =	task.clear_ibuf [dreg:s7], $0x2FFFF;
	_ =	strace $0x9FFFFFFF  }
0xc3: {  	(tm) =	ssettm $0x7FFFFFFF  }
tec
execute0_lowered:
.L_overlay_start_1:
0x0: {  	(tag) =	ssettag $0x1  }
0x1: {  	s11 =	rddreg [dreg:$0x0]  }
0x2: {  	s7 =	rddreg [dreg:$0x1]  }
0x3: {  	s1 =	rddreg [dreg:$0x2];
	s2 =	srdreg.scid  }
0x4: {  	s0 =	rddreg [dreg:$0x3];
	s14 =	stileid.u32;
	s17 =	simm.s32 $0x5D400  }
0x5: {  	s18 =	simm.s32 $0xC980;
	s19 =	simm.s32 $0x14280;
	s20 =	simm.s32 $0x50  }
0x6: {  	s21 =	simm.s32 $0xA100;
	s22 =	simm.s32 $0xF180;
	s3 =	smul.u32 $0x140, s14  }
0x7: {  	s23 =	simm.s32 $0xF280;
	s24 =	simm.s32 $0x2;
	s9 =	smul.u32 $0x28000, s14  }
0x8: {  	s26 =	simm.s32 $0x11A80;
	s28 =	simm.s32 $0x1;
	s31 =	smul.u32 $0x5000, s14  }
0x9: {  	s8 =	sand.u32 $0x1, s2;
	s2 =	simm.s32 $0x0;
	s16 =	smul.u32 $0xA00, s14  }
0xa: {  	s4 =	sshll.u32 s14, $0x5;
	s25 =	smul.u32 $0x1400, s8;
	[smem:$0x7FF] =	sst s2  }
0xb: {  	s5 =	ssub.s32 $0x2, s8;
	s12 =	sadd.s32 s4, s11;
	p0 =	seq.s32 s8, $0x1  }
0xc: {  	_ =	strace $0x8000004D;
	s6 =	sshrl.u32 s5, $0x1;
	s30 =	sshrl.u32 s9, $0x2  }
0xd: {  	s9 =	sshrl.u32 s31, $0x3;
	s17 =	simm.s32 @!p0 $0x53400;
	p0 =	sne.s32 s14, $0x0  }
0xe: {  	s3 =	sadd.s32 s3, s25;
	s13 =	ssub.s32 s5, s6;
	s15 =	sadd.s32 s30, s1  }
0xf: {  	s6 =	sadd.s32 $0x67800, s12;
	s9 =	sadd.s32 s7, s9;
	s7 =	sadd.s32 s7, s16  }
0x10: {  	s17 =	sadd.s32 s17, s11;
	v0 =	vmov s25;
	s25 =	simm.s32 $0xF200;
	s3 =	sshll.u32 s3, $0x4  }
.Ltmp0:
0x11: {  	s8 =	sadd.s32 $0x500, s9;
	s9 =	sadd.s32 $0xA0000, s1;
	(pc) =	sbr.rel .LBB2_1-.Ltmp0, $4  }
0x12: {  	s10 =	sadd.s32 s3, s11;
	s3 =	sshll.u32 s14, $0x6;
	s11 =	sadd.s32 $0x3200, s12  }
0x13: {  	s12 =	smax.u32 s13, $0x1;
	s13 =	sadd.s32 s17, s16;
	s14 =	sshrl.u32 s15, $0x3  }
0x14: {  	s15 =	simm.s32 $0x3;
	s16 =	simm.s32 $0xA080;
	s17 =	simm.s32 $0xA180  }
0x15: {  	v1 =	vimm.f32 $0.0e+00;
	s4 =	sadd.s32 $0x3400, s10;
	s5 =	sor.u32 $0x1C03, s3;
	s10 =	sadd.s32 $0x2B400, s10  }
.LBB2_3:
0x16: {  	[bflag:$0x0] =	sbarrier.arrive $0xFFFF  }
0x17: {  	[spmem:s1] =	stream.indirect.scatter.add.f32 [tilespmem:s17], [sflag:$0x3], $0x80, s16, s20, $0xb8;
	[tilespmem:$0x14680] =	vst v63  }
0x18: {  	_ =	swait.ge [sflag:s15], $0x2800  }
0x19: {  	[sflag:s15] =	ssyncset.done $0x0  }
0x1a: {  	[sflag:s15] =	ssyncadd.s32 $0xFFFFD800  }
0x1b: {  	[spmem:s1] =	stream.indirect.scatter.add.f32 [tilespmem:s18], [sflag:$0x3], $0x80, s21, s20, $0xb8;
	[tilespmem:$0x14680] =	vst v63  }
0x1c: {  	_ =	swait.ge [sflag:s15], $0x2800  }
0x1d: {  	[sflag:s15] =	ssyncset.done $0x0  }
0x1e: {  	[sflag:s15] =	ssyncadd.s32 $0xFFFFD800  }
0x1f: {  	s29 =	sor.u32 $0x1C01, s3;
	[bflag:$0x0] =	sbarrier.arrive $0xFFFF  }
0x20: {  	[hbm:s10], [sflag:s29] =	dma.local [spmem:s14], $0x1400  }
0x21: {  	[tilespmem:s22], [sflag:$0x3] =	stream.linear.gather [hbm4b:s11+s2], $0x100, $0x38;
	[tilespmem:$0x14680] =	vst v63  }
0x22: {  	_ =	swait.ge [sflag:s15], $0x100  }
0x23: {  	[sflag:s15] =	ssyncset.done $0x0  }
0x24: {  	[sflag:s15] =	ssyncadd.s32 $0xFFFFFF00  }
0x25: {  	v2 =	vld [tilespmem:$0xF180]  }
0x26: {  	v3 =	vld [tilespmem:$0xF190]  }
0x27: {  	v4 =	vld [tilespmem:$0xF1A0]  }
0x28: {  	v5 =	vld [tilespmem:$0xF1B0]  }
0x29: {  	v6 =	vld [tilespmem:$0xF1C0]  }
0x2a: {  	v2 =	vsub.s32 v2, v0  }
0x2b: {  	v3 =	vsub.s32 v3, v0;
	v2 =	vmin.u32 v2, $0x1400  }
0x2c: {  	[tilespmem:$0xF180] =	vst v2;
	v2 =	vmin.u32 v3, $0x1400;
	v3 =	vsub.s32 v4, v0  }
0x2d: {  	[tilespmem:$0xF190] =	vst v2;
	v2 =	vmin.u32 v3, $0x1400;
	v3 =	vsub.s32 v5, v0  }
0x2e: {  	[tilespmem:$0xF1A0] =	vst v2;
	v2 =	vmin.u32 v3, $0x1400;
	v3 =	vsub.s32 v6, v0  }
0x2f: {  	[tilespmem:$0xF1B0] =	vst v2;
	v2 =	vmin.u32 v3, $0x1400  }
0x30: {  	[tilespmem:$0xF1C0] =	vst v2  }
0x31: {  	[tilespmem:s23], [sflag:$0x2] =	stream.indirect.gather [spmem:s1], $0x80, s22, s20, $0xb8;
	[tilespmem:$0x14680] =	vst v63  }
0x32: {  	_ =	swait.ge [sflag:s24], $0x2800  }
0x33: {  	[sflag:s24] =	ssyncset.done $0x0  }
0x34: {  	[sflag:s24] =	ssyncadd.s32 $0xFFFFD800  }
0x35: {  	v2 =	vld [tilespmem:$0xF200]  }
0x36: {  	v3 =	vld [tilespmem:$0xF210]  }
0x37: {  	v61 =	vld [tilespmem:$0xF220]  }
0x38: {  	v62 =	vld [tilespmem:$0xF230]  }
0x39: {  	v63 =	vld [tilespmem:$0xF240]  }
0x3a: {  	v2 =	vsub.s32 v2, v0  }
0x3b: {  	v3 =	vsub.s32 v3, v0;
	v2 =	vmin.u32 v2, $0x1400  }
0x3c: {  	[tilespmem:$0xF200] =	vst v2;
	v2 =	vmin.u32 v3, $0x1400;
	v3 =	vsub.s32 v61, v0  }
0x3d: {  	[tilespmem:$0xF210] =	vst v2;
	v2 =	vmin.u32 v3, $0x1400;
	v3 =	vsub.s32 v62, v0  }
0x3e: {  	[tilespmem:$0xF220] =	vst v2;
	v2 =	vmin.u32 v3, $0x1400;
	v3 =	vsub.s32 v63, v0  }
0x3f: {  	[tilespmem:$0xF230] =	vst v2;
	v2 =	vmin.u32 v3, $0x1400  }
0x40: {  	[tilespmem:$0xF240] =	vst v2  }
0x41: {  	[tilespmem:s26], [sflag:$0x2] =	stream.indirect.gather [spmem:s1], $0x80, s25, s20, $0xb8;
	[tilespmem:$0x14680] =	vst v63  }
0x42: {  	_ =	swait.ge [sflag:s24], $0x2800  }
0x43: {  	[sflag:s24] =	ssyncset.done $0x0  }
0x44: {  	s12 =	sadd.s32 $0xFFFFFFFF, s12;
	[sflag:s24] =	ssyncadd.s32 $0xFFFFD800  }
0x45: {  	[hbm4b:s13+s2] =	stream.linear.scatter [tilespmem:s23], [sflag:$0x3], $0x5000, $0x38;
	[tilespmem:$0x14680] =	vst v63  }
0x46: {  	p1 =	sne.s32 s12, $0x0;
	_ =	swait.ge [sflag:s15], $0x5000  }
.Ltmp1:
0x47: {  	[sflag:s15] =	ssyncset.done $0x0;
	(pc) =	sbr.rel @!p1 .LBB2_4-.Ltmp1, $4  }
0x48: {  	[sflag:s15] =	ssyncadd.s32 $0xFFFFB000  }
0x49: {  	_ =	swait.ge [sflag:s28], $0x1400  }
0x4a: {  	[sflag:s28] =	ssyncset.done $0x0  }
0x4b: {  	[sflag:s28] =	ssyncadd.s32 $0xFFFFEC00  }
.LBB2_1:
0x4c: {  	[spmem:s14], [sflag:s5] =	dma.local [hbm:s4], $0x1400  }
0x4d: {  	_ =	swait.ge [sflag:s15], $0x1400  }
0x4e: {  	[sflag:s15] =	ssyncset.done $0x0  }
0x4f: {  	[sflag:s15] =	ssyncadd.s32 $0xFFFFEC00  }
0x50: {  	[tilespmem:s16], [sflag:$0x3] =	stream.linear.gather [hbm4b:s6+s2], $0x100, $0x38;
	[tilespmem:$0x14680] =	vst v63  }
0x51: {  	_ =	swait.ge [sflag:s15], $0x100  }
0x52: {  	[sflag:s15] =	ssyncset.done $0x0  }
0x53: {  	[sflag:s15] =	ssyncadd.s32 $0xFFFFFF00  }
0x54: {  	v2 =	vld [tilespmem:$0xA080]  }
0x55: {  	v3 =	vld [tilespmem:$0xA090]  }
0x56: {  	v4 =	vld [tilespmem:$0xA0A0]  }
0x57: {  	v5 =	vld [tilespmem:$0xA0B0]  }
0x58: {  	v6 =	vld [tilespmem:$0xA0C0]  }
0x59: {  	v2 =	vsub.s32 v2, v0  }
0x5a: {  	v3 =	vsub.s32 v3, v0;
	vm0 =	vlt.u32 v2, $0x1400  }
0x5b: {  	v4 =	vsub.s32 v4, v0;
	vm7 =	vlt.u32 v3, $0x1400;
	v2 =	vnsel vm0, $0x1408, v2  }
0x5c: {  	vm8 =	vlt.u32 v4, $0x1400;
	[tilespmem:$0xA080] =	vst v2;
	v2 =	vnsel vm7, $0x1408, v3;
	v3 =	vsub.s32 v5, v0  }
0x5d: {  	v59 =	vsub.s32 v6, v0;
	[tilespmem:$0xA090] =	vst v2;
	v2 =	vnsel vm8, $0x1408, v4;
	vm9 =	vlt.u32 v3, $0x1400  }
0x5e: {  	vm10 =	vlt.u32 v59, $0x1400;
	[tilespmem:$0xA0A0] =	vst v2;
	v2 =	vnsel vm9, $0x1408, v3  }
0x5f: {  	[tilespmem:$0xA0B0] =	vst v2;
	v2 =	vnsel vm10, $0x1408, v59  }
0x60: {  	[tilespmem:$0xA0C0] =	vst v2  }
0x61: {  	[tilespmem:s17], [sflag:$0x3] =	stream.linear.gather [hbm4b:s7+s2], $0x2800, $0x38;
	[tilespmem:$0x14680] =	vst v63  }
0x62: {  	_ =	swait.ge [sflag:s15], $0x2800  }
0x63: {  	[sflag:s15] =	ssyncset.done $0x0  }
0x64: {  	[sflag:s15] =	ssyncadd.s32 $0xFFFFD800  }
0x65: {  	v2 =	vld [tilespmem:$0xA100]  }
0x66: {  	v3 =	vld [tilespmem:$0xA110]  }
0x67: {  	v60 =	vld [tilespmem:$0xA120]  }
0x68: {  	v61 =	vld [tilespmem:$0xA130]  }
0x69: {  	v62 =	vld [tilespmem:$0xA140]  }
0x6a: {  	v2 =	vsub.s32 v2, v0  }
0x6b: {  	v3 =	vsub.s32 v3, v0;
	vm11 =	vlt.u32 v2, $0x1400  }
0x6c: {  	v4 =	vsub.s32 v60, v0;
	vm12 =	vlt.u32 v3, $0x1400;
	v2 =	vnsel vm11, $0x1408, v2  }
0x6d: {  	vm13 =	vlt.u32 v4, $0x1400;
	[tilespmem:$0xA100] =	vst v2;
	v2 =	vnsel vm12, $0x1408, v3;
	v3 =	vsub.s32 v61, v0  }
0x6e: {  	v63 =	vsub.s32 v62, v0;
	[tilespmem:$0xA110] =	vst v2;
	v2 =	vnsel vm13, $0x1408, v4;
	vm14 =	vlt.u32 v3, $0x1400  }
0x6f: {  	vm15 =	vlt.u32 v63, $0x1400;
	[tilespmem:$0xA120] =	vst v2;
	v2 =	vnsel vm14, $0x1408, v3  }
0x70: {  	[tilespmem:$0xA130] =	vst v2;
	v2 =	vnsel vm15, $0x1408, v63  }
.Ltmp2:
0x71: {  	[tilespmem:$0xA140] =	vst v2;
	(pc) =	sbr.rel @p0 .LBB2_3-.Ltmp2, $4  }
0x72: {  	[tilespmem:s18], [sflag:$0x3] =	stream.linear.gather [hbm4b:s8+s2], $0x2800, $0x38;
	[tilespmem:$0x14680] =	vst v63  }
0x73: {  	_ =	swait.ge [sflag:s15], $0x2800  }
0x74: {  	[sflag:s15] =	ssyncset.done $0x0  }
0x75: {  	[sflag:s15] =	ssyncadd.s32 $0xFFFFD800  }
0x76: {  	[tilespmem:$0x14280] =	vst v1  }
0x77: {  	[tilespmem:$0x14290] =	vst v1  }
0x78: {  	[tilespmem:$0x142A0] =	vst v1  }
0x79: {  	[tilespmem:$0x142B0] =	vst v1  }
0x7a: {  	[tilespmem:$0x142C0] =	vst v1  }
0x7b: {  	[tilespmem:$0x142D0] =	vst v1  }
0x7c: {  	[tilespmem:$0x142E0] =	vst v1  }
0x7d: {  	[tilespmem:$0x142F0] =	vst v1  }
0x7e: {  	[tilespmem:$0x14300] =	vst v1  }
0x7f: {  	[tilespmem:$0x14310] =	vst v1  }
0x80: {  	[tilespmem:$0x14320] =	vst v1  }
0x81: {  	[tilespmem:$0x14330] =	vst v1  }
0x82: {  	[tilespmem:$0x14340] =	vst v1  }
0x83: {  	[tilespmem:$0x14350] =	vst v1  }
0x84: {  	[tilespmem:$0x14360] =	vst v1  }
0x85: {  	[tilespmem:$0x14370] =	vst v1  }
0x86: {  	[tilespmem:$0x14380] =	vst v1  }
0x87: {  	[tilespmem:$0x14390] =	vst v1  }
0x88: {  	[tilespmem:$0x143A0] =	vst v1  }
0x89: {  	[tilespmem:$0x143B0] =	vst v1  }
0x8a: {  	[tilespmem:$0x143C0] =	vst v1  }
0x8b: {  	[tilespmem:$0x143D0] =	vst v1  }
0x8c: {  	[tilespmem:$0x143E0] =	vst v1  }
0x8d: {  	[tilespmem:$0x143F0] =	vst v1  }
0x8e: {  	[tilespmem:$0x14400] =	vst v1  }
0x8f: {  	[tilespmem:$0x14410] =	vst v1  }
0x90: {  	[tilespmem:$0x14420] =	vst v1  }
0x91: {  	[tilespmem:$0x14430] =	vst v1  }
0x92: {  	[tilespmem:$0x14440] =	vst v1  }
0x93: {  	[tilespmem:$0x14450] =	vst v1  }
0x94: {  	[tilespmem:$0x14460] =	vst v1  }
0x95: {  	[tilespmem:$0x14470] =	vst v1  }
0x96: {  	[tilespmem:$0x14480] =	vst v1  }
0x97: {  	[tilespmem:$0x14490] =	vst v1  }
0x98: {  	[tilespmem:$0x144A0] =	vst v1  }
0x99: {  	[tilespmem:$0x144B0] =	vst v1  }
0x9a: {  	[tilespmem:$0x144C0] =	vst v1  }
0x9b: {  	[tilespmem:$0x144D0] =	vst v1  }
0x9c: {  	[tilespmem:$0x144E0] =	vst v1  }
0x9d: {  	[tilespmem:$0x144F0] =	vst v1  }
0x9e: {  	[tilespmem:$0x14500] =	vst v1  }
0x9f: {  	[tilespmem:$0x14510] =	vst v1  }
0xa0: {  	[tilespmem:$0x14520] =	vst v1  }
0xa1: {  	[tilespmem:$0x14530] =	vst v1  }
0xa2: {  	[tilespmem:$0x14540] =	vst v1  }
0xa3: {  	[tilespmem:$0x14550] =	vst v1  }
0xa4: {  	[tilespmem:$0x14560] =	vst v1  }
0xa5: {  	[tilespmem:$0x14570] =	vst v1  }
0xa6: {  	[tilespmem:$0x14580] =	vst v1  }
0xa7: {  	[tilespmem:$0x14590] =	vst v1  }
0xa8: {  	[tilespmem:$0x145A0] =	vst v1  }
0xa9: {  	[tilespmem:$0x145B0] =	vst v1  }
0xaa: {  	[tilespmem:$0x145C0] =	vst v1  }
0xab: {  	[tilespmem:$0x145D0] =	vst v1  }
0xac: {  	[tilespmem:$0x145E0] =	vst v1  }
0xad: {  	[tilespmem:$0x145F0] =	vst v1  }
0xae: {  	[tilespmem:$0x14600] =	vst v1  }
0xaf: {  	[tilespmem:$0x14610] =	vst v1  }
0xb0: {  	[tilespmem:$0x14620] =	vst v1  }
0xb1: {  	[tilespmem:$0x14630] =	vst v1  }
0xb2: {  	[tilespmem:$0x14640] =	vst v1  }
0xb3: {  	[tilespmem:$0x14650] =	vst v1  }
0xb4: {  	[tilespmem:$0x14660] =	vst v1  }
.Ltmp3:
0xb5: {  	[tilespmem:$0x14670] =	vst v1;
	(pc) =	sbr.rel .LBB2_3-.Ltmp3, $4  }
0xb6: {  	[spmem:s9] =	stream.linear.scatter [tilespmem:s19], [sflag:$0x3], $0x400, $0x38;
	[tilespmem:$0x14680] =	vst v63  }
0xb7: {  	_ =	swait.ge [sflag:s15], $0x400  }
0xb8: {  	[sflag:s15] =	ssyncset.done $0x0  }
0xb9: {  	[sflag:s15] =	ssyncadd.s32 $0xFFFFFC00  }
.LBB2_4:
0xba: {  	_ =	sfence.sel $0x180000  }
0xbb: {  	[bflag:$0x0] =	sbarrier.arrive $0xFFFF  }
0xbc: {  	_ =	strace $0x9000004D  }
0xbd: {  	s0 =	sadd.s32 @!p0 $0x100000, s0;
	[bflag:$0x2] =	sbarrier.arrive $0xFFFF  }
0xbe: {  	[sflag:s0] =	ssyncadd.tile.s32 @!p0 $0x1;
	_ =	shalt  }
.Lfunc_end2:
_tile_overlayer_lowered:
.L_overlay_start_2:
0xbf: {  	(tag) =	ssettag $0x2  }
0xc0: {  	s0 =	rddreg [dreg:$0x0];
	s2 =	stileid.u32  }
0xc1: {  	s1 =	rddreg [dreg:$0x1];
	p0 =	sne.s32 s2, $0x0  }
0xc2: {  	s3 =	rddreg [dreg:$0x2];
	[bflag:$0x3] =	sbarrier.arrive $0xFFFF;
	s2 =	simm.s32 @!p0 $0x1C03  }
0xc3: {  	[timem:s3], [sflag:s2] =	dma.local @!p0 [hbm:s0], s1  }
0xc4: {  	s0 =	simm.s32 @!p0 $0x3  }
0xc5: {  	_ =	swait.ge @!p0 [sflag:s0], s1  }
0xc6: {  	s1 =	ssub.s32 @!p0 $0x0, s1;
	[sflag:s0] =	ssyncset.done @!p0 $0x0  }
0xc7: {  	[sflag:s0] =	ssyncadd.s32 @!p0 s1  }
0xc8: {  	[bflag:$0x3] =	sbarrier.arrive $0xFFFF  }
0xc9: {  	_ =	shalt  }

// kernel: kernel.21.cloned.1.call-start
scs
__scs_entry_jumppad:
0x0: {  	(pc) =	sbr.rel $0x88, $3  }
0x1: {  	(tag) =	ssettag $0x0;
	lr =	simm.s32 $0x1  }
0x2: {  	[smem:$0x3F9A] =	sst lr;
	_ =	strace $0xD0000000  }
0x3: {  	_ = 	snop  }
0x4: {  	_ = 	snop  }
0x5: {  	_ = 	snop  }
0x6: {  	_ = 	snop  }
0x7: {  	_ = 	snop  }
__scs_overlays_trampoline_lowered:
0x8: {  	[smem:$0x3FA9] =	sst s0  }
0x9: {  	[smem:$0x3FAA] =	sst s1  }
0xa: {  	[smem:$0x3FAB] =	sst s2  }
0xb: {  	[smem:$0x3FAC] =	sst s3  }
0xc: {  	[smem:$0x3FAD] =	sst s4  }
0xd: {  	[smem:$0x3FAE] =	sst s5  }
0xe: {  	[smem:$0x3FAF] =	sst s6  }
0xf: {  	[smem:$0x3FB0] =	sst s7  }
0x10: {  	[smem:$0x3FB1] =	sst s8  }
0x11: {  	[smem:$0x3FB2] =	sst s9;
	s0 =	simm.s32 @!p0 $0x0  }
0x12: {  	s1 =	sld [smem:$0x3F98];
	s0 =	simm.s32 @p0 $0x1  }
0x13: {  	[smem:$0x3FB3] =	sst s0;
	s0 =	simm.s32 @!p1 $0x0  }
0x14: {  	s2 =	sld [smem:$0x3F97];
	s0 =	simm.s32 @p1 $0x1  }
0x15: {  	[smem:$0x3FB4] =	sst s0;
	s0 =	simm.s32 @!p2 $0x0  }
0x16: {  	s3 =	sld [smem:$0x3FDB];
	s0 =	simm.s32 @p2 $0x1  }
0x17: {  	s4 =	simm.s32 $0x1BF5;
	[smem:$0x3FB6] =	sst s0  }
0x18: {  	s0 =	sld [smem:$0x3F99];
	_ =	swait.ge [sflag:s4], $0x0  }
0x19: {  	s7 =	sld [smem:$0x3F9A]  }
0x1a: {  	s8 =	sadd.s32 $0xFFFFE003, lr  }
0x1b: {  	s9 =	sadd.s32 $0xFFFFFEF7, lr;
	s5 =	simm.s32 $0xFFFFFFFF;
	p2 =	slt.u32 s8, $0xFFFFF086  }
0x1c: {  	p1 =	slt.u32 s9, $0xF7A;
	s5 =	simm.s32 @!p2 $0x0  }
0x1d: {  	s5 =	simm.s32 @p1 $0x1;
	p0 =	seq.s32 s7, s2  }
0x1e: {  	s7 =	smul.u32 @!p0 $0xF7A, s2;
	p2 =	seq.s32 @!p0 s5, $0x0  }
0x1f: {  	s9 =	smul.u32 $0xF7A, s1;
	s8 =	simm.s32 @!p0 $0x1BF5;
	p2 =	por !p2, p0  }
0x20: {  	[sflag:s8] =	ssyncset.s32 @!p0 $0xFFFFF086;
	s6 =	sadd.s32 @!p0 s3, s7;
	s7 =	simm.s32 @!p0 $0x108  }
0x21: {  	s3 =	sadd.s32 s3, s9;
	s6 =	sadd.s32 @!p0 $0x88, s6;
	s7 =	simm.s32 @p2 $0x1082  }
0x22: {  	[simem:s7], [sflag:s8] =	dma.local @!p0 [hbm:s6], $0xF7A  }
0x23: {  	s9 =	sor.u32 $0xD0000000, s2;
	s6 =	simm.s32 $0x108;
	_ =	swait.ge @!p0 [sflag:s8], $0x0  }
0x24: {  	s3 =	sadd.s32 $0x88, s3;
	s6 =	simm.s32 @!p1 $0x1082;
	[sflag:s4] =	ssyncset.s32 $0xFFFFF086  }
0x25: {  	[simem:s6], [sflag:s4] =	dma.local [hbm:s3], $0xF7A  }
0x26: {  	[smem:$0x3F9A] =	sst s1;
	(tag) =	ssettag s2;
	_ =	strace s9  }
0x27: {  	s1 =	sld [smem:$0x3FAA]  }
0x28: {  	s2 =	sld [smem:$0x3FAB]  }
0x29: {  	s4 =	sld [smem:$0x3FAD]  }
0x2a: {  	p0 =	seq.s32 s5, $0x0;
	s5 =	sld [smem:$0x3FAE]  }
0x2b: {  	s6 =	sld [smem:$0x3FAF]  }
0x2c: {  	s7 =	sld [smem:$0x3FB0]  }
0x2d: {  	s3 =	simm.s32 $0x108;
	s8 =	sld [smem:$0x3FB1]  }
0x2e: {  	s3 =	simm.s32 @!p0 $0x1082;
	s9 =	sld [smem:$0x3FB2]  }
0x2f: {  	lr =	sadd.s32 s0, s3;
	s0 =	sld [smem:$0x3FA9]  }
0x30: {  	s3 =	sld [smem:$0x3FAC]  }
0x31: {  	[smem:$0x3FB5] =	sst s10  }
0x32: {  	s10 =	sld [smem:$0x3FB3];
	_ =	sdelay $0x3  }
0x33: {  	p0 =	seq.s32 s10, $0x1;
	s10 =	sld [smem:$0x3FB5];
	_ =	sdelay $0x3  }
0x34: {  	[smem:$0x3FB5] =	sst s10  }
0x35: {  	s10 =	sld [smem:$0x3FB4];
	_ =	sdelay $0x3  }
0x36: {  	p1 =	seq.s32 s10, $0x1;
	s10 =	sld [smem:$0x3FB5];
	_ =	sdelay $0x3  }
0x37: {  	[smem:$0x3FB5] =	sst s10  }
0x38: {  	s10 =	sld [smem:$0x3FB6]  }
0x39: {  	_ = 	snop;
	(pc) =	sbr.ind lr, $3  }
0x3a: {  	_ = 	snop  }
0x3b: {  	_ = 	snop  }
0x3c: {  	p2 =	seq.s32 s10, $0x1;
	s10 =	sld [smem:$0x3FB5]  }
0x3d: {  	_ =	shalt  }
0x3e: {  	_ =	shalt  }
0x3f: {  	_ =	shalt  }
0x40: {  	_ =	shalt  }
0x41: {  	_ =	shalt  }
0x42: {  	_ =	shalt  }
0x43: {  	_ =	shalt  }
0x44: {  	_ =	shalt  }
0x45: {  	_ =	shalt  }
0x46: {  	_ =	shalt  }
0x47: {  	_ =	shalt  }
0x48: {  	_ =	shalt  }
0x49: {  	_ =	shalt  }
0x4a: {  	_ =	shalt  }
0x4b: {  	_ =	shalt  }
0x4c: {  	_ =	shalt  }
0x4d: {  	_ =	shalt  }
0x4e: {  	_ =	shalt  }
0x4f: {  	_ =	shalt  }
0x50: {  	_ =	shalt  }
0x51: {  	_ =	shalt  }
0x52: {  	_ =	shalt  }
0x53: {  	_ =	shalt  }
0x54: {  	_ =	shalt  }
0x55: {  	_ =	shalt  }
0x56: {  	_ =	shalt  }
0x57: {  	_ =	shalt  }
0x58: {  	_ =	shalt  }
0x59: {  	_ =	shalt  }
0x5a: {  	_ =	shalt  }
0x5b: {  	_ =	shalt  }
0x5c: {  	_ =	shalt  }
0x5d: {  	_ =	shalt  }
0x5e: {  	_ =	shalt  }
0x5f: {  	_ =	shalt  }
0x60: {  	_ =	shalt  }
0x61: {  	_ =	shalt  }
0x62: {  	_ =	shalt  }
0x63: {  	_ =	shalt  }
0x64: {  	_ =	shalt  }
0x65: {  	_ =	shalt  }
0x66: {  	_ =	shalt  }
0x67: {  	_ =	shalt  }
0x68: {  	_ =	shalt  }
0x69: {  	_ =	shalt  }
0x6a: {  	_ =	shalt  }
0x6b: {  	_ =	shalt  }
0x6c: {  	_ =	shalt  }
0x6d: {  	_ =	shalt  }
0x6e: {  	_ =	shalt  }
0x6f: {  	_ =	shalt  }
0x70: {  	_ =	shalt  }
0x71: {  	_ =	shalt  }
0x72: {  	_ =	shalt  }
0x73: {  	_ =	shalt  }
0x74: {  	_ =	shalt  }
0x75: {  	_ =	shalt  }
0x76: {  	_ =	shalt  }
0x77: {  	_ =	shalt  }
0x78: {  	_ =	shalt  }
0x79: {  	_ =	shalt  }
0x7a: {  	_ =	shalt  }
0x7b: {  	_ =	shalt  }
0x7c: {  	_ =	shalt  }
0x7d: {  	_ =	shalt  }
0x7e: {  	_ =	shalt  }
0x7f: {  	_ =	shalt  }
0x80: {  	_ =	shalt  }
0x81: {  	_ =	shalt  }
0x82: {  	_ =	shalt  }
0x83: {  	_ =	shalt  }
0x84: {  	_ =	shalt  }
0x85: {  	_ =	shalt  }
0x86: {  	_ =	shalt  }
0x87: {  	_ =	shalt  }
.Lfunc_end0:
.L_simem_size_0:
called_computation.3_lowered:
.L_overlay_start_0:
0x88: {  	s2 =	sld [smem:$0x3FD9]  }
0x89: {  	s3 =	sld [smem:$0x3FFE];
	_ =	sdelay $0x1  }
0x8a: {  	s1 =	srdreg.scid  }
0x8b: {  	s0 =	sand.u32 $0x1, s1  }
0x8c: {  	s17 =	sshll.u32 s0, $0xA;
	s2 =	sadd.s32 s3, s2  }
0x8d: {  	s2 =	sadd.s32 s2, s17  }
0x8e: {  	[smem:$0x3FC1] =	sst s2  }
0x8f: {  	_ = 	snop  }
0x90: {  	s2 =	sld [smem:$0x3FD0];
	(tm) =	ssettm $0x1  }
0x91: {  	s18 =	sld [smem:$0x3FFB];
	_ =	sdelay $0x3  }
0x92: {  	_ =	strace s18  }
0x93: {  	s3 =	sld [smem:$0x3FFC];
	_ =	sdelay $0x3  }
0x94: {  	_ =	strace s3  }
0x95: {  	s3 =	sld [smem:$0x3FFD];
	_ =	sdelay $0x3  }
0x96: {  	_ =	strace s3  }
0x97: {  	_ =	strace $0x8FFFFFFF  }
0x98: {  	s19 =	sld [smem:$0x3FDB];
	_ =	sdelay $0x1  }
0x99: {  	s4 =	simm.s32 $_scs_section_size  }
0x9a: {  	s5 =	simm.s32 $_size__tile_overlayer_lowered;
	s6 =	simm.s32 $_tile_overlayer_lowered  }
0x9b: {  	s22 =	simm.s32 $0x1BFF;
	s21 =	sshll.u32 s6, $0x1;
	s3 =	sadd.s32 s4, s19  }
0x9c: {  	s7 =	simm.s32 $0x0;
	s20 =	sshll.u32 s5, $0x1;
	s5 =	sadd.s32 s21, s3  }
0x9d: {  	[timem:s7], [sflag:s22] =	dma.local [hbm:s5], s20  }
0x9e: {  	_ =	swait.ge [sflag:s22], s20  }
0x9f: {  	s4 =	ssub.s32 $0x0, s20;
	[sflag:s22] =	ssyncset.done $0x0  }
0xa0: {  	[sflag:s22] =	ssyncadd.s32 s4;
	_ =	sdelay $0x1  }
0xa1: {  	s23 =	simm.s32 $0x1B8B  }
0xa2: {  	_ =	swait.ge [sflag:s23], $0x1  }
0xa3: {  	[sflag:s23] =	ssyncset.done $0x0  }
0xa4: {  	s25 =	simm.s32 $0x1B8E;
	s24 =	sld [smem:$0x3FFE];
	[sflag:s23] =	ssyncadd.s32 $0xFFFFFFFF  }
0xa5: {  	s26 =	simm.s32 $execute0_lowered;
	[smem:$0x3FD2] =	sst s25  }
0xa6: {  	s5 =	sshll.u32 s26, $0x1;
	_ =	strace $0x8000004F;
	[dreg:$0x1] =	wrdreg $0xFFFFFFFF  }
0xa7: {  	s28 =	simm.s32 $_size_execute0_lowered;
	s3 =	sadd.s32 s3, s5;
	[dreg:$0x0] =	wrdreg $0x0  }
0xa8: {  	s5 =	sshll.u32 s28, $0x1;
	[dreg:$0x2] =	wrdreg s3  }
0xa9: {  	[dreg:$0x3] =	wrdreg s5  }
0xaa: {  	[dreg:$0x4] =	wrdreg $0xC0  }
0xab: {  	_ =	task [dreg:s7], $0x5FFFF  }
0xac: {  	[dreg:$0x1] =	wrdreg $0xFFFFFFFF  }
0xad: {  	[dreg:$0x0] =	wrdreg $0x60  }
0xae: {  	[dreg:$0x2] =	wrdreg s24  }
0xaf: {  	[dreg:$0x3] =	wrdreg s2  }
0xb0: {  	[dreg:$0x4] =	wrdreg $0x0  }
0xb1: {  	[dreg:$0x5] =	wrdreg $0x9  }
0xb2: {  	_ =	task.clear_ibuf [dreg:s7], $0x6FFFF;
	_ =	strace $0x9000004F  }
0xb3: {  	s29 =	simm.s32 $0x9;
	_ =	strace $0x80000051  }
0xb4: {  	_ =	swait.ge [sflag:s29], $0x1  }
0xb5: {  	[sflag:s29] =	ssyncadd.s32 $0xFFFFFFFF  }
0xb6: {  	_ =	strace $0x90000051  }
0xb7: {  	_ =	sfence  }
0xb8: {  	s30 =	sld [smem:$0x0];
	_ =	sdelay $0x2  }
0xb9: {  	s31 =	sshll.u32 s1, $0xD;
	s1 =	sshrl.u32 s1, $0x2  }
0xba: {  	s3 =	sand.u32 $0x4000, s31;
	s1 =	sadd.s32 s1, s30  }
0xbb: {  	s0 =	sor.u32 s3, s0;
	s1 =	sshll.u32 s1, $0x11  }
0xbc: {  	s0 =	sor.u32 s1, s0  }
0xbd: {  	s0 =	sadd.s32 $0x8F2B, s0  }
0xbe: {  	[sflag:s0] =	ssyncadd.remote.s32 $0x1  }
0xbf: {  	_ =	sfence.sel $0xFFFF  }
0xc0: {  	[dreg:$0x0] =	wrdreg $0xFFFFFFFF;
	(pc) =	sbr.abs _section_cstart, $3  }
0xc1: {  	[dreg:$0x1] =	wrdreg $0xFFFFFFFF  }
0xc2: {  	_ =	task.clear_ibuf [dreg:s7], $0x2FFFF;
	_ =	strace $0x9FFFFFFF  }
0xc3: {  	(tm) =	ssettm $0x7FFFFFFF  }
tec
execute0_lowered:
.L_overlay_start_1:
0x0: {  	(tag) =	ssettag $0x1  }
0x1: {  	s11 =	rddreg [dreg:$0x0]  }
0x2: {  	s7 =	rddreg [dreg:$0x1]  }
0x3: {  	s1 =	rddreg [dreg:$0x2];
	s2 =	srdreg.scid  }
0x4: {  	s0 =	rddreg [dreg:$0x3];
	s14 =	stileid.u32;
	s17 =	simm.s32 $0x5D200  }
0x5: {  	s18 =	simm.s32 $0xC980;
	s19 =	simm.s32 $0x14280;
	s20 =	simm.s32 $0x50  }
0x6: {  	s21 =	simm.s32 $0xA100;
	s22 =	simm.s32 $0xF180;
	s3 =	smul.u32 $0x140, s14  }
0x7: {  	s23 =	simm.s32 $0xF280;
	s24 =	simm.s32 $0x2;
	s9 =	smul.u32 $0x28000, s14  }
0x8: {  	s26 =	simm.s32 $0x11A80;
	s28 =	simm.s32 $0x1;
	s31 =	smul.u32 $0x5000, s14  }
0x9: {  	s8 =	sand.u32 $0x1, s2;
	s2 =	simm.s32 $0x0;
	s16 =	smul.u32 $0xA00, s14  }
0xa: {  	s4 =	sshll.u32 s14, $0x5;
	s25 =	smul.u32 $0x1400, s8;
	[smem:$0x7FF] =	sst s2  }
0xb: {  	s5 =	ssub.s32 $0x2, s8;
	s12 =	sadd.s32 s4, s11;
	p0 =	seq.s32 s8, $0x1  }
0xc: {  	_ =	strace $0x80000050;
	s6 =	sshrl.u32 s5, $0x1;
	s30 =	sshrl.u32 s9, $0x2  }
0xd: {  	s9 =	sshrl.u32 s31, $0x3;
	s17 =	simm.s32 @!p0 $0x53200;
	p0 =	sne.s32 s14, $0x0  }
0xe: {  	s3 =	sadd.s32 s3, s25;
	s13 =	ssub.s32 s5, s6;
	s15 =	sadd.s32 s30, s1  }
0xf: {  	s6 =	sadd.s32 $0x67600, s12;
	s9 =	sadd.s32 s7, s9;
	s7 =	sadd.s32 s7, s16  }
0x10: {  	s17 =	sadd.s32 s17, s11;
	v0 =	vmov s25;
	s25 =	simm.s32 $0xF200;
	s3 =	sshll.u32 s3, $0x4  }
.Ltmp0:
0x11: {  	s8 =	sadd.s32 $0x500, s9;
	s9 =	sadd.s32 $0xA0000, s1;
	(pc) =	sbr.rel .LBB2_1-.Ltmp0, $4  }
0x12: {  	s10 =	sadd.s32 s3, s11;
	s3 =	sshll.u32 s14, $0x6;
	s11 =	sadd.s32 $0x67400, s12  }
0x13: {  	s12 =	smax.u32 s13, $0x1;
	s13 =	sadd.s32 s17, s16;
	s14 =	sshrl.u32 s15, $0x3  }
0x14: {  	s15 =	simm.s32 $0x3;
	s16 =	simm.s32 $0xA080;
	s17 =	simm.s32 $0xA180  }
0x15: {  	v1 =	vimm.f32 $0.0e+00;
	s4 =	sadd.s32 $0x3200, s10;
	s5 =	sor.u32 $0x1C03, s3;
	s10 =	sadd.s32 $0x2B200, s10  }
.LBB2_3:
0x16: {  	[bflag:$0x0] =	sbarrier.arrive $0xFFFF  }
0x17: {  	[spmem:s1] =	stream.indirect.scatter.add.f32 [tilespmem:s17], [sflag:$0x3], $0x80, s16, s20, $0xb8;
	[tilespmem:$0x14680] =	vst v63  }
0x18: {  	_ =	swait.ge [sflag:s15], $0x2800  }
0x19: {  	[sflag:s15] =	ssyncset.done $0x0  }
0x1a: {  	[sflag:s15] =	ssyncadd.s32 $0xFFFFD800  }
0x1b: {  	[spmem:s1] =	stream.indirect.scatter.add.f32 [tilespmem:s18], [sflag:$0x3], $0x80, s21, s20, $0xb8;
	[tilespmem:$0x14680] =	vst v63  }
0x1c: {  	_ =	swait.ge [sflag:s15], $0x2800  }
0x1d: {  	[sflag:s15] =	ssyncset.done $0x0  }
0x1e: {  	[sflag:s15] =	ssyncadd.s32 $0xFFFFD800  }
0x1f: {  	s29 =	sor.u32 $0x1C01, s3;
	[bflag:$0x0] =	sbarrier.arrive $0xFFFF  }
0x20: {  	[hbm:s10], [sflag:s29] =	dma.local [spmem:s14], $0x1400  }
0x21: {  	[tilespmem:s22], [sflag:$0x3] =	stream.linear.gather [hbm4b:s11+s2], $0x100, $0x38;
	[tilespmem:$0x14680] =	vst v63  }
0x22: {  	_ =	swait.ge [sflag:s15], $0x100  }
0x23: {  	[sflag:s15] =	ssyncset.done $0x0  }
0x24: {  	[sflag:s15] =	ssyncadd.s32 $0xFFFFFF00  }
0x25: {  	v2 =	vld [tilespmem:$0xF180]  }
0x26: {  	v3 =	vld [tilespmem:$0xF190]  }
0x27: {  	v4 =	vld [tilespmem:$0xF1A0]  }
0x28: {  	v5 =	vld [tilespmem:$0xF1B0]  }
0x29: {  	v6 =	vld [tilespmem:$0xF1C0]  }
0x2a: {  	v2 =	vsub.s32 v2, v0  }
0x2b: {  	v3 =	vsub.s32 v3, v0;
	v2 =	vmin.u32 v2, $0x1400  }
0x2c: {  	[tilespmem:$0xF180] =	vst v2;
	v2 =	vmin.u32 v3, $0x1400;
	v3 =	vsub.s32 v4, v0  }
0x2d: {  	[tilespmem:$0xF190] =	vst v2;
	v2 =	vmin.u32 v3, $0x1400;
	v3 =	vsub.s32 v5, v0  }
0x2e: {  	[tilespmem:$0xF1A0] =	vst v2;
	v2 =	vmin.u32 v3, $0x1400;
	v3 =	vsub.s32 v6, v0  }
0x2f: {  	[tilespmem:$0xF1B0] =	vst v2;
	v2 =	vmin.u32 v3, $0x1400  }
0x30: {  	[tilespmem:$0xF1C0] =	vst v2  }
0x31: {  	[tilespmem:s23], [sflag:$0x2] =	stream.indirect.gather [spmem:s1], $0x80, s22, s20, $0xb8;
	[tilespmem:$0x14680] =	vst v63  }
0x32: {  	_ =	swait.ge [sflag:s24], $0x2800  }
0x33: {  	[sflag:s24] =	ssyncset.done $0x0  }
0x34: {  	[sflag:s24] =	ssyncadd.s32 $0xFFFFD800  }
0x35: {  	v2 =	vld [tilespmem:$0xF200]  }
0x36: {  	v3 =	vld [tilespmem:$0xF210]  }
0x37: {  	v61 =	vld [tilespmem:$0xF220]  }
0x38: {  	v62 =	vld [tilespmem:$0xF230]  }
0x39: {  	v63 =	vld [tilespmem:$0xF240]  }
0x3a: {  	v2 =	vsub.s32 v2, v0  }
0x3b: {  	v3 =	vsub.s32 v3, v0;
	v2 =	vmin.u32 v2, $0x1400  }
0x3c: {  	[tilespmem:$0xF200] =	vst v2;
	v2 =	vmin.u32 v3, $0x1400;
	v3 =	vsub.s32 v61, v0  }
0x3d: {  	[tilespmem:$0xF210] =	vst v2;
	v2 =	vmin.u32 v3, $0x1400;
	v3 =	vsub.s32 v62, v0  }
0x3e: {  	[tilespmem:$0xF220] =	vst v2;
	v2 =	vmin.u32 v3, $0x1400;
	v3 =	vsub.s32 v63, v0  }
0x3f: {  	[tilespmem:$0xF230] =	vst v2;
	v2 =	vmin.u32 v3, $0x1400  }
0x40: {  	[tilespmem:$0xF240] =	vst v2  }
0x41: {  	[tilespmem:s26], [sflag:$0x2] =	stream.indirect.gather [spmem:s1], $0x80, s25, s20, $0xb8;
	[tilespmem:$0x14680] =	vst v63  }
0x42: {  	_ =	swait.ge [sflag:s24], $0x2800  }
0x43: {  	[sflag:s24] =	ssyncset.done $0x0  }
0x44: {  	s12 =	sadd.s32 $0xFFFFFFFF, s12;
	[sflag:s24] =	ssyncadd.s32 $0xFFFFD800  }
0x45: {  	[hbm4b:s13+s2] =	stream.linear.scatter [tilespmem:s23], [sflag:$0x3], $0x5000, $0x38;
	[tilespmem:$0x14680] =	vst v63  }
0x46: {  	p1 =	sne.s32 s12, $0x0;
	_ =	swait.ge [sflag:s15], $0x5000  }
.Ltmp1:
0x47: {  	[sflag:s15] =	ssyncset.done $0x0;
	(pc) =	sbr.rel @!p1 .LBB2_4-.Ltmp1, $4  }
0x48: {  	[sflag:s15] =	ssyncadd.s32 $0xFFFFB000  }
0x49: {  	_ =	swait.ge [sflag:s28], $0x1400  }
0x4a: {  	[sflag:s28] =	ssyncset.done $0x0  }
0x4b: {  	[sflag:s28] =	ssyncadd.s32 $0xFFFFEC00  }
.LBB2_1:
0x4c: {  	[spmem:s14], [sflag:s5] =	dma.local [hbm:s4], $0x1400  }
0x4d: {  	_ =	swait.ge [sflag:s15], $0x1400  }
0x4e: {  	[sflag:s15] =	ssyncset.done $0x0  }
0x4f: {  	[sflag:s15] =	ssyncadd.s32 $0xFFFFEC00  }
0x50: {  	[tilespmem:s16], [sflag:$0x3] =	stream.linear.gather [hbm4b:s6+s2], $0x100, $0x38;
	[tilespmem:$0x14680] =	vst v63  }
0x51: {  	_ =	swait.ge [sflag:s15], $0x100  }
0x52: {  	[sflag:s15] =	ssyncset.done $0x0  }
0x53: {  	[sflag:s15] =	ssyncadd.s32 $0xFFFFFF00  }
0x54: {  	v2 =	vld [tilespmem:$0xA080]  }
0x55: {  	v3 =	vld [tilespmem:$0xA090]  }
0x56: {  	v4 =	vld [tilespmem:$0xA0A0]  }
0x57: {  	v5 =	vld [tilespmem:$0xA0B0]  }
0x58: {  	v6 =	vld [tilespmem:$0xA0C0]  }
0x59: {  	v2 =	vsub.s32 v2, v0  }
0x5a: {  	v3 =	vsub.s32 v3, v0;
	vm0 =	vlt.u32 v2, $0x1400  }
0x5b: {  	v4 =	vsub.s32 v4, v0;
	vm7 =	vlt.u32 v3, $0x1400;
	v2 =	vnsel vm0, $0x1408, v2  }
0x5c: {  	vm8 =	vlt.u32 v4, $0x1400;
	[tilespmem:$0xA080] =	vst v2;
	v2 =	vnsel vm7, $0x1408, v3;
	v3 =	vsub.s32 v5, v0  }
0x5d: {  	v59 =	vsub.s32 v6, v0;
	[tilespmem:$0xA090] =	vst v2;
	v2 =	vnsel vm8, $0x1408, v4;
	vm9 =	vlt.u32 v3, $0x1400  }
0x5e: {  	vm10 =	vlt.u32 v59, $0x1400;
	[tilespmem:$0xA0A0] =	vst v2;
	v2 =	vnsel vm9, $0x1408, v3  }
0x5f: {  	[tilespmem:$0xA0B0] =	vst v2;
	v2 =	vnsel vm10, $0x1408, v59  }
0x60: {  	[tilespmem:$0xA0C0] =	vst v2  }
0x61: {  	[tilespmem:s17], [sflag:$0x3] =	stream.linear.gather [hbm4b:s7+s2], $0x2800, $0x38;
	[tilespmem:$0x14680] =	vst v63  }
0x62: {  	_ =	swait.ge [sflag:s15], $0x2800  }
0x63: {  	[sflag:s15] =	ssyncset.done $0x0  }
0x64: {  	[sflag:s15] =	ssyncadd.s32 $0xFFFFD800  }
0x65: {  	v2 =	vld [tilespmem:$0xA100]  }
0x66: {  	v3 =	vld [tilespmem:$0xA110]  }
0x67: {  	v60 =	vld [tilespmem:$0xA120]  }
0x68: {  	v61 =	vld [tilespmem:$0xA130]  }
0x69: {  	v62 =	vld [tilespmem:$0xA140]  }
0x6a: {  	v2 =	vsub.s32 v2, v0  }
0x6b: {  	v3 =	vsub.s32 v3, v0;
	vm11 =	vlt.u32 v2, $0x1400  }
0x6c: {  	v4 =	vsub.s32 v60, v0;
	vm12 =	vlt.u32 v3, $0x1400;
	v2 =	vnsel vm11, $0x1408, v2  }
0x6d: {  	vm13 =	vlt.u32 v4, $0x1400;
	[tilespmem:$0xA100] =	vst v2;
	v2 =	vnsel vm12, $0x1408, v3;
	v3 =	vsub.s32 v61, v0  }
0x6e: {  	v63 =	vsub.s32 v62, v0;
	[tilespmem:$0xA110] =	vst v2;
	v2 =	vnsel vm13, $0x1408, v4;
	vm14 =	vlt.u32 v3, $0x1400  }
0x6f: {  	vm15 =	vlt.u32 v63, $0x1400;
	[tilespmem:$0xA120] =	vst v2;
	v2 =	vnsel vm14, $0x1408, v3  }
0x70: {  	[tilespmem:$0xA130] =	vst v2;
	v2 =	vnsel vm15, $0x1408, v63  }
.Ltmp2:
0x71: {  	[tilespmem:$0xA140] =	vst v2;
	(pc) =	sbr.rel @p0 .LBB2_3-.Ltmp2, $4  }
0x72: {  	[tilespmem:s18], [sflag:$0x3] =	stream.linear.gather [hbm4b:s8+s2], $0x2800, $0x38;
	[tilespmem:$0x14680] =	vst v63  }
0x73: {  	_ =	swait.ge [sflag:s15], $0x2800  }
0x74: {  	[sflag:s15] =	ssyncset.done $0x0  }
0x75: {  	[sflag:s15] =	ssyncadd.s32 $0xFFFFD800  }
0x76: {  	[tilespmem:$0x14280] =	vst v1  }
0x77: {  	[tilespmem:$0x14290] =	vst v1  }
0x78: {  	[tilespmem:$0x142A0] =	vst v1  }
0x79: {  	[tilespmem:$0x142B0] =	vst v1  }
0x7a: {  	[tilespmem:$0x142C0] =	vst v1  }
0x7b: {  	[tilespmem:$0x142D0] =	vst v1  }
0x7c: {  	[tilespmem:$0x142E0] =	vst v1  }
0x7d: {  	[tilespmem:$0x142F0] =	vst v1  }
0x7e: {  	[tilespmem:$0x14300] =	vst v1  }
0x7f: {  	[tilespmem:$0x14310] =	vst v1  }
0x80: {  	[tilespmem:$0x14320] =	vst v1  }
0x81: {  	[tilespmem:$0x14330] =	vst v1  }
0x82: {  	[tilespmem:$0x14340] =	vst v1  }
0x83: {  	[tilespmem:$0x14350] =	vst v1  }
0x84: {  	[tilespmem:$0x14360] =	vst v1  }
0x85: {  	[tilespmem:$0x14370] =	vst v1  }
0x86: {  	[tilespmem:$0x14380] =	vst v1  }
0x87: {  	[tilespmem:$0x14390] =	vst v1  }
0x88: {  	[tilespmem:$0x143A0] =	vst v1  }
0x89: {  	[tilespmem:$0x143B0] =	vst v1  }
0x8a: {  	[tilespmem:$0x143C0] =	vst v1  }
0x8b: {  	[tilespmem:$0x143D0] =	vst v1  }
0x8c: {  	[tilespmem:$0x143E0] =	vst v1  }
0x8d: {  	[tilespmem:$0x143F0] =	vst v1  }
0x8e: {  	[tilespmem:$0x14400] =	vst v1  }
0x8f: {  	[tilespmem:$0x14410] =	vst v1  }
0x90: {  	[tilespmem:$0x14420] =	vst v1  }
0x91: {  	[tilespmem:$0x14430] =	vst v1  }
0x92: {  	[tilespmem:$0x14440] =	vst v1  }
0x93: {  	[tilespmem:$0x14450] =	vst v1  }
0x94: {  	[tilespmem:$0x14460] =	vst v1  }
0x95: {  	[tilespmem:$0x14470] =	vst v1  }
0x96: {  	[tilespmem:$0x14480] =	vst v1  }
0x97: {  	[tilespmem:$0x14490] =	vst v1  }
0x98: {  	[tilespmem:$0x144A0] =	vst v1  }
0x99: {  	[tilespmem:$0x144B0] =	vst v1  }
0x9a: {  	[tilespmem:$0x144C0] =	vst v1  }
0x9b: {  	[tilespmem:$0x144D0] =	vst v1  }
0x9c: {  	[tilespmem:$0x144E0] =	vst v1  }
0x9d: {  	[tilespmem:$0x144F0] =	vst v1  }
0x9e: {  	[tilespmem:$0x14500] =	vst v1  }
0x9f: {  	[tilespmem:$0x14510] =	vst v1  }
0xa0: {  	[tilespmem:$0x14520] =	vst v1  }
0xa1: {  	[tilespmem:$0x14530] =	vst v1  }
0xa2: {  	[tilespmem:$0x14540] =	vst v1  }
0xa3: {  	[tilespmem:$0x14550] =	vst v1  }
0xa4: {  	[tilespmem:$0x14560] =	vst v1  }
0xa5: {  	[tilespmem:$0x14570] =	vst v1  }
0xa6: {  	[tilespmem:$0x14580] =	vst v1  }
0xa7: {  	[tilespmem:$0x14590] =	vst v1  }
0xa8: {  	[tilespmem:$0x145A0] =	vst v1  }
0xa9: {  	[tilespmem:$0x145B0] =	vst v1  }
0xaa: {  	[tilespmem:$0x145C0] =	vst v1  }
0xab: {  	[tilespmem:$0x145D0] =	vst v1  }
0xac: {  	[tilespmem:$0x145E0] =	vst v1  }
0xad: {  	[tilespmem:$0x145F0] =	vst v1  }
0xae: {  	[tilespmem:$0x14600] =	vst v1  }
0xaf: {  	[tilespmem:$0x14610] =	vst v1  }
0xb0: {  	[tilespmem:$0x14620] =	vst v1  }
0xb1: {  	[tilespmem:$0x14630] =	vst v1  }
0xb2: {  	[tilespmem:$0x14640] =	vst v1  }
0xb3: {  	[tilespmem:$0x14650] =	vst v1  }
0xb4: {  	[tilespmem:$0x14660] =	vst v1  }
.Ltmp3:
0xb5: {  	[tilespmem:$0x14670] =	vst v1;
	(pc) =	sbr.rel .LBB2_3-.Ltmp3, $4  }
0xb6: {  	[spmem:s9] =	stream.linear.scatter [tilespmem:s19], [sflag:$0x3], $0x400, $0x38;
	[tilespmem:$0x14680] =	vst v63  }
0xb7: {  	_ =	swait.ge [sflag:s15], $0x400  }
0xb8: {  	[sflag:s15] =	ssyncset.done $0x0  }
0xb9: {  	[sflag:s15] =	ssyncadd.s32 $0xFFFFFC00  }
.LBB2_4:
0xba: {  	_ =	sfence.sel $0x180000  }
0xbb: {  	[bflag:$0x0] =	sbarrier.arrive $0xFFFF  }
0xbc: {  	_ =	strace $0x90000050  }
0xbd: {  	s0 =	sadd.s32 @!p0 $0x100000, s0;
	[bflag:$0x2] =	sbarrier.arrive $0xFFFF  }
0xbe: {  	[sflag:s0] =	ssyncadd.tile.s32 @!p0 $0x1;
	_ =	shalt  }
.Lfunc_end2:
_tile_overlayer_lowered:
.L_overlay_start_2:
0xbf: {  	(tag) =	ssettag $0x2  }
0xc0: {  	s0 =	rddreg [dreg:$0x0];
	s2 =	stileid.u32  }
0xc1: {  	s1 =	rddreg [dreg:$0x1];
	p0 =	sne.s32 s2, $0x0  }
0xc2: {  	s3 =	rddreg [dreg:$0x2];
	[bflag:$0x3] =	sbarrier.arrive $0xFFFF;
	s2 =	simm.s32 @!p0 $0x1C03  }
0xc3: {  	[timem:s3], [sflag:s2] =	dma.local @!p0 [hbm:s0], s1  }
0xc4: {  	s0 =	simm.s32 @!p0 $0x3  }
0xc5: {  	_ =	swait.ge @!p0 [sflag:s0], s1  }
0xc6: {  	s1 =	ssub.s32 @!p0 $0x0, s1;
	[sflag:s0] =	ssyncset.done @!p0 $0x0  }
0xc7: {  	[sflag:s0] =	ssyncadd.s32 @!p0 s1  }
0xc8: {  	[bflag:$0x3] =	sbarrier.arrive $0xFFFF  }
0xc9: {  	_ =	shalt  }

// kernel: kernel.24.cloned.1.call-start
scs
__scs_entry_jumppad:
0x0: {  	(pc) =	sbr.rel $0x88, $3  }
0x1: {  	(tag) =	ssettag $0x0;
	lr =	simm.s32 $0x1  }
0x2: {  	[smem:$0x3F9A] =	sst lr;
	_ =	strace $0xD0000000  }
0x3: {  	_ = 	snop  }
0x4: {  	_ = 	snop  }
0x5: {  	_ = 	snop  }
0x6: {  	_ = 	snop  }
0x7: {  	_ = 	snop  }
__scs_overlays_trampoline_lowered:
0x8: {  	[smem:$0x3FA9] =	sst s0  }
0x9: {  	[smem:$0x3FAA] =	sst s1  }
0xa: {  	[smem:$0x3FAB] =	sst s2  }
0xb: {  	[smem:$0x3FAC] =	sst s3  }
0xc: {  	[smem:$0x3FAD] =	sst s4  }
0xd: {  	[smem:$0x3FAE] =	sst s5  }
0xe: {  	[smem:$0x3FAF] =	sst s6  }
0xf: {  	[smem:$0x3FB0] =	sst s7  }
0x10: {  	[smem:$0x3FB1] =	sst s8  }
0x11: {  	[smem:$0x3FB2] =	sst s9;
	s0 =	simm.s32 @!p0 $0x0  }
0x12: {  	s1 =	sld [smem:$0x3F98];
	s0 =	simm.s32 @p0 $0x1  }
0x13: {  	[smem:$0x3FB3] =	sst s0;
	s0 =	simm.s32 @!p1 $0x0  }
0x14: {  	s2 =	sld [smem:$0x3F97];
	s0 =	simm.s32 @p1 $0x1  }
0x15: {  	[smem:$0x3FB4] =	sst s0;
	s0 =	simm.s32 @!p2 $0x0  }
0x16: {  	s3 =	sld [smem:$0x3FDB];
	s0 =	simm.s32 @p2 $0x1  }
0x17: {  	s4 =	simm.s32 $0x1BF5;
	[smem:$0x3FB6] =	sst s0  }
0x18: {  	s0 =	sld [smem:$0x3F99];
	_ =	swait.ge [sflag:s4], $0x0  }
0x19: {  	s7 =	sld [smem:$0x3F9A]  }
0x1a: {  	s8 =	sadd.s32 $0xFFFFE003, lr  }
0x1b: {  	s9 =	sadd.s32 $0xFFFFFEF7, lr;
	s5 =	simm.s32 $0xFFFFFFFF;
	p2 =	slt.u32 s8, $0xFFFFF086  }
0x1c: {  	p1 =	slt.u32 s9, $0xF7A;
	s5 =	simm.s32 @!p2 $0x0  }
0x1d: {  	s5 =	simm.s32 @p1 $0x1;
	p0 =	seq.s32 s7, s2  }
0x1e: {  	s7 =	smul.u32 @!p0 $0xF7A, s2;
	p2 =	seq.s32 @!p0 s5, $0x0  }
0x1f: {  	s9 =	smul.u32 $0xF7A, s1;
	s8 =	simm.s32 @!p0 $0x1BF5;
	p2 =	por !p2, p0  }
0x20: {  	[sflag:s8] =	ssyncset.s32 @!p0 $0xFFFFF086;
	s6 =	sadd.s32 @!p0 s3, s7;
	s7 =	simm.s32 @!p0 $0x108  }
0x21: {  	s3 =	sadd.s32 s3, s9;
	s6 =	sadd.s32 @!p0 $0x88, s6;
	s7 =	simm.s32 @p2 $0x1082  }
0x22: {  	[simem:s7], [sflag:s8] =	dma.local @!p0 [hbm:s6], $0xF7A  }
0x23: {  	s9 =	sor.u32 $0xD0000000, s2;
	s6 =	simm.s32 $0x108;
	_ =	swait.ge @!p0 [sflag:s8], $0x0  }
0x24: {  	s3 =	sadd.s32 $0x88, s3;
	s6 =	simm.s32 @!p1 $0x1082;
	[sflag:s4] =	ssyncset.s32 $0xFFFFF086  }
0x25: {  	[simem:s6], [sflag:s4] =	dma.local [hbm:s3], $0xF7A  }
0x26: {  	[smem:$0x3F9A] =	sst s1;
	(tag) =	ssettag s2;
	_ =	strace s9  }
0x27: {  	s1 =	sld [smem:$0x3FAA]  }
0x28: {  	s2 =	sld [smem:$0x3FAB]  }
0x29: {  	s4 =	sld [smem:$0x3FAD]  }
0x2a: {  	p0 =	seq.s32 s5, $0x0;
	s5 =	sld [smem:$0x3FAE]  }
0x2b: {  	s6 =	sld [smem:$0x3FAF]  }
0x2c: {  	s7 =	sld [smem:$0x3FB0]  }
0x2d: {  	s3 =	simm.s32 $0x108;
	s8 =	sld [smem:$0x3FB1]  }
0x2e: {  	s3 =	simm.s32 @!p0 $0x1082;
	s9 =	sld [smem:$0x3FB2]  }
0x2f: {  	lr =	sadd.s32 s0, s3;
	s0 =	sld [smem:$0x3FA9]  }
0x30: {  	s3 =	sld [smem:$0x3FAC]  }
0x31: {  	[smem:$0x3FB5] =	sst s10  }
0x32: {  	s10 =	sld [smem:$0x3FB3];
	_ =	sdelay $0x3  }
0x33: {  	p0 =	seq.s32 s10, $0x1;
	s10 =	sld [smem:$0x3FB5];
	_ =	sdelay $0x3  }
0x34: {  	[smem:$0x3FB5] =	sst s10  }
0x35: {  	s10 =	sld [smem:$0x3FB4];
	_ =	sdelay $0x3  }
0x36: {  	p1 =	seq.s32 s10, $0x1;
	s10 =	sld [smem:$0x3FB5];
	_ =	sdelay $0x3  }
0x37: {  	[smem:$0x3FB5] =	sst s10  }
0x38: {  	s10 =	sld [smem:$0x3FB6]  }
0x39: {  	_ = 	snop;
	(pc) =	sbr.ind lr, $3  }
0x3a: {  	_ = 	snop  }
0x3b: {  	_ = 	snop  }
0x3c: {  	p2 =	seq.s32 s10, $0x1;
	s10 =	sld [smem:$0x3FB5]  }
0x3d: {  	_ =	shalt  }
0x3e: {  	_ =	shalt  }
0x3f: {  	_ =	shalt  }
0x40: {  	_ =	shalt  }
0x41: {  	_ =	shalt  }
0x42: {  	_ =	shalt  }
0x43: {  	_ =	shalt  }
0x44: {  	_ =	shalt  }
0x45: {  	_ =	shalt  }
0x46: {  	_ =	shalt  }
0x47: {  	_ =	shalt  }
0x48: {  	_ =	shalt  }
0x49: {  	_ =	shalt  }
0x4a: {  	_ =	shalt  }
0x4b: {  	_ =	shalt  }
0x4c: {  	_ =	shalt  }
0x4d: {  	_ =	shalt  }
0x4e: {  	_ =	shalt  }
0x4f: {  	_ =	shalt  }
0x50: {  	_ =	shalt  }
0x51: {  	_ =	shalt  }
0x52: {  	_ =	shalt  }
0x53: {  	_ =	shalt  }
0x54: {  	_ =	shalt  }
0x55: {  	_ =	shalt  }
0x56: {  	_ =	shalt  }
0x57: {  	_ =	shalt  }
0x58: {  	_ =	shalt  }
0x59: {  	_ =	shalt  }
0x5a: {  	_ =	shalt  }
0x5b: {  	_ =	shalt  }
0x5c: {  	_ =	shalt  }
0x5d: {  	_ =	shalt  }
0x5e: {  	_ =	shalt  }
0x5f: {  	_ =	shalt  }
0x60: {  	_ =	shalt  }
0x61: {  	_ =	shalt  }
0x62: {  	_ =	shalt  }
0x63: {  	_ =	shalt  }
0x64: {  	_ =	shalt  }
0x65: {  	_ =	shalt  }
0x66: {  	_ =	shalt  }
0x67: {  	_ =	shalt  }
0x68: {  	_ =	shalt  }
0x69: {  	_ =	shalt  }
0x6a: {  	_ =	shalt  }
0x6b: {  	_ =	shalt  }
0x6c: {  	_ =	shalt  }
0x6d: {  	_ =	shalt  }
0x6e: {  	_ =	shalt  }
0x6f: {  	_ =	shalt  }
0x70: {  	_ =	shalt  }
0x71: {  	_ =	shalt  }
0x72: {  	_ =	shalt  }
0x73: {  	_ =	shalt  }
0x74: {  	_ =	shalt  }
0x75: {  	_ =	shalt  }
0x76: {  	_ =	shalt  }
0x77: {  	_ =	shalt  }
0x78: {  	_ =	shalt  }
0x79: {  	_ =	shalt  }
0x7a: {  	_ =	shalt  }
0x7b: {  	_ =	shalt  }
0x7c: {  	_ =	shalt  }
0x7d: {  	_ =	shalt  }
0x7e: {  	_ =	shalt  }
0x7f: {  	_ =	shalt  }
0x80: {  	_ =	shalt  }
0x81: {  	_ =	shalt  }
0x82: {  	_ =	shalt  }
0x83: {  	_ =	shalt  }
0x84: {  	_ =	shalt  }
0x85: {  	_ =	shalt  }
0x86: {  	_ =	shalt  }
0x87: {  	_ =	shalt  }
.Lfunc_end0:
.L_simem_size_0:
called_computation.4_lowered:
.L_overlay_start_0:
0x88: {  	s2 =	sld [smem:$0x3FD9]  }
0x89: {  	s3 =	sld [smem:$0x3FFE];
	_ =	sdelay $0x1  }
0x8a: {  	s1 =	srdreg.scid  }
0x8b: {  	s0 =	sand.u32 $0x1, s1  }
0x8c: {  	s17 =	sshll.u32 s0, $0xA;
	s2 =	sadd.s32 s3, s2  }
0x8d: {  	s2 =	sadd.s32 s2, s17  }
0x8e: {  	[smem:$0x3FC1] =	sst s2  }
0x8f: {  	_ = 	snop  }
0x90: {  	s2 =	sld [smem:$0x3FD0];
	(tm) =	ssettm $0x1  }
0x91: {  	s18 =	sld [smem:$0x3FFB];
	_ =	sdelay $0x3  }
0x92: {  	_ =	strace s18  }
0x93: {  	s3 =	sld [smem:$0x3FFC];
	_ =	sdelay $0x3  }
0x94: {  	_ =	strace s3  }
0x95: {  	s3 =	sld [smem:$0x3FFD];
	_ =	sdelay $0x3  }
0x96: {  	_ =	strace s3  }
0x97: {  	_ =	strace $0x8FFFFFFF  }
0x98: {  	s19 =	sld [smem:$0x3FDB];
	_ =	sdelay $0x1  }
0x99: {  	s4 =	simm.s32 $_scs_section_size  }
0x9a: {  	s5 =	simm.s32 $_size__tile_overlayer_lowered;
	s6 =	simm.s32 $_tile_overlayer_lowered  }
0x9b: {  	s22 =	simm.s32 $0x1BFF;
	s21 =	sshll.u32 s6, $0x1;
	s3 =	sadd.s32 s4, s19  }
0x9c: {  	s7 =	simm.s32 $0x0;
	s20 =	sshll.u32 s5, $0x1;
	s5 =	sadd.s32 s21, s3  }
0x9d: {  	[timem:s7], [sflag:s22] =	dma.local [hbm:s5], s20  }
0x9e: {  	_ =	swait.ge [sflag:s22], s20  }
0x9f: {  	s4 =	ssub.s32 $0x0, s20;
	[sflag:s22] =	ssyncset.done $0x0  }
0xa0: {  	[sflag:s22] =	ssyncadd.s32 s4;
	_ =	sdelay $0x1  }
0xa1: {  	s23 =	simm.s32 $0x1B8B  }
0xa2: {  	_ =	swait.ge [sflag:s23], $0x1  }
0xa3: {  	[sflag:s23] =	ssyncset.done $0x0  }
0xa4: {  	s25 =	simm.s32 $0x1B8E;
	s24 =	sld [smem:$0x3FFE];
	[sflag:s23] =	ssyncadd.s32 $0xFFFFFFFF  }
0xa5: {  	s26 =	simm.s32 $execute0_lowered;
	[smem:$0x3FD2] =	sst s25  }
0xa6: {  	s5 =	sshll.u32 s26, $0x1;
	_ =	strace $0x80000052;
	[dreg:$0x1] =	wrdreg $0xFFFFFFFF  }
0xa7: {  	s28 =	simm.s32 $_size_execute0_lowered;
	s3 =	sadd.s32 s3, s5;
	[dreg:$0x0] =	wrdreg $0x0  }
0xa8: {  	s5 =	sshll.u32 s28, $0x1;
	[dreg:$0x2] =	wrdreg s3  }
0xa9: {  	[dreg:$0x3] =	wrdreg s5  }
0xaa: {  	[dreg:$0x4] =	wrdreg $0xC0  }
0xab: {  	_ =	task [dreg:s7], $0x5FFFF  }
0xac: {  	[dreg:$0x1] =	wrdreg $0xFFFFFFFF  }
0xad: {  	[dreg:$0x0] =	wrdreg $0x60  }
0xae: {  	[dreg:$0x2] =	wrdreg s24  }
0xaf: {  	[dreg:$0x3] =	wrdreg s2  }
0xb0: {  	[dreg:$0x4] =	wrdreg $0x0  }
0xb1: {  	[dreg:$0x5] =	wrdreg $0x9  }
0xb2: {  	_ =	task.clear_ibuf [dreg:s7], $0x6FFFF;
	_ =	strace $0x90000052  }
0xb3: {  	s29 =	simm.s32 $0x9;
	_ =	strace $0x80000054  }
0xb4: {  	_ =	swait.ge [sflag:s29], $0x1  }
0xb5: {  	[sflag:s29] =	ssyncadd.s32 $0xFFFFFFFF  }
0xb6: {  	_ =	strace $0x90000054  }
0xb7: {  	_ =	sfence  }
0xb8: {  	s30 =	sld [smem:$0x0];
	_ =	sdelay $0x2  }
0xb9: {  	s31 =	sshll.u32 s1, $0xD;
	s1 =	sshrl.u32 s1, $0x2  }
0xba: {  	s3 =	sand.u32 $0x4000, s31;
	s1 =	sadd.s32 s1, s30  }
0xbb: {  	s0 =	sor.u32 s3, s0;
	s1 =	sshll.u32 s1, $0x11  }
0xbc: {  	s0 =	sor.u32 s1, s0  }
0xbd: {  	s0 =	sadd.s32 $0x8F2B, s0  }
0xbe: {  	[sflag:s0] =	ssyncadd.remote.s32 $0x1  }
0xbf: {  	_ =	sfence.sel $0xFFFF  }
0xc0: {  	[dreg:$0x0] =	wrdreg $0xFFFFFFFF;
	(pc) =	sbr.abs _section_cstart, $3  }
0xc1: {  	[dreg:$0x1] =	wrdreg $0xFFFFFFFF  }
0xc2: {  	_ =	task.clear_ibuf [dreg:s7], $0x2FFFF;
	_ =	strace $0x9FFFFFFF  }
0xc3: {  	(tm) =	ssettm $0x7FFFFFFF  }
tec
execute0_lowered:
.L_overlay_start_1:
0x0: {  	(tag) =	ssettag $0x1  }
0x1: {  	s6 =	rddreg [dreg:$0x0];
	s0 =	srdreg.scid  }
0x2: {  	s9 =	rddreg [dreg:$0x1];
	s11 =	sand.u32 $0x1, s0  }
0x3: {  	s0 =	stileid.u32;
	s12 =	smul.u32 $0x1400, s11  }
0x4: {  	s2 =	rddreg [dreg:$0x2];
	s4 =	simm.s32 $0x0;
	s3 =	smul.u32 $0x140, s0  }
0x5: {  	[smem:$0x7FF] =	sst s4;
	s5 =	smul.u32 $0x28000, s0  }
0x6: {  	s1 =	rddreg [dreg:$0x3];
	_ =	strace $0x80000053;
	s3 =	sadd.s32 s3, s12  }
0x7: {  	s19 =	sshll.u32 s0, $0x6;
	s30 =	sshrl.u32 s5, $0x2;
	s3 =	sshll.u32 s3, $0x4  }
0x8: {  	s8 =	sor.u32 $0x1C02, s19;
	s13 =	sadd.s32 s3, s6;
	s3 =	sadd.s32 s30, s2  }
0x9: {  	s5 =	simm.s32 $0x2;
	s7 =	sadd.s32 $0x3200, s13;
	s3 =	sshrl.u32 s3, $0x3  }
0xa: {  	[spmem:s3], [sflag:s8] =	dma.local [hbm:s7], $0x1400  }
0xb: {  	s10 =	sshll.u32 s0, $0x5;
	_ =	swait.ge [sflag:s5], $0x1400  }
0xc: {  	s6 =	sadd.s32 s10, s6;
	[sflag:s5] =	ssyncset.done $0x0  }
0xd: {  	s10 =	sadd.s32 $0x67200, s6;
	s6 =	simm.s32 $0xA080;
	[sflag:s5] =	ssyncadd.s32 $0xFFFFEC00  }
0xe: {  	[tilespmem:s6], [sflag:$0x2] =	stream.linear.gather [hbm4b:s10+s4], $0x100, $0x38;
	[tilespmem:$0xF180] =	vst v63  }
0xf: {  	_ =	swait.ge [sflag:s5], $0x100  }
0x10: {  	[sflag:s5] =	ssyncset.done $0x0  }
0x11: {  	[sflag:s5] =	ssyncadd.s32 $0xFFFFFF00  }
0x12: {  	v1 =	vld [tilespmem:$0xA0B0]  }
0x13: {  	v2 =	vld [tilespmem:$0xA090]  }
0x14: {  	v3 =	vld [tilespmem:$0xA0C0]  }
0x15: {  	v4 =	vld [tilespmem:$0xA080]  }
0x16: {  	v0 =	vmov s12;
	v5 =	vld [tilespmem:$0xA0A0]  }
0x17: {  	v1 =	vsub.s32 v1, v0  }
0x18: {  	v2 =	vsub.s32 v2, v0;
	vm0 =	vlt.u32 v1, $0x1400  }
0x19: {  	s11 =	ssub.s32 $0x2, s11;
	v3 =	vsub.s32 v3, v0;
	vm1 =	vlt.u32 v2, $0x1400;
	v1 =	vnsel vm0, $0x1408, v1  }
0x1a: {  	s31 =	smul.u32 $0x5000, s0;
	s14 =	sshrl.u32 s11, $0x1;
	v4 =	vsub.s32 v4, v0;
	vm13 =	vlt.u32 v3, $0x1400;
	v2 =	vnsel vm1, $0x1408, v2;
	[tilespmem:$0xA0B0] =	vst v1  }
0x1b: {  	s15 =	smul.u32 $0xA00, s0;
	s11 =	ssub.s32 s11, s14;
	vm14 =	vlt.u32 v4, $0x1400;
	[tilespmem:$0xA090] =	vst v2;
	v1 =	vsub.s32 v5, v0;
	v2 =	vnsel vm13, $0x1408, v3  }
0x1c: {  	s16 =	simm.s32 $0x50;
	s17 =	simm.s32 $0xA100;
	s20 =	smax.u32 s11, $0x1;
	v3 =	vnsel vm14, $0x1408, v4;
	vm15 =	vlt.u32 v1, $0x1400;
	[tilespmem:$0xA0C0] =	vst v2  }
0x1d: {  	s12 =	sshrl.u32 s31, $0x3;
	s18 =	sadd.s32 s9, s15;
	p0 =	sne.s32 s20, $0x1;
	[tilespmem:$0xA080] =	vst v3;
	v1 =	vnsel vm15, $0x1408, v1  }
.Ltmp0:
0x1e: {  	s15 =	simm.s32 $0xA180;
	s12 =	sadd.s32 s9, s12;
	[tilespmem:$0xA0A0] =	vst v1;
	(pc) =	sbr.rel @!p0 .LBB2_2-.Ltmp0, $4  }
0x1f: {  	[tilespmem:s15], [sflag:$0x2] =	stream.linear.gather [hbm4b:s18+s4], $0x2800, $0x38;
	[tilespmem:$0xF180] =	vst v63  }
0x20: {  	s11 =	simm.s32 $0xC980;
	s14 =	sadd.s32 $0x500, s12;
	_ =	swait.ge [sflag:s5], $0x2800  }
0x21: {  	s12 =	sor.u32 $0x1C01, s19;
	s19 =	sadd.s32 $0xFFFFFFFF, s20;
	[sflag:s5] =	ssyncset.done $0x0  }
0x22: {  	s9 =	sadd.s32 $0x2B200, s13;
	s13 =	simm.s32 $0x1;
	[sflag:s5] =	ssyncadd.s32 $0xFFFFD800  }
.LBB2_1:
0x23: {  	p0 =	sne.s32 s19, $0x1;
	s19 =	sadd.s32 $0xFFFFFFFF, s19;
	v1 =	vld [tilespmem:$0xA140]  }
0x24: {  	v2 =	vld [tilespmem:$0xA130]  }
0x25: {  	v3 =	vld [tilespmem:$0xA120]  }
0x26: {  	v4 =	vld [tilespmem:$0xA110]  }
0x27: {  	v5 =	vld [tilespmem:$0xA100]  }
0x28: {  	v1 =	vsub.s32 v1, v0  }
0x29: {  	v2 =	vsub.s32 v2, v0;
	vm0 =	vlt.u32 v1, $0x1400  }
0x2a: {  	v3 =	vsub.s32 v3, v0;
	vm1 =	vlt.u32 v2, $0x1400;
	v1 =	vnsel vm0, $0x1408, v1  }
0x2b: {  	v4 =	vsub.s32 v4, v0;
	vm0 =	vlt.u32 v3, $0x1400;
	v2 =	vnsel vm1, $0x1408, v2;
	[tilespmem:$0xA140] =	vst v1  }
0x2c: {  	v1 =	vsub.s32 v5, v0;
	vm1 =	vlt.u32 v4, $0x1400;
	v3 =	vnsel vm0, $0x1408, v3;
	[tilespmem:$0xA130] =	vst v2  }
0x2d: {  	vm0 =	vlt.u32 v1, $0x1400;
	v2 =	vnsel vm1, $0x1408, v4;
	[tilespmem:$0xA120] =	vst v3  }
0x2e: {  	v1 =	vnsel vm0, $0x1408, v1;
	[tilespmem:$0xA110] =	vst v2  }
0x2f: {  	[tilespmem:$0xA100] =	vst v1  }
0x30: {  	[tilespmem:s11], [sflag:$0x2] =	stream.linear.gather [hbm4b:s14+s4], $0x2800, $0x38;
	[tilespmem:$0xF180] =	vst v63  }
0x31: {  	_ =	swait.ge [sflag:s5], $0x2800  }
0x32: {  	[sflag:s5] =	ssyncset.done $0x0  }
0x33: {  	[sflag:s5] =	ssyncadd.s32 $0xFFFFD800  }
0x34: {  	[bflag:$0x0] =	sbarrier.arrive $0xFFFF  }
0x35: {  	[spmem:s2] =	stream.indirect.scatter.add.f32 [tilespmem:s15], [sflag:$0x2], $0x80, s6, s16, $0xb8;
	[tilespmem:$0xF180] =	vst v63  }
0x36: {  	_ =	swait.ge [sflag:s5], $0x2800  }
0x37: {  	[sflag:s5] =	ssyncset.done $0x0  }
0x38: {  	[sflag:s5] =	ssyncadd.s32 $0xFFFFD800  }
0x39: {  	[spmem:s2] =	stream.indirect.scatter.add.f32 [tilespmem:s11], [sflag:$0x2], $0x80, s17, s16, $0xb8;
	[tilespmem:$0xF180] =	vst v63  }
0x3a: {  	_ =	swait.ge [sflag:s5], $0x2800  }
0x3b: {  	[sflag:s5] =	ssyncset.done $0x0  }
0x3c: {  	[sflag:s5] =	ssyncadd.s32 $0xFFFFD800  }
0x3d: {  	[bflag:$0x0] =	sbarrier.arrive $0xFFFF  }
0x3e: {  	[hbm:s9], [sflag:s12] =	dma.local [spmem:s3], $0x1400  }
0x3f: {  	_ =	swait.ge [sflag:s13], $0x1400  }
0x40: {  	[sflag:s13] =	ssyncset.done $0x0  }
0x41: {  	[sflag:s13] =	ssyncadd.s32 $0xFFFFEC00  }
0x42: {  	[spmem:s3], [sflag:s8] =	dma.local [hbm:s7], $0x1400  }
0x43: {  	_ =	swait.ge [sflag:s5], $0x1400  }
0x44: {  	[sflag:s5] =	ssyncset.done $0x0  }
0x45: {  	[sflag:s5] =	ssyncadd.s32 $0xFFFFEC00  }
0x46: {  	[tilespmem:s6], [sflag:$0x2] =	stream.linear.gather [hbm4b:s10+s4], $0x100, $0x38;
	[tilespmem:$0xF180] =	vst v63  }
0x47: {  	_ =	swait.ge [sflag:s5], $0x100  }
0x48: {  	[sflag:s5] =	ssyncset.done $0x0  }
0x49: {  	[sflag:s5] =	ssyncadd.s32 $0xFFFFFF00  }
0x4a: {  	v1 =	vld [tilespmem:$0xA0B0]  }
0x4b: {  	v2 =	vld [tilespmem:$0xA090]  }
0x4c: {  	v3 =	vld [tilespmem:$0xA0C0]  }
0x4d: {  	v4 =	vld [tilespmem:$0xA080]  }
0x4e: {  	v5 =	vld [tilespmem:$0xA0A0]  }
0x4f: {  	v1 =	vsub.s32 v1, v0  }
0x50: {  	v2 =	vsub.s32 v2, v0;
	vm0 =	vlt.u32 v1, $0x1400  }
0x51: {  	vm1 =	vlt.u32 v2, $0x1400;
	v1 =	vnsel vm0, $0x1408, v1;
	v3 =	vsub.s32 v3, v0  }
0x52: {  	v4 =	vsub.s32 v4, v0;
	v2 =	vnsel vm1, $0x1408, v2;
	[tilespmem:$0xA0B0] =	vst v1;
	vm0 =	vlt.u32 v3, $0x1400  }
0x53: {  	vm1 =	vlt.u32 v4, $0x1400;
	[tilespmem:$0xA090] =	vst v2;
	v1 =	vsub.s32 v5, v0;
	v2 =	vnsel vm0, $0x1408, v3  }
0x54: {  	v3 =	vnsel vm1, $0x1408, v4;
	vm0 =	vlt.u32 v1, $0x1400;
	[tilespmem:$0xA0C0] =	vst v2  }
0x55: {  	[tilespmem:$0xA080] =	vst v3;
	v1 =	vnsel vm0, $0x1408, v1  }
.Ltmp1:
0x56: {  	[tilespmem:$0xA0A0] =	vst v1;
	(pc) =	sbr.rel @p0 .LBB2_1-.Ltmp1, $4  }
0x57: {  	[tilespmem:s15], [sflag:$0x2] =	stream.linear.gather [hbm4b:s18+s4], $0x2800, $0x38;
	[tilespmem:$0xF180] =	vst v63  }
0x58: {  	_ =	swait.ge [sflag:s5], $0x2800  }
0x59: {  	[sflag:s5] =	ssyncset.done $0x0  }
0x5a: {  	[sflag:s5] =	ssyncadd.s32 $0xFFFFD800  }
.LBB2_2:
0x5b: {  	v1 =	vld [tilespmem:$0xA140]  }
0x5c: {  	v2 =	vld [tilespmem:$0xA130]  }
0x5d: {  	v3 =	vld [tilespmem:$0xA120]  }
0x5e: {  	v4 =	vld [tilespmem:$0xA110]  }
0x5f: {  	v5 =	vld [tilespmem:$0xA100]  }
0x60: {  	v1 =	vsub.s32 v1, v0  }
0x61: {  	v2 =	vsub.s32 v2, v0;
	vm0 =	vlt.u32 v1, $0x1400  }
0x62: {  	v3 =	vsub.s32 v3, v0;
	vm1 =	vlt.u32 v2, $0x1400;
	v1 =	vnsel vm0, $0x1408, v1  }
0x63: {  	v4 =	vsub.s32 v4, v0;
	vm13 =	vlt.u32 v3, $0x1400;
	v2 =	vnsel vm1, $0x1408, v2;
	[tilespmem:$0xA140] =	vst v1  }
0x64: {  	v61 =	vsub.s32 v5, v0;
	vm14 =	vlt.u32 v4, $0x1400;
	v62 =	vnsel vm13, $0x1408, v3;
	[tilespmem:$0xA130] =	vst v2  }
0x65: {  	vm15 =	vlt.u32 v61, $0x1400;
	v63 =	vnsel vm14, $0x1408, v4;
	[tilespmem:$0xA120] =	vst v62  }
0x66: {  	v0 =	vnsel vm15, $0x1408, v61;
	[tilespmem:$0xA110] =	vst v63  }
0x67: {  	[tilespmem:$0xA100] =	vst v0  }
0x68: {  	[tilespmem:s11], [sflag:$0x2] =	stream.linear.gather [hbm4b:s14+s4], $0x2800, $0x38;
	[tilespmem:$0xF180] =	vst v63  }
0x69: {  	_ =	swait.ge [sflag:s5], $0x2800  }
0x6a: {  	[sflag:s5] =	ssyncset.done $0x0  }
0x6b: {  	[sflag:s5] =	ssyncadd.s32 $0xFFFFD800  }
0x6c: {  	[bflag:$0x0] =	sbarrier.arrive $0xFFFF  }
0x6d: {  	[spmem:s2] =	stream.indirect.scatter.add.f32 [tilespmem:s15], [sflag:$0x2], $0x80, s6, s16, $0xb8;
	[tilespmem:$0xF180] =	vst v63  }
0x6e: {  	_ =	swait.ge [sflag:s5], $0x2800  }
0x6f: {  	[sflag:s5] =	ssyncset.done $0x0  }
0x70: {  	[sflag:s5] =	ssyncadd.s32 $0xFFFFD800  }
0x71: {  	[spmem:s2] =	stream.indirect.scatter.add.f32 [tilespmem:s11], [sflag:$0x2], $0x80, s17, s16, $0xb8;
	[tilespmem:$0xF180] =	vst v63  }
0x72: {  	_ =	swait.ge [sflag:s5], $0x2800  }
0x73: {  	[sflag:s5] =	ssyncset.done $0x0  }
0x74: {  	[sflag:s5] =	ssyncadd.s32 $0xFFFFD800  }
0x75: {  	[bflag:$0x0] =	sbarrier.arrive $0xFFFF  }
0x76: {  	[hbm:s9], [sflag:s12] =	dma.local [spmem:s3], $0x1400  }
0x77: {  	_ =	swait.ge [sflag:s13], $0x1400  }
0x78: {  	[sflag:s13] =	ssyncset.done $0x0  }
0x79: {  	[sflag:s13] =	ssyncadd.s32 $0xFFFFEC00  }
0x7a: {  	_ =	sfence.sel $0x180000  }
0x7b: {  	[bflag:$0x0] =	sbarrier.arrive $0xFFFF  }
0x7c: {  	p0 =	sne.s32 s0, $0x0;
	_ =	strace $0x90000053  }
0x7d: {  	s0 =	sadd.s32 @!p0 $0x100000, s1;
	[bflag:$0x2] =	sbarrier.arrive $0xFFFF  }
0x7e: {  	[sflag:s0] =	ssyncadd.tile.s32 @!p0 $0x1;
	_ =	shalt  }
.Lfunc_end2:
_tile_overlayer_lowered:
.L_overlay_start_2:
0x7f: {  	(tag) =	ssettag $0x2  }
0x80: {  	s0 =	rddreg [dreg:$0x0];
	s2 =	stileid.u32  }
0x81: {  	s1 =	rddreg [dreg:$0x1];
	p0 =	sne.s32 s2, $0x0  }
0x82: {  	s3 =	rddreg [dreg:$0x2];
	[bflag:$0x3] =	sbarrier.arrive $0xFFFF;
	s2 =	simm.s32 @!p0 $0x1C02  }
0x83: {  	[timem:s3], [sflag:s2] =	dma.local @!p0 [hbm:s0], s1  }
0x84: {  	s0 =	simm.s32 @!p0 $0x2  }
0x85: {  	_ =	swait.ge @!p0 [sflag:s0], s1  }
0x86: {  	s1 =	ssub.s32 @!p0 $0x0, s1;
	[sflag:s0] =	ssyncset.done @!p0 $0x0  }
0x87: {  	[sflag:s0] =	ssyncadd.s32 @!p0 s1  }
0x88: {  	[bflag:$0x3] =	sbarrier.arrive $0xFFFF  }
0x89: {  	_ =	shalt  }

</sc_bundles>
